<compile_context>
chip_gen: v7x
topology: tpu7x:2x2x1
jax: 0.10.2.dev20260603
libtpu: 0.0.44.dev20260713+nightly
codegen_flags: <defaults>
</compile_context>

<pallas_src>
import functools

import jax
import jax.numpy as jnp
from jax import lax
from jax.experimental import pallas as pl
from jax.experimental.pallas import tpu as pltpu
from jax.experimental.pallas import tpu_sc as plsc

B, S, H = 4, 4096, 2048
NC, NS = 2, 16
NW = NC * NS
POS_PER_W = S // NW
CR = 8
CW = H // 2
NPAIR = POS_PER_W // CR
LANES = 16
CVECS = CW // LANES


def _sc_body(x_hbm, pe_hbm, out_hbm, *scratch):
    xb = [[scratch[2 * b + p] for p in range(2)] for b in range(4)]
    pe_v = [scratch[8], scratch[9]]
    in_sem = [[scratch[10 + 2 * b + p] for p in range(2)] for b in range(4)]
    out_sem = [[scratch[18 + 2 * b + p] for p in range(2)] for b in range(4)]
    pe_sem = [scratch[26], scratch[27]]

    wid = lax.axis_index("s") * NC + lax.axis_index("c")
    base = wid * POS_PER_W

    def row0(u2):
        return pl.multiple_of(base + u2 * CR, 8)


    pltpu.async_copy(
        pe_hbm.at[pl.ds(row0(0), CR), pl.ds(0, CW)], pe_v[0], pe_sem[0]
    )
    for b in range(4):
        pltpu.async_copy(
            x_hbm.at[b, pl.ds(row0(0), CR), pl.ds(0, CW)],
            xb[b][0],
            in_sem[b][0],
        )

    def pair_body(u2, _):
        for j in range(2):
            p = j
            q = 1 - j
            r0 = row0(u2)
            c0 = j * CW
            nr0 = r0 if j == 0 else row0(u2 + 1)
            nc0 = CW if j == 0 else 0
            pltpu.make_async_copy(
                pe_hbm.at[pl.ds(r0, CR), pl.ds(c0, CW)], pe_v[p], pe_sem[p]
            ).wait()
            if j == 0:
                pltpu.async_copy(
                    pe_hbm.at[pl.ds(nr0, CR), pl.ds(nc0, CW)],
                    pe_v[q],
                    pe_sem[q],
                )
            else:
                @pl.when(u2 < NPAIR - 1)
                def _():
                    pltpu.async_copy(
                        pe_hbm.at[pl.ds(nr0, CR), pl.ds(nc0, CW)],
                        pe_v[q],
                        pe_sem[q],
                    )
            for b in range(4):
                pltpu.make_async_copy(
                    x_hbm.at[b, pl.ds(r0, CR), pl.ds(c0, CW)],
                    xb[b][p],
                    in_sem[b][p],
                ).wait()

                xref = xb[b][p]
                peref = pe_v[p]

                @plsc.parallel_loop(0, CVECS, step=1, unroll=2)
                def _(i):
                    sl = pl.ds(i * LANES, LANES)
                    for r in range(CR):
                        xref[r, sl] = xref[r, sl] + peref[r, sl]

                pltpu.async_copy(
                    xref,
                    out_hbm.at[b, pl.ds(r0, CR), pl.ds(c0, CW)],
                    out_sem[b][p],
                )
                if j == 0:
                    @pl.when(u2 >= 1)
                    def _():
                        pltpu.make_async_copy(
                            xb[b][q],
                            out_hbm.at[b, pl.ds(r0, CR), pl.ds(c0, CW)],
                            out_sem[b][q],
                        ).wait()

                    pltpu.async_copy(
                        x_hbm.at[b, pl.ds(nr0, CR), pl.ds(nc0, CW)],
                        xb[b][q],
                        in_sem[b][q],
                    )
                else:
                    @pl.when(u2 < NPAIR - 1)
                    def _():
                        pltpu.make_async_copy(
                            xb[b][q],
                            out_hbm.at[b, pl.ds(r0, CR), pl.ds(c0, CW)],
                            out_sem[b][q],
                        ).wait()
                        pltpu.async_copy(
                            x_hbm.at[b, pl.ds(nr0, CR), pl.ds(nc0, CW)],
                            xb[b][q],
                            in_sem[b][q],
                        )
        return 0

    lax.fori_loop(0, NPAIR, pair_body, 0)

    for b in range(4):
        pltpu.make_async_copy(
            xb[b][0],
            out_hbm.at[b, pl.ds(row0(NPAIR - 1), CR), pl.ds(0, CW)],
            out_sem[b][0],
        ).wait()
        pltpu.make_async_copy(
            xb[b][1],
            out_hbm.at[b, pl.ds(row0(NPAIR - 1), CR), pl.ds(CW, CW)],
            out_sem[b][1],
        ).wait()


_vmem = [pltpu.VMEM((CR, CW), jnp.float32) for _ in range(10)]
_sems = [pltpu.SemaphoreType.DMA for _ in range(18)]

_sc_call = functools.partial(
    pl.kernel,
    out_type=jax.ShapeDtypeStruct((B, S, H), jnp.float32),
    mesh=plsc.VectorSubcoreMesh(core_axis_name="c", subcore_axis_name="s"),
    scratch_types=_vmem + _sems,
)(_sc_body)


def kernel(inputs, pe):
    return _sc_call(inputs, pe)

# --- scband reference (transcript-rebuilt; emitter-appended) ---
"""Pipeline reference for scband-positional-encoding-86320252715753 (READ-ONLY COPY).

The authoritative reference and input builder live on the scoring server;
editing this copy changes nothing except your own understanding.
"""

import jax, jax.numpy as jnp
import numpy as np

MAX_POS = 8192
HIDDEN = 2048

def _build_pe(max_pos, hidden_size):
    positions = jnp.arange(max_pos, dtype=jnp.float32)[:, None]
    dims = jnp.arange(hidden_size, dtype=jnp.float32)[None, :]
    angle_rates = 1.0 / (10000.0 ** (dims / hidden_size))
    angles = positions * angle_rates
    pe = jnp.zeros((max_pos, hidden_size), dtype=jnp.float32)
    pe = pe.at[:, 0::2].set(jnp.sin(angles[:, 0::2]))
    pe = pe.at[:, 1::2].set(jnp.cos(angles[:, 1::2]))
    return pe

def setup_inputs(seed: int = 0) -> dict:
    key = jax.random.key(seed)
    k1, = jax.random.split(key, 1)
    inputs = jax.random.normal(k1, (4, 4096, 2048), dtype=jnp.float32)
    pe = _build_pe(MAX_POS, HIDDEN)
    return {"inputs": inputs, "pe": pe}

def reference(inputs, pe):
    seq_len = inputs.shape[1]
    positions = jnp.arange(seq_len)
    # embedding lookup: gather rows of the positional-encoding table
    encodings = jnp.take(pe, positions, axis=0)
    return inputs + encodings[None, :, :]

if __name__ == "__main__":
    import jax
    _d = setup_inputs()
    print(jax.jit(kernel)(*tuple(_d.values())))

</pallas_src>

<mosaic_0001>
#map = affine_map<(d0, d1) -> (0, 0, 0)>
#map1 = affine_map<(d0, d1) -> (0, 0)>
module attributes {stable_mosaic.version = 14 : i64} {
  func.func @_sc_body(%arg0: i32, %arg1: i32, %arg2: memref<4x4096x2048xf32, #tpu.memory_space<hbm>>, %arg3: memref<8192x2048xf32, #tpu.memory_space<hbm>>, %arg4: memref<4x4096x2048xf32, #tpu.memory_space<hbm>>, %arg5: memref<8x1024xf32, #tpu.memory_space<vmem>>, %arg6: memref<8x1024xf32, #tpu.memory_space<vmem>>, %arg7: memref<8x1024xf32, #tpu.memory_space<vmem>>, %arg8: memref<8x1024xf32, #tpu.memory_space<vmem>>, %arg9: memref<8x1024xf32, #tpu.memory_space<vmem>>, %arg10: memref<8x1024xf32, #tpu.memory_space<vmem>>, %arg11: memref<8x1024xf32, #tpu.memory_space<vmem>>, %arg12: memref<8x1024xf32, #tpu.memory_space<vmem>>, %arg13: memref<8x1024xf32, #tpu.memory_space<vmem>>, %arg14: memref<8x1024xf32, #tpu.memory_space<vmem>>, %arg15: memref<!tpu.dma_semaphore, #tpu.memory_space<semaphore_mem>>, %arg16: memref<!tpu.dma_semaphore, #tpu.memory_space<semaphore_mem>>, %arg17: memref<!tpu.dma_semaphore, #tpu.memory_space<semaphore_mem>>, %arg18: memref<!tpu.dma_semaphore, #tpu.memory_space<semaphore_mem>>, %arg19: memref<!tpu.dma_semaphore, #tpu.memory_space<semaphore_mem>>, %arg20: memref<!tpu.dma_semaphore, #tpu.memory_space<semaphore_mem>>, %arg21: memref<!tpu.dma_semaphore, #tpu.memory_space<semaphore_mem>>, %arg22: memref<!tpu.dma_semaphore, #tpu.memory_space<semaphore_mem>>, %arg23: memref<!tpu.dma_semaphore, #tpu.memory_space<semaphore_mem>>, %arg24: memref<!tpu.dma_semaphore, #tpu.memory_space<semaphore_mem>>, %arg25: memref<!tpu.dma_semaphore, #tpu.memory_space<semaphore_mem>>, %arg26: memref<!tpu.dma_semaphore, #tpu.memory_space<semaphore_mem>>, %arg27: memref<!tpu.dma_semaphore, #tpu.memory_space<semaphore_mem>>, %arg28: memref<!tpu.dma_semaphore, #tpu.memory_space<semaphore_mem>>, %arg29: memref<!tpu.dma_semaphore, #tpu.memory_space<semaphore_mem>>, %arg30: memref<!tpu.dma_semaphore, #tpu.memory_space<semaphore_mem>>, %arg31: memref<!tpu.dma_semaphore, #tpu.memory_space<semaphore_mem>>, %arg32: memref<!tpu.dma_semaphore, #tpu.memory_space<semaphore_mem>>) attributes {dimension_semantics = [#tpu.dimension_semantics<core_parallel>, #tpu.dimension_semantics<subcore_parallel>], iteration_bounds = array<i64: 2, 16>, scalar_prefetch = 0 : i64, scratch_operands = 28 : i64, tpu.core_type = #tpu.core_type<sc_vector_subcore>, window_params = [{transform_indices = #map}, {transform_indices = #map1}, {transform_indices = #map}]} {
    %mul3A = arith.constant 2 : i32
    %mul3A_0 = arith.muli %arg1, %mul3A : i32
    %add3A = arith.addi %mul3A_0, %arg0 : i32
    %mul3A_1 = arith.constant 128 : i32
    %mul3A_2 = arith.muli %add3A, %mul3A_1 : i32
    %add3A_3 = arith.constant 0 : i32
    %add3A_4 = arith.addi %mul3A_2, %add3A_3 : i32
    %multiple_of3A = tpu.assume_multiple %add3A_4, 8 : i32
    %dma_start3A = arith.constant 0 : i32
    %dma_start3A_5 = tpu.memref_slice %arg3[%multiple_of3A, %dma_start3A] : memref<8192x2048xf32, #tpu.memory_space<hbm>> -> memref<8x1024xf32, #tpu.memory_space<hbm>>
    %dma_start3A_6 = arith.constant 0 : i32
    %dma_start3A_7 = tpu.memref_slice %arg3[%multiple_of3A, %dma_start3A_6] : memref<8192x2048xf32, #tpu.memory_space<hbm>> -> memref<8x1024xf32, #tpu.memory_space<hbm>>
    tpu.enqueue_dma source(%dma_start3A_7 : memref<8x1024xf32, #tpu.memory_space<hbm>>) target(%arg13 : memref<8x1024xf32, #tpu.memory_space<vmem>>) target_semaphore(%arg31 : memref<!tpu.dma_semaphore, #tpu.memory_space<semaphore_mem>>)
    %add3A_8 = arith.constant 0 : i32
    %add3A_9 = arith.addi %mul3A_2, %add3A_8 : i32
    %multiple_of3A_10 = tpu.assume_multiple %add3A_9, 8 : i32
    %dma_start3A_11 = arith.constant 0 : i32
    %dma_start3A_12 = arith.constant 0 : i32
    %dma_start3A_13 = tpu.memref_slice %arg2[%dma_start3A_11, %multiple_of3A_10, %dma_start3A_12] : memref<4x4096x2048xf32, #tpu.memory_space<hbm>> -> memref<1x8x1024xf32, #tpu.memory_space<hbm>>
    %dma_start3A_14 = tpu.memref_squeeze %dma_start3A_13 : memref<1x8x1024xf32, #tpu.memory_space<hbm>> -> memref<8x1024xf32, #tpu.memory_space<hbm>>
    %dma_start3A_15 = arith.constant 0 : i32
    %dma_start3A_16 = tpu.memref_slice %arg2[%dma_start3A_11, %multiple_of3A_10, %dma_start3A_15] : memref<4x4096x2048xf32, #tpu.memory_space<hbm>> -> memref<1x8x1024xf32, #tpu.memory_space<hbm>>
    %dma_start3A_17 = tpu.memref_squeeze %dma_start3A_16 : memref<1x8x1024xf32, #tpu.memory_space<hbm>> -> memref<8x1024xf32, #tpu.memory_space<hbm>>
    tpu.enqueue_dma source(%dma_start3A_17 : memref<8x1024xf32, #tpu.memory_space<hbm>>) target(%arg5 : memref<8x1024xf32, #tpu.memory_space<vmem>>) target_semaphore(%arg15 : memref<!tpu.dma_semaphore, #tpu.memory_space<semaphore_mem>>)
    %add3A_18 = arith.constant 0 : i32
    %add3A_19 = arith.addi %mul3A_2, %add3A_18 : i32
    %multiple_of3A_20 = tpu.assume_multiple %add3A_19, 8 : i32
    %dma_start3A_21 = arith.constant 1 : i32
    %dma_start3A_22 = arith.constant 0 : i32
    %dma_start3A_23 = tpu.memref_slice %arg2[%dma_start3A_21, %multiple_of3A_20, %dma_start3A_22] : memref<4x4096x2048xf32, #tpu.memory_space<hbm>> -> memref<1x8x1024xf32, #tpu.memory_space<hbm>>
    %dma_start3A_24 = tpu.memref_squeeze %dma_start3A_23 : memref<1x8x1024xf32, #tpu.memory_space<hbm>> -> memref<8x1024xf32, #tpu.memory_space<hbm>>
    %dma_start3A_25 = arith.constant 0 : i32
    %dma_start3A_26 = tpu.memref_slice %arg2[%dma_start3A_21, %multiple_of3A_20, %dma_start3A_25] : memref<4x4096x2048xf32, #tpu.memory_space<hbm>> -> memref<1x8x1024xf32, #tpu.memory_space<hbm>>
    %dma_start3A_27 = tpu.memref_squeeze %dma_start3A_26 : memref<1x8x1024xf32, #tpu.memory_space<hbm>> -> memref<8x1024xf32, #tpu.memory_space<hbm>>
    tpu.enqueue_dma source(%dma_start3A_27 : memref<8x1024xf32, #tpu.memory_space<hbm>>) target(%arg7 : memref<8x1024xf32, #tpu.memory_space<vmem>>) target_semaphore(%arg17 : memref<!tpu.dma_semaphore, #tpu.memory_space<semaphore_mem>>)
    %add3A_28 = arith.constant 0 : i32
    %add3A_29 = arith.addi %mul3A_2, %add3A_28 : i32
    %multiple_of3A_30 = tpu.assume_multiple %add3A_29, 8 : i32
    %dma_start3A_31 = arith.constant 2 : i32
    %dma_start3A_32 = arith.constant 0 : i32
    %dma_start3A_33 = tpu.memref_slice %arg2[%dma_start3A_31, %multiple_of3A_30, %dma_start3A_32] : memref<4x4096x2048xf32, #tpu.memory_space<hbm>> -> memref<1x8x1024xf32, #tpu.memory_space<hbm>>
    %dma_start3A_34 = tpu.memref_squeeze %dma_start3A_33 : memref<1x8x1024xf32, #tpu.memory_space<hbm>> -> memref<8x1024xf32, #tpu.memory_space<hbm>>
    %dma_start3A_35 = arith.constant 0 : i32
    %dma_start3A_36 = tpu.memref_slice %arg2[%dma_start3A_31, %multiple_of3A_30, %dma_start3A_35] : memref<4x4096x2048xf32, #tpu.memory_space<hbm>> -> memref<1x8x1024xf32, #tpu.memory_space<hbm>>
    %dma_start3A_37 = tpu.memref_squeeze %dma_start3A_36 : memref<1x8x1024xf32, #tpu.memory_space<hbm>> -> memref<8x1024xf32, #tpu.memory_space<hbm>>
    tpu.enqueue_dma source(%dma_start3A_37 : memref<8x1024xf32, #tpu.memory_space<hbm>>) target(%arg9 : memref<8x1024xf32, #tpu.memory_space<vmem>>) target_semaphore(%arg19 : memref<!tpu.dma_semaphore, #tpu.memory_space<semaphore_mem>>)
    %add3A_38 = arith.constant 0 : i32
    %add3A_39 = arith.addi %mul3A_2, %add3A_38 : i32
    %multiple_of3A_40 = tpu.assume_multiple %add3A_39, 8 : i32
    %dma_start3A_41 = arith.constant 3 : i32
    %dma_start3A_42 = arith.constant 0 : i32
    %dma_start3A_43 = tpu.memref_slice %arg2[%dma_start3A_41, %multiple_of3A_40, %dma_start3A_42] : memref<4x4096x2048xf32, #tpu.memory_space<hbm>> -> memref<1x8x1024xf32, #tpu.memory_space<hbm>>
    %dma_start3A_44 = tpu.memref_squeeze %dma_start3A_43 : memref<1x8x1024xf32, #tpu.memory_space<hbm>> -> memref<8x1024xf32, #tpu.memory_space<hbm>>
    %dma_start3A_45 = arith.constant 0 : i32
    %dma_start3A_46 = tpu.memref_slice %arg2[%dma_start3A_41, %multiple_of3A_40, %dma_start3A_45] : memref<4x4096x2048xf32, #tpu.memory_space<hbm>> -> memref<1x8x1024xf32, #tpu.memory_space<hbm>>
    %dma_start3A_47 = tpu.memref_squeeze %dma_start3A_46 : memref<1x8x1024xf32, #tpu.memory_space<hbm>> -> memref<8x1024xf32, #tpu.memory_space<hbm>>
    tpu.enqueue_dma source(%dma_start3A_47 : memref<8x1024xf32, #tpu.memory_space<hbm>>) target(%arg11 : memref<8x1024xf32, #tpu.memory_space<vmem>>) target_semaphore(%arg21 : memref<!tpu.dma_semaphore, #tpu.memory_space<semaphore_mem>>)
    %scan3A = arith.constant 0 : i32
    %scan3A_48 = arith.constant 0 : i32
    %scan3A_49 = arith.constant 16 : i32
    %scan3A_50 = arith.addi %scan3A_48, %scan3A_49 : i32
    %scan3A_51 = arith.constant 1 : i32
    %scan3A_52 = scf.for %scan3A_133 = %scan3A_48 to %scan3A_50 step %scan3A_51 iter_args(%scan3A_134 = %scan3A) -> (i32)  : i32 {
      %mul3A_135 = arith.constant 8 : i32
      %mul3A_136 = arith.muli %scan3A_133, %mul3A_135 : i32
      %add3A_137 = arith.addi %mul3A_2, %mul3A_136 : i32
      %multiple_of3A_138 = tpu.assume_multiple %add3A_137, 8 : i32
      %dma_wait3A_139 = arith.constant 0 : i32
      %dma_wait3A_140 = tpu.memref_slice %arg3[%multiple_of3A_138, %dma_wait3A_139] : memref<8192x2048xf32, #tpu.memory_space<hbm>> -> memref<8x1024xf32, #tpu.memory_space<hbm>>
      %dma_wait3A_141 = arith.constant 0 : i32
      %dma_wait3A_142 = tpu.memref_slice %arg3[%multiple_of3A_138, %dma_wait3A_141] : memref<8192x2048xf32, #tpu.memory_space<hbm>> -> memref<8x1024xf32, #tpu.memory_space<hbm>>
      tpu.wait_dma2 semaphore(%arg31 : memref<!tpu.dma_semaphore, #tpu.memory_space<semaphore_mem>>) src(%dma_wait3A_142 : memref<8x1024xf32, #tpu.memory_space<hbm>>) dst(%arg13 : memref<8x1024xf32, #tpu.memory_space<vmem>>)
      %dma_start3A_143 = arith.constant 1024 : i32
      %dma_start3A_144 = tpu.memref_slice %arg3[%multiple_of3A_138, %dma_start3A_143] : memref<8192x2048xf32, #tpu.memory_space<hbm>> -> memref<8x1024xf32, #tpu.memory_space<hbm>>
      %dma_start3A_145 = arith.constant 1024 : i32
      %dma_start3A_146 = tpu.memref_slice %arg3[%multiple_of3A_138, %dma_start3A_145] : memref<8192x2048xf32, #tpu.memory_space<hbm>> -> memref<8x1024xf32, #tpu.memory_space<hbm>>
      tpu.enqueue_dma source(%dma_start3A_146 : memref<8x1024xf32, #tpu.memory_space<hbm>>) target(%arg14 : memref<8x1024xf32, #tpu.memory_space<vmem>>) target_semaphore(%arg32 : memref<!tpu.dma_semaphore, #tpu.memory_space<semaphore_mem>>)
      %dma_wait3A_147 = arith.constant 0 : i32
      %dma_wait3A_148 = arith.constant 0 : i32
      %dma_wait3A_149 = tpu.memref_slice %arg2[%dma_wait3A_147, %multiple_of3A_138, %dma_wait3A_148] : memref<4x4096x2048xf32, #tpu.memory_space<hbm>> -> memref<1x8x1024xf32, #tpu.memory_space<hbm>>
      %dma_wait3A_150 = tpu.memref_squeeze %dma_wait3A_149 : memref<1x8x1024xf32, #tpu.memory_space<hbm>> -> memref<8x1024xf32, #tpu.memory_space<hbm>>
      %dma_wait3A_151 = arith.constant 0 : i32
      %dma_wait3A_152 = tpu.memref_slice %arg2[%dma_wait3A_147, %multiple_of3A_138, %dma_wait3A_151] : memref<4x4096x2048xf32, #tpu.memory_space<hbm>> -> memref<1x8x1024xf32, #tpu.memory_space<hbm>>
      %dma_wait3A_153 = tpu.memref_squeeze %dma_wait3A_152 : memref<1x8x1024xf32, #tpu.memory_space<hbm>> -> memref<8x1024xf32, #tpu.memory_space<hbm>>
      tpu.wait_dma2 semaphore(%arg15 : memref<!tpu.dma_semaphore, #tpu.memory_space<semaphore_mem>>) src(%dma_wait3A_153 : memref<8x1024xf32, #tpu.memory_space<hbm>>) dst(%arg5 : memref<8x1024xf32, #tpu.memory_space<vmem>>)
      %parallel_loop3A = arith.constant 0 : i32
      %parallel_loop3A_154 = arith.constant 64 : i32
      %parallel_loop3A_155 = arith.constant 1 : i32
      scf.for %parallel_loop3A_366 = %parallel_loop3A to %parallel_loop3A_154 step %parallel_loop3A_155  : i32 {
        %parallel_loop3A_367 = arith.constant 16 : i32
        %parallel_loop3A_368 = arith.muli %parallel_loop3A_366, %parallel_loop3A_367 : i32
        %parallel_loop3A_369 = arith.constant 0 : i32
        %parallel_loop3A_370 = arith.index_cast %parallel_loop3A_369 : i32 to index
        %parallel_loop3A_371 = arith.index_cast %parallel_loop3A_368 : i32 to index
        %parallel_loop3A_372 = tpu.vector_load %arg5[%parallel_loop3A_370, %parallel_loop3A_371] {strides = array<i32>} : memref<8x1024xf32, #tpu.memory_space<vmem>>, vector<1x16xf32>,
        %parallel_loop3A_373 = vector.shape_cast %parallel_loop3A_372 : vector<1x16xf32> to vector<16xf32>
        %parallel_loop3A_374 = arith.constant 0 : i32
        %parallel_loop3A_375 = arith.index_cast %parallel_loop3A_374 : i32 to index
        %parallel_loop3A_376 = arith.index_cast %parallel_loop3A_368 : i32 to index
        %parallel_loop3A_377 = tpu.vector_load %arg13[%parallel_loop3A_375, %parallel_loop3A_376] {strides = array<i32>} : memref<8x1024xf32, #tpu.memory_space<vmem>>, vector<1x16xf32>,
        %parallel_loop3A_378 = vector.shape_cast %parallel_loop3A_377 : vector<1x16xf32> to vector<16xf32>
        %parallel_loop3A_379 = arith.addf %parallel_loop3A_373, %parallel_loop3A_378 : vector<16xf32>
        %parallel_loop3A_380 = arith.constant 0 : i32
        %parallel_loop3A_381 = arith.index_cast %parallel_loop3A_380 : i32 to index
        %parallel_loop3A_382 = arith.index_cast %parallel_loop3A_368 : i32 to index
        %parallel_loop3A_383 = tpu.vector_load %arg5[%parallel_loop3A_381, %parallel_loop3A_382] {strides = array<i32>} : memref<8x1024xf32, #tpu.memory_space<vmem>>, vector<1x16xf32>,
        %parallel_loop3A_384 = vector.shape_cast %parallel_loop3A_383 : vector<1x16xf32> to vector<16xf32>
        %parallel_loop3A_385 = vector.shape_cast %parallel_loop3A_379 : vector<16xf32> to vector<1x16xf32>
        tpu.vector_store %arg5[%parallel_loop3A_381, %parallel_loop3A_382], %parallel_loop3A_385 {strides = array<i32>} : memref<8x1024xf32, #tpu.memory_space<vmem>>, vector<1x16xf32>,
        %parallel_loop3A_386 = arith.constant 1 : i32
        %parallel_loop3A_387 = arith.index_cast %parallel_loop3A_386 : i32 to index
        %parallel_loop3A_388 = arith.index_cast %parallel_loop3A_368 : i32 to index
        %parallel_loop3A_389 = tpu.vector_load %arg5[%parallel_loop3A_387, %parallel_loop3A_388] {strides = array<i32>} : memref<8x1024xf32, #tpu.memory_space<vmem>>, vector<1x16xf32>,
        %parallel_loop3A_390 = vector.shape_cast %parallel_loop3A_389 : vector<1x16xf32> to vector<16xf32>
        %parallel_loop3A_391 = arith.constant 1 : i32
        %parallel_loop3A_392 = arith.index_cast %parallel_loop3A_391 : i32 to index
        %parallel_loop3A_393 = arith.index_cast %parallel_loop3A_368 : i32 to index
        %parallel_loop3A_394 = tpu.vector_load %arg13[%parallel_loop3A_392, %parallel_loop3A_393] {strides = array<i32>} : memref<8x1024xf32, #tpu.memory_space<vmem>>, vector<1x16xf32>,
        %parallel_loop3A_395 = vector.shape_cast %parallel_loop3A_394 : vector<1x16xf32> to vector<16xf32>
        %parallel_loop3A_396 = arith.addf %parallel_loop3A_390, %parallel_loop3A_395 : vector<16xf32>
        %parallel_loop3A_397 = arith.constant 1 : i32
        %parallel_loop3A_398 = arith.index_cast %parallel_loop3A_397 : i32 to index
        %parallel_loop3A_399 = arith.index_cast %parallel_loop3A_368 : i32 to index
        %parallel_loop3A_400 = tpu.vector_load %arg5[%parallel_loop3A_398, %parallel_loop3A_399] {strides = array<i32>} : memref<8x1024xf32, #tpu.memory_space<vmem>>, vector<1x16xf32>,
        %parallel_loop3A_401 = vector.shape_cast %parallel_loop3A_400 : vector<1x16xf32> to vector<16xf32>
        %parallel_loop3A_402 = vector.shape_cast %parallel_loop3A_396 : vector<16xf32> to vector<1x16xf32>
        tpu.vector_store %arg5[%parallel_loop3A_398, %parallel_loop3A_399], %parallel_loop3A_402 {strides = array<i32>} : memref<8x1024xf32, #tpu.memory_space<vmem>>, vector<1x16xf32>,
        %parallel_loop3A_403 = arith.constant 2 : i32
        %parallel_loop3A_404 = arith.index_cast %parallel_loop3A_403 : i32 to index
        %parallel_loop3A_405 = arith.index_cast %parallel_loop3A_368 : i32 to index
        %parallel_loop3A_406 = tpu.vector_load %arg5[%parallel_loop3A_404, %parallel_loop3A_405] {strides = array<i32>} : memref<8x1024xf32, #tpu.memory_space<vmem>>, vector<1x16xf32>,
        %parallel_loop3A_407 = vector.shape_cast %parallel_loop3A_406 : vector<1x16xf32> to vector<16xf32>
        %parallel_loop3A_408 = arith.constant 2 : i32
        %parallel_loop3A_409 = arith.index_cast %parallel_loop3A_408 : i32 to index
        %parallel_loop3A_410 = arith.index_cast %parallel_loop3A_368 : i32 to index
        %parallel_loop3A_411 = tpu.vector_load %arg13[%parallel_loop3A_409, %parallel_loop3A_410] {strides = array<i32>} : memref<8x1024xf32, #tpu.memory_space<vmem>>, vector<1x16xf32>,
        %parallel_loop3A_412 = vector.shape_cast %parallel_loop3A_411 : vector<1x16xf32> to vector<16xf32>
        %parallel_loop3A_413 = arith.addf %parallel_loop3A_407, %parallel_loop3A_412 : vector<16xf32>
        %parallel_loop3A_414 = arith.constant 2 : i32
        %parallel_loop3A_415 = arith.index_cast %parallel_loop3A_414 : i32 to index
        %parallel_loop3A_416 = arith.index_cast %parallel_loop3A_368 : i32 to index
        %parallel_loop3A_417 = tpu.vector_load %arg5[%parallel_loop3A_415, %parallel_loop3A_416] {strides = array<i32>} : memref<8x1024xf32, #tpu.memory_space<vmem>>, vector<1x16xf32>,
        %parallel_loop3A_418 = vector.shape_cast %parallel_loop3A_417 : vector<1x16xf32> to vector<16xf32>
        %parallel_loop3A_419 = vector.shape_cast %parallel_loop3A_413 : vector<16xf32> to vector<1x16xf32>
        tpu.vector_store %arg5[%parallel_loop3A_415, %parallel_loop3A_416], %parallel_loop3A_419 {strides = array<i32>} : memref<8x1024xf32, #tpu.memory_space<vmem>>, vector<1x16xf32>,
        %parallel_loop3A_420 = arith.constant 3 : i32
        %parallel_loop3A_421 = arith.index_cast %parallel_loop3A_420 : i32 to index
        %parallel_loop3A_422 = arith.index_cast %parallel_loop3A_368 : i32 to index
        %parallel_loop3A_423 = tpu.vector_load %arg5[%parallel_loop3A_421, %parallel_loop3A_422] {strides = array<i32>} : memref<8x1024xf32, #tpu.memory_space<vmem>>, vector<1x16xf32>,
        %parallel_loop3A_424 = vector.shape_cast %parallel_loop3A_423 : vector<1x16xf32> to vector<16xf32>
        %parallel_loop3A_425 = arith.constant 3 : i32
        %parallel_loop3A_426 = arith.index_cast %parallel_loop3A_425 : i32 to index
        %parallel_loop3A_427 = arith.index_cast %parallel_loop3A_368 : i32 to index
        %parallel_loop3A_428 = tpu.vector_load %arg13[%parallel_loop3A_426, %parallel_loop3A_427] {strides = array<i32>} : memref<8x1024xf32, #tpu.memory_space<vmem>>, vector<1x16xf32>,
        %parallel_loop3A_429 = vector.shape_cast %parallel_loop3A_428 : vector<1x16xf32> to vector<16xf32>
        %parallel_loop3A_430 = arith.addf %parallel_loop3A_424, %parallel_loop3A_429 : vector<16xf32>
        %parallel_loop3A_431 = arith.constant 3 : i32
        %parallel_loop3A_432 = arith.index_cast %parallel_loop3A_431 : i32 to index
        %parallel_loop3A_433 = arith.index_cast %parallel_loop3A_368 : i32 to index
        %parallel_loop3A_434 = tpu.vector_load %arg5[%parallel_loop3A_432, %parallel_loop3A_433] {strides = array<i32>} : memref<8x1024xf32, #tpu.memory_space<vmem>>, vector<1x16xf32>,
        %parallel_loop3A_435 = vector.shape_cast %parallel_loop3A_434 : vector<1x16xf32> to vector<16xf32>
        %parallel_loop3A_436 = vector.shape_cast %parallel_loop3A_430 : vector<16xf32> to vector<1x16xf32>
        tpu.vector_store %arg5[%parallel_loop3A_432, %parallel_loop3A_433], %parallel_loop3A_436 {strides = array<i32>} : memref<8x1024xf32, #tpu.memory_space<vmem>>, vector<1x16xf32>,
        %parallel_loop3A_437 = arith.constant 4 : i32
        %parallel_loop3A_438 = arith.index_cast %parallel_loop3A_437 : i32 to index
        %parallel_loop3A_439 = arith.index_cast %parallel_loop3A_368 : i32 to index
        %parallel_loop3A_440 = tpu.vector_load %arg5[%parallel_loop3A_438, %parallel_loop3A_439] {strides = array<i32>} : memref<8x1024xf32, #tpu.memory_space<vmem>>, vector<1x16xf32>,
        %parallel_loop3A_441 = vector.shape_cast %parallel_loop3A_440 : vector<1x16xf32> to vector<16xf32>
        %parallel_loop3A_442 = arith.constant 4 : i32
        %parallel_loop3A_443 = arith.index_cast %parallel_loop3A_442 : i32 to index
        %parallel_loop3A_444 = arith.index_cast %parallel_loop3A_368 : i32 to index
        %parallel_loop3A_445 = tpu.vector_load %arg13[%parallel_loop3A_443, %parallel_loop3A_444] {strides = array<i32>} : memref<8x1024xf32, #tpu.memory_space<vmem>>, vector<1x16xf32>,
        %parallel_loop3A_446 = vector.shape_cast %parallel_loop3A_445 : vector<1x16xf32> to vector<16xf32>
        %parallel_loop3A_447 = arith.addf %parallel_loop3A_441, %parallel_loop3A_446 : vector<16xf32>
        %parallel_loop3A_448 = arith.constant 4 : i32
        %parallel_loop3A_449 = arith.index_cast %parallel_loop3A_448 : i32 to index
        %parallel_loop3A_450 = arith.index_cast %parallel_loop3A_368 : i32 to index
        %parallel_loop3A_451 = tpu.vector_load %arg5[%parallel_loop3A_449, %parallel_loop3A_450] {strides = array<i32>} : memref<8x1024xf32, #tpu.memory_space<vmem>>, vector<1x16xf32>,
        %parallel_loop3A_452 = vector.shape_cast %parallel_loop3A_451 : vector<1x16xf32> to vector<16xf32>
        %parallel_loop3A_453 = vector.shape_cast %parallel_loop3A_447 : vector<16xf32> to vector<1x16xf32>
        tpu.vector_store %arg5[%parallel_loop3A_449, %parallel_loop3A_450], %parallel_loop3A_453 {strides = array<i32>} : memref<8x1024xf32, #tpu.memory_space<vmem>>, vector<1x16xf32>,
        %parallel_loop3A_454 = arith.constant 5 : i32
        %parallel_loop3A_455 = arith.index_cast %parallel_loop3A_454 : i32 to index
        %parallel_loop3A_456 = arith.index_cast %parallel_loop3A_368 : i32 to index
        %parallel_loop3A_457 = tpu.vector_load %arg5[%parallel_loop3A_455, %parallel_loop3A_456] {strides = array<i32>} : memref<8x1024xf32, #tpu.memory_space<vmem>>, vector<1x16xf32>,
        %parallel_loop3A_458 = vector.shape_cast %parallel_loop3A_457 : vector<1x16xf32> to vector<16xf32>
        %parallel_loop3A_459 = arith.constant 5 : i32
        %parallel_loop3A_460 = arith.index_cast %parallel_loop3A_459 : i32 to index
        %parallel_loop3A_461 = arith.index_cast %parallel_loop3A_368 : i32 to index
        %parallel_loop3A_462 = tpu.vector_load %arg13[%parallel_loop3A_460, %parallel_loop3A_461] {strides = array<i32>} : memref<8x1024xf32, #tpu.memory_space<vmem>>, vector<1x16xf32>,
        %parallel_loop3A_463 = vector.shape_cast %parallel_loop3A_462 : vector<1x16xf32> to vector<16xf32>
        %parallel_loop3A_464 = arith.addf %parallel_loop3A_458, %parallel_loop3A_463 : vector<16xf32>
        %parallel_loop3A_465 = arith.constant 5 : i32
        %parallel_loop3A_466 = arith.index_cast %parallel_loop3A_465 : i32 to index
        %parallel_loop3A_467 = arith.index_cast %parallel_loop3A_368 : i32 to index
        %parallel_loop3A_468 = tpu.vector_load %arg5[%parallel_loop3A_466, %parallel_loop3A_467] {strides = array<i32>} : memref<8x1024xf32, #tpu.memory_space<vmem>>, vector<1x16xf32>,
        %parallel_loop3A_469 = vector.shape_cast %parallel_loop3A_468 : vector<1x16xf32> to vector<16xf32>
        %parallel_loop3A_470 = vector.shape_cast %parallel_loop3A_464 : vector<16xf32> to vector<1x16xf32>
        tpu.vector_store %arg5[%parallel_loop3A_466, %parallel_loop3A_467], %parallel_loop3A_470 {strides = array<i32>} : memref<8x1024xf32, #tpu.memory_space<vmem>>, vector<1x16xf32>,
        %parallel_loop3A_471 = arith.constant 6 : i32
        %parallel_loop3A_472 = arith.index_cast %parallel_loop3A_471 : i32 to index
        %parallel_loop3A_473 = arith.index_cast %parallel_loop3A_368 : i32 to index
        %parallel_loop3A_474 = tpu.vector_load %arg5[%parallel_loop3A_472, %parallel_loop3A_473] {strides = array<i32>} : memref<8x1024xf32, #tpu.memory_space<vmem>>, vector<1x16xf32>,
        %parallel_loop3A_475 = vector.shape_cast %parallel_loop3A_474 : vector<1x16xf32> to vector<16xf32>
        %parallel_loop3A_476 = arith.constant 6 : i32
        %parallel_loop3A_477 = arith.index_cast %parallel_loop3A_476 : i32 to index
        %parallel_loop3A_478 = arith.index_cast %parallel_loop3A_368 : i32 to index
        %parallel_loop3A_479 = tpu.vector_load %arg13[%parallel_loop3A_477, %parallel_loop3A_478] {strides = array<i32>} : memref<8x1024xf32, #tpu.memory_space<vmem>>, vector<1x16xf32>,
        %parallel_loop3A_480 = vector.shape_cast %parallel_loop3A_479 : vector<1x16xf32> to vector<16xf32>
        %parallel_loop3A_481 = arith.addf %parallel_loop3A_475, %parallel_loop3A_480 : vector<16xf32>
        %parallel_loop3A_482 = arith.constant 6 : i32
        %parallel_loop3A_483 = arith.index_cast %parallel_loop3A_482 : i32 to index
        %parallel_loop3A_484 = arith.index_cast %parallel_loop3A_368 : i32 to index
        %parallel_loop3A_485 = tpu.vector_load %arg5[%parallel_loop3A_483, %parallel_loop3A_484] {strides = array<i32>} : memref<8x1024xf32, #tpu.memory_space<vmem>>, vector<1x16xf32>,
        %parallel_loop3A_486 = vector.shape_cast %parallel_loop3A_485 : vector<1x16xf32> to vector<16xf32>
        %parallel_loop3A_487 = vector.shape_cast %parallel_loop3A_481 : vector<16xf32> to vector<1x16xf32>
        tpu.vector_store %arg5[%parallel_loop3A_483, %parallel_loop3A_484], %parallel_loop3A_487 {strides = array<i32>} : memref<8x1024xf32, #tpu.memory_space<vmem>>, vector<1x16xf32>,
        %parallel_loop3A_488 = arith.constant 7 : i32
        %parallel_loop3A_489 = arith.index_cast %parallel_loop3A_488 : i32 to index
        %parallel_loop3A_490 = arith.index_cast %parallel_loop3A_368 : i32 to index
        %parallel_loop3A_491 = tpu.vector_load %arg5[%parallel_loop3A_489, %parallel_loop3A_490] {strides = array<i32>} : memref<8x1024xf32, #tpu.memory_space<vmem>>, vector<1x16xf32>,
        %parallel_loop3A_492 = vector.shape_cast %parallel_loop3A_491 : vector<1x16xf32> to vector<16xf32>
        %parallel_loop3A_493 = arith.constant 7 : i32
        %parallel_loop3A_494 = arith.index_cast %parallel_loop3A_493 : i32 to index
        %parallel_loop3A_495 = arith.index_cast %parallel_loop3A_368 : i32 to index
        %parallel_loop3A_496 = tpu.vector_load %arg13[%parallel_loop3A_494, %parallel_loop3A_495] {strides = array<i32>} : memref<8x1024xf32, #tpu.memory_space<vmem>>, vector<1x16xf32>,
        %parallel_loop3A_497 = vector.shape_cast %parallel_loop3A_496 : vector<1x16xf32> to vector<16xf32>
        %parallel_loop3A_498 = arith.addf %parallel_loop3A_492, %parallel_loop3A_497 : vector<16xf32>
        %parallel_loop3A_499 = arith.constant 7 : i32
        %parallel_loop3A_500 = arith.index_cast %parallel_loop3A_499 : i32 to index
        %parallel_loop3A_501 = arith.index_cast %parallel_loop3A_368 : i32 to index
        %parallel_loop3A_502 = tpu.vector_load %arg5[%parallel_loop3A_500, %parallel_loop3A_501] {strides = array<i32>} : memref<8x1024xf32, #tpu.memory_space<vmem>>, vector<1x16xf32>,
        %parallel_loop3A_503 = vector.shape_cast %parallel_loop3A_502 : vector<1x16xf32> to vector<16xf32>
        %parallel_loop3A_504 = vector.shape_cast %parallel_loop3A_498 : vector<16xf32> to vector<1x16xf32>
        tpu.vector_store %arg5[%parallel_loop3A_500, %parallel_loop3A_501], %parallel_loop3A_504 {strides = array<i32>} : memref<8x1024xf32, #tpu.memory_space<vmem>>, vector<1x16xf32>,
      } {sc.loop_unroll_factor = 2 : i64, sc.parallel_access}
      %dma_start3A_156 = arith.constant 0 : i32
      %dma_start3A_157 = arith.constant 0 : i32
      %dma_start3A_158 = tpu.memref_slice %arg4[%dma_start3A_156, %multiple_of3A_138, %dma_start3A_157] : memref<4x4096x2048xf32, #tpu.memory_space<hbm>> -> memref<1x8x1024xf32, #tpu.memory_space<hbm>>
      %dma_start3A_159 = tpu.memref_squeeze %dma_start3A_158 : memref<1x8x1024xf32, #tpu.memory_space<hbm>> -> memref<8x1024xf32, #tpu.memory_space<hbm>>
      %dma_start3A_160 = arith.constant 0 : i32
      %dma_start3A_161 = tpu.memref_slice %arg4[%dma_start3A_156, %multiple_of3A_138, %dma_start3A_160] : memref<4x4096x2048xf32, #tpu.memory_space<hbm>> -> memref<1x8x1024xf32, #tpu.memory_space<hbm>>
      %dma_start3A_162 = tpu.memref_squeeze %dma_start3A_161 : memref<1x8x1024xf32, #tpu.memory_space<hbm>> -> memref<8x1024xf32, #tpu.memory_space<hbm>>
      tpu.enqueue_dma source(%arg5 : memref<8x1024xf32, #tpu.memory_space<vmem>>) target(%dma_start3A_162 : memref<8x1024xf32, #tpu.memory_space<hbm>>) target_semaphore(%arg23 : memref<!tpu.dma_semaphore, #tpu.memory_space<semaphore_mem>>)
      %ge3A = arith.constant 1 : i32
      %ge3A_163 = arith.cmpi sge, %scan3A_133, %ge3A : i32
      %convert_element_type3A = arith.extui %ge3A_163 : i1 to i32
      %cond3A = arith.constant 0 : i32
      %cond3A_164 = arith.cmpi ne, %convert_element_type3A, %cond3A : i32
      scf.if %cond3A_164 {
        %dma_wait3A_366 = arith.constant 0 : i32
        %dma_wait3A_367 = arith.constant 0 : i32
        %dma_wait3A_368 = tpu.memref_slice %arg4[%dma_wait3A_366, %multiple_of3A_138, %dma_wait3A_367] : memref<4x4096x2048xf32, #tpu.memory_space<hbm>> -> memref<1x8x1024xf32, #tpu.memory_space<hbm>>
        %dma_wait3A_369 = tpu.memref_squeeze %dma_wait3A_368 : memref<1x8x1024xf32, #tpu.memory_space<hbm>> -> memref<8x1024xf32, #tpu.memory_space<hbm>>
        %dma_wait3A_370 = arith.constant 0 : i32
        %dma_wait3A_371 = tpu.memref_slice %arg4[%dma_wait3A_366, %multiple_of3A_138, %dma_wait3A_370] : memref<4x4096x2048xf32, #tpu.memory_space<hbm>> -> memref<1x8x1024xf32, #tpu.memory_space<hbm>>
        %dma_wait3A_372 = tpu.memref_squeeze %dma_wait3A_371 : memref<1x8x1024xf32, #tpu.memory_space<hbm>> -> memref<8x1024xf32, #tpu.memory_space<hbm>>
        tpu.wait_dma2 semaphore(%arg24 : memref<!tpu.dma_semaphore, #tpu.memory_space<semaphore_mem>>) src(%arg6 : memref<8x1024xf32, #tpu.memory_space<vmem>>) dst(%dma_wait3A_372 : memref<8x1024xf32, #tpu.memory_space<hbm>>)
      } else {
      }
      %dma_start3A_165 = arith.constant 0 : i32
      %dma_start3A_166 = arith.constant 1024 : i32
      %dma_start3A_167 = tpu.memref_slice %arg2[%dma_start3A_165, %multiple_of3A_138, %dma_start3A_166] : memref<4x4096x2048xf32, #tpu.memory_space<hbm>> -> memref<1x8x1024xf32, #tpu.memory_space<hbm>>
      %dma_start3A_168 = tpu.memref_squeeze %dma_start3A_167 : memref<1x8x1024xf32, #tpu.memory_space<hbm>> -> memref<8x1024xf32, #tpu.memory_space<hbm>>
      %dma_start3A_169 = arith.constant 1024 : i32
      %dma_start3A_170 = tpu.memref_slice %arg2[%dma_start3A_165, %multiple_of3A_138, %dma_start3A_169] : memref<4x4096x2048xf32, #tpu.memory_space<hbm>> -> memref<1x8x1024xf32, #tpu.memory_space<hbm>>
      %dma_start3A_171 = tpu.memref_squeeze %dma_start3A_170 : memref<1x8x1024xf32, #tpu.memory_space<hbm>> -> memref<8x1024xf32, #tpu.memory_space<hbm>>
      tpu.enqueue_dma source(%dma_start3A_171 : memref<8x1024xf32, #tpu.memory_space<hbm>>) target(%arg6 : memref<8x1024xf32, #tpu.memory_space<vmem>>) target_semaphore(%arg16 : memref<!tpu.dma_semaphore, #tpu.memory_space<semaphore_mem>>)
      %dma_wait3A_172 = arith.constant 1 : i32
      %dma_wait3A_173 = arith.constant 0 : i32
      %dma_wait3A_174 = tpu.memref_slice %arg2[%dma_wait3A_172, %multiple_of3A_138, %dma_wait3A_173] : memref<4x4096x2048xf32, #tpu.memory_space<hbm>> -> memref<1x8x1024xf32, #tpu.memory_space<hbm>>
      %dma_wait3A_175 = tpu.memref_squeeze %dma_wait3A_174 : memref<1x8x1024xf32, #tpu.memory_space<hbm>> -> memref<8x1024xf32, #tpu.memory_space<hbm>>
      %dma_wait3A_176 = arith.constant 0 : i32
      %dma_wait3A_177 = tpu.memref_slice %arg2[%dma_wait3A_172, %multiple_of3A_138, %dma_wait3A_176] : memref<4x4096x2048xf32, #tpu.memory_space<hbm>> -> memref<1x8x1024xf32, #tpu.memory_space<hbm>>
      %dma_wait3A_178 = tpu.memref_squeeze %dma_wait3A_177 : memref<1x8x1024xf32, #tpu.memory_space<hbm>> -> memref<8x1024xf32, #tpu.memory_space<hbm>>
      tpu.wait_dma2 semaphore(%arg17 : memref<!tpu.dma_semaphore, #tpu.memory_space<semaphore_mem>>) src(%dma_wait3A_178 : memref<8x1024xf32, #tpu.memory_space<hbm>>) dst(%arg7 : memref<8x1024xf32, #tpu.memory_space<vmem>>)
      %parallel_loop3A_179 = arith.constant 0 : i32
      %parallel_loop3A_180 = arith.constant 64 : i32
      %parallel_loop3A_181 = arith.constant 1 : i32
      scf.for %parallel_loop3A_366 = %parallel_loop3A_179 to %parallel_loop3A_180 step %parallel_loop3A_181  : i32 {
        %parallel_loop3A_367 = arith.constant 16 : i32
        %parallel_loop3A_368 = arith.muli %parallel_loop3A_366, %parallel_loop3A_367 : i32
        %parallel_loop3A_369 = arith.constant 0 : i32
        %parallel_loop3A_370 = arith.index_cast %parallel_loop3A_369 : i32 to index
        %parallel_loop3A_371 = arith.index_cast %parallel_loop3A_368 : i32 to index
        %parallel_loop3A_372 = tpu.vector_load %arg7[%parallel_loop3A_370, %parallel_loop3A_371] {strides = array<i32>} : memref<8x1024xf32, #tpu.memory_space<vmem>>, vector<1x16xf32>,
        %parallel_loop3A_373 = vector.shape_cast %parallel_loop3A_372 : vector<1x16xf32> to vector<16xf32>
        %parallel_loop3A_374 = arith.constant 0 : i32
        %parallel_loop3A_375 = arith.index_cast %parallel_loop3A_374 : i32 to index
        %parallel_loop3A_376 = arith.index_cast %parallel_loop3A_368 : i32 to index
        %parallel_loop3A_377 = tpu.vector_load %arg13[%parallel_loop3A_375, %parallel_loop3A_376] {strides = array<i32>} : memref<8x1024xf32, #tpu.memory_space<vmem>>, vector<1x16xf32>,
        %parallel_loop3A_378 = vector.shape_cast %parallel_loop3A_377 : vector<1x16xf32> to vector<16xf32>
        %parallel_loop3A_379 = arith.addf %parallel_loop3A_373, %parallel_loop3A_378 : vector<16xf32>
        %parallel_loop3A_380 = arith.constant 0 : i32
        %parallel_loop3A_381 = arith.index_cast %parallel_loop3A_380 : i32 to index
        %parallel_loop3A_382 = arith.index_cast %parallel_loop3A_368 : i32 to index
        %parallel_loop3A_383 = tpu.vector_load %arg7[%parallel_loop3A_381, %parallel_loop3A_382] {strides = array<i32>} : memref<8x1024xf32, #tpu.memory_space<vmem>>, vector<1x16xf32>,
        %parallel_loop3A_384 = vector.shape_cast %parallel_loop3A_383 : vector<1x16xf32> to vector<16xf32>
        %parallel_loop3A_385 = vector.shape_cast %parallel_loop3A_379 : vector<16xf32> to vector<1x16xf32>
        tpu.vector_store %arg7[%parallel_loop3A_381, %parallel_loop3A_382], %parallel_loop3A_385 {strides = array<i32>} : memref<8x1024xf32, #tpu.memory_space<vmem>>, vector<1x16xf32>,
        %parallel_loop3A_386 = arith.constant 1 : i32
        %parallel_loop3A_387 = arith.index_cast %parallel_loop3A_386 : i32 to index
        %parallel_loop3A_388 = arith.index_cast %parallel_loop3A_368 : i32 to index
        %parallel_loop3A_389 = tpu.vector_load %arg7[%parallel_loop3A_387, %parallel_loop3A_388] {strides = array<i32>} : memref<8x1024xf32, #tpu.memory_space<vmem>>, vector<1x16xf32>,
        %parallel_loop3A_390 = vector.shape_cast %parallel_loop3A_389 : vector<1x16xf32> to vector<16xf32>
        %parallel_loop3A_391 = arith.constant 1 : i32
        %parallel_loop3A_392 = arith.index_cast %parallel_loop3A_391 : i32 to index
        %parallel_loop3A_393 = arith.index_cast %parallel_loop3A_368 : i32 to index
        %parallel_loop3A_394 = tpu.vector_load %arg13[%parallel_loop3A_392, %parallel_loop3A_393] {strides = array<i32>} : memref<8x1024xf32, #tpu.memory_space<vmem>>, vector<1x16xf32>,
        %parallel_loop3A_395 = vector.shape_cast %parallel_loop3A_394 : vector<1x16xf32> to vector<16xf32>
        %parallel_loop3A_396 = arith.addf %parallel_loop3A_390, %parallel_loop3A_395 : vector<16xf32>
        %parallel_loop3A_397 = arith.constant 1 : i32
        %parallel_loop3A_398 = arith.index_cast %parallel_loop3A_397 : i32 to index
        %parallel_loop3A_399 = arith.index_cast %parallel_loop3A_368 : i32 to index
        %parallel_loop3A_400 = tpu.vector_load %arg7[%parallel_loop3A_398, %parallel_loop3A_399] {strides = array<i32>} : memref<8x1024xf32, #tpu.memory_space<vmem>>, vector<1x16xf32>,
        %parallel_loop3A_401 = vector.shape_cast %parallel_loop3A_400 : vector<1x16xf32> to vector<16xf32>
        %parallel_loop3A_402 = vector.shape_cast %parallel_loop3A_396 : vector<16xf32> to vector<1x16xf32>
        tpu.vector_store %arg7[%parallel_loop3A_398, %parallel_loop3A_399], %parallel_loop3A_402 {strides = array<i32>} : memref<8x1024xf32, #tpu.memory_space<vmem>>, vector<1x16xf32>,
        %parallel_loop3A_403 = arith.constant 2 : i32
        %parallel_loop3A_404 = arith.index_cast %parallel_loop3A_403 : i32 to index
        %parallel_loop3A_405 = arith.index_cast %parallel_loop3A_368 : i32 to index
        %parallel_loop3A_406 = tpu.vector_load %arg7[%parallel_loop3A_404, %parallel_loop3A_405] {strides = array<i32>} : memref<8x1024xf32, #tpu.memory_space<vmem>>, vector<1x16xf32>,
        %parallel_loop3A_407 = vector.shape_cast %parallel_loop3A_406 : vector<1x16xf32> to vector<16xf32>
        %parallel_loop3A_408 = arith.constant 2 : i32
        %parallel_loop3A_409 = arith.index_cast %parallel_loop3A_408 : i32 to index
        %parallel_loop3A_410 = arith.index_cast %parallel_loop3A_368 : i32 to index
        %parallel_loop3A_411 = tpu.vector_load %arg13[%parallel_loop3A_409, %parallel_loop3A_410] {strides = array<i32>} : memref<8x1024xf32, #tpu.memory_space<vmem>>, vector<1x16xf32>,
        %parallel_loop3A_412 = vector.shape_cast %parallel_loop3A_411 : vector<1x16xf32> to vector<16xf32>
        %parallel_loop3A_413 = arith.addf %parallel_loop3A_407, %parallel_loop3A_412 : vector<16xf32>
        %parallel_loop3A_414 = arith.constant 2 : i32
        %parallel_loop3A_415 = arith.index_cast %parallel_loop3A_414 : i32 to index
        %parallel_loop3A_416 = arith.index_cast %parallel_loop3A_368 : i32 to index
        %parallel_loop3A_417 = tpu.vector_load %arg7[%parallel_loop3A_415, %parallel_loop3A_416] {strides = array<i32>} : memref<8x1024xf32, #tpu.memory_space<vmem>>, vector<1x16xf32>,
        %parallel_loop3A_418 = vector.shape_cast %parallel_loop3A_417 : vector<1x16xf32> to vector<16xf32>
        %parallel_loop3A_419 = vector.shape_cast %parallel_loop3A_413 : vector<16xf32> to vector<1x16xf32>
        tpu.vector_store %arg7[%parallel_loop3A_415, %parallel_loop3A_416], %parallel_loop3A_419 {strides = array<i32>} : memref<8x1024xf32, #tpu.memory_space<vmem>>, vector<1x16xf32>,
        %parallel_loop3A_420 = arith.constant 3 : i32
        %parallel_loop3A_421 = arith.index_cast %parallel_loop3A_420 : i32 to index
        %parallel_loop3A_422 = arith.index_cast %parallel_loop3A_368 : i32 to index
        %parallel_loop3A_423 = tpu.vector_load %arg7[%parallel_loop3A_421, %parallel_loop3A_422] {strides = array<i32>} : memref<8x1024xf32, #tpu.memory_space<vmem>>, vector<1x16xf32>,
        %parallel_loop3A_424 = vector.shape_cast %parallel_loop3A_423 : vector<1x16xf32> to vector<16xf32>
        %parallel_loop3A_425 = arith.constant 3 : i32
        %parallel_loop3A_426 = arith.index_cast %parallel_loop3A_425 : i32 to index
        %parallel_loop3A_427 = arith.index_cast %parallel_loop3A_368 : i32 to index
        %parallel_loop3A_428 = tpu.vector_load %arg13[%parallel_loop3A_426, %parallel_loop3A_427] {strides = array<i32>} : memref<8x1024xf32, #tpu.memory_space<vmem>>, vector<1x16xf32>,
        %parallel_loop3A_429 = vector.shape_cast %parallel_loop3A_428 : vector<1x16xf32> to vector<16xf32>
        %parallel_loop3A_430 = arith.addf %parallel_loop3A_424, %parallel_loop3A_429 : vector<16xf32>
        %parallel_loop3A_431 = arith.constant 3 : i32
        %parallel_loop3A_432 = arith.index_cast %parallel_loop3A_431 : i32 to index
        %parallel_loop3A_433 = arith.index_cast %parallel_loop3A_368 : i32 to index
        %parallel_loop3A_434 = tpu.vector_load %arg7[%parallel_loop3A_432, %parallel_loop3A_433] {strides = array<i32>} : memref<8x1024xf32, #tpu.memory_space<vmem>>, vector<1x16xf32>,
        %parallel_loop3A_435 = vector.shape_cast %parallel_loop3A_434 : vector<1x16xf32> to vector<16xf32>
        %parallel_loop3A_436 = vector.shape_cast %parallel_loop3A_430 : vector<16xf32> to vector<1x16xf32>
        tpu.vector_store %arg7[%parallel_loop3A_432, %parallel_loop3A_433], %parallel_loop3A_436 {strides = array<i32>} : memref<8x1024xf32, #tpu.memory_space<vmem>>, vector<1x16xf32>,
        %parallel_loop3A_437 = arith.constant 4 : i32
        %parallel_loop3A_438 = arith.index_cast %parallel_loop3A_437 : i32 to index
        %parallel_loop3A_439 = arith.index_cast %parallel_loop3A_368 : i32 to index
        %parallel_loop3A_440 = tpu.vector_load %arg7[%parallel_loop3A_438, %parallel_loop3A_439] {strides = array<i32>} : memref<8x1024xf32, #tpu.memory_space<vmem>>, vector<1x16xf32>,
        %parallel_loop3A_441 = vector.shape_cast %parallel_loop3A_440 : vector<1x16xf32> to vector<16xf32>
        %parallel_loop3A_442 = arith.constant 4 : i32
        %parallel_loop3A_443 = arith.index_cast %parallel_loop3A_442 : i32 to index
        %parallel_loop3A_444 = arith.index_cast %parallel_loop3A_368 : i32 to index
        %parallel_loop3A_445 = tpu.vector_load %arg13[%parallel_loop3A_443, %parallel_loop3A_444] {strides = array<i32>} : memref<8x1024xf32, #tpu.memory_space<vmem>>, vector<1x16xf32>,
        %parallel_loop3A_446 = vector.shape_cast %parallel_loop3A_445 : vector<1x16xf32> to vector<16xf32>
        %parallel_loop3A_447 = arith.addf %parallel_loop3A_441, %parallel_loop3A_446 : vector<16xf32>
        %parallel_loop3A_448 = arith.constant 4 : i32
        %parallel_loop3A_449 = arith.index_cast %parallel_loop3A_448 : i32 to index
        %parallel_loop3A_450 = arith.index_cast %parallel_loop3A_368 : i32 to index
        %parallel_loop3A_451 = tpu.vector_load %arg7[%parallel_loop3A_449, %parallel_loop3A_450] {strides = array<i32>} : memref<8x1024xf32, #tpu.memory_space<vmem>>, vector<1x16xf32>,
        %parallel_loop3A_452 = vector.shape_cast %parallel_loop3A_451 : vector<1x16xf32> to vector<16xf32>
        %parallel_loop3A_453 = vector.shape_cast %parallel_loop3A_447 : vector<16xf32> to vector<1x16xf32>
        tpu.vector_store %arg7[%parallel_loop3A_449, %parallel_loop3A_450], %parallel_loop3A_453 {strides = array<i32>} : memref<8x1024xf32, #tpu.memory_space<vmem>>, vector<1x16xf32>,
        %parallel_loop3A_454 = arith.constant 5 : i32
        %parallel_loop3A_455 = arith.index_cast %parallel_loop3A_454 : i32 to index
        %parallel_loop3A_456 = arith.index_cast %parallel_loop3A_368 : i32 to index
        %parallel_loop3A_457 = tpu.vector_load %arg7[%parallel_loop3A_455, %parallel_loop3A_456] {strides = array<i32>} : memref<8x1024xf32, #tpu.memory_space<vmem>>, vector<1x16xf32>,
        %parallel_loop3A_458 = vector.shape_cast %parallel_loop3A_457 : vector<1x16xf32> to vector<16xf32>
        %parallel_loop3A_459 = arith.constant 5 : i32
        %parallel_loop3A_460 = arith.index_cast %parallel_loop3A_459 : i32 to index
        %parallel_loop3A_461 = arith.index_cast %parallel_loop3A_368 : i32 to index
        %parallel_loop3A_462 = tpu.vector_load %arg13[%parallel_loop3A_460, %parallel_loop3A_461] {strides = array<i32>} : memref<8x1024xf32, #tpu.memory_space<vmem>>, vector<1x16xf32>,
        %parallel_loop3A_463 = vector.shape_cast %parallel_loop3A_462 : vector<1x16xf32> to vector<16xf32>
        %parallel_loop3A_464 = arith.addf %parallel_loop3A_458, %parallel_loop3A_463 : vector<16xf32>
        %parallel_loop3A_465 = arith.constant 5 : i32
        %parallel_loop3A_466 = arith.index_cast %parallel_loop3A_465 : i32 to index
        %parallel_loop3A_467 = arith.index_cast %parallel_loop3A_368 : i32 to index
        %parallel_loop3A_468 = tpu.vector_load %arg7[%parallel_loop3A_466, %parallel_loop3A_467] {strides = array<i32>} : memref<8x1024xf32, #tpu.memory_space<vmem>>, vector<1x16xf32>,
        %parallel_loop3A_469 = vector.shape_cast %parallel_loop3A_468 : vector<1x16xf32> to vector<16xf32>
        %parallel_loop3A_470 = vector.shape_cast %parallel_loop3A_464 : vector<16xf32> to vector<1x16xf32>
        tpu.vector_store %arg7[%parallel_loop3A_466, %parallel_loop3A_467], %parallel_loop3A_470 {strides = array<i32>} : memref<8x1024xf32, #tpu.memory_space<vmem>>, vector<1x16xf32>,
        %parallel_loop3A_471 = arith.constant 6 : i32
        %parallel_loop3A_472 = arith.index_cast %parallel_loop3A_471 : i32 to index
        %parallel_loop3A_473 = arith.index_cast %parallel_loop3A_368 : i32 to index
        %parallel_loop3A_474 = tpu.vector_load %arg7[%parallel_loop3A_472, %parallel_loop3A_473] {strides = array<i32>} : memref<8x1024xf32, #tpu.memory_space<vmem>>, vector<1x16xf32>,
        %parallel_loop3A_475 = vector.shape_cast %parallel_loop3A_474 : vector<1x16xf32> to vector<16xf32>
        %parallel_loop3A_476 = arith.constant 6 : i32
        %parallel_loop3A_477 = arith.index_cast %parallel_loop3A_476 : i32 to index
        %parallel_loop3A_478 = arith.index_cast %parallel_loop3A_368 : i32 to index
        %parallel_loop3A_479 = tpu.vector_load %arg13[%parallel_loop3A_477, %parallel_loop3A_478] {strides = array<i32>} : memref<8x1024xf32, #tpu.memory_space<vmem>>, vector<1x16xf32>,
        %parallel_loop3A_480 = vector.shape_cast %parallel_loop3A_479 : vector<1x16xf32> to vector<16xf32>
        %parallel_loop3A_481 = arith.addf %parallel_loop3A_475, %parallel_loop3A_480 : vector<16xf32>
        %parallel_loop3A_482 = arith.constant 6 : i32
        %parallel_loop3A_483 = arith.index_cast %parallel_loop3A_482 : i32 to index
        %parallel_loop3A_484 = arith.index_cast %parallel_loop3A_368 : i32 to index
        %parallel_loop3A_485 = tpu.vector_load %arg7[%parallel_loop3A_483, %parallel_loop3A_484] {strides = array<i32>} : memref<8x1024xf32, #tpu.memory_space<vmem>>, vector<1x16xf32>,
        %parallel_loop3A_486 = vector.shape_cast %parallel_loop3A_485 : vector<1x16xf32> to vector<16xf32>
        %parallel_loop3A_487 = vector.shape_cast %parallel_loop3A_481 : vector<16xf32> to vector<1x16xf32>
        tpu.vector_store %arg7[%parallel_loop3A_483, %parallel_loop3A_484], %parallel_loop3A_487 {strides = array<i32>} : memref<8x1024xf32, #tpu.memory_space<vmem>>, vector<1x16xf32>,
        %parallel_loop3A_488 = arith.constant 7 : i32
        %parallel_loop3A_489 = arith.index_cast %parallel_loop3A_488 : i32 to index
        %parallel_loop3A_490 = arith.index_cast %parallel_loop3A_368 : i32 to index
        %parallel_loop3A_491 = tpu.vector_load %arg7[%parallel_loop3A_489, %parallel_loop3A_490] {strides = array<i32>} : memref<8x1024xf32, #tpu.memory_space<vmem>>, vector<1x16xf32>,
        %parallel_loop3A_492 = vector.shape_cast %parallel_loop3A_491 : vector<1x16xf32> to vector<16xf32>
        %parallel_loop3A_493 = arith.constant 7 : i32
        %parallel_loop3A_494 = arith.index_cast %parallel_loop3A_493 : i32 to index
        %parallel_loop3A_495 = arith.index_cast %parallel_loop3A_368 : i32 to index
        %parallel_loop3A_496 = tpu.vector_load %arg13[%parallel_loop3A_494, %parallel_loop3A_495] {strides = array<i32>} : memref<8x1024xf32, #tpu.memory_space<vmem>>, vector<1x16xf32>,
        %parallel_loop3A_497 = vector.shape_cast %parallel_loop3A_496 : vector<1x16xf32> to vector<16xf32>
        %parallel_loop3A_498 = arith.addf %parallel_loop3A_492, %parallel_loop3A_497 : vector<16xf32>
        %parallel_loop3A_499 = arith.constant 7 : i32
        %parallel_loop3A_500 = arith.index_cast %parallel_loop3A_499 : i32 to index
        %parallel_loop3A_501 = arith.index_cast %parallel_loop3A_368 : i32 to index
        %parallel_loop3A_502 = tpu.vector_load %arg7[%parallel_loop3A_500, %parallel_loop3A_501] {strides = array<i32>} : memref<8x1024xf32, #tpu.memory_space<vmem>>, vector<1x16xf32>,
        %parallel_loop3A_503 = vector.shape_cast %parallel_loop3A_502 : vector<1x16xf32> to vector<16xf32>
        %parallel_loop3A_504 = vector.shape_cast %parallel_loop3A_498 : vector<16xf32> to vector<1x16xf32>
        tpu.vector_store %arg7[%parallel_loop3A_500, %parallel_loop3A_501], %parallel_loop3A_504 {strides = array<i32>} : memref<8x1024xf32, #tpu.memory_space<vmem>>, vector<1x16xf32>,
      } {sc.loop_unroll_factor = 2 : i64, sc.parallel_access}
      %dma_start3A_182 = arith.constant 1 : i32
      %dma_start3A_183 = arith.constant 0 : i32
      %dma_start3A_184 = tpu.memref_slice %arg4[%dma_start3A_182, %multiple_of3A_138, %dma_start3A_183] : memref<4x4096x2048xf32, #tpu.memory_space<hbm>> -> memref<1x8x1024xf32, #tpu.memory_space<hbm>>
      %dma_start3A_185 = tpu.memref_squeeze %dma_start3A_184 : memref<1x8x1024xf32, #tpu.memory_space<hbm>> -> memref<8x1024xf32, #tpu.memory_space<hbm>>
      %dma_start3A_186 = arith.constant 0 : i32
      %dma_start3A_187 = tpu.memref_slice %arg4[%dma_start3A_182, %multiple_of3A_138, %dma_start3A_186] : memref<4x4096x2048xf32, #tpu.memory_space<hbm>> -> memref<1x8x1024xf32, #tpu.memory_space<hbm>>
      %dma_start3A_188 = tpu.memref_squeeze %dma_start3A_187 : memref<1x8x1024xf32, #tpu.memory_space<hbm>> -> memref<8x1024xf32, #tpu.memory_space<hbm>>
      tpu.enqueue_dma source(%arg7 : memref<8x1024xf32, #tpu.memory_space<vmem>>) target(%dma_start3A_188 : memref<8x1024xf32, #tpu.memory_space<hbm>>) target_semaphore(%arg25 : memref<!tpu.dma_semaphore, #tpu.memory_space<semaphore_mem>>)
      %ge3A_189 = arith.constant 1 : i32
      %ge3A_190 = arith.cmpi sge, %scan3A_133, %ge3A_189 : i32
      %convert_element_type3A_191 = arith.extui %ge3A_190 : i1 to i32
      %cond3A_192 = arith.constant 0 : i32
      %cond3A_193 = arith.cmpi ne, %convert_element_type3A_191, %cond3A_192 : i32
      scf.if %cond3A_193 {
        %dma_wait3A_366 = arith.constant 1 : i32
        %dma_wait3A_367 = arith.constant 0 : i32
        %dma_wait3A_368 = tpu.memref_slice %arg4[%dma_wait3A_366, %multiple_of3A_138, %dma_wait3A_367] : memref<4x4096x2048xf32, #tpu.memory_space<hbm>> -> memref<1x8x1024xf32, #tpu.memory_space<hbm>>
        %dma_wait3A_369 = tpu.memref_squeeze %dma_wait3A_368 : memref<1x8x1024xf32, #tpu.memory_space<hbm>> -> memref<8x1024xf32, #tpu.memory_space<hbm>>
        %dma_wait3A_370 = arith.constant 0 : i32
        %dma_wait3A_371 = tpu.memref_slice %arg4[%dma_wait3A_366, %multiple_of3A_138, %dma_wait3A_370] : memref<4x4096x2048xf32, #tpu.memory_space<hbm>> -> memref<1x8x1024xf32, #tpu.memory_space<hbm>>
        %dma_wait3A_372 = tpu.memref_squeeze %dma_wait3A_371 : memref<1x8x1024xf32, #tpu.memory_space<hbm>> -> memref<8x1024xf32, #tpu.memory_space<hbm>>
        tpu.wait_dma2 semaphore(%arg26 : memref<!tpu.dma_semaphore, #tpu.memory_space<semaphore_mem>>) src(%arg8 : memref<8x1024xf32, #tpu.memory_space<vmem>>) dst(%dma_wait3A_372 : memref<8x1024xf32, #tpu.memory_space<hbm>>)
      } else {
      }
      %dma_start3A_194 = arith.constant 1 : i32
      %dma_start3A_195 = arith.constant 1024 : i32
      %dma_start3A_196 = tpu.memref_slice %arg2[%dma_start3A_194, %multiple_of3A_138, %dma_start3A_195] : memref<4x4096x2048xf32, #tpu.memory_space<hbm>> -> memref<1x8x1024xf32, #tpu.memory_space<hbm>>
      %dma_start3A_197 = tpu.memref_squeeze %dma_start3A_196 : memref<1x8x1024xf32, #tpu.memory_space<hbm>> -> memref<8x1024xf32, #tpu.memory_space<hbm>>
      %dma_start3A_198 = arith.constant 1024 : i32
      %dma_start3A_199 = tpu.memref_slice %arg2[%dma_start3A_194, %multiple_of3A_138, %dma_start3A_198] : memref<4x4096x2048xf32, #tpu.memory_space<hbm>> -> memref<1x8x1024xf32, #tpu.memory_space<hbm>>
      %dma_start3A_200 = tpu.memref_squeeze %dma_start3A_199 : memref<1x8x1024xf32, #tpu.memory_space<hbm>> -> memref<8x1024xf32, #tpu.memory_space<hbm>>
      tpu.enqueue_dma source(%dma_start3A_200 : memref<8x1024xf32, #tpu.memory_space<hbm>>) target(%arg8 : memref<8x1024xf32, #tpu.memory_space<vmem>>) target_semaphore(%arg18 : memref<!tpu.dma_semaphore, #tpu.memory_space<semaphore_mem>>)
      %dma_wait3A_201 = arith.constant 2 : i32
      %dma_wait3A_202 = arith.constant 0 : i32
      %dma_wait3A_203 = tpu.memref_slice %arg2[%dma_wait3A_201, %multiple_of3A_138, %dma_wait3A_202] : memref<4x4096x2048xf32, #tpu.memory_space<hbm>> -> memref<1x8x1024xf32, #tpu.memory_space<hbm>>
      %dma_wait3A_204 = tpu.memref_squeeze %dma_wait3A_203 : memref<1x8x1024xf32, #tpu.memory_space<hbm>> -> memref<8x1024xf32, #tpu.memory_space<hbm>>
      %dma_wait3A_205 = arith.constant 0 : i32
      %dma_wait3A_206 = tpu.memref_slice %arg2[%dma_wait3A_201, %multiple_of3A_138, %dma_wait3A_205] : memref<4x4096x2048xf32, #tpu.memory_space<hbm>> -> memref<1x8x1024xf32, #tpu.memory_space<hbm>>
      %dma_wait3A_207 = tpu.memref_squeeze %dma_wait3A_206 : memref<1x8x1024xf32, #tpu.memory_space<hbm>> -> memref<8x1024xf32, #tpu.memory_space<hbm>>
      tpu.wait_dma2 semaphore(%arg19 : memref<!tpu.dma_semaphore, #tpu.memory_space<semaphore_mem>>) src(%dma_wait3A_207 : memref<8x1024xf32, #tpu.memory_space<hbm>>) dst(%arg9 : memref<8x1024xf32, #tpu.memory_space<vmem>>)
      %parallel_loop3A_208 = arith.constant 0 : i32
      %parallel_loop3A_209 = arith.constant 64 : i32
      %parallel_loop3A_210 = arith.constant 1 : i32
      scf.for %parallel_loop3A_366 = %parallel_loop3A_208 to %parallel_loop3A_209 step %parallel_loop3A_210  : i32 {
        %parallel_loop3A_367 = arith.constant 16 : i32
        %parallel_loop3A_368 = arith.muli %parallel_loop3A_366, %parallel_loop3A_367 : i32
        %parallel_loop3A_369 = arith.constant 0 : i32
        %parallel_loop3A_370 = arith.index_cast %parallel_loop3A_369 : i32 to index
        %parallel_loop3A_371 = arith.index_cast %parallel_loop3A_368 : i32 to index
        %parallel_loop3A_372 = tpu.vector_load %arg9[%parallel_loop3A_370, %parallel_loop3A_371] {strides = array<i32>} : memref<8x1024xf32, #tpu.memory_space<vmem>>, vector<1x16xf32>,
        %parallel_loop3A_373 = vector.shape_cast %parallel_loop3A_372 : vector<1x16xf32> to vector<16xf32>
        %parallel_loop3A_374 = arith.constant 0 : i32
        %parallel_loop3A_375 = arith.index_cast %parallel_loop3A_374 : i32 to index
        %parallel_loop3A_376 = arith.index_cast %parallel_loop3A_368 : i32 to index
        %parallel_loop3A_377 = tpu.vector_load %arg13[%parallel_loop3A_375, %parallel_loop3A_376] {strides = array<i32>} : memref<8x1024xf32, #tpu.memory_space<vmem>>, vector<1x16xf32>,
        %parallel_loop3A_378 = vector.shape_cast %parallel_loop3A_377 : vector<1x16xf32> to vector<16xf32>
        %parallel_loop3A_379 = arith.addf %parallel_loop3A_373, %parallel_loop3A_378 : vector<16xf32>
        %parallel_loop3A_380 = arith.constant 0 : i32
        %parallel_loop3A_381 = arith.index_cast %parallel_loop3A_380 : i32 to index
        %parallel_loop3A_382 = arith.index_cast %parallel_loop3A_368 : i32 to index
        %parallel_loop3A_383 = tpu.vector_load %arg9[%parallel_loop3A_381, %parallel_loop3A_382] {strides = array<i32>} : memref<8x1024xf32, #tpu.memory_space<vmem>>, vector<1x16xf32>,
        %parallel_loop3A_384 = vector.shape_cast %parallel_loop3A_383 : vector<1x16xf32> to vector<16xf32>
        %parallel_loop3A_385 = vector.shape_cast %parallel_loop3A_379 : vector<16xf32> to vector<1x16xf32>
        tpu.vector_store %arg9[%parallel_loop3A_381, %parallel_loop3A_382], %parallel_loop3A_385 {strides = array<i32>} : memref<8x1024xf32, #tpu.memory_space<vmem>>, vector<1x16xf32>,
        %parallel_loop3A_386 = arith.constant 1 : i32
        %parallel_loop3A_387 = arith.index_cast %parallel_loop3A_386 : i32 to index
        %parallel_loop3A_388 = arith.index_cast %parallel_loop3A_368 : i32 to index
        %parallel_loop3A_389 = tpu.vector_load %arg9[%parallel_loop3A_387, %parallel_loop3A_388] {strides = array<i32>} : memref<8x1024xf32, #tpu.memory_space<vmem>>, vector<1x16xf32>,
        %parallel_loop3A_390 = vector.shape_cast %parallel_loop3A_389 : vector<1x16xf32> to vector<16xf32>
        %parallel_loop3A_391 = arith.constant 1 : i32
        %parallel_loop3A_392 = arith.index_cast %parallel_loop3A_391 : i32 to index
        %parallel_loop3A_393 = arith.index_cast %parallel_loop3A_368 : i32 to index
        %parallel_loop3A_394 = tpu.vector_load %arg13[%parallel_loop3A_392, %parallel_loop3A_393] {strides = array<i32>} : memref<8x1024xf32, #tpu.memory_space<vmem>>, vector<1x16xf32>,
        %parallel_loop3A_395 = vector.shape_cast %parallel_loop3A_394 : vector<1x16xf32> to vector<16xf32>
        %parallel_loop3A_396 = arith.addf %parallel_loop3A_390, %parallel_loop3A_395 : vector<16xf32>
        %parallel_loop3A_397 = arith.constant 1 : i32
        %parallel_loop3A_398 = arith.index_cast %parallel_loop3A_397 : i32 to index
        %parallel_loop3A_399 = arith.index_cast %parallel_loop3A_368 : i32 to index
        %parallel_loop3A_400 = tpu.vector_load %arg9[%parallel_loop3A_398, %parallel_loop3A_399] {strides = array<i32>} : memref<8x1024xf32, #tpu.memory_space<vmem>>, vector<1x16xf32>,
        %parallel_loop3A_401 = vector.shape_cast %parallel_loop3A_400 : vector<1x16xf32> to vector<16xf32>
        %parallel_loop3A_402 = vector.shape_cast %parallel_loop3A_396 : vector<16xf32> to vector<1x16xf32>
        tpu.vector_store %arg9[%parallel_loop3A_398, %parallel_loop3A_399], %parallel_loop3A_402 {strides = array<i32>} : memref<8x1024xf32, #tpu.memory_space<vmem>>, vector<1x16xf32>,
        %parallel_loop3A_403 = arith.constant 2 : i32
        %parallel_loop3A_404 = arith.index_cast %parallel_loop3A_403 : i32 to index
        %parallel_loop3A_405 = arith.index_cast %parallel_loop3A_368 : i32 to index
        %parallel_loop3A_406 = tpu.vector_load %arg9[%parallel_loop3A_404, %parallel_loop3A_405] {strides = array<i32>} : memref<8x1024xf32, #tpu.memory_space<vmem>>, vector<1x16xf32>,
        %parallel_loop3A_407 = vector.shape_cast %parallel_loop3A_406 : vector<1x16xf32> to vector<16xf32>
        %parallel_loop3A_408 = arith.constant 2 : i32
        %parallel_loop3A_409 = arith.index_cast %parallel_loop3A_408 : i32 to index
        %parallel_loop3A_410 = arith.index_cast %parallel_loop3A_368 : i32 to index
        %parallel_loop3A_411 = tpu.vector_load %arg13[%parallel_loop3A_409, %parallel_loop3A_410] {strides = array<i32>} : memref<8x1024xf32, #tpu.memory_space<vmem>>, vector<1x16xf32>,
        %parallel_loop3A_412 = vector.shape_cast %parallel_loop3A_411 : vector<1x16xf32> to vector<16xf32>
        %parallel_loop3A_413 = arith.addf %parallel_loop3A_407, %parallel_loop3A_412 : vector<16xf32>
        %parallel_loop3A_414 = arith.constant 2 : i32
        %parallel_loop3A_415 = arith.index_cast %parallel_loop3A_414 : i32 to index
        %parallel_loop3A_416 = arith.index_cast %parallel_loop3A_368 : i32 to index
        %parallel_loop3A_417 = tpu.vector_load %arg9[%parallel_loop3A_415, %parallel_loop3A_416] {strides = array<i32>} : memref<8x1024xf32, #tpu.memory_space<vmem>>, vector<1x16xf32>,
        %parallel_loop3A_418 = vector.shape_cast %parallel_loop3A_417 : vector<1x16xf32> to vector<16xf32>
        %parallel_loop3A_419 = vector.shape_cast %parallel_loop3A_413 : vector<16xf32> to vector<1x16xf32>
        tpu.vector_store %arg9[%parallel_loop3A_415, %parallel_loop3A_416], %parallel_loop3A_419 {strides = array<i32>} : memref<8x1024xf32, #tpu.memory_space<vmem>>, vector<1x16xf32>,
        %parallel_loop3A_420 = arith.constant 3 : i32
        %parallel_loop3A_421 = arith.index_cast %parallel_loop3A_420 : i32 to index
        %parallel_loop3A_422 = arith.index_cast %parallel_loop3A_368 : i32 to index
        %parallel_loop3A_423 = tpu.vector_load %arg9[%parallel_loop3A_421, %parallel_loop3A_422] {strides = array<i32>} : memref<8x1024xf32, #tpu.memory_space<vmem>>, vector<1x16xf32>,
        %parallel_loop3A_424 = vector.shape_cast %parallel_loop3A_423 : vector<1x16xf32> to vector<16xf32>
        %parallel_loop3A_425 = arith.constant 3 : i32
        %parallel_loop3A_426 = arith.index_cast %parallel_loop3A_425 : i32 to index
        %parallel_loop3A_427 = arith.index_cast %parallel_loop3A_368 : i32 to index
        %parallel_loop3A_428 = tpu.vector_load %arg13[%parallel_loop3A_426, %parallel_loop3A_427] {strides = array<i32>} : memref<8x1024xf32, #tpu.memory_space<vmem>>, vector<1x16xf32>,
        %parallel_loop3A_429 = vector.shape_cast %parallel_loop3A_428 : vector<1x16xf32> to vector<16xf32>
        %parallel_loop3A_430 = arith.addf %parallel_loop3A_424, %parallel_loop3A_429 : vector<16xf32>
        %parallel_loop3A_431 = arith.constant 3 : i32
        %parallel_loop3A_432 = arith.index_cast %parallel_loop3A_431 : i32 to index
        %parallel_loop3A_433 = arith.index_cast %parallel_loop3A_368 : i32 to index
        %parallel_loop3A_434 = tpu.vector_load %arg9[%parallel_loop3A_432, %parallel_loop3A_433] {strides = array<i32>} : memref<8x1024xf32, #tpu.memory_space<vmem>>, vector<1x16xf32>,
        %parallel_loop3A_435 = vector.shape_cast %parallel_loop3A_434 : vector<1x16xf32> to vector<16xf32>
        %parallel_loop3A_436 = vector.shape_cast %parallel_loop3A_430 : vector<16xf32> to vector<1x16xf32>
        tpu.vector_store %arg9[%parallel_loop3A_432, %parallel_loop3A_433], %parallel_loop3A_436 {strides = array<i32>} : memref<8x1024xf32, #tpu.memory_space<vmem>>, vector<1x16xf32>,
        %parallel_loop3A_437 = arith.constant 4 : i32
        %parallel_loop3A_438 = arith.index_cast %parallel_loop3A_437 : i32 to index
        %parallel_loop3A_439 = arith.index_cast %parallel_loop3A_368 : i32 to index
        %parallel_loop3A_440 = tpu.vector_load %arg9[%parallel_loop3A_438, %parallel_loop3A_439] {strides = array<i32>} : memref<8x1024xf32, #tpu.memory_space<vmem>>, vector<1x16xf32>,
        %parallel_loop3A_441 = vector.shape_cast %parallel_loop3A_440 : vector<1x16xf32> to vector<16xf32>
        %parallel_loop3A_442 = arith.constant 4 : i32
        %parallel_loop3A_443 = arith.index_cast %parallel_loop3A_442 : i32 to index
        %parallel_loop3A_444 = arith.index_cast %parallel_loop3A_368 : i32 to index
        %parallel_loop3A_445 = tpu.vector_load %arg13[%parallel_loop3A_443, %parallel_loop3A_444] {strides = array<i32>} : memref<8x1024xf32, #tpu.memory_space<vmem>>, vector<1x16xf32>,
        %parallel_loop3A_446 = vector.shape_cast %parallel_loop3A_445 : vector<1x16xf32> to vector<16xf32>
        %parallel_loop3A_447 = arith.addf %parallel_loop3A_441, %parallel_loop3A_446 : vector<16xf32>
        %parallel_loop3A_448 = arith.constant 4 : i32
        %parallel_loop3A_449 = arith.index_cast %parallel_loop3A_448 : i32 to index
        %parallel_loop3A_450 = arith.index_cast %parallel_loop3A_368 : i32 to index
        %parallel_loop3A_451 = tpu.vector_load %arg9[%parallel_loop3A_449, %parallel_loop3A_450] {strides = array<i32>} : memref<8x1024xf32, #tpu.memory_space<vmem>>, vector<1x16xf32>,
        %parallel_loop3A_452 = vector.shape_cast %parallel_loop3A_451 : vector<1x16xf32> to vector<16xf32>
        %parallel_loop3A_453 = vector.shape_cast %parallel_loop3A_447 : vector<16xf32> to vector<1x16xf32>
        tpu.vector_store %arg9[%parallel_loop3A_449, %parallel_loop3A_450], %parallel_loop3A_453 {strides = array<i32>} : memref<8x1024xf32, #tpu.memory_space<vmem>>, vector<1x16xf32>,
        %parallel_loop3A_454 = arith.constant 5 : i32
        %parallel_loop3A_455 = arith.index_cast %parallel_loop3A_454 : i32 to index
        %parallel_loop3A_456 = arith.index_cast %parallel_loop3A_368 : i32 to index
        %parallel_loop3A_457 = tpu.vector_load %arg9[%parallel_loop3A_455, %parallel_loop3A_456] {strides = array<i32>} : memref<8x1024xf32, #tpu.memory_space<vmem>>, vector<1x16xf32>,
        %parallel_loop3A_458 = vector.shape_cast %parallel_loop3A_457 : vector<1x16xf32> to vector<16xf32>
        %parallel_loop3A_459 = arith.constant 5 : i32
        %parallel_loop3A_460 = arith.index_cast %parallel_loop3A_459 : i32 to index
        %parallel_loop3A_461 = arith.index_cast %parallel_loop3A_368 : i32 to index
        %parallel_loop3A_462 = tpu.vector_load %arg13[%parallel_loop3A_460, %parallel_loop3A_461] {strides = array<i32>} : memref<8x1024xf32, #tpu.memory_space<vmem>>, vector<1x16xf32>,
        %parallel_loop3A_463 = vector.shape_cast %parallel_loop3A_462 : vector<1x16xf32> to vector<16xf32>
        %parallel_loop3A_464 = arith.addf %parallel_loop3A_458, %parallel_loop3A_463 : vector<16xf32>
        %parallel_loop3A_465 = arith.constant 5 : i32
        %parallel_loop3A_466 = arith.index_cast %parallel_loop3A_465 : i32 to index
        %parallel_loop3A_467 = arith.index_cast %parallel_loop3A_368 : i32 to index
        %parallel_loop3A_468 = tpu.vector_load %arg9[%parallel_loop3A_466, %parallel_loop3A_467] {strides = array<i32>} : memref<8x1024xf32, #tpu.memory_space<vmem>>, vector<1x16xf32>,
        %parallel_loop3A_469 = vector.shape_cast %parallel_loop3A_468 : vector<1x16xf32> to vector<16xf32>
        %parallel_loop3A_470 = vector.shape_cast %parallel_loop3A_464 : vector<16xf32> to vector<1x16xf32>
        tpu.vector_store %arg9[%parallel_loop3A_466, %parallel_loop3A_467], %parallel_loop3A_470 {strides = array<i32>} : memref<8x1024xf32, #tpu.memory_space<vmem>>, vector<1x16xf32>,
        %parallel_loop3A_471 = arith.constant 6 : i32
        %parallel_loop3A_472 = arith.index_cast %parallel_loop3A_471 : i32 to index
        %parallel_loop3A_473 = arith.index_cast %parallel_loop3A_368 : i32 to index
        %parallel_loop3A_474 = tpu.vector_load %arg9[%parallel_loop3A_472, %parallel_loop3A_473] {strides = array<i32>} : memref<8x1024xf32, #tpu.memory_space<vmem>>, vector<1x16xf32>,
        %parallel_loop3A_475 = vector.shape_cast %parallel_loop3A_474 : vector<1x16xf32> to vector<16xf32>
        %parallel_loop3A_476 = arith.constant 6 : i32
        %parallel_loop3A_477 = arith.index_cast %parallel_loop3A_476 : i32 to index
        %parallel_loop3A_478 = arith.index_cast %parallel_loop3A_368 : i32 to index
        %parallel_loop3A_479 = tpu.vector_load %arg13[%parallel_loop3A_477, %parallel_loop3A_478] {strides = array<i32>} : memref<8x1024xf32, #tpu.memory_space<vmem>>, vector<1x16xf32>,
        %parallel_loop3A_480 = vector.shape_cast %parallel_loop3A_479 : vector<1x16xf32> to vector<16xf32>
        %parallel_loop3A_481 = arith.addf %parallel_loop3A_475, %parallel_loop3A_480 : vector<16xf32>
        %parallel_loop3A_482 = arith.constant 6 : i32
        %parallel_loop3A_483 = arith.index_cast %parallel_loop3A_482 : i32 to index
        %parallel_loop3A_484 = arith.index_cast %parallel_loop3A_368 : i32 to index
        %parallel_loop3A_485 = tpu.vector_load %arg9[%parallel_loop3A_483, %parallel_loop3A_484] {strides = array<i32>} : memref<8x1024xf32, #tpu.memory_space<vmem>>, vector<1x16xf32>,
        %parallel_loop3A_486 = vector.shape_cast %parallel_loop3A_485 : vector<1x16xf32> to vector<16xf32>
        %parallel_loop3A_487 = vector.shape_cast %parallel_loop3A_481 : vector<16xf32> to vector<1x16xf32>
        tpu.vector_store %arg9[%parallel_loop3A_483, %parallel_loop3A_484], %parallel_loop3A_487 {strides = array<i32>} : memref<8x1024xf32, #tpu.memory_space<vmem>>, vector<1x16xf32>,
        %parallel_loop3A_488 = arith.constant 7 : i32
        %parallel_loop3A_489 = arith.index_cast %parallel_loop3A_488 : i32 to index
        %parallel_loop3A_490 = arith.index_cast %parallel_loop3A_368 : i32 to index
        %parallel_loop3A_491 = tpu.vector_load %arg9[%parallel_loop3A_489, %parallel_loop3A_490] {strides = array<i32>} : memref<8x1024xf32, #tpu.memory_space<vmem>>, vector<1x16xf32>,
        %parallel_loop3A_492 = vector.shape_cast %parallel_loop3A_491 : vector<1x16xf32> to vector<16xf32>
        %parallel_loop3A_493 = arith.constant 7 : i32
        %parallel_loop3A_494 = arith.index_cast %parallel_loop3A_493 : i32 to index
        %parallel_loop3A_495 = arith.index_cast %parallel_loop3A_368 : i32 to index
        %parallel_loop3A_496 = tpu.vector_load %arg13[%parallel_loop3A_494, %parallel_loop3A_495] {strides = array<i32>} : memref<8x1024xf32, #tpu.memory_space<vmem>>, vector<1x16xf32>,
        %parallel_loop3A_497 = vector.shape_cast %parallel_loop3A_496 : vector<1x16xf32> to vector<16xf32>
        %parallel_loop3A_498 = arith.addf %parallel_loop3A_492, %parallel_loop3A_497 : vector<16xf32>
        %parallel_loop3A_499 = arith.constant 7 : i32
        %parallel_loop3A_500 = arith.index_cast %parallel_loop3A_499 : i32 to index
        %parallel_loop3A_501 = arith.index_cast %parallel_loop3A_368 : i32 to index
        %parallel_loop3A_502 = tpu.vector_load %arg9[%parallel_loop3A_500, %parallel_loop3A_501] {strides = array<i32>} : memref<8x1024xf32, #tpu.memory_space<vmem>>, vector<1x16xf32>,
        %parallel_loop3A_503 = vector.shape_cast %parallel_loop3A_502 : vector<1x16xf32> to vector<16xf32>
        %parallel_loop3A_504 = vector.shape_cast %parallel_loop3A_498 : vector<16xf32> to vector<1x16xf32>
        tpu.vector_store %arg9[%parallel_loop3A_500, %parallel_loop3A_501], %parallel_loop3A_504 {strides = array<i32>} : memref<8x1024xf32, #tpu.memory_space<vmem>>, vector<1x16xf32>,
      } {sc.loop_unroll_factor = 2 : i64, sc.parallel_access}
      %dma_start3A_211 = arith.constant 2 : i32
      %dma_start3A_212 = arith.constant 0 : i32
      %dma_start3A_213 = tpu.memref_slice %arg4[%dma_start3A_211, %multiple_of3A_138, %dma_start3A_212] : memref<4x4096x2048xf32, #tpu.memory_space<hbm>> -> memref<1x8x1024xf32, #tpu.memory_space<hbm>>
      %dma_start3A_214 = tpu.memref_squeeze %dma_start3A_213 : memref<1x8x1024xf32, #tpu.memory_space<hbm>> -> memref<8x1024xf32, #tpu.memory_space<hbm>>
      %dma_start3A_215 = arith.constant 0 : i32
      %dma_start3A_216 = tpu.memref_slice %arg4[%dma_start3A_211, %multiple_of3A_138, %dma_start3A_215] : memref<4x4096x2048xf32, #tpu.memory_space<hbm>> -> memref<1x8x1024xf32, #tpu.memory_space<hbm>>
      %dma_start3A_217 = tpu.memref_squeeze %dma_start3A_216 : memref<1x8x1024xf32, #tpu.memory_space<hbm>> -> memref<8x1024xf32, #tpu.memory_space<hbm>>
      tpu.enqueue_dma source(%arg9 : memref<8x1024xf32, #tpu.memory_space<vmem>>) target(%dma_start3A_217 : memref<8x1024xf32, #tpu.memory_space<hbm>>) target_semaphore(%arg27 : memref<!tpu.dma_semaphore, #tpu.memory_space<semaphore_mem>>)
      %ge3A_218 = arith.constant 1 : i32
      %ge3A_219 = arith.cmpi sge, %scan3A_133, %ge3A_218 : i32
      %convert_element_type3A_220 = arith.extui %ge3A_219 : i1 to i32
      %cond3A_221 = arith.constant 0 : i32
      %cond3A_222 = arith.cmpi ne, %convert_element_type3A_220, %cond3A_221 : i32
      scf.if %cond3A_222 {
        %dma_wait3A_366 = arith.constant 2 : i32
        %dma_wait3A_367 = arith.constant 0 : i32
        %dma_wait3A_368 = tpu.memref_slice %arg4[%dma_wait3A_366, %multiple_of3A_138, %dma_wait3A_367] : memref<4x4096x2048xf32, #tpu.memory_space<hbm>> -> memref<1x8x1024xf32, #tpu.memory_space<hbm>>
        %dma_wait3A_369 = tpu.memref_squeeze %dma_wait3A_368 : memref<1x8x1024xf32, #tpu.memory_space<hbm>> -> memref<8x1024xf32, #tpu.memory_space<hbm>>
        %dma_wait3A_370 = arith.constant 0 : i32
        %dma_wait3A_371 = tpu.memref_slice %arg4[%dma_wait3A_366, %multiple_of3A_138, %dma_wait3A_370] : memref<4x4096x2048xf32, #tpu.memory_space<hbm>> -> memref<1x8x1024xf32, #tpu.memory_space<hbm>>
        %dma_wait3A_372 = tpu.memref_squeeze %dma_wait3A_371 : memref<1x8x1024xf32, #tpu.memory_space<hbm>> -> memref<8x1024xf32, #tpu.memory_space<hbm>>
        tpu.wait_dma2 semaphore(%arg28 : memref<!tpu.dma_semaphore, #tpu.memory_space<semaphore_mem>>) src(%arg10 : memref<8x1024xf32, #tpu.memory_space<vmem>>) dst(%dma_wait3A_372 : memref<8x1024xf32, #tpu.memory_space<hbm>>)
      } else {
      }
      %dma_start3A_223 = arith.constant 2 : i32
      %dma_start3A_224 = arith.constant 1024 : i32
      %dma_start3A_225 = tpu.memref_slice %arg2[%dma_start3A_223, %multiple_of3A_138, %dma_start3A_224] : memref<4x4096x2048xf32, #tpu.memory_space<hbm>> -> memref<1x8x1024xf32, #tpu.memory_space<hbm>>
      %dma_start3A_226 = tpu.memref_squeeze %dma_start3A_225 : memref<1x8x1024xf32, #tpu.memory_space<hbm>> -> memref<8x1024xf32, #tpu.memory_space<hbm>>
      %dma_start3A_227 = arith.constant 1024 : i32
      %dma_start3A_228 = tpu.memref_slice %arg2[%dma_start3A_223, %multiple_of3A_138, %dma_start3A_227] : memref<4x4096x2048xf32, #tpu.memory_space<hbm>> -> memref<1x8x1024xf32, #tpu.memory_space<hbm>>
      %dma_start3A_229 = tpu.memref_squeeze %dma_start3A_228 : memref<1x8x1024xf32, #tpu.memory_space<hbm>> -> memref<8x1024xf32, #tpu.memory_space<hbm>>
      tpu.enqueue_dma source(%dma_start3A_229 : memref<8x1024xf32, #tpu.memory_space<hbm>>) target(%arg10 : memref<8x1024xf32, #tpu.memory_space<vmem>>) target_semaphore(%arg20 : memref<!tpu.dma_semaphore, #tpu.memory_space<semaphore_mem>>)
      %dma_wait3A_230 = arith.constant 3 : i32
      %dma_wait3A_231 = arith.constant 0 : i32
      %dma_wait3A_232 = tpu.memref_slice %arg2[%dma_wait3A_230, %multiple_of3A_138, %dma_wait3A_231] : memref<4x4096x2048xf32, #tpu.memory_space<hbm>> -> memref<1x8x1024xf32, #tpu.memory_space<hbm>>
      %dma_wait3A_233 = tpu.memref_squeeze %dma_wait3A_232 : memref<1x8x1024xf32, #tpu.memory_space<hbm>> -> memref<8x1024xf32, #tpu.memory_space<hbm>>
      %dma_wait3A_234 = arith.constant 0 : i32
      %dma_wait3A_235 = tpu.memref_slice %arg2[%dma_wait3A_230, %multiple_of3A_138, %dma_wait3A_234] : memref<4x4096x2048xf32, #tpu.memory_space<hbm>> -> memref<1x8x1024xf32, #tpu.memory_space<hbm>>
      %dma_wait3A_236 = tpu.memref_squeeze %dma_wait3A_235 : memref<1x8x1024xf32, #tpu.memory_space<hbm>> -> memref<8x1024xf32, #tpu.memory_space<hbm>>
      tpu.wait_dma2 semaphore(%arg21 : memref<!tpu.dma_semaphore, #tpu.memory_space<semaphore_mem>>) src(%dma_wait3A_236 : memref<8x1024xf32, #tpu.memory_space<hbm>>) dst(%arg11 : memref<8x1024xf32, #tpu.memory_space<vmem>>)
      %parallel_loop3A_237 = arith.constant 0 : i32
      %parallel_loop3A_238 = arith.constant 64 : i32
      %parallel_loop3A_239 = arith.constant 1 : i32
      scf.for %parallel_loop3A_366 = %parallel_loop3A_237 to %parallel_loop3A_238 step %parallel_loop3A_239  : i32 {
        %parallel_loop3A_367 = arith.constant 16 : i32
        %parallel_loop3A_368 = arith.muli %parallel_loop3A_366, %parallel_loop3A_367 : i32
        %parallel_loop3A_369 = arith.constant 0 : i32
        %parallel_loop3A_370 = arith.index_cast %parallel_loop3A_369 : i32 to index
        %parallel_loop3A_371 = arith.index_cast %parallel_loop3A_368 : i32 to index
        %parallel_loop3A_372 = tpu.vector_load %arg11[%parallel_loop3A_370, %parallel_loop3A_371] {strides = array<i32>} : memref<8x1024xf32, #tpu.memory_space<vmem>>, vector<1x16xf32>,
        %parallel_loop3A_373 = vector.shape_cast %parallel_loop3A_372 : vector<1x16xf32> to vector<16xf32>
        %parallel_loop3A_374 = arith.constant 0 : i32
        %parallel_loop3A_375 = arith.index_cast %parallel_loop3A_374 : i32 to index
        %parallel_loop3A_376 = arith.index_cast %parallel_loop3A_368 : i32 to index
        %parallel_loop3A_377 = tpu.vector_load %arg13[%parallel_loop3A_375, %parallel_loop3A_376] {strides = array<i32>} : memref<8x1024xf32, #tpu.memory_space<vmem>>, vector<1x16xf32>,
        %parallel_loop3A_378 = vector.shape_cast %parallel_loop3A_377 : vector<1x16xf32> to vector<16xf32>
        %parallel_loop3A_379 = arith.addf %parallel_loop3A_373, %parallel_loop3A_378 : vector<16xf32>
        %parallel_loop3A_380 = arith.constant 0 : i32
        %parallel_loop3A_381 = arith.index_cast %parallel_loop3A_380 : i32 to index
        %parallel_loop3A_382 = arith.index_cast %parallel_loop3A_368 : i32 to index
        %parallel_loop3A_383 = tpu.vector_load %arg11[%parallel_loop3A_381, %parallel_loop3A_382] {strides = array<i32>} : memref<8x1024xf32, #tpu.memory_space<vmem>>, vector<1x16xf32>,
        %parallel_loop3A_384 = vector.shape_cast %parallel_loop3A_383 : vector<1x16xf32> to vector<16xf32>
        %parallel_loop3A_385 = vector.shape_cast %parallel_loop3A_379 : vector<16xf32> to vector<1x16xf32>
        tpu.vector_store %arg11[%parallel_loop3A_381, %parallel_loop3A_382], %parallel_loop3A_385 {strides = array<i32>} : memref<8x1024xf32, #tpu.memory_space<vmem>>, vector<1x16xf32>,
        %parallel_loop3A_386 = arith.constant 1 : i32
        %parallel_loop3A_387 = arith.index_cast %parallel_loop3A_386 : i32 to index
        %parallel_loop3A_388 = arith.index_cast %parallel_loop3A_368 : i32 to index
        %parallel_loop3A_389 = tpu.vector_load %arg11[%parallel_loop3A_387, %parallel_loop3A_388] {strides = array<i32>} : memref<8x1024xf32, #tpu.memory_space<vmem>>, vector<1x16xf32>,
        %parallel_loop3A_390 = vector.shape_cast %parallel_loop3A_389 : vector<1x16xf32> to vector<16xf32>
        %parallel_loop3A_391 = arith.constant 1 : i32
        %parallel_loop3A_392 = arith.index_cast %parallel_loop3A_391 : i32 to index
        %parallel_loop3A_393 = arith.index_cast %parallel_loop3A_368 : i32 to index
        %parallel_loop3A_394 = tpu.vector_load %arg13[%parallel_loop3A_392, %parallel_loop3A_393] {strides = array<i32>} : memref<8x1024xf32, #tpu.memory_space<vmem>>, vector<1x16xf32>,
        %parallel_loop3A_395 = vector.shape_cast %parallel_loop3A_394 : vector<1x16xf32> to vector<16xf32>
        %parallel_loop3A_396 = arith.addf %parallel_loop3A_390, %parallel_loop3A_395 : vector<16xf32>
        %parallel_loop3A_397 = arith.constant 1 : i32
        %parallel_loop3A_398 = arith.index_cast %parallel_loop3A_397 : i32 to index
        %parallel_loop3A_399 = arith.index_cast %parallel_loop3A_368 : i32 to index
        %parallel_loop3A_400 = tpu.vector_load %arg11[%parallel_loop3A_398, %parallel_loop3A_399] {strides = array<i32>} : memref<8x1024xf32, #tpu.memory_space<vmem>>, vector<1x16xf32>,
        %parallel_loop3A_401 = vector.shape_cast %parallel_loop3A_400 : vector<1x16xf32> to vector<16xf32>
        %parallel_loop3A_402 = vector.shape_cast %parallel_loop3A_396 : vector<16xf32> to vector<1x16xf32>
        tpu.vector_store %arg11[%parallel_loop3A_398, %parallel_loop3A_399], %parallel_loop3A_402 {strides = array<i32>} : memref<8x1024xf32, #tpu.memory_space<vmem>>, vector<1x16xf32>,
        %parallel_loop3A_403 = arith.constant 2 : i32
        %parallel_loop3A_404 = arith.index_cast %parallel_loop3A_403 : i32 to index
        %parallel_loop3A_405 = arith.index_cast %parallel_loop3A_368 : i32 to index
        %parallel_loop3A_406 = tpu.vector_load %arg11[%parallel_loop3A_404, %parallel_loop3A_405] {strides = array<i32>} : memref<8x1024xf32, #tpu.memory_space<vmem>>, vector<1x16xf32>,
        %parallel_loop3A_407 = vector.shape_cast %parallel_loop3A_406 : vector<1x16xf32> to vector<16xf32>
        %parallel_loop3A_408 = arith.constant 2 : i32
        %parallel_loop3A_409 = arith.index_cast %parallel_loop3A_408 : i32 to index
        %parallel_loop3A_410 = arith.index_cast %parallel_loop3A_368 : i32 to index
        %parallel_loop3A_411 = tpu.vector_load %arg13[%parallel_loop3A_409, %parallel_loop3A_410] {strides = array<i32>} : memref<8x1024xf32, #tpu.memory_space<vmem>>, vector<1x16xf32>,
        %parallel_loop3A_412 = vector.shape_cast %parallel_loop3A_411 : vector<1x16xf32> to vector<16xf32>
        %parallel_loop3A_413 = arith.addf %parallel_loop3A_407, %parallel_loop3A_412 : vector<16xf32>
        %parallel_loop3A_414 = arith.constant 2 : i32
        %parallel_loop3A_415 = arith.index_cast %parallel_loop3A_414 : i32 to index
        %parallel_loop3A_416 = arith.index_cast %parallel_loop3A_368 : i32 to index
        %parallel_loop3A_417 = tpu.vector_load %arg11[%parallel_loop3A_415, %parallel_loop3A_416] {strides = array<i32>} : memref<8x1024xf32, #tpu.memory_space<vmem>>, vector<1x16xf32>,
        %parallel_loop3A_418 = vector.shape_cast %parallel_loop3A_417 : vector<1x16xf32> to vector<16xf32>
        %parallel_loop3A_419 = vector.shape_cast %parallel_loop3A_413 : vector<16xf32> to vector<1x16xf32>
        tpu.vector_store %arg11[%parallel_loop3A_415, %parallel_loop3A_416], %parallel_loop3A_419 {strides = array<i32>} : memref<8x1024xf32, #tpu.memory_space<vmem>>, vector<1x16xf32>,
        %parallel_loop3A_420 = arith.constant 3 : i32
        %parallel_loop3A_421 = arith.index_cast %parallel_loop3A_420 : i32 to index
        %parallel_loop3A_422 = arith.index_cast %parallel_loop3A_368 : i32 to index
        %parallel_loop3A_423 = tpu.vector_load %arg11[%parallel_loop3A_421, %parallel_loop3A_422] {strides = array<i32>} : memref<8x1024xf32, #tpu.memory_space<vmem>>, vector<1x16xf32>,
        %parallel_loop3A_424 = vector.shape_cast %parallel_loop3A_423 : vector<1x16xf32> to vector<16xf32>
        %parallel_loop3A_425 = arith.constant 3 : i32
        %parallel_loop3A_426 = arith.index_cast %parallel_loop3A_425 : i32 to index
        %parallel_loop3A_427 = arith.index_cast %parallel_loop3A_368 : i32 to index
        %parallel_loop3A_428 = tpu.vector_load %arg13[%parallel_loop3A_426, %parallel_loop3A_427] {strides = array<i32>} : memref<8x1024xf32, #tpu.memory_space<vmem>>, vector<1x16xf32>,
        %parallel_loop3A_429 = vector.shape_cast %parallel_loop3A_428 : vector<1x16xf32> to vector<16xf32>
        %parallel_loop3A_430 = arith.addf %parallel_loop3A_424, %parallel_loop3A_429 : vector<16xf32>
        %parallel_loop3A_431 = arith.constant 3 : i32
        %parallel_loop3A_432 = arith.index_cast %parallel_loop3A_431 : i32 to index
        %parallel_loop3A_433 = arith.index_cast %parallel_loop3A_368 : i32 to index
        %parallel_loop3A_434 = tpu.vector_load %arg11[%parallel_loop3A_432, %parallel_loop3A_433] {strides = array<i32>} : memref<8x1024xf32, #tpu.memory_space<vmem>>, vector<1x16xf32>,
        %parallel_loop3A_435 = vector.shape_cast %parallel_loop3A_434 : vector<1x16xf32> to vector<16xf32>
        %parallel_loop3A_436 = vector.shape_cast %parallel_loop3A_430 : vector<16xf32> to vector<1x16xf32>
        tpu.vector_store %arg11[%parallel_loop3A_432, %parallel_loop3A_433], %parallel_loop3A_436 {strides = array<i32>} : memref<8x1024xf32, #tpu.memory_space<vmem>>, vector<1x16xf32>,
        %parallel_loop3A_437 = arith.constant 4 : i32
        %parallel_loop3A_438 = arith.index_cast %parallel_loop3A_437 : i32 to index
        %parallel_loop3A_439 = arith.index_cast %parallel_loop3A_368 : i32 to index
        %parallel_loop3A_440 = tpu.vector_load %arg11[%parallel_loop3A_438, %parallel_loop3A_439] {strides = array<i32>} : memref<8x1024xf32, #tpu.memory_space<vmem>>, vector<1x16xf32>,
        %parallel_loop3A_441 = vector.shape_cast %parallel_loop3A_440 : vector<1x16xf32> to vector<16xf32>
        %parallel_loop3A_442 = arith.constant 4 : i32
        %parallel_loop3A_443 = arith.index_cast %parallel_loop3A_442 : i32 to index
        %parallel_loop3A_444 = arith.index_cast %parallel_loop3A_368 : i32 to index
        %parallel_loop3A_445 = tpu.vector_load %arg13[%parallel_loop3A_443, %parallel_loop3A_444] {strides = array<i32>} : memref<8x1024xf32, #tpu.memory_space<vmem>>, vector<1x16xf32>,
        %parallel_loop3A_446 = vector.shape_cast %parallel_loop3A_445 : vector<1x16xf32> to vector<16xf32>
        %parallel_loop3A_447 = arith.addf %parallel_loop3A_441, %parallel_loop3A_446 : vector<16xf32>
        %parallel_loop3A_448 = arith.constant 4 : i32
        %parallel_loop3A_449 = arith.index_cast %parallel_loop3A_448 : i32 to index
        %parallel_loop3A_450 = arith.index_cast %parallel_loop3A_368 : i32 to index
        %parallel_loop3A_451 = tpu.vector_load %arg11[%parallel_loop3A_449, %parallel_loop3A_450] {strides = array<i32>} : memref<8x1024xf32, #tpu.memory_space<vmem>>, vector<1x16xf32>,
        %parallel_loop3A_452 = vector.shape_cast %parallel_loop3A_451 : vector<1x16xf32> to vector<16xf32>
        %parallel_loop3A_453 = vector.shape_cast %parallel_loop3A_447 : vector<16xf32> to vector<1x16xf32>
        tpu.vector_store %arg11[%parallel_loop3A_449, %parallel_loop3A_450], %parallel_loop3A_453 {strides = array<i32>} : memref<8x1024xf32, #tpu.memory_space<vmem>>, vector<1x16xf32>,
        %parallel_loop3A_454 = arith.constant 5 : i32
        %parallel_loop3A_455 = arith.index_cast %parallel_loop3A_454 : i32 to index
        %parallel_loop3A_456 = arith.index_cast %parallel_loop3A_368 : i32 to index
        %parallel_loop3A_457 = tpu.vector_load %arg11[%parallel_loop3A_455, %parallel_loop3A_456] {strides = array<i32>} : memref<8x1024xf32, #tpu.memory_space<vmem>>, vector<1x16xf32>,
        %parallel_loop3A_458 = vector.shape_cast %parallel_loop3A_457 : vector<1x16xf32> to vector<16xf32>
        %parallel_loop3A_459 = arith.constant 5 : i32
        %parallel_loop3A_460 = arith.index_cast %parallel_loop3A_459 : i32 to index
        %parallel_loop3A_461 = arith.index_cast %parallel_loop3A_368 : i32 to index
        %parallel_loop3A_462 = tpu.vector_load %arg13[%parallel_loop3A_460, %parallel_loop3A_461] {strides = array<i32>} : memref<8x1024xf32, #tpu.memory_space<vmem>>, vector<1x16xf32>,
        %parallel_loop3A_463 = vector.shape_cast %parallel_loop3A_462 : vector<1x16xf32> to vector<16xf32>
        %parallel_loop3A_464 = arith.addf %parallel_loop3A_458, %parallel_loop3A_463 : vector<16xf32>
        %parallel_loop3A_465 = arith.constant 5 : i32
        %parallel_loop3A_466 = arith.index_cast %parallel_loop3A_465 : i32 to index
        %parallel_loop3A_467 = arith.index_cast %parallel_loop3A_368 : i32 to index
        %parallel_loop3A_468 = tpu.vector_load %arg11[%parallel_loop3A_466, %parallel_loop3A_467] {strides = array<i32>} : memref<8x1024xf32, #tpu.memory_space<vmem>>, vector<1x16xf32>,
        %parallel_loop3A_469 = vector.shape_cast %parallel_loop3A_468 : vector<1x16xf32> to vector<16xf32>
        %parallel_loop3A_470 = vector.shape_cast %parallel_loop3A_464 : vector<16xf32> to vector<1x16xf32>
        tpu.vector_store %arg11[%parallel_loop3A_466, %parallel_loop3A_467], %parallel_loop3A_470 {strides = array<i32>} : memref<8x1024xf32, #tpu.memory_space<vmem>>, vector<1x16xf32>,
        %parallel_loop3A_471 = arith.constant 6 : i32
        %parallel_loop3A_472 = arith.index_cast %parallel_loop3A_471 : i32 to index
        %parallel_loop3A_473 = arith.index_cast %parallel_loop3A_368 : i32 to index
        %parallel_loop3A_474 = tpu.vector_load %arg11[%parallel_loop3A_472, %parallel_loop3A_473] {strides = array<i32>} : memref<8x1024xf32, #tpu.memory_space<vmem>>, vector<1x16xf32>,
        %parallel_loop3A_475 = vector.shape_cast %parallel_loop3A_474 : vector<1x16xf32> to vector<16xf32>
        %parallel_loop3A_476 = arith.constant 6 : i32
        %parallel_loop3A_477 = arith.index_cast %parallel_loop3A_476 : i32 to index
        %parallel_loop3A_478 = arith.index_cast %parallel_loop3A_368 : i32 to index
        %parallel_loop3A_479 = tpu.vector_load %arg13[%parallel_loop3A_477, %parallel_loop3A_478] {strides = array<i32>} : memref<8x1024xf32, #tpu.memory_space<vmem>>, vector<1x16xf32>,
        %parallel_loop3A_480 = vector.shape_cast %parallel_loop3A_479 : vector<1x16xf32> to vector<16xf32>
        %parallel_loop3A_481 = arith.addf %parallel_loop3A_475, %parallel_loop3A_480 : vector<16xf32>
        %parallel_loop3A_482 = arith.constant 6 : i32
        %parallel_loop3A_483 = arith.index_cast %parallel_loop3A_482 : i32 to index
        %parallel_loop3A_484 = arith.index_cast %parallel_loop3A_368 : i32 to index
        %parallel_loop3A_485 = tpu.vector_load %arg11[%parallel_loop3A_483, %parallel_loop3A_484] {strides = array<i32>} : memref<8x1024xf32, #tpu.memory_space<vmem>>, vector<1x16xf32>,
        %parallel_loop3A_486 = vector.shape_cast %parallel_loop3A_485 : vector<1x16xf32> to vector<16xf32>
        %parallel_loop3A_487 = vector.shape_cast %parallel_loop3A_481 : vector<16xf32> to vector<1x16xf32>
        tpu.vector_store %arg11[%parallel_loop3A_483, %parallel_loop3A_484], %parallel_loop3A_487 {strides = array<i32>} : memref<8x1024xf32, #tpu.memory_space<vmem>>, vector<1x16xf32>,
        %parallel_loop3A_488 = arith.constant 7 : i32
        %parallel_loop3A_489 = arith.index_cast %parallel_loop3A_488 : i32 to index
        %parallel_loop3A_490 = arith.index_cast %parallel_loop3A_368 : i32 to index
        %parallel_loop3A_491 = tpu.vector_load %arg11[%parallel_loop3A_489, %parallel_loop3A_490] {strides = array<i32>} : memref<8x1024xf32, #tpu.memory_space<vmem>>, vector<1x16xf32>,
        %parallel_loop3A_492 = vector.shape_cast %parallel_loop3A_491 : vector<1x16xf32> to vector<16xf32>
        %parallel_loop3A_493 = arith.constant 7 : i32
        %parallel_loop3A_494 = arith.index_cast %parallel_loop3A_493 : i32 to index
        %parallel_loop3A_495 = arith.index_cast %parallel_loop3A_368 : i32 to index
        %parallel_loop3A_496 = tpu.vector_load %arg13[%parallel_loop3A_494, %parallel_loop3A_495] {strides = array<i32>} : memref<8x1024xf32, #tpu.memory_space<vmem>>, vector<1x16xf32>,
        %parallel_loop3A_497 = vector.shape_cast %parallel_loop3A_496 : vector<1x16xf32> to vector<16xf32>
        %parallel_loop3A_498 = arith.addf %parallel_loop3A_492, %parallel_loop3A_497 : vector<16xf32>
        %parallel_loop3A_499 = arith.constant 7 : i32
        %parallel_loop3A_500 = arith.index_cast %parallel_loop3A_499 : i32 to index
        %parallel_loop3A_501 = arith.index_cast %parallel_loop3A_368 : i32 to index
        %parallel_loop3A_502 = tpu.vector_load %arg11[%parallel_loop3A_500, %parallel_loop3A_501] {strides = array<i32>} : memref<8x1024xf32, #tpu.memory_space<vmem>>, vector<1x16xf32>,
        %parallel_loop3A_503 = vector.shape_cast %parallel_loop3A_502 : vector<1x16xf32> to vector<16xf32>
        %parallel_loop3A_504 = vector.shape_cast %parallel_loop3A_498 : vector<16xf32> to vector<1x16xf32>
        tpu.vector_store %arg11[%parallel_loop3A_500, %parallel_loop3A_501], %parallel_loop3A_504 {strides = array<i32>} : memref<8x1024xf32, #tpu.memory_space<vmem>>, vector<1x16xf32>,
      } {sc.loop_unroll_factor = 2 : i64, sc.parallel_access}
      %dma_start3A_240 = arith.constant 3 : i32
      %dma_start3A_241 = arith.constant 0 : i32
      %dma_start3A_242 = tpu.memref_slice %arg4[%dma_start3A_240, %multiple_of3A_138, %dma_start3A_241] : memref<4x4096x2048xf32, #tpu.memory_space<hbm>> -> memref<1x8x1024xf32, #tpu.memory_space<hbm>>
      %dma_start3A_243 = tpu.memref_squeeze %dma_start3A_242 : memref<1x8x1024xf32, #tpu.memory_space<hbm>> -> memref<8x1024xf32, #tpu.memory_space<hbm>>
      %dma_start3A_244 = arith.constant 0 : i32
      %dma_start3A_245 = tpu.memref_slice %arg4[%dma_start3A_240, %multiple_of3A_138, %dma_start3A_244] : memref<4x4096x2048xf32, #tpu.memory_space<hbm>> -> memref<1x8x1024xf32, #tpu.memory_space<hbm>>
      %dma_start3A_246 = tpu.memref_squeeze %dma_start3A_245 : memref<1x8x1024xf32, #tpu.memory_space<hbm>> -> memref<8x1024xf32, #tpu.memory_space<hbm>>
      tpu.enqueue_dma source(%arg11 : memref<8x1024xf32, #tpu.memory_space<vmem>>) target(%dma_start3A_246 : memref<8x1024xf32, #tpu.memory_space<hbm>>) target_semaphore(%arg29 : memref<!tpu.dma_semaphore, #tpu.memory_space<semaphore_mem>>)
      %ge3A_247 = arith.constant 1 : i32
      %ge3A_248 = arith.cmpi sge, %scan3A_133, %ge3A_247 : i32
      %convert_element_type3A_249 = arith.extui %ge3A_248 : i1 to i32
      %cond3A_250 = arith.constant 0 : i32
      %cond3A_251 = arith.cmpi ne, %convert_element_type3A_249, %cond3A_250 : i32
      scf.if %cond3A_251 {
        %dma_wait3A_366 = arith.constant 3 : i32
        %dma_wait3A_367 = arith.constant 0 : i32
        %dma_wait3A_368 = tpu.memref_slice %arg4[%dma_wait3A_366, %multiple_of3A_138, %dma_wait3A_367] : memref<4x4096x2048xf32, #tpu.memory_space<hbm>> -> memref<1x8x1024xf32, #tpu.memory_space<hbm>>
        %dma_wait3A_369 = tpu.memref_squeeze %dma_wait3A_368 : memref<1x8x1024xf32, #tpu.memory_space<hbm>> -> memref<8x1024xf32, #tpu.memory_space<hbm>>
        %dma_wait3A_370 = arith.constant 0 : i32
        %dma_wait3A_371 = tpu.memref_slice %arg4[%dma_wait3A_366, %multiple_of3A_138, %dma_wait3A_370] : memref<4x4096x2048xf32, #tpu.memory_space<hbm>> -> memref<1x8x1024xf32, #tpu.memory_space<hbm>>
        %dma_wait3A_372 = tpu.memref_squeeze %dma_wait3A_371 : memref<1x8x1024xf32, #tpu.memory_space<hbm>> -> memref<8x1024xf32, #tpu.memory_space<hbm>>
        tpu.wait_dma2 semaphore(%arg30 : memref<!tpu.dma_semaphore, #tpu.memory_space<semaphore_mem>>) src(%arg12 : memref<8x1024xf32, #tpu.memory_space<vmem>>) dst(%dma_wait3A_372 : memref<8x1024xf32, #tpu.memory_space<hbm>>)
      } else {
      }
      %dma_start3A_252 = arith.constant 3 : i32
      %dma_start3A_253 = arith.constant 1024 : i32
      %dma_start3A_254 = tpu.memref_slice %arg2[%dma_start3A_252, %multiple_of3A_138, %dma_start3A_253] : memref<4x4096x2048xf32, #tpu.memory_space<hbm>> -> memref<1x8x1024xf32, #tpu.memory_space<hbm>>
      %dma_start3A_255 = tpu.memref_squeeze %dma_start3A_254 : memref<1x8x1024xf32, #tpu.memory_space<hbm>> -> memref<8x1024xf32, #tpu.memory_space<hbm>>
      %dma_start3A_256 = arith.constant 1024 : i32
      %dma_start3A_257 = tpu.memref_slice %arg2[%dma_start3A_252, %multiple_of3A_138, %dma_start3A_256] : memref<4x4096x2048xf32, #tpu.memory_space<hbm>> -> memref<1x8x1024xf32, #tpu.memory_space<hbm>>
      %dma_start3A_258 = tpu.memref_squeeze %dma_start3A_257 : memref<1x8x1024xf32, #tpu.memory_space<hbm>> -> memref<8x1024xf32, #tpu.memory_space<hbm>>
      tpu.enqueue_dma source(%dma_start3A_258 : memref<8x1024xf32, #tpu.memory_space<hbm>>) target(%arg12 : memref<8x1024xf32, #tpu.memory_space<vmem>>) target_semaphore(%arg22 : memref<!tpu.dma_semaphore, #tpu.memory_space<semaphore_mem>>)
      %mul3A_259 = arith.constant 8 : i32
      %mul3A_260 = arith.muli %scan3A_133, %mul3A_259 : i32
      %add3A_261 = arith.addi %mul3A_2, %mul3A_260 : i32
      %multiple_of3A_262 = tpu.assume_multiple %add3A_261, 8 : i32
      %add3A_263 = arith.constant 1 : i32
      %add3A_264 = arith.addi %scan3A_133, %add3A_263 : i32
      %mul3A_265 = arith.constant 8 : i32
      %mul3A_266 = arith.muli %add3A_264, %mul3A_265 : i32
      %add3A_267 = arith.addi %mul3A_2, %mul3A_266 : i32
      %multiple_of3A_268 = tpu.assume_multiple %add3A_267, 8 : i32
      %dma_wait3A_269 = arith.constant 1024 : i32
      %dma_wait3A_270 = tpu.memref_slice %arg3[%multiple_of3A_262, %dma_wait3A_269] : memref<8192x2048xf32, #tpu.memory_space<hbm>> -> memref<8x1024xf32, #tpu.memory_space<hbm>>
      %dma_wait3A_271 = arith.constant 1024 : i32
      %dma_wait3A_272 = tpu.memref_slice %arg3[%multiple_of3A_262, %dma_wait3A_271] : memref<8192x2048xf32, #tpu.memory_space<hbm>> -> memref<8x1024xf32, #tpu.memory_space<hbm>>
      tpu.wait_dma2 semaphore(%arg32 : memref<!tpu.dma_semaphore, #tpu.memory_space<semaphore_mem>>) src(%dma_wait3A_272 : memref<8x1024xf32, #tpu.memory_space<hbm>>) dst(%arg14 : memref<8x1024xf32, #tpu.memory_space<vmem>>)
      %lt3A = arith.constant 15 : i32
      %lt3A_273 = arith.cmpi slt, %scan3A_133, %lt3A : i32
      %convert_element_type3A_274 = arith.extui %lt3A_273 : i1 to i32
      %cond3A_275 = arith.constant 0 : i32
      %cond3A_276 = arith.cmpi ne, %convert_element_type3A_274, %cond3A_275 : i32
      scf.if %cond3A_276 {
        %dma_start3A_366 = arith.constant 0 : i32
        %dma_start3A_367 = tpu.memref_slice %arg3[%multiple_of3A_268, %dma_start3A_366] : memref<8192x2048xf32, #tpu.memory_space<hbm>> -> memref<8x1024xf32, #tpu.memory_space<hbm>>
        %dma_start3A_368 = arith.constant 0 : i32
        %dma_start3A_369 = tpu.memref_slice %arg3[%multiple_of3A_268, %dma_start3A_368] : memref<8192x2048xf32, #tpu.memory_space<hbm>> -> memref<8x1024xf32, #tpu.memory_space<hbm>>
        tpu.enqueue_dma source(%dma_start3A_369 : memref<8x1024xf32, #tpu.memory_space<hbm>>) target(%arg13 : memref<8x1024xf32, #tpu.memory_space<vmem>>) target_semaphore(%arg31 : memref<!tpu.dma_semaphore, #tpu.memory_space<semaphore_mem>>)
      } else {
      }
      %dma_wait3A_277 = arith.constant 0 : i32
      %dma_wait3A_278 = arith.constant 1024 : i32
      %dma_wait3A_279 = tpu.memref_slice %arg2[%dma_wait3A_277, %multiple_of3A_262, %dma_wait3A_278] : memref<4x4096x2048xf32, #tpu.memory_space<hbm>> -> memref<1x8x1024xf32, #tpu.memory_space<hbm>>
      %dma_wait3A_280 = tpu.memref_squeeze %dma_wait3A_279 : memref<1x8x1024xf32, #tpu.memory_space<hbm>> -> memref<8x1024xf32, #tpu.memory_space<hbm>>
      %dma_wait3A_281 = arith.constant 1024 : i32
      %dma_wait3A_282 = tpu.memref_slice %arg2[%dma_wait3A_277, %multiple_of3A_262, %dma_wait3A_281] : memref<4x4096x2048xf32, #tpu.memory_space<hbm>> -> memref<1x8x1024xf32, #tpu.memory_space<hbm>>
      %dma_wait3A_283 = tpu.memref_squeeze %dma_wait3A_282 : memref<1x8x1024xf32, #tpu.memory_space<hbm>> -> memref<8x1024xf32, #tpu.memory_space<hbm>>
      tpu.wait_dma2 semaphore(%arg16 : memref<!tpu.dma_semaphore, #tpu.memory_space<semaphore_mem>>) src(%dma_wait3A_283 : memref<8x1024xf32, #tpu.memory_space<hbm>>) dst(%arg6 : memref<8x1024xf32, #tpu.memory_space<vmem>>)
      %parallel_loop3A_284 = arith.constant 0 : i32
      %parallel_loop3A_285 = arith.constant 64 : i32
      %parallel_loop3A_286 = arith.constant 1 : i32
      scf.for %parallel_loop3A_366 = %parallel_loop3A_284 to %parallel_loop3A_285 step %parallel_loop3A_286  : i32 {
        %parallel_loop3A_367 = arith.constant 16 : i32
        %parallel_loop3A_368 = arith.muli %parallel_loop3A_366, %parallel_loop3A_367 : i32
        %parallel_loop3A_369 = arith.constant 0 : i32
        %parallel_loop3A_370 = arith.index_cast %parallel_loop3A_369 : i32 to index
        %parallel_loop3A_371 = arith.index_cast %parallel_loop3A_368 : i32 to index
        %parallel_loop3A_372 = tpu.vector_load %arg6[%parallel_loop3A_370, %parallel_loop3A_371] {strides = array<i32>} : memref<8x1024xf32, #tpu.memory_space<vmem>>, vector<1x16xf32>,
        %parallel_loop3A_373 = vector.shape_cast %parallel_loop3A_372 : vector<1x16xf32> to vector<16xf32>
        %parallel_loop3A_374 = arith.constant 0 : i32
        %parallel_loop3A_375 = arith.index_cast %parallel_loop3A_374 : i32 to index
        %parallel_loop3A_376 = arith.index_cast %parallel_loop3A_368 : i32 to index
        %parallel_loop3A_377 = tpu.vector_load %arg14[%parallel_loop3A_375, %parallel_loop3A_376] {strides = array<i32>} : memref<8x1024xf32, #tpu.memory_space<vmem>>, vector<1x16xf32>,
        %parallel_loop3A_378 = vector.shape_cast %parallel_loop3A_377 : vector<1x16xf32> to vector<16xf32>
        %parallel_loop3A_379 = arith.addf %parallel_loop3A_373, %parallel_loop3A_378 : vector<16xf32>
        %parallel_loop3A_380 = arith.constant 0 : i32
        %parallel_loop3A_381 = arith.index_cast %parallel_loop3A_380 : i32 to index
        %parallel_loop3A_382 = arith.index_cast %parallel_loop3A_368 : i32 to index
        %parallel_loop3A_383 = tpu.vector_load %arg6[%parallel_loop3A_381, %parallel_loop3A_382] {strides = array<i32>} : memref<8x1024xf32, #tpu.memory_space<vmem>>, vector<1x16xf32>,
        %parallel_loop3A_384 = vector.shape_cast %parallel_loop3A_383 : vector<1x16xf32> to vector<16xf32>
        %parallel_loop3A_385 = vector.shape_cast %parallel_loop3A_379 : vector<16xf32> to vector<1x16xf32>
        tpu.vector_store %arg6[%parallel_loop3A_381, %parallel_loop3A_382], %parallel_loop3A_385 {strides = array<i32>} : memref<8x1024xf32, #tpu.memory_space<vmem>>, vector<1x16xf32>,
        %parallel_loop3A_386 = arith.constant 1 : i32
        %parallel_loop3A_387 = arith.index_cast %parallel_loop3A_386 : i32 to index
        %parallel_loop3A_388 = arith.index_cast %parallel_loop3A_368 : i32 to index
        %parallel_loop3A_389 = tpu.vector_load %arg6[%parallel_loop3A_387, %parallel_loop3A_388] {strides = array<i32>} : memref<8x1024xf32, #tpu.memory_space<vmem>>, vector<1x16xf32>,
        %parallel_loop3A_390 = vector.shape_cast %parallel_loop3A_389 : vector<1x16xf32> to vector<16xf32>
        %parallel_loop3A_391 = arith.constant 1 : i32
        %parallel_loop3A_392 = arith.index_cast %parallel_loop3A_391 : i32 to index
        %parallel_loop3A_393 = arith.index_cast %parallel_loop3A_368 : i32 to index
        %parallel_loop3A_394 = tpu.vector_load %arg14[%parallel_loop3A_392, %parallel_loop3A_393] {strides = array<i32>} : memref<8x1024xf32, #tpu.memory_space<vmem>>, vector<1x16xf32>,
        %parallel_loop3A_395 = vector.shape_cast %parallel_loop3A_394 : vector<1x16xf32> to vector<16xf32>
        %parallel_loop3A_396 = arith.addf %parallel_loop3A_390, %parallel_loop3A_395 : vector<16xf32>
        %parallel_loop3A_397 = arith.constant 1 : i32
        %parallel_loop3A_398 = arith.index_cast %parallel_loop3A_397 : i32 to index
        %parallel_loop3A_399 = arith.index_cast %parallel_loop3A_368 : i32 to index
        %parallel_loop3A_400 = tpu.vector_load %arg6[%parallel_loop3A_398, %parallel_loop3A_399] {strides = array<i32>} : memref<8x1024xf32, #tpu.memory_space<vmem>>, vector<1x16xf32>,
        %parallel_loop3A_401 = vector.shape_cast %parallel_loop3A_400 : vector<1x16xf32> to vector<16xf32>
        %parallel_loop3A_402 = vector.shape_cast %parallel_loop3A_396 : vector<16xf32> to vector<1x16xf32>
        tpu.vector_store %arg6[%parallel_loop3A_398, %parallel_loop3A_399], %parallel_loop3A_402 {strides = array<i32>} : memref<8x1024xf32, #tpu.memory_space<vmem>>, vector<1x16xf32>,
        %parallel_loop3A_403 = arith.constant 2 : i32
        %parallel_loop3A_404 = arith.index_cast %parallel_loop3A_403 : i32 to index
        %parallel_loop3A_405 = arith.index_cast %parallel_loop3A_368 : i32 to index
        %parallel_loop3A_406 = tpu.vector_load %arg6[%parallel_loop3A_404, %parallel_loop3A_405] {strides = array<i32>} : memref<8x1024xf32, #tpu.memory_space<vmem>>, vector<1x16xf32>,
        %parallel_loop3A_407 = vector.shape_cast %parallel_loop3A_406 : vector<1x16xf32> to vector<16xf32>
        %parallel_loop3A_408 = arith.constant 2 : i32
        %parallel_loop3A_409 = arith.index_cast %parallel_loop3A_408 : i32 to index
        %parallel_loop3A_410 = arith.index_cast %parallel_loop3A_368 : i32 to index
        %parallel_loop3A_411 = tpu.vector_load %arg14[%parallel_loop3A_409, %parallel_loop3A_410] {strides = array<i32>} : memref<8x1024xf32, #tpu.memory_space<vmem>>, vector<1x16xf32>,
        %parallel_loop3A_412 = vector.shape_cast %parallel_loop3A_411 : vector<1x16xf32> to vector<16xf32>
        %parallel_loop3A_413 = arith.addf %parallel_loop3A_407, %parallel_loop3A_412 : vector<16xf32>
        %parallel_loop3A_414 = arith.constant 2 : i32
        %parallel_loop3A_415 = arith.index_cast %parallel_loop3A_414 : i32 to index
        %parallel_loop3A_416 = arith.index_cast %parallel_loop3A_368 : i32 to index
        %parallel_loop3A_417 = tpu.vector_load %arg6[%parallel_loop3A_415, %parallel_loop3A_416] {strides = array<i32>} : memref<8x1024xf32, #tpu.memory_space<vmem>>, vector<1x16xf32>,
        %parallel_loop3A_418 = vector.shape_cast %parallel_loop3A_417 : vector<1x16xf32> to vector<16xf32>
        %parallel_loop3A_419 = vector.shape_cast %parallel_loop3A_413 : vector<16xf32> to vector<1x16xf32>
        tpu.vector_store %arg6[%parallel_loop3A_415, %parallel_loop3A_416], %parallel_loop3A_419 {strides = array<i32>} : memref<8x1024xf32, #tpu.memory_space<vmem>>, vector<1x16xf32>,
        %parallel_loop3A_420 = arith.constant 3 : i32
        %parallel_loop3A_421 = arith.index_cast %parallel_loop3A_420 : i32 to index
        %parallel_loop3A_422 = arith.index_cast %parallel_loop3A_368 : i32 to index
        %parallel_loop3A_423 = tpu.vector_load %arg6[%parallel_loop3A_421, %parallel_loop3A_422] {strides = array<i32>} : memref<8x1024xf32, #tpu.memory_space<vmem>>, vector<1x16xf32>,
        %parallel_loop3A_424 = vector.shape_cast %parallel_loop3A_423 : vector<1x16xf32> to vector<16xf32>
        %parallel_loop3A_425 = arith.constant 3 : i32
        %parallel_loop3A_426 = arith.index_cast %parallel_loop3A_425 : i32 to index
        %parallel_loop3A_427 = arith.index_cast %parallel_loop3A_368 : i32 to index
        %parallel_loop3A_428 = tpu.vector_load %arg14[%parallel_loop3A_426, %parallel_loop3A_427] {strides = array<i32>} : memref<8x1024xf32, #tpu.memory_space<vmem>>, vector<1x16xf32>,
        %parallel_loop3A_429 = vector.shape_cast %parallel_loop3A_428 : vector<1x16xf32> to vector<16xf32>
        %parallel_loop3A_430 = arith.addf %parallel_loop3A_424, %parallel_loop3A_429 : vector<16xf32>
        %parallel_loop3A_431 = arith.constant 3 : i32
        %parallel_loop3A_432 = arith.index_cast %parallel_loop3A_431 : i32 to index
        %parallel_loop3A_433 = arith.index_cast %parallel_loop3A_368 : i32 to index
        %parallel_loop3A_434 = tpu.vector_load %arg6[%parallel_loop3A_432, %parallel_loop3A_433] {strides = array<i32>} : memref<8x1024xf32, #tpu.memory_space<vmem>>, vector<1x16xf32>,
        %parallel_loop3A_435 = vector.shape_cast %parallel_loop3A_434 : vector<1x16xf32> to vector<16xf32>
        %parallel_loop3A_436 = vector.shape_cast %parallel_loop3A_430 : vector<16xf32> to vector<1x16xf32>
        tpu.vector_store %arg6[%parallel_loop3A_432, %parallel_loop3A_433], %parallel_loop3A_436 {strides = array<i32>} : memref<8x1024xf32, #tpu.memory_space<vmem>>, vector<1x16xf32>,
        %parallel_loop3A_437 = arith.constant 4 : i32
        %parallel_loop3A_438 = arith.index_cast %parallel_loop3A_437 : i32 to index
        %parallel_loop3A_439 = arith.index_cast %parallel_loop3A_368 : i32 to index
        %parallel_loop3A_440 = tpu.vector_load %arg6[%parallel_loop3A_438, %parallel_loop3A_439] {strides = array<i32>} : memref<8x1024xf32, #tpu.memory_space<vmem>>, vector<1x16xf32>,
        %parallel_loop3A_441 = vector.shape_cast %parallel_loop3A_440 : vector<1x16xf32> to vector<16xf32>
        %parallel_loop3A_442 = arith.constant 4 : i32
        %parallel_loop3A_443 = arith.index_cast %parallel_loop3A_442 : i32 to index
        %parallel_loop3A_444 = arith.index_cast %parallel_loop3A_368 : i32 to index
        %parallel_loop3A_445 = tpu.vector_load %arg14[%parallel_loop3A_443, %parallel_loop3A_444] {strides = array<i32>} : memref<8x1024xf32, #tpu.memory_space<vmem>>, vector<1x16xf32>,
        %parallel_loop3A_446 = vector.shape_cast %parallel_loop3A_445 : vector<1x16xf32> to vector<16xf32>
        %parallel_loop3A_447 = arith.addf %parallel_loop3A_441, %parallel_loop3A_446 : vector<16xf32>
        %parallel_loop3A_448 = arith.constant 4 : i32
        %parallel_loop3A_449 = arith.index_cast %parallel_loop3A_448 : i32 to index
        %parallel_loop3A_450 = arith.index_cast %parallel_loop3A_368 : i32 to index
        %parallel_loop3A_451 = tpu.vector_load %arg6[%parallel_loop3A_449, %parallel_loop3A_450] {strides = array<i32>} : memref<8x1024xf32, #tpu.memory_space<vmem>>, vector<1x16xf32>,
        %parallel_loop3A_452 = vector.shape_cast %parallel_loop3A_451 : vector<1x16xf32> to vector<16xf32>
        %parallel_loop3A_453 = vector.shape_cast %parallel_loop3A_447 : vector<16xf32> to vector<1x16xf32>
        tpu.vector_store %arg6[%parallel_loop3A_449, %parallel_loop3A_450], %parallel_loop3A_453 {strides = array<i32>} : memref<8x1024xf32, #tpu.memory_space<vmem>>, vector<1x16xf32>,
        %parallel_loop3A_454 = arith.constant 5 : i32
        %parallel_loop3A_455 = arith.index_cast %parallel_loop3A_454 : i32 to index
        %parallel_loop3A_456 = arith.index_cast %parallel_loop3A_368 : i32 to index
        %parallel_loop3A_457 = tpu.vector_load %arg6[%parallel_loop3A_455, %parallel_loop3A_456] {strides = array<i32>} : memref<8x1024xf32, #tpu.memory_space<vmem>>, vector<1x16xf32>,
        %parallel_loop3A_458 = vector.shape_cast %parallel_loop3A_457 : vector<1x16xf32> to vector<16xf32>
        %parallel_loop3A_459 = arith.constant 5 : i32
        %parallel_loop3A_460 = arith.index_cast %parallel_loop3A_459 : i32 to index
        %parallel_loop3A_461 = arith.index_cast %parallel_loop3A_368 : i32 to index
        %parallel_loop3A_462 = tpu.vector_load %arg14[%parallel_loop3A_460, %parallel_loop3A_461] {strides = array<i32>} : memref<8x1024xf32, #tpu.memory_space<vmem>>, vector<1x16xf32>,
        %parallel_loop3A_463 = vector.shape_cast %parallel_loop3A_462 : vector<1x16xf32> to vector<16xf32>
        %parallel_loop3A_464 = arith.addf %parallel_loop3A_458, %parallel_loop3A_463 : vector<16xf32>
        %parallel_loop3A_465 = arith.constant 5 : i32
        %parallel_loop3A_466 = arith.index_cast %parallel_loop3A_465 : i32 to index
        %parallel_loop3A_467 = arith.index_cast %parallel_loop3A_368 : i32 to index
        %parallel_loop3A_468 = tpu.vector_load %arg6[%parallel_loop3A_466, %parallel_loop3A_467] {strides = array<i32>} : memref<8x1024xf32, #tpu.memory_space<vmem>>, vector<1x16xf32>,
        %parallel_loop3A_469 = vector.shape_cast %parallel_loop3A_468 : vector<1x16xf32> to vector<16xf32>
        %parallel_loop3A_470 = vector.shape_cast %parallel_loop3A_464 : vector<16xf32> to vector<1x16xf32>
        tpu.vector_store %arg6[%parallel_loop3A_466, %parallel_loop3A_467], %parallel_loop3A_470 {strides = array<i32>} : memref<8x1024xf32, #tpu.memory_space<vmem>>, vector<1x16xf32>,
        %parallel_loop3A_471 = arith.constant 6 : i32
        %parallel_loop3A_472 = arith.index_cast %parallel_loop3A_471 : i32 to index
        %parallel_loop3A_473 = arith.index_cast %parallel_loop3A_368 : i32 to index
        %parallel_loop3A_474 = tpu.vector_load %arg6[%parallel_loop3A_472, %parallel_loop3A_473] {strides = array<i32>} : memref<8x1024xf32, #tpu.memory_space<vmem>>, vector<1x16xf32>,
        %parallel_loop3A_475 = vector.shape_cast %parallel_loop3A_474 : vector<1x16xf32> to vector<16xf32>
        %parallel_loop3A_476 = arith.constant 6 : i32
        %parallel_loop3A_477 = arith.index_cast %parallel_loop3A_476 : i32 to index
        %parallel_loop3A_478 = arith.index_cast %parallel_loop3A_368 : i32 to index
        %parallel_loop3A_479 = tpu.vector_load %arg14[%parallel_loop3A_477, %parallel_loop3A_478] {strides = array<i32>} : memref<8x1024xf32, #tpu.memory_space<vmem>>, vector<1x16xf32>,
        %parallel_loop3A_480 = vector.shape_cast %parallel_loop3A_479 : vector<1x16xf32> to vector<16xf32>
        %parallel_loop3A_481 = arith.addf %parallel_loop3A_475, %parallel_loop3A_480 : vector<16xf32>
        %parallel_loop3A_482 = arith.constant 6 : i32
        %parallel_loop3A_483 = arith.index_cast %parallel_loop3A_482 : i32 to index
        %parallel_loop3A_484 = arith.index_cast %parallel_loop3A_368 : i32 to index
        %parallel_loop3A_485 = tpu.vector_load %arg6[%parallel_loop3A_483, %parallel_loop3A_484] {strides = array<i32>} : memref<8x1024xf32, #tpu.memory_space<vmem>>, vector<1x16xf32>,
        %parallel_loop3A_486 = vector.shape_cast %parallel_loop3A_485 : vector<1x16xf32> to vector<16xf32>
        %parallel_loop3A_487 = vector.shape_cast %parallel_loop3A_481 : vector<16xf32> to vector<1x16xf32>
        tpu.vector_store %arg6[%parallel_loop3A_483, %parallel_loop3A_484], %parallel_loop3A_487 {strides = array<i32>} : memref<8x1024xf32, #tpu.memory_space<vmem>>, vector<1x16xf32>,
        %parallel_loop3A_488 = arith.constant 7 : i32
        %parallel_loop3A_489 = arith.index_cast %parallel_loop3A_488 : i32 to index
        %parallel_loop3A_490 = arith.index_cast %parallel_loop3A_368 : i32 to index
        %parallel_loop3A_491 = tpu.vector_load %arg6[%parallel_loop3A_489, %parallel_loop3A_490] {strides = array<i32>} : memref<8x1024xf32, #tpu.memory_space<vmem>>, vector<1x16xf32>,
        %parallel_loop3A_492 = vector.shape_cast %parallel_loop3A_491 : vector<1x16xf32> to vector<16xf32>
        %parallel_loop3A_493 = arith.constant 7 : i32
        %parallel_loop3A_494 = arith.index_cast %parallel_loop3A_493 : i32 to index
        %parallel_loop3A_495 = arith.index_cast %parallel_loop3A_368 : i32 to index
        %parallel_loop3A_496 = tpu.vector_load %arg14[%parallel_loop3A_494, %parallel_loop3A_495] {strides = array<i32>} : memref<8x1024xf32, #tpu.memory_space<vmem>>, vector<1x16xf32>,
        %parallel_loop3A_497 = vector.shape_cast %parallel_loop3A_496 : vector<1x16xf32> to vector<16xf32>
        %parallel_loop3A_498 = arith.addf %parallel_loop3A_492, %parallel_loop3A_497 : vector<16xf32>
        %parallel_loop3A_499 = arith.constant 7 : i32
        %parallel_loop3A_500 = arith.index_cast %parallel_loop3A_499 : i32 to index
        %parallel_loop3A_501 = arith.index_cast %parallel_loop3A_368 : i32 to index
        %parallel_loop3A_502 = tpu.vector_load %arg6[%parallel_loop3A_500, %parallel_loop3A_501] {strides = array<i32>} : memref<8x1024xf32, #tpu.memory_space<vmem>>, vector<1x16xf32>,
        %parallel_loop3A_503 = vector.shape_cast %parallel_loop3A_502 : vector<1x16xf32> to vector<16xf32>
        %parallel_loop3A_504 = vector.shape_cast %parallel_loop3A_498 : vector<16xf32> to vector<1x16xf32>
        tpu.vector_store %arg6[%parallel_loop3A_500, %parallel_loop3A_501], %parallel_loop3A_504 {strides = array<i32>} : memref<8x1024xf32, #tpu.memory_space<vmem>>, vector<1x16xf32>,
      } {sc.loop_unroll_factor = 2 : i64, sc.parallel_access}
      %dma_start3A_287 = arith.constant 0 : i32
      %dma_start3A_288 = arith.constant 1024 : i32
      %dma_start3A_289 = tpu.memref_slice %arg4[%dma_start3A_287, %multiple_of3A_262, %dma_start3A_288] : memref<4x4096x2048xf32, #tpu.memory_space<hbm>> -> memref<1x8x1024xf32, #tpu.memory_space<hbm>>
      %dma_start3A_290 = tpu.memref_squeeze %dma_start3A_289 : memref<1x8x1024xf32, #tpu.memory_space<hbm>> -> memref<8x1024xf32, #tpu.memory_space<hbm>>
      %dma_start3A_291 = arith.constant 1024 : i32
      %dma_start3A_292 = tpu.memref_slice %arg4[%dma_start3A_287, %multiple_of3A_262, %dma_start3A_291] : memref<4x4096x2048xf32, #tpu.memory_space<hbm>> -> memref<1x8x1024xf32, #tpu.memory_space<hbm>>
      %dma_start3A_293 = tpu.memref_squeeze %dma_start3A_292 : memref<1x8x1024xf32, #tpu.memory_space<hbm>> -> memref<8x1024xf32, #tpu.memory_space<hbm>>
      tpu.enqueue_dma source(%arg6 : memref<8x1024xf32, #tpu.memory_space<vmem>>) target(%dma_start3A_293 : memref<8x1024xf32, #tpu.memory_space<hbm>>) target_semaphore(%arg24 : memref<!tpu.dma_semaphore, #tpu.memory_space<semaphore_mem>>)
      %lt3A_294 = arith.constant 15 : i32
      %lt3A_295 = arith.cmpi slt, %scan3A_133, %lt3A_294 : i32
      %convert_element_type3A_296 = arith.extui %lt3A_295 : i1 to i32
      %cond3A_297 = arith.constant 0 : i32
      %cond3A_298 = arith.cmpi ne, %convert_element_type3A_296, %cond3A_297 : i32
      scf.if %cond3A_298 {
        %dma_wait3A_366 = arith.constant 0 : i32
        %dma_wait3A_367 = arith.constant 1024 : i32
        %dma_wait3A_368 = tpu.memref_slice %arg4[%dma_wait3A_366, %multiple_of3A_262, %dma_wait3A_367] : memref<4x4096x2048xf32, #tpu.memory_space<hbm>> -> memref<1x8x1024xf32, #tpu.memory_space<hbm>>
        %dma_wait3A_369 = tpu.memref_squeeze %dma_wait3A_368 : memref<1x8x1024xf32, #tpu.memory_space<hbm>> -> memref<8x1024xf32, #tpu.memory_space<hbm>>
        %dma_wait3A_370 = arith.constant 1024 : i32
        %dma_wait3A_371 = tpu.memref_slice %arg4[%dma_wait3A_366, %multiple_of3A_262, %dma_wait3A_370] : memref<4x4096x2048xf32, #tpu.memory_space<hbm>> -> memref<1x8x1024xf32, #tpu.memory_space<hbm>>
        %dma_wait3A_372 = tpu.memref_squeeze %dma_wait3A_371 : memref<1x8x1024xf32, #tpu.memory_space<hbm>> -> memref<8x1024xf32, #tpu.memory_space<hbm>>
        tpu.wait_dma2 semaphore(%arg23 : memref<!tpu.dma_semaphore, #tpu.memory_space<semaphore_mem>>) src(%arg5 : memref<8x1024xf32, #tpu.memory_space<vmem>>) dst(%dma_wait3A_372 : memref<8x1024xf32, #tpu.memory_space<hbm>>)
        %dma_start3A_373 = arith.constant 0 : i32
        %dma_start3A_374 = arith.constant 0 : i32
        %dma_start3A_375 = tpu.memref_slice %arg2[%dma_start3A_373, %multiple_of3A_268, %dma_start3A_374] : memref<4x4096x2048xf32, #tpu.memory_space<hbm>> -> memref<1x8x1024xf32, #tpu.memory_space<hbm>>
        %dma_start3A_376 = tpu.memref_squeeze %dma_start3A_375 : memref<1x8x1024xf32, #tpu.memory_space<hbm>> -> memref<8x1024xf32, #tpu.memory_space<hbm>>
        %dma_start3A_377 = arith.constant 0 : i32
        %dma_start3A_378 = tpu.memref_slice %arg2[%dma_start3A_373, %multiple_of3A_268, %dma_start3A_377] : memref<4x4096x2048xf32, #tpu.memory_space<hbm>> -> memref<1x8x1024xf32, #tpu.memory_space<hbm>>
        %dma_start3A_379 = tpu.memref_squeeze %dma_start3A_378 : memref<1x8x1024xf32, #tpu.memory_space<hbm>> -> memref<8x1024xf32, #tpu.memory_space<hbm>>
        tpu.enqueue_dma source(%dma_start3A_379 : memref<8x1024xf32, #tpu.memory_space<hbm>>) target(%arg5 : memref<8x1024xf32, #tpu.memory_space<vmem>>) target_semaphore(%arg15 : memref<!tpu.dma_semaphore, #tpu.memory_space<semaphore_mem>>)
      } else {
      }
      %dma_wait3A_299 = arith.constant 1 : i32
      %dma_wait3A_300 = arith.constant 1024 : i32
      %dma_wait3A_301 = tpu.memref_slice %arg2[%dma_wait3A_299, %multiple_of3A_262, %dma_wait3A_300] : memref<4x4096x2048xf32, #tpu.memory_space<hbm>> -> memref<1x8x1024xf32, #tpu.memory_space<hbm>>
      %dma_wait3A_302 = tpu.memref_squeeze %dma_wait3A_301 : memref<1x8x1024xf32, #tpu.memory_space<hbm>> -> memref<8x1024xf32, #tpu.memory_space<hbm>>
      %dma_wait3A_303 = arith.constant 1024 : i32
      %dma_wait3A_304 = tpu.memref_slice %arg2[%dma_wait3A_299, %multiple_of3A_262, %dma_wait3A_303] : memref<4x4096x2048xf32, #tpu.memory_space<hbm>> -> memref<1x8x1024xf32, #tpu.memory_space<hbm>>
      %dma_wait3A_305 = tpu.memref_squeeze %dma_wait3A_304 : memref<1x8x1024xf32, #tpu.memory_space<hbm>> -> memref<8x1024xf32, #tpu.memory_space<hbm>>
      tpu.wait_dma2 semaphore(%arg18 : memref<!tpu.dma_semaphore, #tpu.memory_space<semaphore_mem>>) src(%dma_wait3A_305 : memref<8x1024xf32, #tpu.memory_space<hbm>>) dst(%arg8 : memref<8x1024xf32, #tpu.memory_space<vmem>>)
      %parallel_loop3A_306 = arith.constant 0 : i32
      %parallel_loop3A_307 = arith.constant 64 : i32
      %parallel_loop3A_308 = arith.constant 1 : i32
      scf.for %parallel_loop3A_366 = %parallel_loop3A_306 to %parallel_loop3A_307 step %parallel_loop3A_308  : i32 {
        %parallel_loop3A_367 = arith.constant 16 : i32
        %parallel_loop3A_368 = arith.muli %parallel_loop3A_366, %parallel_loop3A_367 : i32
        %parallel_loop3A_369 = arith.constant 0 : i32
        %parallel_loop3A_370 = arith.index_cast %parallel_loop3A_369 : i32 to index
        %parallel_loop3A_371 = arith.index_cast %parallel_loop3A_368 : i32 to index
        %parallel_loop3A_372 = tpu.vector_load %arg8[%parallel_loop3A_370, %parallel_loop3A_371] {strides = array<i32>} : memref<8x1024xf32, #tpu.memory_space<vmem>>, vector<1x16xf32>,
        %parallel_loop3A_373 = vector.shape_cast %parallel_loop3A_372 : vector<1x16xf32> to vector<16xf32>
        %parallel_loop3A_374 = arith.constant 0 : i32
        %parallel_loop3A_375 = arith.index_cast %parallel_loop3A_374 : i32 to index
        %parallel_loop3A_376 = arith.index_cast %parallel_loop3A_368 : i32 to index
        %parallel_loop3A_377 = tpu.vector_load %arg14[%parallel_loop3A_375, %parallel_loop3A_376] {strides = array<i32>} : memref<8x1024xf32, #tpu.memory_space<vmem>>, vector<1x16xf32>,
        %parallel_loop3A_378 = vector.shape_cast %parallel_loop3A_377 : vector<1x16xf32> to vector<16xf32>
        %parallel_loop3A_379 = arith.addf %parallel_loop3A_373, %parallel_loop3A_378 : vector<16xf32>
        %parallel_loop3A_380 = arith.constant 0 : i32
        %parallel_loop3A_381 = arith.index_cast %parallel_loop3A_380 : i32 to index
        %parallel_loop3A_382 = arith.index_cast %parallel_loop3A_368 : i32 to index
        %parallel_loop3A_383 = tpu.vector_load %arg8[%parallel_loop3A_381, %parallel_loop3A_382] {strides = array<i32>} : memref<8x1024xf32, #tpu.memory_space<vmem>>, vector<1x16xf32>,
        %parallel_loop3A_384 = vector.shape_cast %parallel_loop3A_383 : vector<1x16xf32> to vector<16xf32>
        %parallel_loop3A_385 = vector.shape_cast %parallel_loop3A_379 : vector<16xf32> to vector<1x16xf32>
        tpu.vector_store %arg8[%parallel_loop3A_381, %parallel_loop3A_382], %parallel_loop3A_385 {strides = array<i32>} : memref<8x1024xf32, #tpu.memory_space<vmem>>, vector<1x16xf32>,
        %parallel_loop3A_386 = arith.constant 1 : i32
        %parallel_loop3A_387 = arith.index_cast %parallel_loop3A_386 : i32 to index
        %parallel_loop3A_388 = arith.index_cast %parallel_loop3A_368 : i32 to index
        %parallel_loop3A_389 = tpu.vector_load %arg8[%parallel_loop3A_387, %parallel_loop3A_388] {strides = array<i32>} : memref<8x1024xf32, #tpu.memory_space<vmem>>, vector<1x16xf32>,
        %parallel_loop3A_390 = vector.shape_cast %parallel_loop3A_389 : vector<1x16xf32> to vector<16xf32>
        %parallel_loop3A_391 = arith.constant 1 : i32
        %parallel_loop3A_392 = arith.index_cast %parallel_loop3A_391 : i32 to index
        %parallel_loop3A_393 = arith.index_cast %parallel_loop3A_368 : i32 to index
        %parallel_loop3A_394 = tpu.vector_load %arg14[%parallel_loop3A_392, %parallel_loop3A_393] {strides = array<i32>} : memref<8x1024xf32, #tpu.memory_space<vmem>>, vector<1x16xf32>,
        %parallel_loop3A_395 = vector.shape_cast %parallel_loop3A_394 : vector<1x16xf32> to vector<16xf32>
        %parallel_loop3A_396 = arith.addf %parallel_loop3A_390, %parallel_loop3A_395 : vector<16xf32>
        %parallel_loop3A_397 = arith.constant 1 : i32
        %parallel_loop3A_398 = arith.index_cast %parallel_loop3A_397 : i32 to index
        %parallel_loop3A_399 = arith.index_cast %parallel_loop3A_368 : i32 to index
        %parallel_loop3A_400 = tpu.vector_load %arg8[%parallel_loop3A_398, %parallel_loop3A_399] {strides = array<i32>} : memref<8x1024xf32, #tpu.memory_space<vmem>>, vector<1x16xf32>,
        %parallel_loop3A_401 = vector.shape_cast %parallel_loop3A_400 : vector<1x16xf32> to vector<16xf32>
        %parallel_loop3A_402 = vector.shape_cast %parallel_loop3A_396 : vector<16xf32> to vector<1x16xf32>
        tpu.vector_store %arg8[%parallel_loop3A_398, %parallel_loop3A_399], %parallel_loop3A_402 {strides = array<i32>} : memref<8x1024xf32, #tpu.memory_space<vmem>>, vector<1x16xf32>,
        %parallel_loop3A_403 = arith.constant 2 : i32
        %parallel_loop3A_404 = arith.index_cast %parallel_loop3A_403 : i32 to index
        %parallel_loop3A_405 = arith.index_cast %parallel_loop3A_368 : i32 to index
        %parallel_loop3A_406 = tpu.vector_load %arg8[%parallel_loop3A_404, %parallel_loop3A_405] {strides = array<i32>} : memref<8x1024xf32, #tpu.memory_space<vmem>>, vector<1x16xf32>,
        %parallel_loop3A_407 = vector.shape_cast %parallel_loop3A_406 : vector<1x16xf32> to vector<16xf32>
        %parallel_loop3A_408 = arith.constant 2 : i32
        %parallel_loop3A_409 = arith.index_cast %parallel_loop3A_408 : i32 to index
        %parallel_loop3A_410 = arith.index_cast %parallel_loop3A_368 : i32 to index
        %parallel_loop3A_411 = tpu.vector_load %arg14[%parallel_loop3A_409, %parallel_loop3A_410] {strides = array<i32>} : memref<8x1024xf32, #tpu.memory_space<vmem>>, vector<1x16xf32>,
        %parallel_loop3A_412 = vector.shape_cast %parallel_loop3A_411 : vector<1x16xf32> to vector<16xf32>
        %parallel_loop3A_413 = arith.addf %parallel_loop3A_407, %parallel_loop3A_412 : vector<16xf32>
        %parallel_loop3A_414 = arith.constant 2 : i32
        %parallel_loop3A_415 = arith.index_cast %parallel_loop3A_414 : i32 to index
        %parallel_loop3A_416 = arith.index_cast %parallel_loop3A_368 : i32 to index
        %parallel_loop3A_417 = tpu.vector_load %arg8[%parallel_loop3A_415, %parallel_loop3A_416] {strides = array<i32>} : memref<8x1024xf32, #tpu.memory_space<vmem>>, vector<1x16xf32>,
        %parallel_loop3A_418 = vector.shape_cast %parallel_loop3A_417 : vector<1x16xf32> to vector<16xf32>
        %parallel_loop3A_419 = vector.shape_cast %parallel_loop3A_413 : vector<16xf32> to vector<1x16xf32>
        tpu.vector_store %arg8[%parallel_loop3A_415, %parallel_loop3A_416], %parallel_loop3A_419 {strides = array<i32>} : memref<8x1024xf32, #tpu.memory_space<vmem>>, vector<1x16xf32>,
        %parallel_loop3A_420 = arith.constant 3 : i32
        %parallel_loop3A_421 = arith.index_cast %parallel_loop3A_420 : i32 to index
        %parallel_loop3A_422 = arith.index_cast %parallel_loop3A_368 : i32 to index
        %parallel_loop3A_423 = tpu.vector_load %arg8[%parallel_loop3A_421, %parallel_loop3A_422] {strides = array<i32>} : memref<8x1024xf32, #tpu.memory_space<vmem>>, vector<1x16xf32>,
        %parallel_loop3A_424 = vector.shape_cast %parallel_loop3A_423 : vector<1x16xf32> to vector<16xf32>
        %parallel_loop3A_425 = arith.constant 3 : i32
        %parallel_loop3A_426 = arith.index_cast %parallel_loop3A_425 : i32 to index
        %parallel_loop3A_427 = arith.index_cast %parallel_loop3A_368 : i32 to index
        %parallel_loop3A_428 = tpu.vector_load %arg14[%parallel_loop3A_426, %parallel_loop3A_427] {strides = array<i32>} : memref<8x1024xf32, #tpu.memory_space<vmem>>, vector<1x16xf32>,
        %parallel_loop3A_429 = vector.shape_cast %parallel_loop3A_428 : vector<1x16xf32> to vector<16xf32>
        %parallel_loop3A_430 = arith.addf %parallel_loop3A_424, %parallel_loop3A_429 : vector<16xf32>
        %parallel_loop3A_431 = arith.constant 3 : i32
        %parallel_loop3A_432 = arith.index_cast %parallel_loop3A_431 : i32 to index
        %parallel_loop3A_433 = arith.index_cast %parallel_loop3A_368 : i32 to index
        %parallel_loop3A_434 = tpu.vector_load %arg8[%parallel_loop3A_432, %parallel_loop3A_433] {strides = array<i32>} : memref<8x1024xf32, #tpu.memory_space<vmem>>, vector<1x16xf32>,
        %parallel_loop3A_435 = vector.shape_cast %parallel_loop3A_434 : vector<1x16xf32> to vector<16xf32>
        %parallel_loop3A_436 = vector.shape_cast %parallel_loop3A_430 : vector<16xf32> to vector<1x16xf32>
        tpu.vector_store %arg8[%parallel_loop3A_432, %parallel_loop3A_433], %parallel_loop3A_436 {strides = array<i32>} : memref<8x1024xf32, #tpu.memory_space<vmem>>, vector<1x16xf32>,
        %parallel_loop3A_437 = arith.constant 4 : i32
        %parallel_loop3A_438 = arith.index_cast %parallel_loop3A_437 : i32 to index
        %parallel_loop3A_439 = arith.index_cast %parallel_loop3A_368 : i32 to index
        %parallel_loop3A_440 = tpu.vector_load %arg8[%parallel_loop3A_438, %parallel_loop3A_439] {strides = array<i32>} : memref<8x1024xf32, #tpu.memory_space<vmem>>, vector<1x16xf32>,
        %parallel_loop3A_441 = vector.shape_cast %parallel_loop3A_440 : vector<1x16xf32> to vector<16xf32>
        %parallel_loop3A_442 = arith.constant 4 : i32
        %parallel_loop3A_443 = arith.index_cast %parallel_loop3A_442 : i32 to index
        %parallel_loop3A_444 = arith.index_cast %parallel_loop3A_368 : i32 to index
        %parallel_loop3A_445 = tpu.vector_load %arg14[%parallel_loop3A_443, %parallel_loop3A_444] {strides = array<i32>} : memref<8x1024xf32, #tpu.memory_space<vmem>>, vector<1x16xf32>,
        %parallel_loop3A_446 = vector.shape_cast %parallel_loop3A_445 : vector<1x16xf32> to vector<16xf32>
        %parallel_loop3A_447 = arith.addf %parallel_loop3A_441, %parallel_loop3A_446 : vector<16xf32>
        %parallel_loop3A_448 = arith.constant 4 : i32
        %parallel_loop3A_449 = arith.index_cast %parallel_loop3A_448 : i32 to index
        %parallel_loop3A_450 = arith.index_cast %parallel_loop3A_368 : i32 to index
        %parallel_loop3A_451 = tpu.vector_load %arg8[%parallel_loop3A_449, %parallel_loop3A_450] {strides = array<i32>} : memref<8x1024xf32, #tpu.memory_space<vmem>>, vector<1x16xf32>,
        %parallel_loop3A_452 = vector.shape_cast %parallel_loop3A_451 : vector<1x16xf32> to vector<16xf32>
        %parallel_loop3A_453 = vector.shape_cast %parallel_loop3A_447 : vector<16xf32> to vector<1x16xf32>
        tpu.vector_store %arg8[%parallel_loop3A_449, %parallel_loop3A_450], %parallel_loop3A_453 {strides = array<i32>} : memref<8x1024xf32, #tpu.memory_space<vmem>>, vector<1x16xf32>,
        %parallel_loop3A_454 = arith.constant 5 : i32
        %parallel_loop3A_455 = arith.index_cast %parallel_loop3A_454 : i32 to index
        %parallel_loop3A_456 = arith.index_cast %parallel_loop3A_368 : i32 to index
        %parallel_loop3A_457 = tpu.vector_load %arg8[%parallel_loop3A_455, %parallel_loop3A_456] {strides = array<i32>} : memref<8x1024xf32, #tpu.memory_space<vmem>>, vector<1x16xf32>,
        %parallel_loop3A_458 = vector.shape_cast %parallel_loop3A_457 : vector<1x16xf32> to vector<16xf32>
        %parallel_loop3A_459 = arith.constant 5 : i32
        %parallel_loop3A_460 = arith.index_cast %parallel_loop3A_459 : i32 to index
        %parallel_loop3A_461 = arith.index_cast %parallel_loop3A_368 : i32 to index
        %parallel_loop3A_462 = tpu.vector_load %arg14[%parallel_loop3A_460, %parallel_loop3A_461] {strides = array<i32>} : memref<8x1024xf32, #tpu.memory_space<vmem>>, vector<1x16xf32>,
        %parallel_loop3A_463 = vector.shape_cast %parallel_loop3A_462 : vector<1x16xf32> to vector<16xf32>
        %parallel_loop3A_464 = arith.addf %parallel_loop3A_458, %parallel_loop3A_463 : vector<16xf32>
        %parallel_loop3A_465 = arith.constant 5 : i32
        %parallel_loop3A_466 = arith.index_cast %parallel_loop3A_465 : i32 to index
        %parallel_loop3A_467 = arith.index_cast %parallel_loop3A_368 : i32 to index
        %parallel_loop3A_468 = tpu.vector_load %arg8[%parallel_loop3A_466, %parallel_loop3A_467] {strides = array<i32>} : memref<8x1024xf32, #tpu.memory_space<vmem>>, vector<1x16xf32>,
        %parallel_loop3A_469 = vector.shape_cast %parallel_loop3A_468 : vector<1x16xf32> to vector<16xf32>
        %parallel_loop3A_470 = vector.shape_cast %parallel_loop3A_464 : vector<16xf32> to vector<1x16xf32>
        tpu.vector_store %arg8[%parallel_loop3A_466, %parallel_loop3A_467], %parallel_loop3A_470 {strides = array<i32>} : memref<8x1024xf32, #tpu.memory_space<vmem>>, vector<1x16xf32>,
        %parallel_loop3A_471 = arith.constant 6 : i32
        %parallel_loop3A_472 = arith.index_cast %parallel_loop3A_471 : i32 to index
        %parallel_loop3A_473 = arith.index_cast %parallel_loop3A_368 : i32 to index
        %parallel_loop3A_474 = tpu.vector_load %arg8[%parallel_loop3A_472, %parallel_loop3A_473] {strides = array<i32>} : memref<8x1024xf32, #tpu.memory_space<vmem>>, vector<1x16xf32>,
        %parallel_loop3A_475 = vector.shape_cast %parallel_loop3A_474 : vector<1x16xf32> to vector<16xf32>
        %parallel_loop3A_476 = arith.constant 6 : i32
        %parallel_loop3A_477 = arith.index_cast %parallel_loop3A_476 : i32 to index
        %parallel_loop3A_478 = arith.index_cast %parallel_loop3A_368 : i32 to index
        %parallel_loop3A_479 = tpu.vector_load %arg14[%parallel_loop3A_477, %parallel_loop3A_478] {strides = array<i32>} : memref<8x1024xf32, #tpu.memory_space<vmem>>, vector<1x16xf32>,
        %parallel_loop3A_480 = vector.shape_cast %parallel_loop3A_479 : vector<1x16xf32> to vector<16xf32>
        %parallel_loop3A_481 = arith.addf %parallel_loop3A_475, %parallel_loop3A_480 : vector<16xf32>
        %parallel_loop3A_482 = arith.constant 6 : i32
        %parallel_loop3A_483 = arith.index_cast %parallel_loop3A_482 : i32 to index
        %parallel_loop3A_484 = arith.index_cast %parallel_loop3A_368 : i32 to index
        %parallel_loop3A_485 = tpu.vector_load %arg8[%parallel_loop3A_483, %parallel_loop3A_484] {strides = array<i32>} : memref<8x1024xf32, #tpu.memory_space<vmem>>, vector<1x16xf32>,
        %parallel_loop3A_486 = vector.shape_cast %parallel_loop3A_485 : vector<1x16xf32> to vector<16xf32>
        %parallel_loop3A_487 = vector.shape_cast %parallel_loop3A_481 : vector<16xf32> to vector<1x16xf32>
        tpu.vector_store %arg8[%parallel_loop3A_483, %parallel_loop3A_484], %parallel_loop3A_487 {strides = array<i32>} : memref<8x1024xf32, #tpu.memory_space<vmem>>, vector<1x16xf32>,
        %parallel_loop3A_488 = arith.constant 7 : i32
        %parallel_loop3A_489 = arith.index_cast %parallel_loop3A_488 : i32 to index
        %parallel_loop3A_490 = arith.index_cast %parallel_loop3A_368 : i32 to index
        %parallel_loop3A_491 = tpu.vector_load %arg8[%parallel_loop3A_489, %parallel_loop3A_490] {strides = array<i32>} : memref<8x1024xf32, #tpu.memory_space<vmem>>, vector<1x16xf32>,
        %parallel_loop3A_492 = vector.shape_cast %parallel_loop3A_491 : vector<1x16xf32> to vector<16xf32>
        %parallel_loop3A_493 = arith.constant 7 : i32
        %parallel_loop3A_494 = arith.index_cast %parallel_loop3A_493 : i32 to index
        %parallel_loop3A_495 = arith.index_cast %parallel_loop3A_368 : i32 to index
        %parallel_loop3A_496 = tpu.vector_load %arg14[%parallel_loop3A_494, %parallel_loop3A_495] {strides = array<i32>} : memref<8x1024xf32, #tpu.memory_space<vmem>>, vector<1x16xf32>,
        %parallel_loop3A_497 = vector.shape_cast %parallel_loop3A_496 : vector<1x16xf32> to vector<16xf32>
        %parallel_loop3A_498 = arith.addf %parallel_loop3A_492, %parallel_loop3A_497 : vector<16xf32>
        %parallel_loop3A_499 = arith.constant 7 : i32
        %parallel_loop3A_500 = arith.index_cast %parallel_loop3A_499 : i32 to index
        %parallel_loop3A_501 = arith.index_cast %parallel_loop3A_368 : i32 to index
        %parallel_loop3A_502 = tpu.vector_load %arg8[%parallel_loop3A_500, %parallel_loop3A_501] {strides = array<i32>} : memref<8x1024xf32, #tpu.memory_space<vmem>>, vector<1x16xf32>,
        %parallel_loop3A_503 = vector.shape_cast %parallel_loop3A_502 : vector<1x16xf32> to vector<16xf32>
        %parallel_loop3A_504 = vector.shape_cast %parallel_loop3A_498 : vector<16xf32> to vector<1x16xf32>
        tpu.vector_store %arg8[%parallel_loop3A_500, %parallel_loop3A_501], %parallel_loop3A_504 {strides = array<i32>} : memref<8x1024xf32, #tpu.memory_space<vmem>>, vector<1x16xf32>,
      } {sc.loop_unroll_factor = 2 : i64, sc.parallel_access}
      %dma_start3A_309 = arith.constant 1 : i32
      %dma_start3A_310 = arith.constant 1024 : i32
      %dma_start3A_311 = tpu.memref_slice %arg4[%dma_start3A_309, %multiple_of3A_262, %dma_start3A_310] : memref<4x4096x2048xf32, #tpu.memory_space<hbm>> -> memref<1x8x1024xf32, #tpu.memory_space<hbm>>
      %dma_start3A_312 = tpu.memref_squeeze %dma_start3A_311 : memref<1x8x1024xf32, #tpu.memory_space<hbm>> -> memref<8x1024xf32, #tpu.memory_space<hbm>>
      %dma_start3A_313 = arith.constant 1024 : i32
      %dma_start3A_314 = tpu.memref_slice %arg4[%dma_start3A_309, %multiple_of3A_262, %dma_start3A_313] : memref<4x4096x2048xf32, #tpu.memory_space<hbm>> -> memref<1x8x1024xf32, #tpu.memory_space<hbm>>
      %dma_start3A_315 = tpu.memref_squeeze %dma_start3A_314 : memref<1x8x1024xf32, #tpu.memory_space<hbm>> -> memref<8x1024xf32, #tpu.memory_space<hbm>>
      tpu.enqueue_dma source(%arg8 : memref<8x1024xf32, #tpu.memory_space<vmem>>) target(%dma_start3A_315 : memref<8x1024xf32, #tpu.memory_space<hbm>>) target_semaphore(%arg26 : memref<!tpu.dma_semaphore, #tpu.memory_space<semaphore_mem>>)
      %lt3A_316 = arith.constant 15 : i32
      %lt3A_317 = arith.cmpi slt, %scan3A_133, %lt3A_316 : i32
      %convert_element_type3A_318 = arith.extui %lt3A_317 : i1 to i32
      %cond3A_319 = arith.constant 0 : i32
      %cond3A_320 = arith.cmpi ne, %convert_element_type3A_318, %cond3A_319 : i32
      scf.if %cond3A_320 {
        %dma_wait3A_366 = arith.constant 1 : i32
        %dma_wait3A_367 = arith.constant 1024 : i32
        %dma_wait3A_368 = tpu.memref_slice %arg4[%dma_wait3A_366, %multiple_of3A_262, %dma_wait3A_367] : memref<4x4096x2048xf32, #tpu.memory_space<hbm>> -> memref<1x8x1024xf32, #tpu.memory_space<hbm>>
        %dma_wait3A_369 = tpu.memref_squeeze %dma_wait3A_368 : memref<1x8x1024xf32, #tpu.memory_space<hbm>> -> memref<8x1024xf32, #tpu.memory_space<hbm>>
        %dma_wait3A_370 = arith.constant 1024 : i32
        %dma_wait3A_371 = tpu.memref_slice %arg4[%dma_wait3A_366, %multiple_of3A_262, %dma_wait3A_370] : memref<4x4096x2048xf32, #tpu.memory_space<hbm>> -> memref<1x8x1024xf32, #tpu.memory_space<hbm>>
        %dma_wait3A_372 = tpu.memref_squeeze %dma_wait3A_371 : memref<1x8x1024xf32, #tpu.memory_space<hbm>> -> memref<8x1024xf32, #tpu.memory_space<hbm>>
        tpu.wait_dma2 semaphore(%arg25 : memref<!tpu.dma_semaphore, #tpu.memory_space<semaphore_mem>>) src(%arg7 : memref<8x1024xf32, #tpu.memory_space<vmem>>) dst(%dma_wait3A_372 : memref<8x1024xf32, #tpu.memory_space<hbm>>)
        %dma_start3A_373 = arith.constant 1 : i32
        %dma_start3A_374 = arith.constant 0 : i32
        %dma_start3A_375 = tpu.memref_slice %arg2[%dma_start3A_373, %multiple_of3A_268, %dma_start3A_374] : memref<4x4096x2048xf32, #tpu.memory_space<hbm>> -> memref<1x8x1024xf32, #tpu.memory_space<hbm>>
        %dma_start3A_376 = tpu.memref_squeeze %dma_start3A_375 : memref<1x8x1024xf32, #tpu.memory_space<hbm>> -> memref<8x1024xf32, #tpu.memory_space<hbm>>
        %dma_start3A_377 = arith.constant 0 : i32
        %dma_start3A_378 = tpu.memref_slice %arg2[%dma_start3A_373, %multiple_of3A_268, %dma_start3A_377] : memref<4x4096x2048xf32, #tpu.memory_space<hbm>> -> memref<1x8x1024xf32, #tpu.memory_space<hbm>>
        %dma_start3A_379 = tpu.memref_squeeze %dma_start3A_378 : memref<1x8x1024xf32, #tpu.memory_space<hbm>> -> memref<8x1024xf32, #tpu.memory_space<hbm>>
        tpu.enqueue_dma source(%dma_start3A_379 : memref<8x1024xf32, #tpu.memory_space<hbm>>) target(%arg7 : memref<8x1024xf32, #tpu.memory_space<vmem>>) target_semaphore(%arg17 : memref<!tpu.dma_semaphore, #tpu.memory_space<semaphore_mem>>)
      } else {
      }
      %dma_wait3A_321 = arith.constant 2 : i32
      %dma_wait3A_322 = arith.constant 1024 : i32
      %dma_wait3A_323 = tpu.memref_slice %arg2[%dma_wait3A_321, %multiple_of3A_262, %dma_wait3A_322] : memref<4x4096x2048xf32, #tpu.memory_space<hbm>> -> memref<1x8x1024xf32, #tpu.memory_space<hbm>>
      %dma_wait3A_324 = tpu.memref_squeeze %dma_wait3A_323 : memref<1x8x1024xf32, #tpu.memory_space<hbm>> -> memref<8x1024xf32, #tpu.memory_space<hbm>>
      %dma_wait3A_325 = arith.constant 1024 : i32
      %dma_wait3A_326 = tpu.memref_slice %arg2[%dma_wait3A_321, %multiple_of3A_262, %dma_wait3A_325] : memref<4x4096x2048xf32, #tpu.memory_space<hbm>> -> memref<1x8x1024xf32, #tpu.memory_space<hbm>>
      %dma_wait3A_327 = tpu.memref_squeeze %dma_wait3A_326 : memref<1x8x1024xf32, #tpu.memory_space<hbm>> -> memref<8x1024xf32, #tpu.memory_space<hbm>>
      tpu.wait_dma2 semaphore(%arg20 : memref<!tpu.dma_semaphore, #tpu.memory_space<semaphore_mem>>) src(%dma_wait3A_327 : memref<8x1024xf32, #tpu.memory_space<hbm>>) dst(%arg10 : memref<8x1024xf32, #tpu.memory_space<vmem>>)
      %parallel_loop3A_328 = arith.constant 0 : i32
      %parallel_loop3A_329 = arith.constant 64 : i32
      %parallel_loop3A_330 = arith.constant 1 : i32
      scf.for %parallel_loop3A_366 = %parallel_loop3A_328 to %parallel_loop3A_329 step %parallel_loop3A_330  : i32 {
        %parallel_loop3A_367 = arith.constant 16 : i32
        %parallel_loop3A_368 = arith.muli %parallel_loop3A_366, %parallel_loop3A_367 : i32
        %parallel_loop3A_369 = arith.constant 0 : i32
        %parallel_loop3A_370 = arith.index_cast %parallel_loop3A_369 : i32 to index
        %parallel_loop3A_371 = arith.index_cast %parallel_loop3A_368 : i32 to index
        %parallel_loop3A_372 = tpu.vector_load %arg10[%parallel_loop3A_370, %parallel_loop3A_371] {strides = array<i32>} : memref<8x1024xf32, #tpu.memory_space<vmem>>, vector<1x16xf32>,
        %parallel_loop3A_373 = vector.shape_cast %parallel_loop3A_372 : vector<1x16xf32> to vector<16xf32>
        %parallel_loop3A_374 = arith.constant 0 : i32
        %parallel_loop3A_375 = arith.index_cast %parallel_loop3A_374 : i32 to index
        %parallel_loop3A_376 = arith.index_cast %parallel_loop3A_368 : i32 to index
        %parallel_loop3A_377 = tpu.vector_load %arg14[%parallel_loop3A_375, %parallel_loop3A_376] {strides = array<i32>} : memref<8x1024xf32, #tpu.memory_space<vmem>>, vector<1x16xf32>,
        %parallel_loop3A_378 = vector.shape_cast %parallel_loop3A_377 : vector<1x16xf32> to vector<16xf32>
        %parallel_loop3A_379 = arith.addf %parallel_loop3A_373, %parallel_loop3A_378 : vector<16xf32>
        %parallel_loop3A_380 = arith.constant 0 : i32
        %parallel_loop3A_381 = arith.index_cast %parallel_loop3A_380 : i32 to index
        %parallel_loop3A_382 = arith.index_cast %parallel_loop3A_368 : i32 to index
        %parallel_loop3A_383 = tpu.vector_load %arg10[%parallel_loop3A_381, %parallel_loop3A_382] {strides = array<i32>} : memref<8x1024xf32, #tpu.memory_space<vmem>>, vector<1x16xf32>,
        %parallel_loop3A_384 = vector.shape_cast %parallel_loop3A_383 : vector<1x16xf32> to vector<16xf32>
        %parallel_loop3A_385 = vector.shape_cast %parallel_loop3A_379 : vector<16xf32> to vector<1x16xf32>
        tpu.vector_store %arg10[%parallel_loop3A_381, %parallel_loop3A_382], %parallel_loop3A_385 {strides = array<i32>} : memref<8x1024xf32, #tpu.memory_space<vmem>>, vector<1x16xf32>,
        %parallel_loop3A_386 = arith.constant 1 : i32
        %parallel_loop3A_387 = arith.index_cast %parallel_loop3A_386 : i32 to index
        %parallel_loop3A_388 = arith.index_cast %parallel_loop3A_368 : i32 to index
        %parallel_loop3A_389 = tpu.vector_load %arg10[%parallel_loop3A_387, %parallel_loop3A_388] {strides = array<i32>} : memref<8x1024xf32, #tpu.memory_space<vmem>>, vector<1x16xf32>,
        %parallel_loop3A_390 = vector.shape_cast %parallel_loop3A_389 : vector<1x16xf32> to vector<16xf32>
        %parallel_loop3A_391 = arith.constant 1 : i32
        %parallel_loop3A_392 = arith.index_cast %parallel_loop3A_391 : i32 to index
        %parallel_loop3A_393 = arith.index_cast %parallel_loop3A_368 : i32 to index
        %parallel_loop3A_394 = tpu.vector_load %arg14[%parallel_loop3A_392, %parallel_loop3A_393] {strides = array<i32>} : memref<8x1024xf32, #tpu.memory_space<vmem>>, vector<1x16xf32>,
        %parallel_loop3A_395 = vector.shape_cast %parallel_loop3A_394 : vector<1x16xf32> to vector<16xf32>
        %parallel_loop3A_396 = arith.addf %parallel_loop3A_390, %parallel_loop3A_395 : vector<16xf32>
        %parallel_loop3A_397 = arith.constant 1 : i32
        %parallel_loop3A_398 = arith.index_cast %parallel_loop3A_397 : i32 to index
        %parallel_loop3A_399 = arith.index_cast %parallel_loop3A_368 : i32 to index
        %parallel_loop3A_400 = tpu.vector_load %arg10[%parallel_loop3A_398, %parallel_loop3A_399] {strides = array<i32>} : memref<8x1024xf32, #tpu.memory_space<vmem>>, vector<1x16xf32>,
        %parallel_loop3A_401 = vector.shape_cast %parallel_loop3A_400 : vector<1x16xf32> to vector<16xf32>
        %parallel_loop3A_402 = vector.shape_cast %parallel_loop3A_396 : vector<16xf32> to vector<1x16xf32>
        tpu.vector_store %arg10[%parallel_loop3A_398, %parallel_loop3A_399], %parallel_loop3A_402 {strides = array<i32>} : memref<8x1024xf32, #tpu.memory_space<vmem>>, vector<1x16xf32>,
        %parallel_loop3A_403 = arith.constant 2 : i32
        %parallel_loop3A_404 = arith.index_cast %parallel_loop3A_403 : i32 to index
        %parallel_loop3A_405 = arith.index_cast %parallel_loop3A_368 : i32 to index
        %parallel_loop3A_406 = tpu.vector_load %arg10[%parallel_loop3A_404, %parallel_loop3A_405] {strides = array<i32>} : memref<8x1024xf32, #tpu.memory_space<vmem>>, vector<1x16xf32>,
        %parallel_loop3A_407 = vector.shape_cast %parallel_loop3A_406 : vector<1x16xf32> to vector<16xf32>
        %parallel_loop3A_408 = arith.constant 2 : i32
        %parallel_loop3A_409 = arith.index_cast %parallel_loop3A_408 : i32 to index
        %parallel_loop3A_410 = arith.index_cast %parallel_loop3A_368 : i32 to index
        %parallel_loop3A_411 = tpu.vector_load %arg14[%parallel_loop3A_409, %parallel_loop3A_410] {strides = array<i32>} : memref<8x1024xf32, #tpu.memory_space<vmem>>, vector<1x16xf32>,
        %parallel_loop3A_412 = vector.shape_cast %parallel_loop3A_411 : vector<1x16xf32> to vector<16xf32>
        %parallel_loop3A_413 = arith.addf %parallel_loop3A_407, %parallel_loop3A_412 : vector<16xf32>
        %parallel_loop3A_414 = arith.constant 2 : i32
        %parallel_loop3A_415 = arith.index_cast %parallel_loop3A_414 : i32 to index
        %parallel_loop3A_416 = arith.index_cast %parallel_loop3A_368 : i32 to index
        %parallel_loop3A_417 = tpu.vector_load %arg10[%parallel_loop3A_415, %parallel_loop3A_416] {strides = array<i32>} : memref<8x1024xf32, #tpu.memory_space<vmem>>, vector<1x16xf32>,
        %parallel_loop3A_418 = vector.shape_cast %parallel_loop3A_417 : vector<1x16xf32> to vector<16xf32>
        %parallel_loop3A_419 = vector.shape_cast %parallel_loop3A_413 : vector<16xf32> to vector<1x16xf32>
        tpu.vector_store %arg10[%parallel_loop3A_415, %parallel_loop3A_416], %parallel_loop3A_419 {strides = array<i32>} : memref<8x1024xf32, #tpu.memory_space<vmem>>, vector<1x16xf32>,
        %parallel_loop3A_420 = arith.constant 3 : i32
        %parallel_loop3A_421 = arith.index_cast %parallel_loop3A_420 : i32 to index
        %parallel_loop3A_422 = arith.index_cast %parallel_loop3A_368 : i32 to index
        %parallel_loop3A_423 = tpu.vector_load %arg10[%parallel_loop3A_421, %parallel_loop3A_422] {strides = array<i32>} : memref<8x1024xf32, #tpu.memory_space<vmem>>, vector<1x16xf32>,
        %parallel_loop3A_424 = vector.shape_cast %parallel_loop3A_423 : vector<1x16xf32> to vector<16xf32>
        %parallel_loop3A_425 = arith.constant 3 : i32
        %parallel_loop3A_426 = arith.index_cast %parallel_loop3A_425 : i32 to index
        %parallel_loop3A_427 = arith.index_cast %parallel_loop3A_368 : i32 to index
        %parallel_loop3A_428 = tpu.vector_load %arg14[%parallel_loop3A_426, %parallel_loop3A_427] {strides = array<i32>} : memref<8x1024xf32, #tpu.memory_space<vmem>>, vector<1x16xf32>,
        %parallel_loop3A_429 = vector.shape_cast %parallel_loop3A_428 : vector<1x16xf32> to vector<16xf32>
        %parallel_loop3A_430 = arith.addf %parallel_loop3A_424, %parallel_loop3A_429 : vector<16xf32>
        %parallel_loop3A_431 = arith.constant 3 : i32
        %parallel_loop3A_432 = arith.index_cast %parallel_loop3A_431 : i32 to index
        %parallel_loop3A_433 = arith.index_cast %parallel_loop3A_368 : i32 to index
        %parallel_loop3A_434 = tpu.vector_load %arg10[%parallel_loop3A_432, %parallel_loop3A_433] {strides = array<i32>} : memref<8x1024xf32, #tpu.memory_space<vmem>>, vector<1x16xf32>,
        %parallel_loop3A_435 = vector.shape_cast %parallel_loop3A_434 : vector<1x16xf32> to vector<16xf32>
        %parallel_loop3A_436 = vector.shape_cast %parallel_loop3A_430 : vector<16xf32> to vector<1x16xf32>
        tpu.vector_store %arg10[%parallel_loop3A_432, %parallel_loop3A_433], %parallel_loop3A_436 {strides = array<i32>} : memref<8x1024xf32, #tpu.memory_space<vmem>>, vector<1x16xf32>,
        %parallel_loop3A_437 = arith.constant 4 : i32
        %parallel_loop3A_438 = arith.index_cast %parallel_loop3A_437 : i32 to index
        %parallel_loop3A_439 = arith.index_cast %parallel_loop3A_368 : i32 to index
        %parallel_loop3A_440 = tpu.vector_load %arg10[%parallel_loop3A_438, %parallel_loop3A_439] {strides = array<i32>} : memref<8x1024xf32, #tpu.memory_space<vmem>>, vector<1x16xf32>,
        %parallel_loop3A_441 = vector.shape_cast %parallel_loop3A_440 : vector<1x16xf32> to vector<16xf32>
        %parallel_loop3A_442 = arith.constant 4 : i32
        %parallel_loop3A_443 = arith.index_cast %parallel_loop3A_442 : i32 to index
        %parallel_loop3A_444 = arith.index_cast %parallel_loop3A_368 : i32 to index
        %parallel_loop3A_445 = tpu.vector_load %arg14[%parallel_loop3A_443, %parallel_loop3A_444] {strides = array<i32>} : memref<8x1024xf32, #tpu.memory_space<vmem>>, vector<1x16xf32>,
        %parallel_loop3A_446 = vector.shape_cast %parallel_loop3A_445 : vector<1x16xf32> to vector<16xf32>
        %parallel_loop3A_447 = arith.addf %parallel_loop3A_441, %parallel_loop3A_446 : vector<16xf32>
        %parallel_loop3A_448 = arith.constant 4 : i32
        %parallel_loop3A_449 = arith.index_cast %parallel_loop3A_448 : i32 to index
        %parallel_loop3A_450 = arith.index_cast %parallel_loop3A_368 : i32 to index
        %parallel_loop3A_451 = tpu.vector_load %arg10[%parallel_loop3A_449, %parallel_loop3A_450] {strides = array<i32>} : memref<8x1024xf32, #tpu.memory_space<vmem>>, vector<1x16xf32>,
        %parallel_loop3A_452 = vector.shape_cast %parallel_loop3A_451 : vector<1x16xf32> to vector<16xf32>
        %parallel_loop3A_453 = vector.shape_cast %parallel_loop3A_447 : vector<16xf32> to vector<1x16xf32>
        tpu.vector_store %arg10[%parallel_loop3A_449, %parallel_loop3A_450], %parallel_loop3A_453 {strides = array<i32>} : memref<8x1024xf32, #tpu.memory_space<vmem>>, vector<1x16xf32>,
        %parallel_loop3A_454 = arith.constant 5 : i32
        %parallel_loop3A_455 = arith.index_cast %parallel_loop3A_454 : i32 to index
        %parallel_loop3A_456 = arith.index_cast %parallel_loop3A_368 : i32 to index
        %parallel_loop3A_457 = tpu.vector_load %arg10[%parallel_loop3A_455, %parallel_loop3A_456] {strides = array<i32>} : memref<8x1024xf32, #tpu.memory_space<vmem>>, vector<1x16xf32>,
        %parallel_loop3A_458 = vector.shape_cast %parallel_loop3A_457 : vector<1x16xf32> to vector<16xf32>
        %parallel_loop3A_459 = arith.constant 5 : i32
        %parallel_loop3A_460 = arith.index_cast %parallel_loop3A_459 : i32 to index
        %parallel_loop3A_461 = arith.index_cast %parallel_loop3A_368 : i32 to index
        %parallel_loop3A_462 = tpu.vector_load %arg14[%parallel_loop3A_460, %parallel_loop3A_461] {strides = array<i32>} : memref<8x1024xf32, #tpu.memory_space<vmem>>, vector<1x16xf32>,
        %parallel_loop3A_463 = vector.shape_cast %parallel_loop3A_462 : vector<1x16xf32> to vector<16xf32>
        %parallel_loop3A_464 = arith.addf %parallel_loop3A_458, %parallel_loop3A_463 : vector<16xf32>
        %parallel_loop3A_465 = arith.constant 5 : i32
        %parallel_loop3A_466 = arith.index_cast %parallel_loop3A_465 : i32 to index
        %parallel_loop3A_467 = arith.index_cast %parallel_loop3A_368 : i32 to index
        %parallel_loop3A_468 = tpu.vector_load %arg10[%parallel_loop3A_466, %parallel_loop3A_467] {strides = array<i32>} : memref<8x1024xf32, #tpu.memory_space<vmem>>, vector<1x16xf32>,
        %parallel_loop3A_469 = vector.shape_cast %parallel_loop3A_468 : vector<1x16xf32> to vector<16xf32>
        %parallel_loop3A_470 = vector.shape_cast %parallel_loop3A_464 : vector<16xf32> to vector<1x16xf32>
        tpu.vector_store %arg10[%parallel_loop3A_466, %parallel_loop3A_467], %parallel_loop3A_470 {strides = array<i32>} : memref<8x1024xf32, #tpu.memory_space<vmem>>, vector<1x16xf32>,
        %parallel_loop3A_471 = arith.constant 6 : i32
        %parallel_loop3A_472 = arith.index_cast %parallel_loop3A_471 : i32 to index
        %parallel_loop3A_473 = arith.index_cast %parallel_loop3A_368 : i32 to index
        %parallel_loop3A_474 = tpu.vector_load %arg10[%parallel_loop3A_472, %parallel_loop3A_473] {strides = array<i32>} : memref<8x1024xf32, #tpu.memory_space<vmem>>, vector<1x16xf32>,
        %parallel_loop3A_475 = vector.shape_cast %parallel_loop3A_474 : vector<1x16xf32> to vector<16xf32>
        %parallel_loop3A_476 = arith.constant 6 : i32
        %parallel_loop3A_477 = arith.index_cast %parallel_loop3A_476 : i32 to index
        %parallel_loop3A_478 = arith.index_cast %parallel_loop3A_368 : i32 to index
        %parallel_loop3A_479 = tpu.vector_load %arg14[%parallel_loop3A_477, %parallel_loop3A_478] {strides = array<i32>} : memref<8x1024xf32, #tpu.memory_space<vmem>>, vector<1x16xf32>,
        %parallel_loop3A_480 = vector.shape_cast %parallel_loop3A_479 : vector<1x16xf32> to vector<16xf32>
        %parallel_loop3A_481 = arith.addf %parallel_loop3A_475, %parallel_loop3A_480 : vector<16xf32>
        %parallel_loop3A_482 = arith.constant 6 : i32
        %parallel_loop3A_483 = arith.index_cast %parallel_loop3A_482 : i32 to index
        %parallel_loop3A_484 = arith.index_cast %parallel_loop3A_368 : i32 to index
        %parallel_loop3A_485 = tpu.vector_load %arg10[%parallel_loop3A_483, %parallel_loop3A_484] {strides = array<i32>} : memref<8x1024xf32, #tpu.memory_space<vmem>>, vector<1x16xf32>,
        %parallel_loop3A_486 = vector.shape_cast %parallel_loop3A_485 : vector<1x16xf32> to vector<16xf32>
        %parallel_loop3A_487 = vector.shape_cast %parallel_loop3A_481 : vector<16xf32> to vector<1x16xf32>
        tpu.vector_store %arg10[%parallel_loop3A_483, %parallel_loop3A_484], %parallel_loop3A_487 {strides = array<i32>} : memref<8x1024xf32, #tpu.memory_space<vmem>>, vector<1x16xf32>,
        %parallel_loop3A_488 = arith.constant 7 : i32
        %parallel_loop3A_489 = arith.index_cast %parallel_loop3A_488 : i32 to index
        %parallel_loop3A_490 = arith.index_cast %parallel_loop3A_368 : i32 to index
        %parallel_loop3A_491 = tpu.vector_load %arg10[%parallel_loop3A_489, %parallel_loop3A_490] {strides = array<i32>} : memref<8x1024xf32, #tpu.memory_space<vmem>>, vector<1x16xf32>,
        %parallel_loop3A_492 = vector.shape_cast %parallel_loop3A_491 : vector<1x16xf32> to vector<16xf32>
        %parallel_loop3A_493 = arith.constant 7 : i32
        %parallel_loop3A_494 = arith.index_cast %parallel_loop3A_493 : i32 to index
        %parallel_loop3A_495 = arith.index_cast %parallel_loop3A_368 : i32 to index
        %parallel_loop3A_496 = tpu.vector_load %arg14[%parallel_loop3A_494, %parallel_loop3A_495] {strides = array<i32>} : memref<8x1024xf32, #tpu.memory_space<vmem>>, vector<1x16xf32>,
        %parallel_loop3A_497 = vector.shape_cast %parallel_loop3A_496 : vector<1x16xf32> to vector<16xf32>
        %parallel_loop3A_498 = arith.addf %parallel_loop3A_492, %parallel_loop3A_497 : vector<16xf32>
        %parallel_loop3A_499 = arith.constant 7 : i32
        %parallel_loop3A_500 = arith.index_cast %parallel_loop3A_499 : i32 to index
        %parallel_loop3A_501 = arith.index_cast %parallel_loop3A_368 : i32 to index
        %parallel_loop3A_502 = tpu.vector_load %arg10[%parallel_loop3A_500, %parallel_loop3A_501] {strides = array<i32>} : memref<8x1024xf32, #tpu.memory_space<vmem>>, vector<1x16xf32>,
        %parallel_loop3A_503 = vector.shape_cast %parallel_loop3A_502 : vector<1x16xf32> to vector<16xf32>
        %parallel_loop3A_504 = vector.shape_cast %parallel_loop3A_498 : vector<16xf32> to vector<1x16xf32>
        tpu.vector_store %arg10[%parallel_loop3A_500, %parallel_loop3A_501], %parallel_loop3A_504 {strides = array<i32>} : memref<8x1024xf32, #tpu.memory_space<vmem>>, vector<1x16xf32>,
      } {sc.loop_unroll_factor = 2 : i64, sc.parallel_access}
      %dma_start3A_331 = arith.constant 2 : i32
      %dma_start3A_332 = arith.constant 1024 : i32
      %dma_start3A_333 = tpu.memref_slice %arg4[%dma_start3A_331, %multiple_of3A_262, %dma_start3A_332] : memref<4x4096x2048xf32, #tpu.memory_space<hbm>> -> memref<1x8x1024xf32, #tpu.memory_space<hbm>>
      %dma_start3A_334 = tpu.memref_squeeze %dma_start3A_333 : memref<1x8x1024xf32, #tpu.memory_space<hbm>> -> memref<8x1024xf32, #tpu.memory_space<hbm>>
      %dma_start3A_335 = arith.constant 1024 : i32
      %dma_start3A_336 = tpu.memref_slice %arg4[%dma_start3A_331, %multiple_of3A_262, %dma_start3A_335] : memref<4x4096x2048xf32, #tpu.memory_space<hbm>> -> memref<1x8x1024xf32, #tpu.memory_space<hbm>>
      %dma_start3A_337 = tpu.memref_squeeze %dma_start3A_336 : memref<1x8x1024xf32, #tpu.memory_space<hbm>> -> memref<8x1024xf32, #tpu.memory_space<hbm>>
      tpu.enqueue_dma source(%arg10 : memref<8x1024xf32, #tpu.memory_space<vmem>>) target(%dma_start3A_337 : memref<8x1024xf32, #tpu.memory_space<hbm>>) target_semaphore(%arg28 : memref<!tpu.dma_semaphore, #tpu.memory_space<semaphore_mem>>)
      %lt3A_338 = arith.constant 15 : i32
      %lt3A_339 = arith.cmpi slt, %scan3A_133, %lt3A_338 : i32
      %convert_element_type3A_340 = arith.extui %lt3A_339 : i1 to i32
      %cond3A_341 = arith.constant 0 : i32
      %cond3A_342 = arith.cmpi ne, %convert_element_type3A_340, %cond3A_341 : i32
      scf.if %cond3A_342 {
        %dma_wait3A_366 = arith.constant 2 : i32
        %dma_wait3A_367 = arith.constant 1024 : i32
        %dma_wait3A_368 = tpu.memref_slice %arg4[%dma_wait3A_366, %multiple_of3A_262, %dma_wait3A_367] : memref<4x4096x2048xf32, #tpu.memory_space<hbm>> -> memref<1x8x1024xf32, #tpu.memory_space<hbm>>
        %dma_wait3A_369 = tpu.memref_squeeze %dma_wait3A_368 : memref<1x8x1024xf32, #tpu.memory_space<hbm>> -> memref<8x1024xf32, #tpu.memory_space<hbm>>
        %dma_wait3A_370 = arith.constant 1024 : i32
        %dma_wait3A_371 = tpu.memref_slice %arg4[%dma_wait3A_366, %multiple_of3A_262, %dma_wait3A_370] : memref<4x4096x2048xf32, #tpu.memory_space<hbm>> -> memref<1x8x1024xf32, #tpu.memory_space<hbm>>
        %dma_wait3A_372 = tpu.memref_squeeze %dma_wait3A_371 : memref<1x8x1024xf32, #tpu.memory_space<hbm>> -> memref<8x1024xf32, #tpu.memory_space<hbm>>
        tpu.wait_dma2 semaphore(%arg27 : memref<!tpu.dma_semaphore, #tpu.memory_space<semaphore_mem>>) src(%arg9 : memref<8x1024xf32, #tpu.memory_space<vmem>>) dst(%dma_wait3A_372 : memref<8x1024xf32, #tpu.memory_space<hbm>>)
        %dma_start3A_373 = arith.constant 2 : i32
        %dma_start3A_374 = arith.constant 0 : i32
        %dma_start3A_375 = tpu.memref_slice %arg2[%dma_start3A_373, %multiple_of3A_268, %dma_start3A_374] : memref<4x4096x2048xf32, #tpu.memory_space<hbm>> -> memref<1x8x1024xf32, #tpu.memory_space<hbm>>
        %dma_start3A_376 = tpu.memref_squeeze %dma_start3A_375 : memref<1x8x1024xf32, #tpu.memory_space<hbm>> -> memref<8x1024xf32, #tpu.memory_space<hbm>>
        %dma_start3A_377 = arith.constant 0 : i32
        %dma_start3A_378 = tpu.memref_slice %arg2[%dma_start3A_373, %multiple_of3A_268, %dma_start3A_377] : memref<4x4096x2048xf32, #tpu.memory_space<hbm>> -> memref<1x8x1024xf32, #tpu.memory_space<hbm>>
        %dma_start3A_379 = tpu.memref_squeeze %dma_start3A_378 : memref<1x8x1024xf32, #tpu.memory_space<hbm>> -> memref<8x1024xf32, #tpu.memory_space<hbm>>
        tpu.enqueue_dma source(%dma_start3A_379 : memref<8x1024xf32, #tpu.memory_space<hbm>>) target(%arg9 : memref<8x1024xf32, #tpu.memory_space<vmem>>) target_semaphore(%arg19 : memref<!tpu.dma_semaphore, #tpu.memory_space<semaphore_mem>>)
      } else {
      }
      %dma_wait3A_343 = arith.constant 3 : i32
      %dma_wait3A_344 = arith.constant 1024 : i32
      %dma_wait3A_345 = tpu.memref_slice %arg2[%dma_wait3A_343, %multiple_of3A_262, %dma_wait3A_344] : memref<4x4096x2048xf32, #tpu.memory_space<hbm>> -> memref<1x8x1024xf32, #tpu.memory_space<hbm>>
      %dma_wait3A_346 = tpu.memref_squeeze %dma_wait3A_345 : memref<1x8x1024xf32, #tpu.memory_space<hbm>> -> memref<8x1024xf32, #tpu.memory_space<hbm>>
      %dma_wait3A_347 = arith.constant 1024 : i32
      %dma_wait3A_348 = tpu.memref_slice %arg2[%dma_wait3A_343, %multiple_of3A_262, %dma_wait3A_347] : memref<4x4096x2048xf32, #tpu.memory_space<hbm>> -> memref<1x8x1024xf32, #tpu.memory_space<hbm>>
      %dma_wait3A_349 = tpu.memref_squeeze %dma_wait3A_348 : memref<1x8x1024xf32, #tpu.memory_space<hbm>> -> memref<8x1024xf32, #tpu.memory_space<hbm>>
      tpu.wait_dma2 semaphore(%arg22 : memref<!tpu.dma_semaphore, #tpu.memory_space<semaphore_mem>>) src(%dma_wait3A_349 : memref<8x1024xf32, #tpu.memory_space<hbm>>) dst(%arg12 : memref<8x1024xf32, #tpu.memory_space<vmem>>)
      %parallel_loop3A_350 = arith.constant 0 : i32
      %parallel_loop3A_351 = arith.constant 64 : i32
      %parallel_loop3A_352 = arith.constant 1 : i32
      scf.for %parallel_loop3A_366 = %parallel_loop3A_350 to %parallel_loop3A_351 step %parallel_loop3A_352  : i32 {
        %parallel_loop3A_367 = arith.constant 16 : i32
        %parallel_loop3A_368 = arith.muli %parallel_loop3A_366, %parallel_loop3A_367 : i32
        %parallel_loop3A_369 = arith.constant 0 : i32
        %parallel_loop3A_370 = arith.index_cast %parallel_loop3A_369 : i32 to index
        %parallel_loop3A_371 = arith.index_cast %parallel_loop3A_368 : i32 to index
        %parallel_loop3A_372 = tpu.vector_load %arg12[%parallel_loop3A_370, %parallel_loop3A_371] {strides = array<i32>} : memref<8x1024xf32, #tpu.memory_space<vmem>>, vector<1x16xf32>,
        %parallel_loop3A_373 = vector.shape_cast %parallel_loop3A_372 : vector<1x16xf32> to vector<16xf32>
        %parallel_loop3A_374 = arith.constant 0 : i32
        %parallel_loop3A_375 = arith.index_cast %parallel_loop3A_374 : i32 to index
        %parallel_loop3A_376 = arith.index_cast %parallel_loop3A_368 : i32 to index
        %parallel_loop3A_377 = tpu.vector_load %arg14[%parallel_loop3A_375, %parallel_loop3A_376] {strides = array<i32>} : memref<8x1024xf32, #tpu.memory_space<vmem>>, vector<1x16xf32>,
        %parallel_loop3A_378 = vector.shape_cast %parallel_loop3A_377 : vector<1x16xf32> to vector<16xf32>
        %parallel_loop3A_379 = arith.addf %parallel_loop3A_373, %parallel_loop3A_378 : vector<16xf32>
        %parallel_loop3A_380 = arith.constant 0 : i32
        %parallel_loop3A_381 = arith.index_cast %parallel_loop3A_380 : i32 to index
        %parallel_loop3A_382 = arith.index_cast %parallel_loop3A_368 : i32 to index
        %parallel_loop3A_383 = tpu.vector_load %arg12[%parallel_loop3A_381, %parallel_loop3A_382] {strides = array<i32>} : memref<8x1024xf32, #tpu.memory_space<vmem>>, vector<1x16xf32>,
        %parallel_loop3A_384 = vector.shape_cast %parallel_loop3A_383 : vector<1x16xf32> to vector<16xf32>
        %parallel_loop3A_385 = vector.shape_cast %parallel_loop3A_379 : vector<16xf32> to vector<1x16xf32>
        tpu.vector_store %arg12[%parallel_loop3A_381, %parallel_loop3A_382], %parallel_loop3A_385 {strides = array<i32>} : memref<8x1024xf32, #tpu.memory_space<vmem>>, vector<1x16xf32>,
        %parallel_loop3A_386 = arith.constant 1 : i32
        %parallel_loop3A_387 = arith.index_cast %parallel_loop3A_386 : i32 to index
        %parallel_loop3A_388 = arith.index_cast %parallel_loop3A_368 : i32 to index
        %parallel_loop3A_389 = tpu.vector_load %arg12[%parallel_loop3A_387, %parallel_loop3A_388] {strides = array<i32>} : memref<8x1024xf32, #tpu.memory_space<vmem>>, vector<1x16xf32>,
        %parallel_loop3A_390 = vector.shape_cast %parallel_loop3A_389 : vector<1x16xf32> to vector<16xf32>
        %parallel_loop3A_391 = arith.constant 1 : i32
        %parallel_loop3A_392 = arith.index_cast %parallel_loop3A_391 : i32 to index
        %parallel_loop3A_393 = arith.index_cast %parallel_loop3A_368 : i32 to index
        %parallel_loop3A_394 = tpu.vector_load %arg14[%parallel_loop3A_392, %parallel_loop3A_393] {strides = array<i32>} : memref<8x1024xf32, #tpu.memory_space<vmem>>, vector<1x16xf32>,
        %parallel_loop3A_395 = vector.shape_cast %parallel_loop3A_394 : vector<1x16xf32> to vector<16xf32>
        %parallel_loop3A_396 = arith.addf %parallel_loop3A_390, %parallel_loop3A_395 : vector<16xf32>
        %parallel_loop3A_397 = arith.constant 1 : i32
        %parallel_loop3A_398 = arith.index_cast %parallel_loop3A_397 : i32 to index
        %parallel_loop3A_399 = arith.index_cast %parallel_loop3A_368 : i32 to index
        %parallel_loop3A_400 = tpu.vector_load %arg12[%parallel_loop3A_398, %parallel_loop3A_399] {strides = array<i32>} : memref<8x1024xf32, #tpu.memory_space<vmem>>, vector<1x16xf32>,
        %parallel_loop3A_401 = vector.shape_cast %parallel_loop3A_400 : vector<1x16xf32> to vector<16xf32>
        %parallel_loop3A_402 = vector.shape_cast %parallel_loop3A_396 : vector<16xf32> to vector<1x16xf32>
        tpu.vector_store %arg12[%parallel_loop3A_398, %parallel_loop3A_399], %parallel_loop3A_402 {strides = array<i32>} : memref<8x1024xf32, #tpu.memory_space<vmem>>, vector<1x16xf32>,
        %parallel_loop3A_403 = arith.constant 2 : i32
        %parallel_loop3A_404 = arith.index_cast %parallel_loop3A_403 : i32 to index
        %parallel_loop3A_405 = arith.index_cast %parallel_loop3A_368 : i32 to index
        %parallel_loop3A_406 = tpu.vector_load %arg12[%parallel_loop3A_404, %parallel_loop3A_405] {strides = array<i32>} : memref<8x1024xf32, #tpu.memory_space<vmem>>, vector<1x16xf32>,
        %parallel_loop3A_407 = vector.shape_cast %parallel_loop3A_406 : vector<1x16xf32> to vector<16xf32>
        %parallel_loop3A_408 = arith.constant 2 : i32
        %parallel_loop3A_409 = arith.index_cast %parallel_loop3A_408 : i32 to index
        %parallel_loop3A_410 = arith.index_cast %parallel_loop3A_368 : i32 to index
        %parallel_loop3A_411 = tpu.vector_load %arg14[%parallel_loop3A_409, %parallel_loop3A_410] {strides = array<i32>} : memref<8x1024xf32, #tpu.memory_space<vmem>>, vector<1x16xf32>,
        %parallel_loop3A_412 = vector.shape_cast %parallel_loop3A_411 : vector<1x16xf32> to vector<16xf32>
        %parallel_loop3A_413 = arith.addf %parallel_loop3A_407, %parallel_loop3A_412 : vector<16xf32>
        %parallel_loop3A_414 = arith.constant 2 : i32
        %parallel_loop3A_415 = arith.index_cast %parallel_loop3A_414 : i32 to index
        %parallel_loop3A_416 = arith.index_cast %parallel_loop3A_368 : i32 to index
        %parallel_loop3A_417 = tpu.vector_load %arg12[%parallel_loop3A_415, %parallel_loop3A_416] {strides = array<i32>} : memref<8x1024xf32, #tpu.memory_space<vmem>>, vector<1x16xf32>,
        %parallel_loop3A_418 = vector.shape_cast %parallel_loop3A_417 : vector<1x16xf32> to vector<16xf32>
        %parallel_loop3A_419 = vector.shape_cast %parallel_loop3A_413 : vector<16xf32> to vector<1x16xf32>
        tpu.vector_store %arg12[%parallel_loop3A_415, %parallel_loop3A_416], %parallel_loop3A_419 {strides = array<i32>} : memref<8x1024xf32, #tpu.memory_space<vmem>>, vector<1x16xf32>,
        %parallel_loop3A_420 = arith.constant 3 : i32
        %parallel_loop3A_421 = arith.index_cast %parallel_loop3A_420 : i32 to index
        %parallel_loop3A_422 = arith.index_cast %parallel_loop3A_368 : i32 to index
        %parallel_loop3A_423 = tpu.vector_load %arg12[%parallel_loop3A_421, %parallel_loop3A_422] {strides = array<i32>} : memref<8x1024xf32, #tpu.memory_space<vmem>>, vector<1x16xf32>,
        %parallel_loop3A_424 = vector.shape_cast %parallel_loop3A_423 : vector<1x16xf32> to vector<16xf32>
        %parallel_loop3A_425 = arith.constant 3 : i32
        %parallel_loop3A_426 = arith.index_cast %parallel_loop3A_425 : i32 to index
        %parallel_loop3A_427 = arith.index_cast %parallel_loop3A_368 : i32 to index
        %parallel_loop3A_428 = tpu.vector_load %arg14[%parallel_loop3A_426, %parallel_loop3A_427] {strides = array<i32>} : memref<8x1024xf32, #tpu.memory_space<vmem>>, vector<1x16xf32>,
        %parallel_loop3A_429 = vector.shape_cast %parallel_loop3A_428 : vector<1x16xf32> to vector<16xf32>
        %parallel_loop3A_430 = arith.addf %parallel_loop3A_424, %parallel_loop3A_429 : vector<16xf32>
        %parallel_loop3A_431 = arith.constant 3 : i32
        %parallel_loop3A_432 = arith.index_cast %parallel_loop3A_431 : i32 to index
        %parallel_loop3A_433 = arith.index_cast %parallel_loop3A_368 : i32 to index
        %parallel_loop3A_434 = tpu.vector_load %arg12[%parallel_loop3A_432, %parallel_loop3A_433] {strides = array<i32>} : memref<8x1024xf32, #tpu.memory_space<vmem>>, vector<1x16xf32>,
        %parallel_loop3A_435 = vector.shape_cast %parallel_loop3A_434 : vector<1x16xf32> to vector<16xf32>
        %parallel_loop3A_436 = vector.shape_cast %parallel_loop3A_430 : vector<16xf32> to vector<1x16xf32>
        tpu.vector_store %arg12[%parallel_loop3A_432, %parallel_loop3A_433], %parallel_loop3A_436 {strides = array<i32>} : memref<8x1024xf32, #tpu.memory_space<vmem>>, vector<1x16xf32>,
        %parallel_loop3A_437 = arith.constant 4 : i32
        %parallel_loop3A_438 = arith.index_cast %parallel_loop3A_437 : i32 to index
        %parallel_loop3A_439 = arith.index_cast %parallel_loop3A_368 : i32 to index
        %parallel_loop3A_440 = tpu.vector_load %arg12[%parallel_loop3A_438, %parallel_loop3A_439] {strides = array<i32>} : memref<8x1024xf32, #tpu.memory_space<vmem>>, vector<1x16xf32>,
        %parallel_loop3A_441 = vector.shape_cast %parallel_loop3A_440 : vector<1x16xf32> to vector<16xf32>
        %parallel_loop3A_442 = arith.constant 4 : i32
        %parallel_loop3A_443 = arith.index_cast %parallel_loop3A_442 : i32 to index
        %parallel_loop3A_444 = arith.index_cast %parallel_loop3A_368 : i32 to index
        %parallel_loop3A_445 = tpu.vector_load %arg14[%parallel_loop3A_443, %parallel_loop3A_444] {strides = array<i32>} : memref<8x1024xf32, #tpu.memory_space<vmem>>, vector<1x16xf32>,
        %parallel_loop3A_446 = vector.shape_cast %parallel_loop3A_445 : vector<1x16xf32> to vector<16xf32>
        %parallel_loop3A_447 = arith.addf %parallel_loop3A_441, %parallel_loop3A_446 : vector<16xf32>
        %parallel_loop3A_448 = arith.constant 4 : i32
        %parallel_loop3A_449 = arith.index_cast %parallel_loop3A_448 : i32 to index
        %parallel_loop3A_450 = arith.index_cast %parallel_loop3A_368 : i32 to index
        %parallel_loop3A_451 = tpu.vector_load %arg12[%parallel_loop3A_449, %parallel_loop3A_450] {strides = array<i32>} : memref<8x1024xf32, #tpu.memory_space<vmem>>, vector<1x16xf32>,
        %parallel_loop3A_452 = vector.shape_cast %parallel_loop3A_451 : vector<1x16xf32> to vector<16xf32>
        %parallel_loop3A_453 = vector.shape_cast %parallel_loop3A_447 : vector<16xf32> to vector<1x16xf32>
        tpu.vector_store %arg12[%parallel_loop3A_449, %parallel_loop3A_450], %parallel_loop3A_453 {strides = array<i32>} : memref<8x1024xf32, #tpu.memory_space<vmem>>, vector<1x16xf32>,
        %parallel_loop3A_454 = arith.constant 5 : i32
        %parallel_loop3A_455 = arith.index_cast %parallel_loop3A_454 : i32 to index
        %parallel_loop3A_456 = arith.index_cast %parallel_loop3A_368 : i32 to index
        %parallel_loop3A_457 = tpu.vector_load %arg12[%parallel_loop3A_455, %parallel_loop3A_456] {strides = array<i32>} : memref<8x1024xf32, #tpu.memory_space<vmem>>, vector<1x16xf32>,
        %parallel_loop3A_458 = vector.shape_cast %parallel_loop3A_457 : vector<1x16xf32> to vector<16xf32>
        %parallel_loop3A_459 = arith.constant 5 : i32
        %parallel_loop3A_460 = arith.index_cast %parallel_loop3A_459 : i32 to index
        %parallel_loop3A_461 = arith.index_cast %parallel_loop3A_368 : i32 to index
        %parallel_loop3A_462 = tpu.vector_load %arg14[%parallel_loop3A_460, %parallel_loop3A_461] {strides = array<i32>} : memref<8x1024xf32, #tpu.memory_space<vmem>>, vector<1x16xf32>,
        %parallel_loop3A_463 = vector.shape_cast %parallel_loop3A_462 : vector<1x16xf32> to vector<16xf32>
        %parallel_loop3A_464 = arith.addf %parallel_loop3A_458, %parallel_loop3A_463 : vector<16xf32>
        %parallel_loop3A_465 = arith.constant 5 : i32
        %parallel_loop3A_466 = arith.index_cast %parallel_loop3A_465 : i32 to index
        %parallel_loop3A_467 = arith.index_cast %parallel_loop3A_368 : i32 to index
        %parallel_loop3A_468 = tpu.vector_load %arg12[%parallel_loop3A_466, %parallel_loop3A_467] {strides = array<i32>} : memref<8x1024xf32, #tpu.memory_space<vmem>>, vector<1x16xf32>,
        %parallel_loop3A_469 = vector.shape_cast %parallel_loop3A_468 : vector<1x16xf32> to vector<16xf32>
        %parallel_loop3A_470 = vector.shape_cast %parallel_loop3A_464 : vector<16xf32> to vector<1x16xf32>
        tpu.vector_store %arg12[%parallel_loop3A_466, %parallel_loop3A_467], %parallel_loop3A_470 {strides = array<i32>} : memref<8x1024xf32, #tpu.memory_space<vmem>>, vector<1x16xf32>,
        %parallel_loop3A_471 = arith.constant 6 : i32
        %parallel_loop3A_472 = arith.index_cast %parallel_loop3A_471 : i32 to index
        %parallel_loop3A_473 = arith.index_cast %parallel_loop3A_368 : i32 to index
        %parallel_loop3A_474 = tpu.vector_load %arg12[%parallel_loop3A_472, %parallel_loop3A_473] {strides = array<i32>} : memref<8x1024xf32, #tpu.memory_space<vmem>>, vector<1x16xf32>,
        %parallel_loop3A_475 = vector.shape_cast %parallel_loop3A_474 : vector<1x16xf32> to vector<16xf32>
        %parallel_loop3A_476 = arith.constant 6 : i32
        %parallel_loop3A_477 = arith.index_cast %parallel_loop3A_476 : i32 to index
        %parallel_loop3A_478 = arith.index_cast %parallel_loop3A_368 : i32 to index
        %parallel_loop3A_479 = tpu.vector_load %arg14[%parallel_loop3A_477, %parallel_loop3A_478] {strides = array<i32>} : memref<8x1024xf32, #tpu.memory_space<vmem>>, vector<1x16xf32>,
        %parallel_loop3A_480 = vector.shape_cast %parallel_loop3A_479 : vector<1x16xf32> to vector<16xf32>
        %parallel_loop3A_481 = arith.addf %parallel_loop3A_475, %parallel_loop3A_480 : vector<16xf32>
        %parallel_loop3A_482 = arith.constant 6 : i32
        %parallel_loop3A_483 = arith.index_cast %parallel_loop3A_482 : i32 to index
        %parallel_loop3A_484 = arith.index_cast %parallel_loop3A_368 : i32 to index
        %parallel_loop3A_485 = tpu.vector_load %arg12[%parallel_loop3A_483, %parallel_loop3A_484] {strides = array<i32>} : memref<8x1024xf32, #tpu.memory_space<vmem>>, vector<1x16xf32>,
        %parallel_loop3A_486 = vector.shape_cast %parallel_loop3A_485 : vector<1x16xf32> to vector<16xf32>
        %parallel_loop3A_487 = vector.shape_cast %parallel_loop3A_481 : vector<16xf32> to vector<1x16xf32>
        tpu.vector_store %arg12[%parallel_loop3A_483, %parallel_loop3A_484], %parallel_loop3A_487 {strides = array<i32>} : memref<8x1024xf32, #tpu.memory_space<vmem>>, vector<1x16xf32>,
        %parallel_loop3A_488 = arith.constant 7 : i32
        %parallel_loop3A_489 = arith.index_cast %parallel_loop3A_488 : i32 to index
        %parallel_loop3A_490 = arith.index_cast %parallel_loop3A_368 : i32 to index
        %parallel_loop3A_491 = tpu.vector_load %arg12[%parallel_loop3A_489, %parallel_loop3A_490] {strides = array<i32>} : memref<8x1024xf32, #tpu.memory_space<vmem>>, vector<1x16xf32>,
        %parallel_loop3A_492 = vector.shape_cast %parallel_loop3A_491 : vector<1x16xf32> to vector<16xf32>
        %parallel_loop3A_493 = arith.constant 7 : i32
        %parallel_loop3A_494 = arith.index_cast %parallel_loop3A_493 : i32 to index
        %parallel_loop3A_495 = arith.index_cast %parallel_loop3A_368 : i32 to index
        %parallel_loop3A_496 = tpu.vector_load %arg14[%parallel_loop3A_494, %parallel_loop3A_495] {strides = array<i32>} : memref<8x1024xf32, #tpu.memory_space<vmem>>, vector<1x16xf32>,
        %parallel_loop3A_497 = vector.shape_cast %parallel_loop3A_496 : vector<1x16xf32> to vector<16xf32>
        %parallel_loop3A_498 = arith.addf %parallel_loop3A_492, %parallel_loop3A_497 : vector<16xf32>
        %parallel_loop3A_499 = arith.constant 7 : i32
        %parallel_loop3A_500 = arith.index_cast %parallel_loop3A_499 : i32 to index
        %parallel_loop3A_501 = arith.index_cast %parallel_loop3A_368 : i32 to index
        %parallel_loop3A_502 = tpu.vector_load %arg12[%parallel_loop3A_500, %parallel_loop3A_501] {strides = array<i32>} : memref<8x1024xf32, #tpu.memory_space<vmem>>, vector<1x16xf32>,
        %parallel_loop3A_503 = vector.shape_cast %parallel_loop3A_502 : vector<1x16xf32> to vector<16xf32>
        %parallel_loop3A_504 = vector.shape_cast %parallel_loop3A_498 : vector<16xf32> to vector<1x16xf32>
        tpu.vector_store %arg12[%parallel_loop3A_500, %parallel_loop3A_501], %parallel_loop3A_504 {strides = array<i32>} : memref<8x1024xf32, #tpu.memory_space<vmem>>, vector<1x16xf32>,
      } {sc.loop_unroll_factor = 2 : i64, sc.parallel_access}
      %dma_start3A_353 = arith.constant 3 : i32
      %dma_start3A_354 = arith.constant 1024 : i32
      %dma_start3A_355 = tpu.memref_slice %arg4[%dma_start3A_353, %multiple_of3A_262, %dma_start3A_354] : memref<4x4096x2048xf32, #tpu.memory_space<hbm>> -> memref<1x8x1024xf32, #tpu.memory_space<hbm>>
      %dma_start3A_356 = tpu.memref_squeeze %dma_start3A_355 : memref<1x8x1024xf32, #tpu.memory_space<hbm>> -> memref<8x1024xf32, #tpu.memory_space<hbm>>
      %dma_start3A_357 = arith.constant 1024 : i32
      %dma_start3A_358 = tpu.memref_slice %arg4[%dma_start3A_353, %multiple_of3A_262, %dma_start3A_357] : memref<4x4096x2048xf32, #tpu.memory_space<hbm>> -> memref<1x8x1024xf32, #tpu.memory_space<hbm>>
      %dma_start3A_359 = tpu.memref_squeeze %dma_start3A_358 : memref<1x8x1024xf32, #tpu.memory_space<hbm>> -> memref<8x1024xf32, #tpu.memory_space<hbm>>
      tpu.enqueue_dma source(%arg12 : memref<8x1024xf32, #tpu.memory_space<vmem>>) target(%dma_start3A_359 : memref<8x1024xf32, #tpu.memory_space<hbm>>) target_semaphore(%arg30 : memref<!tpu.dma_semaphore, #tpu.memory_space<semaphore_mem>>)
      %lt3A_360 = arith.constant 15 : i32
      %lt3A_361 = arith.cmpi slt, %scan3A_133, %lt3A_360 : i32
      %convert_element_type3A_362 = arith.extui %lt3A_361 : i1 to i32
      %cond3A_363 = arith.constant 0 : i32
      %cond3A_364 = arith.cmpi ne, %convert_element_type3A_362, %cond3A_363 : i32
      scf.if %cond3A_364 {
        %dma_wait3A_366 = arith.constant 3 : i32
        %dma_wait3A_367 = arith.constant 1024 : i32
        %dma_wait3A_368 = tpu.memref_slice %arg4[%dma_wait3A_366, %multiple_of3A_262, %dma_wait3A_367] : memref<4x4096x2048xf32, #tpu.memory_space<hbm>> -> memref<1x8x1024xf32, #tpu.memory_space<hbm>>
        %dma_wait3A_369 = tpu.memref_squeeze %dma_wait3A_368 : memref<1x8x1024xf32, #tpu.memory_space<hbm>> -> memref<8x1024xf32, #tpu.memory_space<hbm>>
        %dma_wait3A_370 = arith.constant 1024 : i32
        %dma_wait3A_371 = tpu.memref_slice %arg4[%dma_wait3A_366, %multiple_of3A_262, %dma_wait3A_370] : memref<4x4096x2048xf32, #tpu.memory_space<hbm>> -> memref<1x8x1024xf32, #tpu.memory_space<hbm>>
        %dma_wait3A_372 = tpu.memref_squeeze %dma_wait3A_371 : memref<1x8x1024xf32, #tpu.memory_space<hbm>> -> memref<8x1024xf32, #tpu.memory_space<hbm>>
        tpu.wait_dma2 semaphore(%arg29 : memref<!tpu.dma_semaphore, #tpu.memory_space<semaphore_mem>>) src(%arg11 : memref<8x1024xf32, #tpu.memory_space<vmem>>) dst(%dma_wait3A_372 : memref<8x1024xf32, #tpu.memory_space<hbm>>)
        %dma_start3A_373 = arith.constant 3 : i32
        %dma_start3A_374 = arith.constant 0 : i32
        %dma_start3A_375 = tpu.memref_slice %arg2[%dma_start3A_373, %multiple_of3A_268, %dma_start3A_374] : memref<4x4096x2048xf32, #tpu.memory_space<hbm>> -> memref<1x8x1024xf32, #tpu.memory_space<hbm>>
        %dma_start3A_376 = tpu.memref_squeeze %dma_start3A_375 : memref<1x8x1024xf32, #tpu.memory_space<hbm>> -> memref<8x1024xf32, #tpu.memory_space<hbm>>
        %dma_start3A_377 = arith.constant 0 : i32
        %dma_start3A_378 = tpu.memref_slice %arg2[%dma_start3A_373, %multiple_of3A_268, %dma_start3A_377] : memref<4x4096x2048xf32, #tpu.memory_space<hbm>> -> memref<1x8x1024xf32, #tpu.memory_space<hbm>>
        %dma_start3A_379 = tpu.memref_squeeze %dma_start3A_378 : memref<1x8x1024xf32, #tpu.memory_space<hbm>> -> memref<8x1024xf32, #tpu.memory_space<hbm>>
        tpu.enqueue_dma source(%dma_start3A_379 : memref<8x1024xf32, #tpu.memory_space<hbm>>) target(%arg11 : memref<8x1024xf32, #tpu.memory_space<vmem>>) target_semaphore(%arg21 : memref<!tpu.dma_semaphore, #tpu.memory_space<semaphore_mem>>)
      } else {
      }
      %scan3A_365 = arith.constant 0 : i32
      scf.yield %scan3A_365 : i32
    }
    %scan3A_53 = arith.constant 16 : i32
    %add3A_54 = arith.constant 120 : i32
    %add3A_55 = arith.addi %mul3A_2, %add3A_54 : i32
    %multiple_of3A_56 = tpu.assume_multiple %add3A_55, 8 : i32
    %dma_wait3A = arith.constant 0 : i32
    %dma_wait3A_57 = arith.constant 0 : i32
    %dma_wait3A_58 = tpu.memref_slice %arg4[%dma_wait3A, %multiple_of3A_56, %dma_wait3A_57] : memref<4x4096x2048xf32, #tpu.memory_space<hbm>> -> memref<1x8x1024xf32, #tpu.memory_space<hbm>>
    %dma_wait3A_59 = tpu.memref_squeeze %dma_wait3A_58 : memref<1x8x1024xf32, #tpu.memory_space<hbm>> -> memref<8x1024xf32, #tpu.memory_space<hbm>>
    %dma_wait3A_60 = arith.constant 0 : i32
    %dma_wait3A_61 = tpu.memref_slice %arg4[%dma_wait3A, %multiple_of3A_56, %dma_wait3A_60] : memref<4x4096x2048xf32, #tpu.memory_space<hbm>> -> memref<1x8x1024xf32, #tpu.memory_space<hbm>>
    %dma_wait3A_62 = tpu.memref_squeeze %dma_wait3A_61 : memref<1x8x1024xf32, #tpu.memory_space<hbm>> -> memref<8x1024xf32, #tpu.memory_space<hbm>>
    tpu.wait_dma2 semaphore(%arg23 : memref<!tpu.dma_semaphore, #tpu.memory_space<semaphore_mem>>) src(%arg5 : memref<8x1024xf32, #tpu.memory_space<vmem>>) dst(%dma_wait3A_62 : memref<8x1024xf32, #tpu.memory_space<hbm>>)
    %add3A_63 = arith.constant 120 : i32
    %add3A_64 = arith.addi %mul3A_2, %add3A_63 : i32
    %multiple_of3A_65 = tpu.assume_multiple %add3A_64, 8 : i32
    %dma_wait3A_66 = arith.constant 0 : i32
    %dma_wait3A_67 = arith.constant 1024 : i32
    %dma_wait3A_68 = tpu.memref_slice %arg4[%dma_wait3A_66, %multiple_of3A_65, %dma_wait3A_67] : memref<4x4096x2048xf32, #tpu.memory_space<hbm>> -> memref<1x8x1024xf32, #tpu.memory_space<hbm>>
    %dma_wait3A_69 = tpu.memref_squeeze %dma_wait3A_68 : memref<1x8x1024xf32, #tpu.memory_space<hbm>> -> memref<8x1024xf32, #tpu.memory_space<hbm>>
    %dma_wait3A_70 = arith.constant 1024 : i32
    %dma_wait3A_71 = tpu.memref_slice %arg4[%dma_wait3A_66, %multiple_of3A_65, %dma_wait3A_70] : memref<4x4096x2048xf32, #tpu.memory_space<hbm>> -> memref<1x8x1024xf32, #tpu.memory_space<hbm>>
    %dma_wait3A_72 = tpu.memref_squeeze %dma_wait3A_71 : memref<1x8x1024xf32, #tpu.memory_space<hbm>> -> memref<8x1024xf32, #tpu.memory_space<hbm>>
    tpu.wait_dma2 semaphore(%arg24 : memref<!tpu.dma_semaphore, #tpu.memory_space<semaphore_mem>>) src(%arg6 : memref<8x1024xf32, #tpu.memory_space<vmem>>) dst(%dma_wait3A_72 : memref<8x1024xf32, #tpu.memory_space<hbm>>)
    %add3A_73 = arith.constant 120 : i32
    %add3A_74 = arith.addi %mul3A_2, %add3A_73 : i32
    %multiple_of3A_75 = tpu.assume_multiple %add3A_74, 8 : i32
    %dma_wait3A_76 = arith.constant 1 : i32
    %dma_wait3A_77 = arith.constant 0 : i32
    %dma_wait3A_78 = tpu.memref_slice %arg4[%dma_wait3A_76, %multiple_of3A_75, %dma_wait3A_77] : memref<4x4096x2048xf32, #tpu.memory_space<hbm>> -> memref<1x8x1024xf32, #tpu.memory_space<hbm>>
    %dma_wait3A_79 = tpu.memref_squeeze %dma_wait3A_78 : memref<1x8x1024xf32, #tpu.memory_space<hbm>> -> memref<8x1024xf32, #tpu.memory_space<hbm>>
    %dma_wait3A_80 = arith.constant 0 : i32
    %dma_wait3A_81 = tpu.memref_slice %arg4[%dma_wait3A_76, %multiple_of3A_75, %dma_wait3A_80] : memref<4x4096x2048xf32, #tpu.memory_space<hbm>> -> memref<1x8x1024xf32, #tpu.memory_space<hbm>>
    %dma_wait3A_82 = tpu.memref_squeeze %dma_wait3A_81 : memref<1x8x1024xf32, #tpu.memory_space<hbm>> -> memref<8x1024xf32, #tpu.memory_space<hbm>>
    tpu.wait_dma2 semaphore(%arg25 : memref<!tpu.dma_semaphore, #tpu.memory_space<semaphore_mem>>) src(%arg7 : memref<8x1024xf32, #tpu.memory_space<vmem>>) dst(%dma_wait3A_82 : memref<8x1024xf32, #tpu.memory_space<hbm>>)
    %add3A_83 = arith.constant 120 : i32
    %add3A_84 = arith.addi %mul3A_2, %add3A_83 : i32
    %multiple_of3A_85 = tpu.assume_multiple %add3A_84, 8 : i32
    %dma_wait3A_86 = arith.constant 1 : i32
    %dma_wait3A_87 = arith.constant 1024 : i32
    %dma_wait3A_88 = tpu.memref_slice %arg4[%dma_wait3A_86, %multiple_of3A_85, %dma_wait3A_87] : memref<4x4096x2048xf32, #tpu.memory_space<hbm>> -> memref<1x8x1024xf32, #tpu.memory_space<hbm>>
    %dma_wait3A_89 = tpu.memref_squeeze %dma_wait3A_88 : memref<1x8x1024xf32, #tpu.memory_space<hbm>> -> memref<8x1024xf32, #tpu.memory_space<hbm>>
    %dma_wait3A_90 = arith.constant 1024 : i32
    %dma_wait3A_91 = tpu.memref_slice %arg4[%dma_wait3A_86, %multiple_of3A_85, %dma_wait3A_90] : memref<4x4096x2048xf32, #tpu.memory_space<hbm>> -> memref<1x8x1024xf32, #tpu.memory_space<hbm>>
    %dma_wait3A_92 = tpu.memref_squeeze %dma_wait3A_91 : memref<1x8x1024xf32, #tpu.memory_space<hbm>> -> memref<8x1024xf32, #tpu.memory_space<hbm>>
    tpu.wait_dma2 semaphore(%arg26 : memref<!tpu.dma_semaphore, #tpu.memory_space<semaphore_mem>>) src(%arg8 : memref<8x1024xf32, #tpu.memory_space<vmem>>) dst(%dma_wait3A_92 : memref<8x1024xf32, #tpu.memory_space<hbm>>)
    %add3A_93 = arith.constant 120 : i32
    %add3A_94 = arith.addi %mul3A_2, %add3A_93 : i32
    %multiple_of3A_95 = tpu.assume_multiple %add3A_94, 8 : i32
    %dma_wait3A_96 = arith.constant 2 : i32
    %dma_wait3A_97 = arith.constant 0 : i32
    %dma_wait3A_98 = tpu.memref_slice %arg4[%dma_wait3A_96, %multiple_of3A_95, %dma_wait3A_97] : memref<4x4096x2048xf32, #tpu.memory_space<hbm>> -> memref<1x8x1024xf32, #tpu.memory_space<hbm>>
    %dma_wait3A_99 = tpu.memref_squeeze %dma_wait3A_98 : memref<1x8x1024xf32, #tpu.memory_space<hbm>> -> memref<8x1024xf32, #tpu.memory_space<hbm>>
    %dma_wait3A_100 = arith.constant 0 : i32
    %dma_wait3A_101 = tpu.memref_slice %arg4[%dma_wait3A_96, %multiple_of3A_95, %dma_wait3A_100] : memref<4x4096x2048xf32, #tpu.memory_space<hbm>> -> memref<1x8x1024xf32, #tpu.memory_space<hbm>>
    %dma_wait3A_102 = tpu.memref_squeeze %dma_wait3A_101 : memref<1x8x1024xf32, #tpu.memory_space<hbm>> -> memref<8x1024xf32, #tpu.memory_space<hbm>>
    tpu.wait_dma2 semaphore(%arg27 : memref<!tpu.dma_semaphore, #tpu.memory_space<semaphore_mem>>) src(%arg9 : memref<8x1024xf32, #tpu.memory_space<vmem>>) dst(%dma_wait3A_102 : memref<8x1024xf32, #tpu.memory_space<hbm>>)
    %add3A_103 = arith.constant 120 : i32
    %add3A_104 = arith.addi %mul3A_2, %add3A_103 : i32
    %multiple_of3A_105 = tpu.assume_multiple %add3A_104, 8 : i32
    %dma_wait3A_106 = arith.constant 2 : i32
    %dma_wait3A_107 = arith.constant 1024 : i32
    %dma_wait3A_108 = tpu.memref_slice %arg4[%dma_wait3A_106, %multiple_of3A_105, %dma_wait3A_107] : memref<4x4096x2048xf32, #tpu.memory_space<hbm>> -> memref<1x8x1024xf32, #tpu.memory_space<hbm>>
    %dma_wait3A_109 = tpu.memref_squeeze %dma_wait3A_108 : memref<1x8x1024xf32, #tpu.memory_space<hbm>> -> memref<8x1024xf32, #tpu.memory_space<hbm>>
    %dma_wait3A_110 = arith.constant 1024 : i32
    %dma_wait3A_111 = tpu.memref_slice %arg4[%dma_wait3A_106, %multiple_of3A_105, %dma_wait3A_110] : memref<4x4096x2048xf32, #tpu.memory_space<hbm>> -> memref<1x8x1024xf32, #tpu.memory_space<hbm>>
    %dma_wait3A_112 = tpu.memref_squeeze %dma_wait3A_111 : memref<1x8x1024xf32, #tpu.memory_space<hbm>> -> memref<8x1024xf32, #tpu.memory_space<hbm>>
    tpu.wait_dma2 semaphore(%arg28 : memref<!tpu.dma_semaphore, #tpu.memory_space<semaphore_mem>>) src(%arg10 : memref<8x1024xf32, #tpu.memory_space<vmem>>) dst(%dma_wait3A_112 : memref<8x1024xf32, #tpu.memory_space<hbm>>)
    %add3A_113 = arith.constant 120 : i32
    %add3A_114 = arith.addi %mul3A_2, %add3A_113 : i32
    %multiple_of3A_115 = tpu.assume_multiple %add3A_114, 8 : i32
    %dma_wait3A_116 = arith.constant 3 : i32
    %dma_wait3A_117 = arith.constant 0 : i32
    %dma_wait3A_118 = tpu.memref_slice %arg4[%dma_wait3A_116, %multiple_of3A_115, %dma_wait3A_117] : memref<4x4096x2048xf32, #tpu.memory_space<hbm>> -> memref<1x8x1024xf32, #tpu.memory_space<hbm>>
    %dma_wait3A_119 = tpu.memref_squeeze %dma_wait3A_118 : memref<1x8x1024xf32, #tpu.memory_space<hbm>> -> memref<8x1024xf32, #tpu.memory_space<hbm>>
    %dma_wait3A_120 = arith.constant 0 : i32
    %dma_wait3A_121 = tpu.memref_slice %arg4[%dma_wait3A_116, %multiple_of3A_115, %dma_wait3A_120] : memref<4x4096x2048xf32, #tpu.memory_space<hbm>> -> memref<1x8x1024xf32, #tpu.memory_space<hbm>>
    %dma_wait3A_122 = tpu.memref_squeeze %dma_wait3A_121 : memref<1x8x1024xf32, #tpu.memory_space<hbm>> -> memref<8x1024xf32, #tpu.memory_space<hbm>>
    tpu.wait_dma2 semaphore(%arg29 : memref<!tpu.dma_semaphore, #tpu.memory_space<semaphore_mem>>) src(%arg11 : memref<8x1024xf32, #tpu.memory_space<vmem>>) dst(%dma_wait3A_122 : memref<8x1024xf32, #tpu.memory_space<hbm>>)
    %add3A_123 = arith.constant 120 : i32
    %add3A_124 = arith.addi %mul3A_2, %add3A_123 : i32
    %multiple_of3A_125 = tpu.assume_multiple %add3A_124, 8 : i32
    %dma_wait3A_126 = arith.constant 3 : i32
    %dma_wait3A_127 = arith.constant 1024 : i32
    %dma_wait3A_128 = tpu.memref_slice %arg4[%dma_wait3A_126, %multiple_of3A_125, %dma_wait3A_127] : memref<4x4096x2048xf32, #tpu.memory_space<hbm>> -> memref<1x8x1024xf32, #tpu.memory_space<hbm>>
    %dma_wait3A_129 = tpu.memref_squeeze %dma_wait3A_128 : memref<1x8x1024xf32, #tpu.memory_space<hbm>> -> memref<8x1024xf32, #tpu.memory_space<hbm>>
    %dma_wait3A_130 = arith.constant 1024 : i32
    %dma_wait3A_131 = tpu.memref_slice %arg4[%dma_wait3A_126, %multiple_of3A_125, %dma_wait3A_130] : memref<4x4096x2048xf32, #tpu.memory_space<hbm>> -> memref<1x8x1024xf32, #tpu.memory_space<hbm>>
    %dma_wait3A_132 = tpu.memref_squeeze %dma_wait3A_131 : memref<1x8x1024xf32, #tpu.memory_space<hbm>> -> memref<8x1024xf32, #tpu.memory_space<hbm>>
    tpu.wait_dma2 semaphore(%arg30 : memref<!tpu.dma_semaphore, #tpu.memory_space<semaphore_mem>>) src(%arg12 : memref<8x1024xf32, #tpu.memory_space<vmem>>) dst(%dma_wait3A_132 : memref<8x1024xf32, #tpu.memory_space<hbm>>)
    return
  }
}

</mosaic_0001>

<sc_bundles>
// kernel: kernel.3.cloned.1.call-start
scs
__scs_entry_jumppad:
0x0: {  	(pc) =	sbr.rel $0x88, $3  }
0x1: {  	(tag) =	ssettag $0x0;
	lr =	simm.s32 $0x1  }
0x2: {  	[smem:$0x3F9F] =	sst lr;
	_ =	strace $0xD0000000  }
0x3: {  	_ = 	snop  }
0x4: {  	_ = 	snop  }
0x5: {  	_ = 	snop  }
0x6: {  	_ = 	snop  }
0x7: {  	_ = 	snop  }
__scs_overlays_trampoline_lowered:
0x8: {  	[smem:$0x3FAE] =	sst s0  }
0x9: {  	[smem:$0x3FAF] =	sst s1  }
0xa: {  	[smem:$0x3FB0] =	sst s2  }
0xb: {  	[smem:$0x3FB1] =	sst s3  }
0xc: {  	[smem:$0x3FB2] =	sst s4  }
0xd: {  	[smem:$0x3FB3] =	sst s5  }
0xe: {  	[smem:$0x3FB4] =	sst s6  }
0xf: {  	[smem:$0x3FB5] =	sst s7  }
0x10: {  	[smem:$0x3FB6] =	sst s8  }
0x11: {  	[smem:$0x3FB7] =	sst s9;
	s0 =	simm.s32 @!p0 $0x0  }
0x12: {  	s1 =	sld [smem:$0x3F9D];
	s0 =	simm.s32 @p0 $0x1  }
0x13: {  	[smem:$0x3FB8] =	sst s0;
	s0 =	simm.s32 @!p1 $0x0  }
0x14: {  	s2 =	sld [smem:$0x3F9C];
	s0 =	simm.s32 @p1 $0x1  }
0x15: {  	[smem:$0x3FB9] =	sst s0;
	s0 =	simm.s32 @!p2 $0x0  }
0x16: {  	s3 =	sld [smem:$0x3FDB];
	s0 =	simm.s32 @p2 $0x1  }
0x17: {  	s4 =	simm.s32 $0x1BF5;
	[smem:$0x3FBB] =	sst s0  }
0x18: {  	s0 =	sld [smem:$0x3F9E];
	_ =	swait.ge [sflag:s4], $0x0  }
0x19: {  	s7 =	sld [smem:$0x3F9F]  }
0x1a: {  	s8 =	sadd.s32 $0xFFFFE003, lr  }
0x1b: {  	s9 =	sadd.s32 $0xFFFFFEF7, lr;
	s5 =	simm.s32 $0xFFFFFFFF;
	p2 =	slt.u32 s8, $0xFFFFF086  }
0x1c: {  	p1 =	slt.u32 s9, $0xF7A;
	s5 =	simm.s32 @!p2 $0x0  }
0x1d: {  	s5 =	simm.s32 @p1 $0x1;
	p0 =	seq.s32 s7, s2  }
0x1e: {  	s7 =	smul.u32 @!p0 $0xF7A, s2;
	p2 =	seq.s32 @!p0 s5, $0x0  }
0x1f: {  	s9 =	smul.u32 $0xF7A, s1;
	s8 =	simm.s32 @!p0 $0x1BF5;
	p2 =	por !p2, p0  }
0x20: {  	[sflag:s8] =	ssyncset.s32 @!p0 $0xFFFFF086;
	s6 =	sadd.s32 @!p0 s3, s7;
	s7 =	simm.s32 @!p0 $0x108  }
0x21: {  	s3 =	sadd.s32 s3, s9;
	s6 =	sadd.s32 @!p0 $0x88, s6;
	s7 =	simm.s32 @p2 $0x1082  }
0x22: {  	[simem:s7], [sflag:s8] =	dma.local @!p0 [hbm:s6], $0xF7A  }
0x23: {  	s9 =	sor.u32 $0xD0000000, s2;
	s6 =	simm.s32 $0x108;
	_ =	swait.ge @!p0 [sflag:s8], $0x0  }
0x24: {  	s3 =	sadd.s32 $0x88, s3;
	s6 =	simm.s32 @!p1 $0x1082;
	[sflag:s4] =	ssyncset.s32 $0xFFFFF086  }
0x25: {  	[simem:s6], [sflag:s4] =	dma.local [hbm:s3], $0xF7A  }
0x26: {  	[smem:$0x3F9F] =	sst s1;
	(tag) =	ssettag s2;
	_ =	strace s9  }
0x27: {  	s1 =	sld [smem:$0x3FAF]  }
0x28: {  	s2 =	sld [smem:$0x3FB0]  }
0x29: {  	s4 =	sld [smem:$0x3FB2]  }
0x2a: {  	p0 =	seq.s32 s5, $0x0;
	s5 =	sld [smem:$0x3FB3]  }
0x2b: {  	s6 =	sld [smem:$0x3FB4]  }
0x2c: {  	s7 =	sld [smem:$0x3FB5]  }
0x2d: {  	s3 =	simm.s32 $0x108;
	s8 =	sld [smem:$0x3FB6]  }
0x2e: {  	s3 =	simm.s32 @!p0 $0x1082;
	s9 =	sld [smem:$0x3FB7]  }
0x2f: {  	lr =	sadd.s32 s0, s3;
	s0 =	sld [smem:$0x3FAE]  }
0x30: {  	s3 =	sld [smem:$0x3FB1]  }
0x31: {  	[smem:$0x3FBA] =	sst s10  }
0x32: {  	s10 =	sld [smem:$0x3FB8];
	_ =	sdelay $0x3  }
0x33: {  	p0 =	seq.s32 s10, $0x1;
	s10 =	sld [smem:$0x3FBA];
	_ =	sdelay $0x3  }
0x34: {  	[smem:$0x3FBA] =	sst s10  }
0x35: {  	s10 =	sld [smem:$0x3FB9];
	_ =	sdelay $0x3  }
0x36: {  	p1 =	seq.s32 s10, $0x1;
	s10 =	sld [smem:$0x3FBA];
	_ =	sdelay $0x3  }
0x37: {  	[smem:$0x3FBA] =	sst s10  }
0x38: {  	s10 =	sld [smem:$0x3FBB]  }
0x39: {  	_ = 	snop;
	(pc) =	sbr.ind lr, $3  }
0x3a: {  	_ = 	snop  }
0x3b: {  	_ = 	snop  }
0x3c: {  	p2 =	seq.s32 s10, $0x1;
	s10 =	sld [smem:$0x3FBA]  }
0x3d: {  	_ =	shalt  }
0x3e: {  	_ =	shalt  }
0x3f: {  	_ =	shalt  }
0x40: {  	_ =	shalt  }
0x41: {  	_ =	shalt  }
0x42: {  	_ =	shalt  }
0x43: {  	_ =	shalt  }
0x44: {  	_ =	shalt  }
0x45: {  	_ =	shalt  }
0x46: {  	_ =	shalt  }
0x47: {  	_ =	shalt  }
0x48: {  	_ =	shalt  }
0x49: {  	_ =	shalt  }
0x4a: {  	_ =	shalt  }
0x4b: {  	_ =	shalt  }
0x4c: {  	_ =	shalt  }
0x4d: {  	_ =	shalt  }
0x4e: {  	_ =	shalt  }
0x4f: {  	_ =	shalt  }
0x50: {  	_ =	shalt  }
0x51: {  	_ =	shalt  }
0x52: {  	_ =	shalt  }
0x53: {  	_ =	shalt  }
0x54: {  	_ =	shalt  }
0x55: {  	_ =	shalt  }
0x56: {  	_ =	shalt  }
0x57: {  	_ =	shalt  }
0x58: {  	_ =	shalt  }
0x59: {  	_ =	shalt  }
0x5a: {  	_ =	shalt  }
0x5b: {  	_ =	shalt  }
0x5c: {  	_ =	shalt  }
0x5d: {  	_ =	shalt  }
0x5e: {  	_ =	shalt  }
0x5f: {  	_ =	shalt  }
0x60: {  	_ =	shalt  }
0x61: {  	_ =	shalt  }
0x62: {  	_ =	shalt  }
0x63: {  	_ =	shalt  }
0x64: {  	_ =	shalt  }
0x65: {  	_ =	shalt  }
0x66: {  	_ =	shalt  }
0x67: {  	_ =	shalt  }
0x68: {  	_ =	shalt  }
0x69: {  	_ =	shalt  }
0x6a: {  	_ =	shalt  }
0x6b: {  	_ =	shalt  }
0x6c: {  	_ =	shalt  }
0x6d: {  	_ =	shalt  }
0x6e: {  	_ =	shalt  }
0x6f: {  	_ =	shalt  }
0x70: {  	_ =	shalt  }
0x71: {  	_ =	shalt  }
0x72: {  	_ =	shalt  }
0x73: {  	_ =	shalt  }
0x74: {  	_ =	shalt  }
0x75: {  	_ =	shalt  }
0x76: {  	_ =	shalt  }
0x77: {  	_ =	shalt  }
0x78: {  	_ =	shalt  }
0x79: {  	_ =	shalt  }
0x7a: {  	_ =	shalt  }
0x7b: {  	_ =	shalt  }
0x7c: {  	_ =	shalt  }
0x7d: {  	_ =	shalt  }
0x7e: {  	_ =	shalt  }
0x7f: {  	_ =	shalt  }
0x80: {  	_ =	shalt  }
0x81: {  	_ =	shalt  }
0x82: {  	_ =	shalt  }
0x83: {  	_ =	shalt  }
0x84: {  	_ =	shalt  }
0x85: {  	_ =	shalt  }
0x86: {  	_ =	shalt  }
0x87: {  	_ =	shalt  }
.Lfunc_end0:
.L_simem_size_0:
called_computation_lowered:
.L_overlay_start_0:
0x88: {  	s2 =	sld [smem:$0x3FD9]  }
0x89: {  	s3 =	sld [smem:$0x3FFE];
	_ =	sdelay $0x1  }
0x8a: {  	s1 =	srdreg.scid  }
0x8b: {  	s0 =	sand.u32 $0x1, s1  }
0x8c: {  	s18 =	sshll.u32 s0, $0xA;
	s2 =	sadd.s32 s3, s2  }
0x8d: {  	s2 =	sadd.s32 s2, s18  }
0x8e: {  	[smem:$0x3FC6] =	sst s2  }
0x8f: {  	_ = 	snop  }
0x90: {  	s2 =	sld [smem:$0x3FC9]  }
0x91: {  	s19 =	sld [smem:$0x3FC8]  }
0x92: {  	s4 =	sld [smem:$0x3FD0];
	(tm) =	ssettm $0x1  }
0x93: {  	s5 =	sld [smem:$0x3FFB];
	_ =	sdelay $0x3  }
0x94: {  	_ =	strace s5  }
0x95: {  	s5 =	sld [smem:$0x3FFC];
	_ =	sdelay $0x3  }
0x96: {  	_ =	strace s5  }
0x97: {  	s5 =	sld [smem:$0x3FFD];
	_ =	sdelay $0x3  }
0x98: {  	_ =	strace s5  }
0x99: {  	_ =	strace $0x8FFFFFFF  }
0x9a: {  	s20 =	sld [smem:$0x3FDB];
	_ =	sdelay $0x1  }
0x9b: {  	s6 =	simm.s32 $_scs_section_size  }
0x9c: {  	s7 =	simm.s32 $_size__tile_overlayer_lowered;
	s8 =	simm.s32 $_tile_overlayer_lowered  }
0x9d: {  	s23 =	simm.s32 $0x1BFF;
	s22 =	sshll.u32 s8, $0x1;
	s5 =	sadd.s32 s6, s20  }
0x9e: {  	s9 =	simm.s32 $0x0;
	s21 =	sshll.u32 s7, $0x1;
	s7 =	sadd.s32 s22, s5  }
0x9f: {  	[timem:s9], [sflag:s23] =	dma.local [hbm:s7], s21  }
0xa0: {  	_ =	swait.ge [sflag:s23], s21  }
0xa1: {  	s6 =	ssub.s32 $0x0, s21;
	[sflag:s23] =	ssyncset.done $0x0  }
0xa2: {  	[sflag:s23] =	ssyncadd.s32 s6;
	_ =	sdelay $0x1  }
0xa3: {  	s24 =	simm.s32 $0x1B8B  }
0xa4: {  	_ =	swait.ge [sflag:s24], $0x1  }
0xa5: {  	[sflag:s24] =	ssyncset.done $0x0  }
0xa6: {  	s25 =	simm.s32 $0x1B8E;
	[sflag:s24] =	ssyncadd.s32 $0xFFFFFFFF  }
0xa7: {  	s26 =	simm.s32 $execute0_lowered;
	[smem:$0x3FD2] =	sst s25  }
0xa8: {  	s6 =	sshll.u32 s26, $0x1;
	_ =	strace $0x80000046;
	[dreg:$0x1] =	wrdreg $0xFFFFFFFF  }
0xa9: {  	s28 =	simm.s32 $_size_execute0_lowered;
	s5 =	sadd.s32 s5, s6;
	[dreg:$0x0] =	wrdreg $0x0  }
0xaa: {  	s6 =	sshll.u32 s28, $0x1;
	[dreg:$0x2] =	wrdreg s5  }
0xab: {  	[dreg:$0x3] =	wrdreg s6  }
0xac: {  	[dreg:$0x4] =	wrdreg $0xC0  }
0xad: {  	_ =	task [dreg:s9], $0x5FFFF  }
0xae: {  	[dreg:$0x1] =	wrdreg $0xFFFFFFFF  }
0xaf: {  	[dreg:$0x0] =	wrdreg $0x60  }
0xb0: {  	[dreg:$0x2] =	wrdreg s2  }
0xb1: {  	[dreg:$0x3] =	wrdreg s19  }
0xb2: {  	[dreg:$0x4] =	wrdreg s4  }
0xb3: {  	[dreg:$0x5] =	wrdreg $0x9  }
0xb4: {  	_ =	task.clear_ibuf [dreg:s9], $0x6FFFF;
	_ =	strace $0x90000046  }
0xb5: {  	s29 =	simm.s32 $0x9;
	_ =	strace $0x80000048  }
0xb6: {  	_ =	swait.ge [sflag:s29], $0x1  }
0xb7: {  	[sflag:s29] =	ssyncadd.s32 $0xFFFFFFFF  }
0xb8: {  	_ =	strace $0x90000048  }
0xb9: {  	_ =	sfence  }
0xba: {  	s30 =	sld [smem:$0x0];
	_ =	sdelay $0x2  }
0xbb: {  	s31 =	sshll.u32 s1, $0xD;
	s1 =	sshrl.u32 s1, $0x2  }
0xbc: {  	s3 =	sand.u32 $0x4000, s31;
	s1 =	sadd.s32 s1, s30  }
0xbd: {  	s0 =	sor.u32 s3, s0;
	s1 =	sshll.u32 s1, $0x11  }
0xbe: {  	s0 =	sor.u32 s1, s0  }
0xbf: {  	s0 =	sadd.s32 $0x8F2B, s0  }
0xc0: {  	[sflag:s0] =	ssyncadd.remote.s32 $0x1  }
0xc1: {  	_ =	sfence.sel $0xFFFF  }
0xc2: {  	[dreg:$0x0] =	wrdreg $0xFFFFFFFF;
	(pc) =	sbr.abs _section_cstart, $3  }
0xc3: {  	[dreg:$0x1] =	wrdreg $0xFFFFFFFF  }
0xc4: {  	_ =	task.clear_ibuf [dreg:s9], $0x2FFFF;
	_ =	strace $0x9FFFFFFF  }
0xc5: {  	(tm) =	ssettm $0x7FFFFFFF  }
tec
execute0_lowered:
.L_overlay_start_1:
0x0: {  	(tag) =	ssettag $0x1  }
0x1: {  	s1 =	rddreg [dreg:$0x0]  }
0x2: {  	s23 =	rddreg [dreg:$0x1]  }
0x3: {  	s4 =	rddreg [dreg:$0x2]  }
0x4: {  	s0 =	srdreg.scid;
	s2 =	stileid.u32;
	s5 =	simm.s32 $0x0  }
0x5: {  	s28 =	simm.s32 $0x5;
	s30 =	simm.s32 $0x7;
	s0 =	sand.u32 $0x1, s0  }
0x6: {  	s2 =	sshll.u32 s2, $0x8;
	[smem:$0x7FF] =	sst s5;
	s25 =	sadd.s32 $0x100000, s1  }
0x7: {  	s7 =	sadd.s32 $0x200000, s1;
	_ =	strace $0x80000047;
	[dreg:$0x7] =	wrdreg s25  }
0x8: {  	s8 =	sadd.s32 $0x300000, s1;
	s3 =	sshll.u32 s0, $0x7;
	[dreg:$0x8] =	wrdreg s7  }
0x9: {  	s17 =	simm.s32 $0x4;
	[dreg:$0x9] =	wrdreg s8;
	s6 =	sor.u32 s3, s2  }
0xa: {  	s3 =	sshll.u32 s6, $0x8;
	[dreg:$0x4] =	wrdreg s6;
	s31 =	sshrl.u32 s6, $0x3  }
0xb: {  	s9 =	simm.s32 $0x0;
	s22 =	sadd.s32 s23, s3;
	[dreg:$0xd] =	wrdreg s31  }
0xc: {  	s0 =	ssub.s32 $0x2, s0;
	s24 =	sadd.s32 s1, s3;
	[dreg:$0x5] =	wrdreg s22  }
0xd: {  	s21 =	sshrl.u32 s0, $0x1;
	s2 =	sadd.s32 s3, s25;
	[dreg:$0x6] =	wrdreg s24  }
0xe: {  	s0 =	ssub.s32 s0, s21;
	s26 =	sadd.s32 s3, s7;
	[dreg:$0xa] =	wrdreg s2  }
0xf: {  	s29 =	sadd.s32 s3, s8;
	s0 =	smax.u32 s0, $0x1;
	[dreg:$0xb] =	wrdreg s26  }
0x10: {  	s7 =	simm.s32 $0x6;
	s8 =	simm.s32 $0x8;
	[dreg:$0xc] =	wrdreg s29  }
0x11: {  	[dreg:$0xe] =	wrdreg s0;
	s0 =	simm.s32 $0x12;
	s2 =	simm.s32 $0x2  }
.LBB2_1:
0x12: {  	[dreg:$0xf] =	wrdreg s9  }
0x13: {  	s3 =	rddreg [dreg:$0x5];
	s6 =	simm.s32 $0x10000  }
0x14: {  	[tilespmem:s6], [sflag:$0x11] =	stream.linear.gather [hbm4b:s3+s5], $0x2000, $0x38;
	[tilespmem:$0x14000] =	vst v63  }
0x15: {  	s21 =	rddreg [dreg:$0x6]  }
0x16: {  	[tilespmem:s5], [sflag:$0x1] =	stream.linear.gather [hbm4b:s21+s5], $0x2000, $0x38;
	[tilespmem:$0x14000] =	vst v63  }
0x17: {  	s22 =	rddreg [dreg:$0xa];
	s24 =	simm.s32 $0x4000  }
0x18: {  	[tilespmem:s24], [sflag:$0x3] =	stream.linear.gather [hbm4b:s22+s5], $0x2000, $0x38;
	[tilespmem:$0x14000] =	vst v63  }
0x19: {  	s25 =	rddreg [dreg:$0xb];
	s26 =	simm.s32 $0x8000  }
0x1a: {  	[tilespmem:s26], [sflag:$0x5] =	stream.linear.gather [hbm4b:s25+s5], $0x2000, $0x38;
	[tilespmem:$0x14000] =	vst v63  }
0x1b: {  	s29 =	rddreg [dreg:$0xc];
	s31 =	simm.s32 $0xC000;
	s14 =	simm.s32 $0x0  }
0x1c: {  	[tilespmem:s31], [sflag:$0x7] =	stream.linear.gather [hbm4b:s29+s5], $0x2000, $0x38;
	[tilespmem:$0x14000] =	vst v63  }
.LBB2_2:
0x1d: {  	s3 =	rddreg [dreg:$0xd]  }
0x1e: {  	s6 =	simm.s32 $0x11;
	s3 =	sor.u32 s3, s14  }
0x1f: {  	s18 =	simm.s32 $0x0;
	_ =	swait.ge [sflag:s6], $0x2000;
	s16 =	sshll.u32 s3, $0xB  }
0x20: {  	s24 =	simm.s32 $0x12000;
	[sflag:s6] =	ssyncset.done $0x0;
	s13 =	sor.u32 $0x400, s16  }
0x21: {  	s9 =	simm.s32 $0x1;
	[sflag:s6] =	ssyncadd.s32 $0xFFFFE000;
	s22 =	sadd.s32 s23, s13  }
0x22: {  	[tilespmem:s24], [sflag:$0x12] =	stream.linear.gather [hbm4b:s22+s18], $0x2000, $0x38;
	[tilespmem:$0x14000] =	vst v63  }
0x23: {  	_ =	swait.ge [sflag:s9], $0x2000  }
0x24: {  	s25 =	sand.u32 $0x60, s18;
	s26 =	sand.u32 $0x1C00, s18;
	[sflag:s9] =	ssyncset.done $0x0  }
0x25: {  	s10 =	sor.u32 s25, s26;
	[sflag:s9] =	ssyncadd.s32 $0xFFFFE000  }
0x26: {  	v0 =	vld [tilespmem:s10+$0x10]  }
0x27: {  	v1 =	vld [tilespmem:s10+$0x10010]  }
0x28: {  	v2 =	vld [tilespmem:s10+$0x90]  }
0x29: {  	v3 =	vld [tilespmem:s10+$0x10090]  }
0x2a: {  	v4 =	vld [tilespmem:s10+$0x110]  }
0x2b: {  	v5 =	vld [tilespmem:s10+$0x10110]  }
0x2c: {  	v6 =	vld [tilespmem:s10+$0x190]  }
0x2d: {  	v7 =	vld [tilespmem:s10+$0x10190]  }
0x2e: {  	v8 =	vld [tilespmem:s10+$0x210]  }
0x2f: {  	v9 =	vld [tilespmem:s10+$0x10210]  }
0x30: {  	v10 =	vld [tilespmem:s10+$0x290]  }
0x31: {  	v61 =	vld [tilespmem:s10+$0x10180]  }
0x32: {  	s29 =	sand.u32 $0x3, s18;
	s25 =	simm.s32 $0x20;
	s6 =	simm.s32 $0x100;
	v62 =	vld [tilespmem:s10+$0x200]  }
0x33: {  	s3 =	sshll.u32 s29, $0x5;
	s29 =	sand.u32 $0x60, s25;
	s11 =	sand.u32 $0x1C00, s6;
	v11 =	vld [tilespmem:s10+$0x10200]  }
0x34: {  	s9 =	sor.u32 s29, s11;
	v12 =	vld [tilespmem:s10+$0x10280]  }
0x35: {  	v14 =	vld [tilespmem:s9+$0x10]  }
0x36: {  	v15 =	vld [tilespmem:s9+$0x10010]  }
0x37: {  	v16 =	vld [tilespmem:s9+$0x90]  }
0x38: {  	v17 =	vld [tilespmem:s9+$0x10090]  }
0x39: {  	v18 =	vld [tilespmem:s9+$0x110]  }
0x3a: {  	v19 =	vld [tilespmem:s9+$0x10110]  }
0x3b: {  	v20 =	vld [tilespmem:s9+$0x190]  }
0x3c: {  	v21 =	vld [tilespmem:s9+$0x10190]  }
0x3d: {  	v22 =	vld [tilespmem:s9+$0x210]  }
0x3e: {  	v0 =	vadd.f32 v1, v0;
	v1 =	vld [tilespmem:s10+$0x10290]  }
0x3f: {  	v23 =	vld [tilespmem:s9+$0x10210];
	v2 =	vadd.f32 v3, v2  }
0x40: {  	v24 =	vld [tilespmem:s9+$0x290];
	[tilespmem:s10+$0x10] =	vst v0;
	v0 =	vadd.f32 v5, v4  }
0x41: {  	v63 =	vld [tilespmem:s9+$0x10290];
	[tilespmem:s10+$0x90] =	vst v2;
	v2 =	vadd.f32 v7, v6  }
0x42: {  	v25 =	vld [tilespmem:s9+$0x0];
	[tilespmem:s10+$0x110] =	vst v0;
	v0 =	vadd.f32 v9, v8  }
0x43: {  	s12 =	sadd.s32 $0x0, s3;
	v28 =	vld [tilespmem:s9+$0x10000];
	[tilespmem:s10+$0x190] =	vst v2;
	v1 =	vadd.f32 v1, v10  }
0x44: {  	s3 =	sadd.s32 $0x10, s12;
	v30 =	vld [tilespmem:s9+$0x80];
	[tilespmem:s10+$0x210] =	vst v0  }
0x45: {  	s31 =	sor.u32 $0x300, s3;
	v32 =	vld [tilespmem:s9+$0x10080];
	[tilespmem:s10+$0x290] =	vst v1  }
0x46: {  	v1 =	vld [tilespmem:s31+$0x0]  }
0x47: {  	v6 =	vld [tilespmem:s31+$0x10000]  }
0x48: {  	v34 =	vld [tilespmem:s9+$0x100]  }
0x49: {  	v35 =	vld [tilespmem:s9+$0x10100]  }
0x4a: {  	v3 =	vld [tilespmem:s10+$0x0]  }
0x4b: {  	v14 =	vadd.f32 v15, v14;
	v4 =	vld [tilespmem:s10+$0x10000]  }
0x4c: {  	v7 =	vld [tilespmem:s10+$0x10100];
	v1 =	vadd.f32 v6, v1  }
0x4d: {  	v16 =	vadd.f32 v17, v16;
	[tilespmem:s9+$0x10] =	vst v14;
	v0 =	vld [tilespmem:s10+$0x100]  }
0x4e: {  	v29 =	vadd.f32 v19, v18;
	v5 =	vld [tilespmem:s10+$0x80];
	[tilespmem:s31+$0x0] =	vst v1;
	s31 =	simm.s32 $0x1  }
0x4f: {  	v31 =	vadd.f32 v21, v20;
	[tilespmem:s9+$0x90] =	vst v16;
	v2 =	vld [tilespmem:s10+$0x10080];
	s11 =	sand.u32 $0x3, s31  }
0x50: {  	v33 =	vadd.f32 v23, v22;
	[tilespmem:s9+$0x110] =	vst v29;
	v8 =	vld [tilespmem:s10+$0x180];
	s11 =	sshll.u32 s11, $0x5  }
0x51: {  	v15 =	vadd.f32 v63, v24;
	[tilespmem:s9+$0x190] =	vst v31;
	v3 =	vadd.f32 v4, v3;
	v4 =	vld [tilespmem:s9+$0x180];
	s11 =	sadd.s32 $0x100, s11  }
0x52: {  	[tilespmem:s9+$0x210] =	vst v33;
	v0 =	vadd.f32 v7, v0;
	v7 =	vld [tilespmem:s9+$0x10180];
	s19 =	sadd.s32 $0x10, s11  }
0x53: {  	[tilespmem:s9+$0x290] =	vst v15;
	v6 =	vld [tilespmem:s10+$0x280];
	s20 =	sor.u32 $0x300, s19  }
0x54: {  	v2 =	vadd.f32 v2, v5;
	[tilespmem:s10+$0x0] =	vst v3;
	v5 =	vld [tilespmem:s20+$0x0]  }
0x55: {  	[tilespmem:s10+$0x100] =	vst v0;
	v0 =	vadd.f32 v11, v62;
	v3 =	vld [tilespmem:s20+$0x10000]  }
0x56: {  	[tilespmem:s10+$0x80] =	vst v2;
	v2 =	vadd.f32 v61, v8;
	v8 =	vld [tilespmem:s9+$0x200]  }
0x57: {  	s15 =	sor.u32 $0x380, s3;
	[tilespmem:s10+$0x200] =	vst v0;
	v0 =	vld [tilespmem:s9+$0x280]  }
0x58: {  	v1 =	vld [tilespmem:s15+$0x0]  }
0x59: {  	[tilespmem:s10+$0x180] =	vst v2;
	v13 =	vld [tilespmem:s15+$0x10000];
	v2 =	vadd.f32 v12, v6  }
0x5a: {  	v6 =	vld [tilespmem:s9+$0x10200];
	v3 =	vadd.f32 v3, v5  }
0x5b: {  	s26 =	simm.s32 $0x40;
	s22 =	sor.u32 $0x300, s12;
	s24 =	simm.s32 $0x200;
	[tilespmem:s10+$0x280] =	vst v2;
	v2 =	vld [tilespmem:s9+$0x10280]  }
0x5c: {  	s10 =	sor.u32 $0x380, s19;
	s19 =	sand.u32 $0x60, s26;
	v5 =	vld [tilespmem:s22+$0x0];
	[tilespmem:s20+$0x0] =	vst v3;
	s20 =	sand.u32 $0x1C00, s24  }
0x5d: {  	v3 =	vld [tilespmem:s22+$0x10000];
	s12 =	sor.u32 s19, s20  }
0x5e: {  	v37 =	vld [tilespmem:s12+$0x10]  }
0x5f: {  	v38 =	vld [tilespmem:s12+$0x10010]  }
0x60: {  	v39 =	vld [tilespmem:s12+$0x90]  }
0x61: {  	v40 =	vld [tilespmem:s12+$0x10090]  }
0x62: {  	v41 =	vld [tilespmem:s12+$0x110]  }
0x63: {  	v42 =	vld [tilespmem:s12+$0x10110]  }
0x64: {  	v43 =	vld [tilespmem:s12+$0x190]  }
0x65: {  	v44 =	vld [tilespmem:s12+$0x10190]  }
0x66: {  	v45 =	vld [tilespmem:s12+$0x210]  }
0x67: {  	v26 =	vld [tilespmem:s12+$0x10210]  }
0x68: {  	v1 =	vadd.f32 v13, v1;
	v46 =	vld [tilespmem:s12+$0x290]  }
0x69: {  	v17 =	vadd.f32 v28, v25;
	v47 =	vld [tilespmem:s12+$0x10290]  }
0x6a: {  	[tilespmem:s15+$0x0] =	vst v1;
	v48 =	vld [tilespmem:s12+$0x0];
	v1 =	vadd.f32 v38, v37  }
0x6b: {  	[tilespmem:s9+$0x0] =	vst v17;
	v50 =	vld [tilespmem:s12+$0x10000];
	v49 =	vadd.f32 v40, v39  }
0x6c: {  	v51 =	vld [tilespmem:s12+$0x80];
	[tilespmem:s12+$0x10] =	vst v1;
	v1 =	vadd.f32 v42, v41  }
0x6d: {  	s19 =	simm.s32 $0x2;
	v53 =	vld [tilespmem:s12+$0x10080];
	v52 =	vadd.f32 v44, v43;
	[tilespmem:s12+$0x90] =	vst v49  }
0x6e: {  	v36 =	vld [tilespmem:s10+$0x0];
	s21 =	sand.u32 $0x3, s19;
	[tilespmem:s12+$0x110] =	vst v1;
	v1 =	vadd.f32 v26, v45  }
0x6f: {  	v54 =	vld [tilespmem:s10+$0x10000];
	s15 =	sshll.u32 s21, $0x5;
	v55 =	vadd.f32 v47, v46;
	[tilespmem:s12+$0x190] =	vst v52  }
0x70: {  	v56 =	vld [tilespmem:s12+$0x100];
	s15 =	sadd.s32 $0x200, s15;
	[tilespmem:s12+$0x210] =	vst v1;
	v1 =	vadd.f32 v50, v48  }
0x71: {  	v58 =	vadd.f32 v32, v30;
	v57 =	vld [tilespmem:s12+$0x10100];
	s29 =	sadd.s32 $0x10, s15;
	[tilespmem:s12+$0x290] =	vst v55  }
0x72: {  	v59 =	vld [tilespmem:s12+$0x180];
	s31 =	sor.u32 $0x300, s29;
	[tilespmem:s12+$0x0] =	vst v1;
	v1 =	vadd.f32 v53, v51  }
0x73: {  	[tilespmem:s9+$0x80] =	vst v58;
	v4 =	vadd.f32 v7, v4;
	v60 =	vld [tilespmem:s31+$0x0]  }
0x74: {  	v61 =	vadd.f32 v35, v34;
	[tilespmem:s12+$0x80] =	vst v1;
	v1 =	vld [tilespmem:s31+$0x10000]  }
0x75: {  	[tilespmem:s9+$0x180] =	vst v4;
	v4 =	vadd.f32 v6, v8;
	v62 =	vld [tilespmem:s12+$0x10180]  }
0x76: {  	[tilespmem:s9+$0x100] =	vst v61;
	v2 =	vadd.f32 v2, v0;
	v63 =	vld [tilespmem:s12+$0x200]  }
0x77: {  	[tilespmem:s9+$0x200] =	vst v4;
	v6 =	vld [tilespmem:s12+$0x10200];
	v4 =	vadd.f32 v3, v5  }
0x78: {  	[tilespmem:s9+$0x280] =	vst v2;
	v0 =	vld [tilespmem:s12+$0x280];
	v7 =	vadd.f32 v57, v56  }
0x79: {  	s20 =	sor.u32 $0x300, s11;
	v3 =	vld [tilespmem:s12+$0x10280];
	[tilespmem:s22+$0x0] =	vst v4;
	v2 =	vadd.f32 v1, v60  }
0x7a: {  	s6 =	sor.u32 s6, s25;
	s25 =	sor.u32 s18, s18;
	v5 =	vld [tilespmem:s20+$0x10000];
	v4 =	vadd.f32 v54, v36;
	[tilespmem:s12+$0x100] =	vst v7  }
0x7b: {  	s3 =	sor.u32 $0x380, s25;
	s26 =	sor.u32 s24, s26;
	s22 =	sor.u32 $0x380, s29;
	v7 =	vadd.f32 v62, v59;
	v1 =	vld [tilespmem:s20+$0x0];
	[tilespmem:s31+$0x0] =	vst v2  }
0x7c: {  	s6 =	sor.u32 $0x380, s6;
	s18 =	sor.u32 $0x380, s26;
	s9 =	simm.s32 $0x4;
	v6 =	vadd.f32 v6, v63;
	[tilespmem:s10+$0x0] =	vst v4;
	v2 =	vld [tilespmem:s22+$0x0]  }
0x7d: {  	s11 =	simm.s32 $0x60;
	s15 =	sor.u32 $0x300, s15;
	s10 =	simm.s32 $0x300;
	[tilespmem:s12+$0x180] =	vst v7;
	v4 =	vld [tilespmem:s22+$0x10000]  }
.LBB2_3:
0x7e: {  	s24 =	sand.u32 $0x60, s11;
	s26 =	sand.u32 $0x1C00, s10;
	s29 =	sor.u32 s10, s11;
	[tilespmem:s12+$0x200] =	vst v6;
	v0 =	vadd.f32 v3, v0;
	v3 =	vld [tilespmem:s3+$0x0]  }
0x7f: {  	s24 =	sor.u32 s24, s26;
	s26 =	sor.u32 $0x380, s29;
	v6 =	vld [tilespmem:s3+$0x10000]  }
0x80: {  	v7 =	vld [tilespmem:s24+$0x10];
	[tilespmem:s12+$0x280] =	vst v0;
	v0 =	vadd.f32 v5, v1;
	s12 =	smov.u32 s24  }
0x81: {  	v1 =	vld [tilespmem:s12+$0x10010]  }
0x82: {  	v5 =	vld [tilespmem:s12+$0x90];
	v2 =	vadd.f32 v4, v2;
	[tilespmem:s20+$0x0] =	vst v0;
	s20 =	smov.u32 s15  }
0x83: {  	v0 =	vld [tilespmem:s12+$0x10090]  }
0x84: {  	v4 =	vld [tilespmem:s12+$0x110];
	[tilespmem:s22+$0x0] =	vst v2;
	v2 =	vadd.f32 v6, v3  }
0x85: {  	v3 =	vld [tilespmem:s12+$0x10110]  }
0x86: {  	v6 =	vld [tilespmem:s12+$0x190];
	[tilespmem:s3+$0x0] =	vst v2;
	s3 =	smov.u32 s6;
	s6 =	smov.u32 s18;
	s18 =	smov.u32 s26  }
0x87: {  	v2 =	vld [tilespmem:s12+$0x10190]  }
0x88: {  	v8 =	vld [tilespmem:s12+$0x210]  }
0x89: {  	v9 =	vld [tilespmem:s12+$0x10210]  }
0x8a: {  	v10 =	vld [tilespmem:s12+$0x290]  }
0x8b: {  	s9 =	sadd.s32 $0x2, s9;
	v1 =	vadd.f32 v1, v7;
	v7 =	vld [tilespmem:s12+$0x10290]  }
0x8c: {  	p0 =	slt.u32 s9, $0x3E;
	v0 =	vadd.f32 v0, v5;
	v11 =	vld [tilespmem:s12+$0x0]  }
0x8d: {  	s19 =	sadd.s32 $0x1, s19;
	v5 =	vld [tilespmem:s12+$0x10000];
	[tilespmem:s12+$0x10] =	vst v1;
	v1 =	vadd.f32 v3, v4  }
0x8e: {  	s15 =	sand.u32 $0x3, s19;
	v3 =	vld [tilespmem:s12+$0x80];
	[tilespmem:s12+$0x90] =	vst v0;
	v0 =	vadd.f32 v2, v6  }
0x8f: {  	s15 =	sshll.u32 s15, $0x5;
	v2 =	vld [tilespmem:s12+$0x10080];
	[tilespmem:s12+$0x110] =	vst v1;
	v1 =	vadd.f32 v9, v8  }
0x90: {  	s22 =	sadd.s32 s15, s10;
	v4 =	vld [tilespmem:s12+$0x100];
	[tilespmem:s12+$0x190] =	vst v0;
	v0 =	vadd.f32 v7, v10  }
0x91: {  	s15 =	sor.u32 $0x300, s22;
	s22 =	sadd.s32 $0x10, s22;
	v6 =	vld [tilespmem:s12+$0x10100];
	[tilespmem:s12+$0x210] =	vst v1  }
0x92: {  	s24 =	sor.u32 $0x300, s22;
	v1 =	vadd.f32 v5, v11;
	v5 =	vld [tilespmem:s12+$0x180];
	[tilespmem:s12+$0x290] =	vst v0  }
0x93: {  	v7 =	vld [tilespmem:s24+$0x0]  }
0x94: {  	[tilespmem:s12+$0x0] =	vst v1;
	v0 =	vadd.f32 v2, v3;
	v1 =	vld [tilespmem:s24+$0x10000]  }
0x95: {  	v2 =	vld [tilespmem:s12+$0x10180]  }
0x96: {  	[tilespmem:s12+$0x80] =	vst v0;
	v0 =	vadd.f32 v6, v4;
	v4 =	vld [tilespmem:s12+$0x200]  }
0x97: {  	v6 =	vld [tilespmem:s12+$0x10200]  }
0x98: {  	[tilespmem:s12+$0x100] =	vst v0;
	v0 =	vld [tilespmem:s12+$0x280]  }
.Ltmp0:
0x99: {  	v3 =	vld [tilespmem:s12+$0x10280];
	v7 =	vadd.f32 v1, v7;
	(pc) =	sbr.rel @p0 .LBB2_3-.Ltmp0, $4  }
0x9a: {  	v2 =	vadd.f32 v2, v5;
	v1 =	vld [tilespmem:s20+$0x0]  }
0x9b: {  	s22 =	sor.u32 $0x380, s22;
	[tilespmem:s24+$0x0] =	vst v7;
	v5 =	vld [tilespmem:s20+$0x10000]  }
0x9c: {  	[tilespmem:s12+$0x180] =	vst v2;
	v6 =	vadd.f32 v6, v4;
	v2 =	vld [tilespmem:s22+$0x0]  }
0x9d: {  	s11 =	sadd.s32 $0x20, s11;
	s10 =	sadd.s32 $0x100, s10;
	v4 =	vld [tilespmem:s22+$0x10000]  }
0x9e: {  	v0 =	vadd.f32 v3, v0  }
0x9f: {  	[tilespmem:s12+$0x200] =	vst v6  }
0xa0: {  	[tilespmem:s12+$0x280] =	vst v0  }
0xa1: {  	v0 =	vld [tilespmem:s15+$0x0]  }
0xa2: {  	v3 =	vld [tilespmem:s15+$0x10000];
	_ =	sdelay $0x2  }
0xa3: {  	v1 =	vadd.f32 v5, v1  }
0xa4: {  	v6 =	vld [tilespmem:s3+$0x10000]  }
0xa5: {  	v5 =	vld [tilespmem:s3+$0x0];
	[tilespmem:s20+$0x0] =	vst v1;
	v0 =	vadd.f32 v3, v0  }
0xa6: {  	v1 =	vld [tilespmem:s6+$0x0]  }
0xa7: {  	v3 =	vld [tilespmem:s6+$0x10000];
	[tilespmem:s15+$0x0] =	vst v0  }
0xa8: {  	v0 =	vld [tilespmem:s18+$0x0]  }
0xa9: {  	v7 =	vld [tilespmem:s18+$0x10000];
	_ =	sdelay $0x1  }
0xaa: {  	v2 =	vadd.f32 v4, v2  }
0xab: {  	v4 =	vadd.f32 v6, v5  }
0xac: {  	[tilespmem:s22+$0x0] =	vst v2;
	v1 =	vadd.f32 v3, v1  }
0xad: {  	[tilespmem:s3+$0x0] =	vst v4;
	v0 =	vadd.f32 v7, v0  }
0xae: {  	p0 =	seq.s32 s14, $0x0;
	[tilespmem:s6+$0x0] =	vst v1  }
0xaf: {  	s19 =	sadd.s32 s4, s16;
	s3 =	simm.s32 @!p0 $0xA;
	[tilespmem:s18+$0x0] =	vst v0  }
0xb0: {  	[hbm4b:s19+s5] =	stream.linear.scatter [tilespmem:s5], [sflag:$0x9], $0x2000, $0x38;
	[tilespmem:$0x14000] =	vst v63  }
0xb1: {  	_ =	swait.ge @!p0 [sflag:s3], $0x2000  }
0xb2: {  	s21 =	simm.s32 $0x2000;
	s9 =	simm.s32 $0x3;
	[sflag:s3] =	ssyncset.done @!p0 $0x0  }
0xb3: {  	s20 =	sadd.s32 s1, s13;
	s18 =	simm.s32 $0x0;
	[sflag:s3] =	ssyncadd.s32 @!p0 $0xFFFFE000  }
0xb4: {  	[tilespmem:s21], [sflag:$0x2] =	stream.linear.gather [hbm4b:s20+s18], $0x2000, $0x38;
	[tilespmem:$0x14000] =	vst v63  }
0xb5: {  	_ =	swait.ge [sflag:s9], $0x2000  }
0xb6: {  	s22 =	sand.u32 $0x60, s18;
	s24 =	sand.u32 $0x1C00, s18;
	[sflag:s9] =	ssyncset.done $0x0  }
0xb7: {  	s10 =	sor.u32 s22, s24;
	[sflag:s9] =	ssyncadd.s32 $0xFFFFE000  }
0xb8: {  	v0 =	vld [tilespmem:s10+$0x4010]  }
0xb9: {  	v1 =	vld [tilespmem:s10+$0x10010]  }
0xba: {  	v2 =	vld [tilespmem:s10+$0x4090]  }
0xbb: {  	v3 =	vld [tilespmem:s10+$0x10090]  }
0xbc: {  	v4 =	vld [tilespmem:s10+$0x4110]  }
0xbd: {  	v5 =	vld [tilespmem:s10+$0x10110]  }
0xbe: {  	v6 =	vld [tilespmem:s10+$0x4190]  }
0xbf: {  	v7 =	vld [tilespmem:s10+$0x10190]  }
0xc0: {  	s25 =	sand.u32 $0x3, s18;
	v8 =	vld [tilespmem:s10+$0x4210]  }
0xc1: {  	s3 =	sshll.u32 s25, $0x5;
	v9 =	vld [tilespmem:s10+$0x10210]  }
0xc2: {  	s26 =	sadd.s32 $0x0, s3;
	v10 =	vld [tilespmem:s10+$0x4290]  }
0xc3: {  	s6 =	simm.s32 $0x20;
	s3 =	sadd.s32 $0x10, s26;
	v61 =	vld [tilespmem:s10+$0x10180]  }
0xc4: {  	s29 =	sor.u32 $0x300, s3;
	s31 =	sor.u32 $0x380, s3;
	s3 =	simm.s32 $0x100;
	v62 =	vld [tilespmem:s10+$0x4200]  }
0xc5: {  	s20 =	sand.u32 $0x60, s6;
	s11 =	sand.u32 $0x1C00, s3;
	v11 =	vld [tilespmem:s10+$0x10200]  }
0xc6: {  	v12 =	vld [tilespmem:s10+$0x10280];
	s9 =	sor.u32 s20, s11  }
0xc7: {  	v14 =	vld [tilespmem:s9+$0x4010]  }
0xc8: {  	v15 =	vld [tilespmem:s9+$0x10010]  }
0xc9: {  	v16 =	vld [tilespmem:s9+$0x4090]  }
0xca: {  	v17 =	vld [tilespmem:s9+$0x10090]  }
0xcb: {  	v18 =	vld [tilespmem:s9+$0x4110]  }
0xcc: {  	v19 =	vld [tilespmem:s9+$0x10110]  }
0xcd: {  	v20 =	vld [tilespmem:s9+$0x4190]  }
0xce: {  	v21 =	vld [tilespmem:s9+$0x10190]  }
0xcf: {  	v22 =	vld [tilespmem:s9+$0x4210]  }
0xd0: {  	v23 =	vld [tilespmem:s9+$0x10210]  }
0xd1: {  	v24 =	vld [tilespmem:s9+$0x4290]  }
0xd2: {  	v63 =	vld [tilespmem:s9+$0x10290]  }
0xd3: {  	v25 =	vld [tilespmem:s9+$0x4000]  }
0xd4: {  	v28 =	vld [tilespmem:s9+$0x10000]  }
0xd5: {  	v30 =	vld [tilespmem:s9+$0x4080]  }
0xd6: {  	v32 =	vld [tilespmem:s9+$0x10080];
	v0 =	vadd.f32 v1, v0  }
0xd7: {  	v34 =	vld [tilespmem:s9+$0x4100];
	v2 =	vadd.f32 v3, v2  }
0xd8: {  	v1 =	vld [tilespmem:s10+$0x10290];
	v14 =	vadd.f32 v15, v14;
	[tilespmem:s10+$0x4010] =	vst v0  }
0xd9: {  	v35 =	vld [tilespmem:s9+$0x10100];
	v16 =	vadd.f32 v17, v16;
	[tilespmem:s10+$0x4090] =	vst v2  }
0xda: {  	v3 =	vld [tilespmem:s10+$0x4000];
	v0 =	vadd.f32 v5, v4;
	[tilespmem:s9+$0x4010] =	vst v14  }
0xdb: {  	v2 =	vadd.f32 v7, v6;
	v4 =	vld [tilespmem:s10+$0x10000];
	[tilespmem:s9+$0x4090] =	vst v16  }
0xdc: {  	v5 =	vld [tilespmem:s10+$0x4080];
	[tilespmem:s10+$0x4110] =	vst v0;
	v0 =	vadd.f32 v9, v8  }
0xdd: {  	v7 =	vld [tilespmem:s10+$0x10100];
	[tilespmem:s10+$0x4190] =	vst v2;
	v1 =	vadd.f32 v1, v10  }
0xde: {  	s21 =	simm.s32 $0x1;
	v29 =	vadd.f32 v19, v18;
	v2 =	vld [tilespmem:s10+$0x10080];
	[tilespmem:s10+$0x4210] =	vst v0  }
0xdf: {  	s11 =	sand.u32 $0x3, s21;
	v31 =	vadd.f32 v21, v20;
	v0 =	vld [tilespmem:s10+$0x4100];
	[tilespmem:s10+$0x4290] =	vst v1  }
0xe0: {  	s11 =	sshll.u32 s11, $0x5;
	v33 =	vadd.f32 v23, v22;
	[tilespmem:s9+$0x4110] =	vst v29;
	v1 =	vld [tilespmem:s29+$0x4000]  }
0xe1: {  	s11 =	sadd.s32 $0x100, s11;
	v15 =	vadd.f32 v63, v24;
	[tilespmem:s9+$0x4190] =	vst v31;
	v6 =	vld [tilespmem:s29+$0x10000]  }
0xe2: {  	s19 =	sadd.s32 $0x10, s11;
	[tilespmem:s9+$0x4210] =	vst v33;
	v8 =	vld [tilespmem:s10+$0x4180]  }
0xe3: {  	s22 =	sor.u32 $0x300, s19;
	[tilespmem:s9+$0x4290] =	vst v15;
	v3 =	vadd.f32 v4, v3;
	v4 =	vld [tilespmem:s9+$0x4180]  }
0xe4: {  	v2 =	vadd.f32 v2, v5;
	v5 =	vld [tilespmem:s22+$0x4000]  }
0xe5: {  	[tilespmem:s10+$0x4000] =	vst v3;
	v3 =	vld [tilespmem:s22+$0x10000];
	v0 =	vadd.f32 v7, v0  }
0xe6: {  	[tilespmem:s10+$0x4080] =	vst v2;
	v1 =	vadd.f32 v6, v1;
	v6 =	vld [tilespmem:s10+$0x4280]  }
0xe7: {  	v7 =	vld [tilespmem:s9+$0x10180];
	[tilespmem:s10+$0x4100] =	vst v0;
	v0 =	vadd.f32 v11, v62  }
0xe8: {  	v2 =	vadd.f32 v61, v8;
	v8 =	vld [tilespmem:s9+$0x4200];
	[tilespmem:s29+$0x4000] =	vst v1  }
0xe9: {  	[tilespmem:s10+$0x4200] =	vst v0;
	v0 =	vld [tilespmem:s9+$0x4280]  }
0xea: {  	v1 =	vld [tilespmem:s31+$0x4000]  }
0xeb: {  	[tilespmem:s10+$0x4180] =	vst v2;
	v13 =	vld [tilespmem:s31+$0x10000];
	v2 =	vadd.f32 v12, v6  }
0xec: {  	v6 =	vld [tilespmem:s9+$0x10200]  }
0xed: {  	s24 =	simm.s32 $0x200;
	s25 =	sor.u32 $0x300, s26;
	s26 =	simm.s32 $0x40;
	v3 =	vadd.f32 v3, v5;
	[tilespmem:s10+$0x4280] =	vst v2;
	v2 =	vld [tilespmem:s9+$0x10280]  }
0xee: {  	s20 =	sand.u32 $0x1C00, s24;
	s10 =	sor.u32 $0x380, s19;
	s19 =	sand.u32 $0x60, s26;
	v5 =	vld [tilespmem:s25+$0x4000]  }
0xef: {  	[tilespmem:s22+$0x4000] =	vst v3;
	v3 =	vld [tilespmem:s25+$0x10000];
	s12 =	sor.u32 s19, s20  }
0xf0: {  	v37 =	vld [tilespmem:s12+$0x4010]  }
0xf1: {  	v38 =	vld [tilespmem:s12+$0x10010]  }
0xf2: {  	v39 =	vld [tilespmem:s12+$0x4090]  }
0xf3: {  	v40 =	vld [tilespmem:s12+$0x10090]  }
0xf4: {  	v41 =	vld [tilespmem:s12+$0x4110]  }
0xf5: {  	v42 =	vld [tilespmem:s12+$0x10110]  }
0xf6: {  	v43 =	vld [tilespmem:s12+$0x4190]  }
0xf7: {  	v44 =	vld [tilespmem:s12+$0x10190]  }
0xf8: {  	v45 =	vld [tilespmem:s12+$0x4210]  }
0xf9: {  	v26 =	vld [tilespmem:s12+$0x10210]  }
0xfa: {  	v1 =	vadd.f32 v13, v1;
	v46 =	vld [tilespmem:s12+$0x4290]  }
0xfb: {  	v17 =	vadd.f32 v28, v25;
	v47 =	vld [tilespmem:s12+$0x10290]  }
0xfc: {  	v48 =	vld [tilespmem:s12+$0x4000];
	[tilespmem:s31+$0x4000] =	vst v1;
	v1 =	vadd.f32 v38, v37  }
0xfd: {  	[tilespmem:s9+$0x4000] =	vst v17;
	v50 =	vld [tilespmem:s12+$0x10000];
	v49 =	vadd.f32 v40, v39  }
0xfe: {  	v51 =	vld [tilespmem:s12+$0x4080];
	[tilespmem:s12+$0x4010] =	vst v1;
	v1 =	vadd.f32 v42, v41  }
0xff: {  	s19 =	simm.s32 $0x2;
	v53 =	vld [tilespmem:s12+$0x10080];
	v52 =	vadd.f32 v44, v43;
	[tilespmem:s12+$0x4090] =	vst v49  }
0x100: {  	v36 =	vld [tilespmem:s10+$0x4000];
	s21 =	sand.u32 $0x3, s19;
	[tilespmem:s12+$0x4110] =	vst v1;
	v1 =	vadd.f32 v26, v45  }
0x101: {  	v54 =	vld [tilespmem:s10+$0x10000];
	s15 =	sshll.u32 s21, $0x5;
	v55 =	vadd.f32 v47, v46;
	[tilespmem:s12+$0x4190] =	vst v52  }
0x102: {  	v56 =	vld [tilespmem:s12+$0x4100];
	s15 =	sadd.s32 $0x200, s15;
	[tilespmem:s12+$0x4210] =	vst v1;
	v1 =	vadd.f32 v50, v48  }
0x103: {  	v58 =	vadd.f32 v32, v30;
	v57 =	vld [tilespmem:s12+$0x10100];
	s29 =	sadd.s32 $0x10, s15;
	[tilespmem:s12+$0x4290] =	vst v55  }
0x104: {  	v59 =	vld [tilespmem:s12+$0x4180];
	s31 =	sor.u32 $0x300, s29;
	[tilespmem:s12+$0x4000] =	vst v1;
	v1 =	vadd.f32 v53, v51  }
0x105: {  	[tilespmem:s9+$0x4080] =	vst v58;
	v4 =	vadd.f32 v7, v4;
	v60 =	vld [tilespmem:s31+$0x4000]  }
0x106: {  	v61 =	vadd.f32 v35, v34;
	[tilespmem:s12+$0x4080] =	vst v1;
	v1 =	vld [tilespmem:s31+$0x10000]  }
0x107: {  	[tilespmem:s9+$0x4180] =	vst v4;
	v62 =	vld [tilespmem:s12+$0x10180];
	v4 =	vadd.f32 v6, v8  }
0x108: {  	[tilespmem:s9+$0x4100] =	vst v61;
	v63 =	vld [tilespmem:s12+$0x4200];
	v2 =	vadd.f32 v2, v0  }
0x109: {  	v6 =	vld [tilespmem:s12+$0x10200];
	[tilespmem:s9+$0x4200] =	vst v4;
	v4 =	vadd.f32 v3, v5  }
0x10a: {  	v0 =	vld [tilespmem:s12+$0x4280];
	v7 =	vadd.f32 v57, v56;
	[tilespmem:s9+$0x4280] =	vst v2  }
0x10b: {  	s6 =	sor.u32 s3, s6;
	s20 =	sor.u32 $0x300, s11;
	v3 =	vld [tilespmem:s12+$0x10280];
	[tilespmem:s25+$0x4000] =	vst v4;
	v2 =	vadd.f32 v1, v60  }
0x10c: {  	s6 =	sor.u32 $0x380, s6;
	v4 =	vadd.f32 v54, v36;
	v5 =	vld [tilespmem:s20+$0x10000];
	[tilespmem:s12+$0x4100] =	vst v7  }
0x10d: {  	s26 =	sor.u32 s24, s26;
	s11 =	simm.s32 $0x60;
	s22 =	sor.u32 $0x380, s29;
	v7 =	vadd.f32 v62, v59;
	v1 =	vld [tilespmem:s20+$0x4000];
	[tilespmem:s31+$0x4000] =	vst v2  }
0x10e: {  	s15 =	sor.u32 $0x300, s15;
	s9 =	simm.s32 $0x4;
	s25 =	sor.u32 s18, s18;
	v6 =	vadd.f32 v6, v63;
	[tilespmem:s10+$0x4000] =	vst v4;
	v2 =	vld [tilespmem:s22+$0x4000]  }
0x10f: {  	s18 =	sor.u32 $0x380, s26;
	s3 =	sor.u32 $0x380, s25;
	s10 =	simm.s32 $0x300;
	[tilespmem:s12+$0x4180] =	vst v7;
	v4 =	vld [tilespmem:s22+$0x10000]  }
.LBB2_5:
0x110: {  	s24 =	sand.u32 $0x60, s11;
	s26 =	sand.u32 $0x1C00, s10;
	s29 =	sor.u32 s10, s11;
	[tilespmem:s12+$0x4200] =	vst v6;
	v0 =	vadd.f32 v3, v0;
	v3 =	vld [tilespmem:s3+$0x4000]  }
0x111: {  	s24 =	sor.u32 s24, s26;
	s26 =	sor.u32 $0x380, s29;
	v6 =	vld [tilespmem:s3+$0x10000]  }
0x112: {  	v7 =	vld [tilespmem:s24+$0x4010];
	[tilespmem:s12+$0x4280] =	vst v0;
	v0 =	vadd.f32 v5, v1;
	s12 =	smov.u32 s24  }
0x113: {  	v1 =	vld [tilespmem:s12+$0x10010]  }
0x114: {  	v5 =	vld [tilespmem:s12+$0x4090];
	v2 =	vadd.f32 v4, v2;
	[tilespmem:s20+$0x4000] =	vst v0;
	s20 =	smov.u32 s15  }
0x115: {  	v0 =	vld [tilespmem:s12+$0x10090]  }
0x116: {  	v4 =	vld [tilespmem:s12+$0x4110];
	[tilespmem:s22+$0x4000] =	vst v2;
	v2 =	vadd.f32 v6, v3  }
0x117: {  	v3 =	vld [tilespmem:s12+$0x10110]  }
0x118: {  	v6 =	vld [tilespmem:s12+$0x4190];
	[tilespmem:s3+$0x4000] =	vst v2;
	s3 =	smov.u32 s6;
	s6 =	smov.u32 s18;
	s18 =	smov.u32 s26  }
0x119: {  	v2 =	vld [tilespmem:s12+$0x10190]  }
0x11a: {  	v8 =	vld [tilespmem:s12+$0x4210]  }
0x11b: {  	v9 =	vld [tilespmem:s12+$0x10210]  }
0x11c: {  	v10 =	vld [tilespmem:s12+$0x4290]  }
0x11d: {  	s9 =	sadd.s32 $0x2, s9;
	v1 =	vadd.f32 v1, v7;
	v7 =	vld [tilespmem:s12+$0x10290]  }
0x11e: {  	p1 =	slt.u32 s9, $0x3E;
	v0 =	vadd.f32 v0, v5;
	v11 =	vld [tilespmem:s12+$0x4000]  }
0x11f: {  	s19 =	sadd.s32 $0x1, s19;
	v5 =	vld [tilespmem:s12+$0x10000];
	[tilespmem:s12+$0x4010] =	vst v1;
	v1 =	vadd.f32 v3, v4  }
0x120: {  	s15 =	sand.u32 $0x3, s19;
	v3 =	vld [tilespmem:s12+$0x4080];
	[tilespmem:s12+$0x4090] =	vst v0;
	v0 =	vadd.f32 v2, v6  }
0x121: {  	s15 =	sshll.u32 s15, $0x5;
	v2 =	vld [tilespmem:s12+$0x10080];
	[tilespmem:s12+$0x4110] =	vst v1;
	v1 =	vadd.f32 v9, v8  }
0x122: {  	s22 =	sadd.s32 s15, s10;
	v4 =	vld [tilespmem:s12+$0x4100];
	[tilespmem:s12+$0x4190] =	vst v0;
	v0 =	vadd.f32 v7, v10  }
0x123: {  	s15 =	sor.u32 $0x300, s22;
	s22 =	sadd.s32 $0x10, s22;
	v6 =	vld [tilespmem:s12+$0x10100];
	[tilespmem:s12+$0x4210] =	vst v1  }
0x124: {  	s24 =	sor.u32 $0x300, s22;
	v1 =	vadd.f32 v5, v11;
	v5 =	vld [tilespmem:s12+$0x4180];
	[tilespmem:s12+$0x4290] =	vst v0  }
0x125: {  	v7 =	vld [tilespmem:s24+$0x4000]  }
0x126: {  	[tilespmem:s12+$0x4000] =	vst v1;
	v0 =	vadd.f32 v2, v3;
	v1 =	vld [tilespmem:s24+$0x10000]  }
0x127: {  	v2 =	vld [tilespmem:s12+$0x10180]  }
0x128: {  	[tilespmem:s12+$0x4080] =	vst v0;
	v0 =	vadd.f32 v6, v4;
	v4 =	vld [tilespmem:s12+$0x4200]  }
0x129: {  	v6 =	vld [tilespmem:s12+$0x10200]  }
0x12a: {  	[tilespmem:s12+$0x4100] =	vst v0;
	v0 =	vld [tilespmem:s12+$0x4280]  }
.Ltmp1:
0x12b: {  	v3 =	vld [tilespmem:s12+$0x10280];
	v7 =	vadd.f32 v1, v7;
	(pc) =	sbr.rel @p1 .LBB2_5-.Ltmp1, $4  }
0x12c: {  	v2 =	vadd.f32 v2, v5;
	v1 =	vld [tilespmem:s20+$0x4000]  }
0x12d: {  	s22 =	sor.u32 $0x380, s22;
	[tilespmem:s24+$0x4000] =	vst v7;
	v5 =	vld [tilespmem:s20+$0x10000]  }
0x12e: {  	[tilespmem:s12+$0x4180] =	vst v2;
	v6 =	vadd.f32 v6, v4;
	v2 =	vld [tilespmem:s22+$0x4000]  }
0x12f: {  	s11 =	sadd.s32 $0x20, s11;
	s10 =	sadd.s32 $0x100, s10;
	v4 =	vld [tilespmem:s22+$0x10000]  }
0x130: {  	v0 =	vadd.f32 v3, v0  }
0x131: {  	[tilespmem:s12+$0x4200] =	vst v6  }
0x132: {  	[tilespmem:s12+$0x4280] =	vst v0  }
0x133: {  	v0 =	vld [tilespmem:s15+$0x4000]  }
0x134: {  	v3 =	vld [tilespmem:s15+$0x10000];
	_ =	sdelay $0x2  }
0x135: {  	v1 =	vadd.f32 v5, v1  }
0x136: {  	v6 =	vld [tilespmem:s3+$0x10000]  }
0x137: {  	v5 =	vld [tilespmem:s3+$0x4000];
	[tilespmem:s20+$0x4000] =	vst v1;
	v0 =	vadd.f32 v3, v0  }
0x138: {  	v1 =	vld [tilespmem:s6+$0x4000]  }
0x139: {  	v3 =	vld [tilespmem:s6+$0x10000];
	[tilespmem:s15+$0x4000] =	vst v0  }
0x13a: {  	v0 =	vld [tilespmem:s18+$0x4000]  }
0x13b: {  	v7 =	vld [tilespmem:s18+$0x10000];
	_ =	sdelay $0x1  }
0x13c: {  	v2 =	vadd.f32 v4, v2  }
0x13d: {  	v4 =	vadd.f32 v6, v5  }
0x13e: {  	[tilespmem:s22+$0x4000] =	vst v2;
	v1 =	vadd.f32 v3, v1  }
0x13f: {  	[tilespmem:s3+$0x4000] =	vst v4;
	v0 =	vadd.f32 v7, v0  }
0x140: {  	[tilespmem:s6+$0x4000] =	vst v1;
	s6 =	sor.u32 $0x100000, s16  }
0x141: {  	s9 =	simm.s32 $0x4000;
	s3 =	sadd.s32 s4, s6;
	[tilespmem:s18+$0x4000] =	vst v0  }
0x142: {  	[hbm4b:s3+s5] =	stream.linear.scatter [tilespmem:s9], [sflag:$0xB], $0x2000, $0x38;
	[tilespmem:$0x14000] =	vst v63  }
0x143: {  	s3 =	simm.s32 @!p0 $0xC  }
0x144: {  	_ =	swait.ge @!p0 [sflag:s3], $0x2000  }
0x145: {  	s19 =	simm.s32 $0x0;
	s12 =	sor.u32 $0x100400, s16;
	[sflag:s3] =	ssyncset.done @!p0 $0x0  }
0x146: {  	s11 =	simm.s32 $0x6000;
	s10 =	sadd.s32 s1, s12;
	[sflag:s3] =	ssyncadd.s32 @!p0 $0xFFFFE000  }
0x147: {  	[tilespmem:s11], [sflag:$0x4] =	stream.linear.gather [hbm4b:s10+s19], $0x2000, $0x38;
	[tilespmem:$0x14000] =	vst v63  }
0x148: {  	_ =	swait.ge [sflag:s28], $0x2000  }
0x149: {  	s15 =	sand.u32 $0x60, s19;
	s18 =	sand.u32 $0x1C00, s19;
	[sflag:s28] =	ssyncset.done $0x0  }
0x14a: {  	s10 =	sor.u32 s15, s18;
	[sflag:s28] =	ssyncadd.s32 $0xFFFFE000  }
0x14b: {  	v0 =	vld [tilespmem:s10+$0x8010]  }
0x14c: {  	v1 =	vld [tilespmem:s10+$0x10010]  }
0x14d: {  	v2 =	vld [tilespmem:s10+$0x8090]  }
0x14e: {  	v3 =	vld [tilespmem:s10+$0x10090]  }
0x14f: {  	v4 =	vld [tilespmem:s10+$0x8110]  }
0x150: {  	v5 =	vld [tilespmem:s10+$0x10110]  }
0x151: {  	v6 =	vld [tilespmem:s10+$0x8190]  }
0x152: {  	v7 =	vld [tilespmem:s10+$0x10190]  }
0x153: {  	s20 =	sand.u32 $0x3, s19;
	v8 =	vld [tilespmem:s10+$0x8210]  }
0x154: {  	s3 =	sshll.u32 s20, $0x5;
	v9 =	vld [tilespmem:s10+$0x10210]  }
0x155: {  	s21 =	sadd.s32 $0x0, s3;
	v10 =	vld [tilespmem:s10+$0x8290]  }
0x156: {  	s6 =	simm.s32 $0x20;
	s3 =	sadd.s32 $0x10, s21;
	v61 =	vld [tilespmem:s10+$0x10180]  }
0x157: {  	s22 =	sor.u32 $0x300, s3;
	s15 =	sor.u32 $0x380, s3;
	s3 =	simm.s32 $0x100;
	v62 =	vld [tilespmem:s10+$0x8200]  }
0x158: {  	s9 =	sand.u32 $0x60, s6;
	s11 =	sand.u32 $0x1C00, s3;
	v11 =	vld [tilespmem:s10+$0x10200]  }
0x159: {  	v12 =	vld [tilespmem:s10+$0x10280];
	s9 =	sor.u32 s9, s11  }
0x15a: {  	v14 =	vld [tilespmem:s9+$0x8010]  }
0x15b: {  	v15 =	vld [tilespmem:s9+$0x10010]  }
0x15c: {  	v16 =	vld [tilespmem:s9+$0x8090]  }
0x15d: {  	v17 =	vld [tilespmem:s9+$0x10090]  }
0x15e: {  	v18 =	vld [tilespmem:s9+$0x8110]  }
0x15f: {  	v19 =	vld [tilespmem:s9+$0x10110]  }
0x160: {  	v20 =	vld [tilespmem:s9+$0x8190]  }
0x161: {  	v21 =	vld [tilespmem:s9+$0x10190]  }
0x162: {  	v22 =	vld [tilespmem:s9+$0x8210]  }
0x163: {  	v23 =	vld [tilespmem:s9+$0x10210]  }
0x164: {  	v24 =	vld [tilespmem:s9+$0x8290]  }
0x165: {  	v63 =	vld [tilespmem:s9+$0x10290]  }
0x166: {  	v25 =	vld [tilespmem:s9+$0x8000]  }
0x167: {  	v28 =	vld [tilespmem:s9+$0x10000]  }
0x168: {  	s29 =	simm.s32 $0x40;
	v30 =	vld [tilespmem:s9+$0x8080]  }
0x169: {  	s24 =	simm.s32 $0x1;
	s26 =	simm.s32 $0x200;
	s20 =	sand.u32 $0x60, s29;
	v32 =	vld [tilespmem:s9+$0x10080]  }
0x16a: {  	s11 =	sand.u32 $0x3, s24;
	s24 =	sor.u32 $0x300, s21;
	s21 =	sand.u32 $0x1C00, s26;
	v34 =	vld [tilespmem:s9+$0x8100]  }
0x16b: {  	v35 =	vld [tilespmem:s9+$0x10100];
	s18 =	sor.u32 s20, s21  }
0x16c: {  	v37 =	vld [tilespmem:s18+$0x8010]  }
0x16d: {  	v38 =	vld [tilespmem:s18+$0x10010]  }
0x16e: {  	v39 =	vld [tilespmem:s18+$0x8090]  }
0x16f: {  	v40 =	vld [tilespmem:s18+$0x10090]  }
0x170: {  	v41 =	vld [tilespmem:s18+$0x8110]  }
0x171: {  	v42 =	vld [tilespmem:s18+$0x10110]  }
0x172: {  	v43 =	vld [tilespmem:s18+$0x8190]  }
0x173: {  	v44 =	vld [tilespmem:s18+$0x10190]  }
0x174: {  	v45 =	vld [tilespmem:s18+$0x8210]  }
0x175: {  	v26 =	vld [tilespmem:s18+$0x10210]  }
0x176: {  	v0 =	vadd.f32 v1, v0;
	v1 =	vld [tilespmem:s10+$0x10290]  }
0x177: {  	v46 =	vld [tilespmem:s18+$0x8290];
	v2 =	vadd.f32 v3, v2  }
0x178: {  	v47 =	vld [tilespmem:s18+$0x10290];
	[tilespmem:s10+$0x8010] =	vst v0;
	v0 =	vadd.f32 v5, v4  }
0x179: {  	v48 =	vld [tilespmem:s18+$0x8000];
	[tilespmem:s10+$0x8090] =	vst v2;
	v2 =	vadd.f32 v7, v6  }
0x17a: {  	v50 =	vld [tilespmem:s18+$0x10000];
	[tilespmem:s10+$0x8110] =	vst v0;
	v0 =	vadd.f32 v9, v8  }
0x17b: {  	v51 =	vld [tilespmem:s18+$0x8080];
	[tilespmem:s10+$0x8190] =	vst v2;
	v1 =	vadd.f32 v1, v10  }
0x17c: {  	v53 =	vld [tilespmem:s18+$0x10080];
	[tilespmem:s10+$0x8210] =	vst v0  }
0x17d: {  	v56 =	vld [tilespmem:s18+$0x8100];
	[tilespmem:s10+$0x8290] =	vst v1  }
0x17e: {  	v1 =	vld [tilespmem:s22+$0x8000]  }
0x17f: {  	v14 =	vadd.f32 v15, v14;
	v6 =	vld [tilespmem:s22+$0x10000]  }
0x180: {  	v57 =	vld [tilespmem:s18+$0x10100];
	v16 =	vadd.f32 v17, v16  }
0x181: {  	v3 =	vld [tilespmem:s10+$0x8000];
	v29 =	vadd.f32 v19, v18;
	[tilespmem:s9+$0x8010] =	vst v14  }
0x182: {  	v31 =	vadd.f32 v21, v20;
	v4 =	vld [tilespmem:s10+$0x10000];
	[tilespmem:s9+$0x8090] =	vst v16  }
0x183: {  	v33 =	vadd.f32 v23, v22;
	v5 =	vld [tilespmem:s10+$0x8080];
	[tilespmem:s9+$0x8110] =	vst v29  }
0x184: {  	v7 =	vld [tilespmem:s10+$0x10100];
	[tilespmem:s9+$0x8190] =	vst v31;
	v1 =	vadd.f32 v6, v1  }
0x185: {  	v15 =	vadd.f32 v63, v24;
	[tilespmem:s9+$0x8210] =	vst v33;
	v2 =	vld [tilespmem:s10+$0x10080]  }
0x186: {  	v17 =	vadd.f32 v28, v25;
	v0 =	vld [tilespmem:s10+$0x8100];
	[tilespmem:s22+$0x8000] =	vst v1  }
0x187: {  	v49 =	vadd.f32 v40, v39;
	[tilespmem:s9+$0x8290] =	vst v15;
	v1 =	vld [tilespmem:s15+$0x8000]  }
0x188: {  	v52 =	vadd.f32 v44, v43;
	[tilespmem:s9+$0x8000] =	vst v17;
	v13 =	vld [tilespmem:s15+$0x10000]  }
0x189: {  	v55 =	vadd.f32 v47, v46;
	v8 =	vld [tilespmem:s10+$0x8180];
	[tilespmem:s18+$0x8090] =	vst v49  }
0x18a: {  	s11 =	sshll.u32 s11, $0x5;
	v59 =	vld [tilespmem:s18+$0x8180];
	[tilespmem:s18+$0x8190] =	vst v52;
	v3 =	vadd.f32 v4, v3  }
0x18b: {  	s11 =	sadd.s32 $0x100, s11;
	v63 =	vld [tilespmem:s18+$0x8200];
	[tilespmem:s18+$0x8290] =	vst v55;
	v2 =	vadd.f32 v2, v5  }
0x18c: {  	s25 =	sadd.s32 $0x10, s11;
	v4 =	vld [tilespmem:s9+$0x8180];
	[tilespmem:s10+$0x8000] =	vst v3;
	v0 =	vadd.f32 v7, v0  }
0x18d: {  	s31 =	sor.u32 $0x300, s25;
	[tilespmem:s10+$0x8080] =	vst v2;
	v6 =	vld [tilespmem:s10+$0x8280];
	v1 =	vadd.f32 v13, v1  }
0x18e: {  	v5 =	vld [tilespmem:s31+$0x8000];
	v2 =	vadd.f32 v61, v8;
	[tilespmem:s10+$0x8100] =	vst v0  }
0x18f: {  	v3 =	vld [tilespmem:s31+$0x10000];
	[tilespmem:s15+$0x8000] =	vst v1;
	v1 =	vadd.f32 v38, v37  }
0x190: {  	v7 =	vld [tilespmem:s9+$0x10180];
	v0 =	vadd.f32 v11, v62;
	[tilespmem:s10+$0x8180] =	vst v2  }
0x191: {  	v8 =	vld [tilespmem:s9+$0x8200];
	[tilespmem:s18+$0x8010] =	vst v1;
	v1 =	vadd.f32 v42, v41  }
0x192: {  	s20 =	simm.s32 $0x2;
	v62 =	vld [tilespmem:s18+$0x10180];
	[tilespmem:s10+$0x8200] =	vst v0;
	v2 =	vadd.f32 v12, v6  }
0x193: {  	v0 =	vld [tilespmem:s9+$0x8280];
	s22 =	sand.u32 $0x3, s20;
	[tilespmem:s18+$0x8110] =	vst v1;
	v1 =	vadd.f32 v26, v45  }
0x194: {  	v3 =	vadd.f32 v3, v5;
	v6 =	vld [tilespmem:s9+$0x10200];
	[tilespmem:s10+$0x8280] =	vst v2;
	s15 =	sshll.u32 s22, $0x5  }
0x195: {  	v2 =	vld [tilespmem:s9+$0x10280];
	s15 =	sadd.s32 $0x200, s15;
	[tilespmem:s18+$0x8210] =	vst v1;
	v1 =	vadd.f32 v50, v48  }
0x196: {  	v58 =	vadd.f32 v32, v30;
	[tilespmem:s31+$0x8000] =	vst v3;
	v5 =	vld [tilespmem:s24+$0x8000];
	s31 =	sadd.s32 $0x10, s15  }
0x197: {  	v3 =	vld [tilespmem:s24+$0x10000];
	s21 =	sor.u32 $0x300, s31;
	[tilespmem:s18+$0x8000] =	vst v1;
	v1 =	vadd.f32 v53, v51  }
0x198: {  	[tilespmem:s9+$0x8080] =	vst v58;
	v61 =	vadd.f32 v35, v34;
	v60 =	vld [tilespmem:s21+$0x8000]  }
0x199: {  	v4 =	vadd.f32 v7, v4;
	s10 =	sor.u32 $0x380, s25;
	[tilespmem:s18+$0x8080] =	vst v1;
	v1 =	vld [tilespmem:s21+$0x10000]  }
0x19a: {  	[tilespmem:s9+$0x8100] =	vst v61;
	v7 =	vadd.f32 v57, v56;
	v36 =	vld [tilespmem:s10+$0x8000]  }
0x19b: {  	[tilespmem:s9+$0x8180] =	vst v4;
	v54 =	vld [tilespmem:s10+$0x10000];
	v4 =	vadd.f32 v6, v8  }
0x19c: {  	[tilespmem:s18+$0x8100] =	vst v7;
	v6 =	vld [tilespmem:s18+$0x10200];
	v2 =	vadd.f32 v2, v0  }
0x19d: {  	[tilespmem:s9+$0x8200] =	vst v4;
	v0 =	vld [tilespmem:s18+$0x8280];
	v4 =	vadd.f32 v3, v5  }
0x19e: {  	s22 =	sor.u32 $0x300, s11;
	v3 =	vld [tilespmem:s18+$0x10280];
	[tilespmem:s9+$0x8280] =	vst v2;
	v2 =	vadd.f32 v1, v60  }
0x19f: {  	s29 =	sor.u32 s26, s29;
	s6 =	sor.u32 s3, s6;
	v7 =	vadd.f32 v62, v59;
	[tilespmem:s24+$0x8000] =	vst v4;
	v5 =	vld [tilespmem:s22+$0x10000]  }
0x1a0: {  	s6 =	sor.u32 $0x380, s6;
	s25 =	sor.u32 s19, s19;
	v4 =	vadd.f32 v54, v36;
	s24 =	sor.u32 $0x380, s31;
	v1 =	vld [tilespmem:s22+$0x8000];
	[tilespmem:s21+$0x8000] =	vst v2  }
0x1a1: {  	s19 =	sor.u32 $0x380, s29;
	[tilespmem:s18+$0x8180] =	vst v7;
	s3 =	sor.u32 $0x380, s25;
	s11 =	simm.s32 $0x60;
	v6 =	vadd.f32 v6, v63;
	v2 =	vld [tilespmem:s24+$0x8000]  }
0x1a2: {  	s15 =	sor.u32 $0x300, s15;
	s9 =	simm.s32 $0x4;
	[tilespmem:s10+$0x8000] =	vst v4;
	s10 =	simm.s32 $0x300;
	v4 =	vld [tilespmem:s24+$0x10000]  }
.LBB2_7:
0x1a3: {  	s21 =	sand.u32 $0x60, s11;
	s26 =	sand.u32 $0x1C00, s10;
	s29 =	sor.u32 s10, s11;
	[tilespmem:s18+$0x8200] =	vst v6;
	v0 =	vadd.f32 v3, v0;
	v3 =	vld [tilespmem:s3+$0x8000]  }
0x1a4: {  	s21 =	sor.u32 s21, s26;
	s26 =	sor.u32 $0x380, s29;
	v6 =	vld [tilespmem:s3+$0x10000]  }
0x1a5: {  	v7 =	vld [tilespmem:s21+$0x8010];
	[tilespmem:s18+$0x8280] =	vst v0;
	v0 =	vadd.f32 v5, v1;
	s18 =	smov.u32 s21  }
0x1a6: {  	v1 =	vld [tilespmem:s18+$0x10010]  }
0x1a7: {  	v5 =	vld [tilespmem:s18+$0x8090];
	v2 =	vadd.f32 v4, v2;
	[tilespmem:s22+$0x8000] =	vst v0;
	s22 =	smov.u32 s15  }
0x1a8: {  	v0 =	vld [tilespmem:s18+$0x10090]  }
0x1a9: {  	v4 =	vld [tilespmem:s18+$0x8110];
	[tilespmem:s24+$0x8000] =	vst v2;
	v2 =	vadd.f32 v6, v3  }
0x1aa: {  	v3 =	vld [tilespmem:s18+$0x10110]  }
0x1ab: {  	v6 =	vld [tilespmem:s18+$0x8190];
	[tilespmem:s3+$0x8000] =	vst v2;
	s3 =	smov.u32 s6;
	s6 =	smov.u32 s19;
	s19 =	smov.u32 s26  }
0x1ac: {  	v2 =	vld [tilespmem:s18+$0x10190]  }
0x1ad: {  	v8 =	vld [tilespmem:s18+$0x8210]  }
0x1ae: {  	v9 =	vld [tilespmem:s18+$0x10210]  }
0x1af: {  	v10 =	vld [tilespmem:s18+$0x8290]  }
0x1b0: {  	s9 =	sadd.s32 $0x2, s9;
	v1 =	vadd.f32 v1, v7;
	v7 =	vld [tilespmem:s18+$0x10290]  }
0x1b1: {  	p1 =	slt.u32 s9, $0x3E;
	v0 =	vadd.f32 v0, v5;
	v11 =	vld [tilespmem:s18+$0x8000]  }
0x1b2: {  	s20 =	sadd.s32 $0x1, s20;
	v5 =	vld [tilespmem:s18+$0x10000];
	[tilespmem:s18+$0x8010] =	vst v1;
	v1 =	vadd.f32 v3, v4  }
0x1b3: {  	s15 =	sand.u32 $0x3, s20;
	v3 =	vld [tilespmem:s18+$0x8080];
	[tilespmem:s18+$0x8090] =	vst v0;
	v0 =	vadd.f32 v2, v6  }
0x1b4: {  	s15 =	sshll.u32 s15, $0x5;
	v2 =	vld [tilespmem:s18+$0x10080];
	[tilespmem:s18+$0x8110] =	vst v1;
	v1 =	vadd.f32 v9, v8  }
0x1b5: {  	s21 =	sadd.s32 s15, s10;
	v4 =	vld [tilespmem:s18+$0x8100];
	[tilespmem:s18+$0x8190] =	vst v0;
	v0 =	vadd.f32 v7, v10  }
0x1b6: {  	s15 =	sor.u32 $0x300, s21;
	s21 =	sadd.s32 $0x10, s21;
	v6 =	vld [tilespmem:s18+$0x10100];
	[tilespmem:s18+$0x8210] =	vst v1  }
0x1b7: {  	s24 =	sor.u32 $0x300, s21;
	v1 =	vadd.f32 v5, v11;
	v5 =	vld [tilespmem:s18+$0x8180];
	[tilespmem:s18+$0x8290] =	vst v0  }
0x1b8: {  	v7 =	vld [tilespmem:s24+$0x8000]  }
0x1b9: {  	[tilespmem:s18+$0x8000] =	vst v1;
	v0 =	vadd.f32 v2, v3;
	v1 =	vld [tilespmem:s24+$0x10000]  }
0x1ba: {  	v2 =	vld [tilespmem:s18+$0x10180]  }
0x1bb: {  	[tilespmem:s18+$0x8080] =	vst v0;
	v0 =	vadd.f32 v6, v4;
	v4 =	vld [tilespmem:s18+$0x8200]  }
0x1bc: {  	v6 =	vld [tilespmem:s18+$0x10200]  }
0x1bd: {  	[tilespmem:s18+$0x8100] =	vst v0;
	v0 =	vld [tilespmem:s18+$0x8280]  }
.Ltmp2:
0x1be: {  	v3 =	vld [tilespmem:s18+$0x10280];
	v7 =	vadd.f32 v1, v7;
	(pc) =	sbr.rel @p1 .LBB2_7-.Ltmp2, $4  }
0x1bf: {  	v2 =	vadd.f32 v2, v5;
	v1 =	vld [tilespmem:s22+$0x8000]  }
0x1c0: {  	[tilespmem:s24+$0x8000] =	vst v7;
	s24 =	sor.u32 $0x380, s21;
	v5 =	vld [tilespmem:s22+$0x10000]  }
0x1c1: {  	[tilespmem:s18+$0x8180] =	vst v2;
	v6 =	vadd.f32 v6, v4;
	v2 =	vld [tilespmem:s24+$0x8000]  }
0x1c2: {  	s11 =	sadd.s32 $0x20, s11;
	s10 =	sadd.s32 $0x100, s10;
	v4 =	vld [tilespmem:s24+$0x10000]  }
0x1c3: {  	v0 =	vadd.f32 v3, v0  }
0x1c4: {  	[tilespmem:s18+$0x8200] =	vst v6  }
0x1c5: {  	[tilespmem:s18+$0x8280] =	vst v0  }
0x1c6: {  	v0 =	vld [tilespmem:s15+$0x8000]  }
0x1c7: {  	v3 =	vld [tilespmem:s15+$0x10000];
	_ =	sdelay $0x2  }
0x1c8: {  	v1 =	vadd.f32 v5, v1  }
0x1c9: {  	v6 =	vld [tilespmem:s3+$0x10000]  }
0x1ca: {  	v5 =	vld [tilespmem:s3+$0x8000];
	[tilespmem:s22+$0x8000] =	vst v1;
	v0 =	vadd.f32 v3, v0  }
0x1cb: {  	v1 =	vld [tilespmem:s6+$0x8000]  }
0x1cc: {  	v3 =	vld [tilespmem:s6+$0x10000];
	[tilespmem:s15+$0x8000] =	vst v0  }
0x1cd: {  	v0 =	vld [tilespmem:s19+$0x8000]  }
0x1ce: {  	v7 =	vld [tilespmem:s19+$0x10000];
	_ =	sdelay $0x1  }
0x1cf: {  	v2 =	vadd.f32 v4, v2  }
0x1d0: {  	v4 =	vadd.f32 v6, v5  }
0x1d1: {  	[tilespmem:s24+$0x8000] =	vst v2;
	v1 =	vadd.f32 v3, v1  }
0x1d2: {  	[tilespmem:s3+$0x8000] =	vst v4;
	v0 =	vadd.f32 v7, v0  }
0x1d3: {  	s18 =	sor.u32 $0x200000, s16;
	[tilespmem:s6+$0x8000] =	vst v1  }
0x1d4: {  	s20 =	simm.s32 $0x8000;
	s3 =	sadd.s32 s4, s18;
	[tilespmem:s19+$0x8000] =	vst v0  }
0x1d5: {  	[hbm4b:s3+s5] =	stream.linear.scatter [tilespmem:s20], [sflag:$0xD], $0x2000, $0x38;
	[tilespmem:$0x14000] =	vst v63  }
0x1d6: {  	s3 =	simm.s32 @!p0 $0xE  }
0x1d7: {  	s22 =	sor.u32 $0x200400, s16;
	_ =	swait.ge @!p0 [sflag:s3], $0x2000  }
0x1d8: {  	s21 =	sadd.s32 s1, s22;
	[sflag:s3] =	ssyncset.done @!p0 $0x0  }
0x1d9: {  	s24 =	simm.s32 $0xA000;
	s19 =	simm.s32 $0x0;
	[sflag:s3] =	ssyncadd.s32 @!p0 $0xFFFFE000  }
0x1da: {  	[tilespmem:s24], [sflag:$0x6] =	stream.linear.gather [hbm4b:s21+s19], $0x2000, $0x38;
	[tilespmem:$0x14000] =	vst v63  }
0x1db: {  	_ =	swait.ge [sflag:s30], $0x2000  }
0x1dc: {  	s25 =	sand.u32 $0x60, s19;
	s26 =	sand.u32 $0x1C00, s19;
	[sflag:s30] =	ssyncset.done $0x0  }
0x1dd: {  	s10 =	sor.u32 s25, s26;
	[sflag:s30] =	ssyncadd.s32 $0xFFFFE000  }
0x1de: {  	v0 =	vld [tilespmem:s10+$0xC010]  }
0x1df: {  	v1 =	vld [tilespmem:s10+$0x10010]  }
0x1e0: {  	v2 =	vld [tilespmem:s10+$0xC090]  }
0x1e1: {  	v3 =	vld [tilespmem:s10+$0x10090]  }
0x1e2: {  	v4 =	vld [tilespmem:s10+$0xC110]  }
0x1e3: {  	v5 =	vld [tilespmem:s10+$0x10110]  }
0x1e4: {  	v6 =	vld [tilespmem:s10+$0xC190]  }
0x1e5: {  	v7 =	vld [tilespmem:s10+$0x10190]  }
0x1e6: {  	s29 =	sand.u32 $0x3, s19;
	v8 =	vld [tilespmem:s10+$0xC210]  }
0x1e7: {  	s3 =	sshll.u32 s29, $0x5;
	v9 =	vld [tilespmem:s10+$0x10210]  }
0x1e8: {  	s31 =	sadd.s32 $0x0, s3;
	v10 =	vld [tilespmem:s10+$0xC290]  }
0x1e9: {  	s9 =	simm.s32 $0x20;
	s3 =	sadd.s32 $0x10, s31;
	v61 =	vld [tilespmem:s10+$0x10180]  }
0x1ea: {  	s20 =	sor.u32 $0x300, s3;
	s15 =	sor.u32 $0x380, s3;
	s3 =	simm.s32 $0x100;
	v62 =	vld [tilespmem:s10+$0xC200]  }
0x1eb: {  	s21 =	sand.u32 $0x60, s9;
	s11 =	sand.u32 $0x1C00, s3;
	v11 =	vld [tilespmem:s10+$0x10200]  }
0x1ec: {  	v12 =	vld [tilespmem:s10+$0x10280];
	s6 =	sor.u32 s21, s11  }
0x1ed: {  	v14 =	vld [tilespmem:s6+$0xC010]  }
0x1ee: {  	v15 =	vld [tilespmem:s6+$0x10010]  }
0x1ef: {  	v16 =	vld [tilespmem:s6+$0xC090]  }
0x1f0: {  	v17 =	vld [tilespmem:s6+$0x10090]  }
0x1f1: {  	v18 =	vld [tilespmem:s6+$0xC110]  }
0x1f2: {  	v19 =	vld [tilespmem:s6+$0x10110]  }
0x1f3: {  	v20 =	vld [tilespmem:s6+$0xC190]  }
0x1f4: {  	v21 =	vld [tilespmem:s6+$0x10190]  }
0x1f5: {  	v22 =	vld [tilespmem:s6+$0xC210]  }
0x1f6: {  	v23 =	vld [tilespmem:s6+$0x10210]  }
0x1f7: {  	v24 =	vld [tilespmem:s6+$0xC290]  }
0x1f8: {  	v63 =	vld [tilespmem:s6+$0x10290]  }
0x1f9: {  	v25 =	vld [tilespmem:s6+$0xC000]  }
0x1fa: {  	v28 =	vld [tilespmem:s6+$0x10000]  }
0x1fb: {  	s29 =	simm.s32 $0x40;
	v30 =	vld [tilespmem:s6+$0xC080]  }
0x1fc: {  	s26 =	simm.s32 $0x200;
	s24 =	simm.s32 $0x1;
	s25 =	sand.u32 $0x60, s29;
	v32 =	vld [tilespmem:s6+$0x10080]  }
0x1fd: {  	s11 =	sand.u32 $0x3, s24;
	s24 =	sor.u32 $0x300, s31;
	s31 =	sand.u32 $0x1C00, s26;
	v34 =	vld [tilespmem:s6+$0xC100]  }
0x1fe: {  	v35 =	vld [tilespmem:s6+$0x10100];
	s18 =	sor.u32 s25, s31  }
0x1ff: {  	v37 =	vld [tilespmem:s18+$0xC010]  }
0x200: {  	v38 =	vld [tilespmem:s18+$0x10010]  }
0x201: {  	v39 =	vld [tilespmem:s18+$0xC090]  }
0x202: {  	v40 =	vld [tilespmem:s18+$0x10090]  }
0x203: {  	v41 =	vld [tilespmem:s18+$0xC110]  }
0x204: {  	v42 =	vld [tilespmem:s18+$0x10110]  }
0x205: {  	v43 =	vld [tilespmem:s18+$0xC190]  }
0x206: {  	v44 =	vld [tilespmem:s18+$0x10190]  }
0x207: {  	v45 =	vld [tilespmem:s18+$0xC210]  }
0x208: {  	v26 =	vld [tilespmem:s18+$0x10210]  }
0x209: {  	v0 =	vadd.f32 v1, v0;
	v1 =	vld [tilespmem:s10+$0x10290]  }
0x20a: {  	v46 =	vld [tilespmem:s18+$0xC290];
	v2 =	vadd.f32 v3, v2  }
0x20b: {  	v47 =	vld [tilespmem:s18+$0x10290];
	[tilespmem:s10+$0xC010] =	vst v0;
	v0 =	vadd.f32 v5, v4  }
0x20c: {  	v48 =	vld [tilespmem:s18+$0xC000];
	[tilespmem:s10+$0xC090] =	vst v2;
	v2 =	vadd.f32 v7, v6  }
0x20d: {  	v50 =	vld [tilespmem:s18+$0x10000];
	[tilespmem:s10+$0xC110] =	vst v0;
	v0 =	vadd.f32 v9, v8  }
0x20e: {  	v51 =	vld [tilespmem:s18+$0xC080];
	[tilespmem:s10+$0xC190] =	vst v2;
	v1 =	vadd.f32 v1, v10  }
0x20f: {  	v53 =	vld [tilespmem:s18+$0x10080];
	[tilespmem:s10+$0xC210] =	vst v0  }
0x210: {  	v56 =	vld [tilespmem:s18+$0xC100];
	[tilespmem:s10+$0xC290] =	vst v1  }
0x211: {  	v1 =	vld [tilespmem:s20+$0xC000]  }
0x212: {  	v14 =	vadd.f32 v15, v14;
	v6 =	vld [tilespmem:s20+$0x10000]  }
0x213: {  	v3 =	vld [tilespmem:s10+$0xC000];
	v16 =	vadd.f32 v17, v16  }
0x214: {  	v29 =	vadd.f32 v19, v18;
	v4 =	vld [tilespmem:s10+$0x10000];
	[tilespmem:s6+$0xC010] =	vst v14  }
0x215: {  	v31 =	vadd.f32 v21, v20;
	v5 =	vld [tilespmem:s10+$0xC080];
	[tilespmem:s6+$0xC090] =	vst v16  }
0x216: {  	v33 =	vadd.f32 v23, v22;
	v7 =	vld [tilespmem:s10+$0x10100];
	[tilespmem:s6+$0xC110] =	vst v29  }
0x217: {  	[tilespmem:s6+$0xC190] =	vst v31;
	v2 =	vld [tilespmem:s10+$0x10080];
	v1 =	vadd.f32 v6, v1  }
0x218: {  	v15 =	vadd.f32 v63, v24;
	[tilespmem:s6+$0xC210] =	vst v33;
	v0 =	vld [tilespmem:s10+$0xC100]  }
0x219: {  	s11 =	sshll.u32 s11, $0x5;
	v17 =	vadd.f32 v28, v25;
	v8 =	vld [tilespmem:s10+$0xC180];
	[tilespmem:s20+$0xC000] =	vst v1  }
0x21a: {  	s11 =	sadd.s32 $0x100, s11;
	v49 =	vadd.f32 v40, v39;
	[tilespmem:s6+$0xC290] =	vst v15;
	v1 =	vld [tilespmem:s15+$0xC000]  }
0x21b: {  	[tilespmem:s6+$0xC000] =	vst v17;
	v3 =	vadd.f32 v4, v3;
	s20 =	sadd.s32 $0x10, s11;
	v13 =	vld [tilespmem:s15+$0x10000]  }
0x21c: {  	[tilespmem:s18+$0xC090] =	vst v49;
	v2 =	vadd.f32 v2, v5;
	v6 =	vld [tilespmem:s10+$0xC280];
	s21 =	sor.u32 $0x300, s20  }
0x21d: {  	[tilespmem:s10+$0xC000] =	vst v3;
	v0 =	vadd.f32 v7, v0;
	v5 =	vld [tilespmem:s21+$0xC000]  }
0x21e: {  	[tilespmem:s10+$0xC080] =	vst v2;
	v2 =	vadd.f32 v61, v8;
	v3 =	vld [tilespmem:s21+$0x10000]  }
0x21f: {  	v57 =	vld [tilespmem:s18+$0x10100];
	[tilespmem:s10+$0xC100] =	vst v0;
	v0 =	vadd.f32 v11, v62  }
0x220: {  	v59 =	vld [tilespmem:s18+$0xC180];
	[tilespmem:s10+$0xC180] =	vst v2;
	v1 =	vadd.f32 v13, v1  }
0x221: {  	v63 =	vld [tilespmem:s18+$0xC200];
	[tilespmem:s10+$0xC200] =	vst v0;
	v2 =	vadd.f32 v12, v6  }
0x222: {  	v4 =	vld [tilespmem:s6+$0xC180];
	[tilespmem:s15+$0xC000] =	vst v1;
	v1 =	vadd.f32 v38, v37  }
0x223: {  	v7 =	vld [tilespmem:s6+$0x10180];
	[tilespmem:s10+$0xC280] =	vst v2;
	v3 =	vadd.f32 v3, v5  }
0x224: {  	v8 =	vld [tilespmem:s6+$0xC200];
	[tilespmem:s18+$0xC010] =	vst v1;
	v1 =	vadd.f32 v42, v41  }
0x225: {  	v52 =	vadd.f32 v44, v43;
	v62 =	vld [tilespmem:s18+$0x10180];
	s10 =	sor.u32 $0x380, s20;
	s20 =	simm.s32 $0x2;
	[tilespmem:s21+$0xC000] =	vst v3  }
0x226: {  	v0 =	vld [tilespmem:s6+$0xC280];
	s21 =	sand.u32 $0x3, s20;
	[tilespmem:s18+$0xC110] =	vst v1;
	v1 =	vadd.f32 v26, v45  }
0x227: {  	v55 =	vadd.f32 v47, v46;
	[tilespmem:s18+$0xC190] =	vst v52;
	v6 =	vld [tilespmem:s6+$0x10200];
	s15 =	sshll.u32 s21, $0x5  }
0x228: {  	v2 =	vld [tilespmem:s6+$0x10280];
	s15 =	sadd.s32 $0x200, s15;
	[tilespmem:s18+$0xC210] =	vst v1;
	v1 =	vadd.f32 v50, v48  }
0x229: {  	v58 =	vadd.f32 v32, v30;
	[tilespmem:s18+$0xC290] =	vst v55;
	v5 =	vld [tilespmem:s24+$0xC000];
	s21 =	sadd.s32 $0x10, s15  }
0x22a: {  	v3 =	vld [tilespmem:s24+$0x10000];
	s31 =	sor.u32 $0x300, s21;
	[tilespmem:s18+$0xC000] =	vst v1;
	v1 =	vadd.f32 v53, v51  }
0x22b: {  	[tilespmem:s6+$0xC080] =	vst v58;
	v61 =	vadd.f32 v35, v34;
	v60 =	vld [tilespmem:s31+$0xC000]  }
0x22c: {  	v4 =	vadd.f32 v7, v4;
	[tilespmem:s18+$0xC080] =	vst v1;
	v1 =	vld [tilespmem:s31+$0x10000]  }
0x22d: {  	[tilespmem:s6+$0xC100] =	vst v61;
	v7 =	vadd.f32 v57, v56;
	v36 =	vld [tilespmem:s10+$0xC000]  }
0x22e: {  	[tilespmem:s6+$0xC180] =	vst v4;
	v4 =	vadd.f32 v6, v8;
	v54 =	vld [tilespmem:s10+$0x10000]  }
0x22f: {  	[tilespmem:s18+$0xC100] =	vst v7;
	v6 =	vld [tilespmem:s18+$0x10200];
	v2 =	vadd.f32 v2, v0  }
0x230: {  	[tilespmem:s6+$0xC200] =	vst v4;
	v0 =	vld [tilespmem:s18+$0xC280];
	v4 =	vadd.f32 v3, v5  }
0x231: {  	[tilespmem:s6+$0xC280] =	vst v2;
	s6 =	sor.u32 $0x300, s11;
	v3 =	vld [tilespmem:s18+$0x10280];
	v2 =	vadd.f32 v1, v60  }
0x232: {  	s29 =	sor.u32 s26, s29;
	s9 =	sor.u32 s3, s9;
	v7 =	vadd.f32 v62, v59;
	v5 =	vld [tilespmem:s6+$0x10000];
	[tilespmem:s24+$0xC000] =	vst v4  }
0x233: {  	s9 =	sor.u32 $0x380, s9;
	s25 =	sor.u32 s19, s19;
	s26 =	sor.u32 $0x380, s21;
	v4 =	vadd.f32 v54, v36;
	v1 =	vld [tilespmem:s6+$0xC000];
	[tilespmem:s31+$0xC000] =	vst v2  }
0x234: {  	s19 =	sor.u32 $0x380, s29;
	s3 =	sor.u32 $0x380, s25;
	[tilespmem:s18+$0xC180] =	vst v7;
	s11 =	simm.s32 $0x300;
	v6 =	vadd.f32 v6, v63;
	v2 =	vld [tilespmem:s26+$0xC000]  }
0x235: {  	s24 =	sor.u32 $0x300, s15;
	s15 =	simm.s32 $0x60;
	[tilespmem:s10+$0xC000] =	vst v4;
	s10 =	simm.s32 $0x4;
	v4 =	vld [tilespmem:s26+$0x10000]  }
.LBB2_9:
0x236: {  	s21 =	sand.u32 $0x60, s15;
	s29 =	sand.u32 $0x1C00, s11;
	s31 =	sor.u32 s11, s15;
	[tilespmem:s18+$0xC200] =	vst v6;
	v0 =	vadd.f32 v3, v0;
	v3 =	vld [tilespmem:s3+$0xC000]  }
0x237: {  	s21 =	sor.u32 s21, s29;
	s29 =	sor.u32 $0x380, s31;
	v6 =	vld [tilespmem:s3+$0x10000]  }
0x238: {  	v7 =	vld [tilespmem:s21+$0xC010];
	[tilespmem:s18+$0xC280] =	vst v0;
	v0 =	vadd.f32 v5, v1;
	s18 =	smov.u32 s21  }
0x239: {  	v1 =	vld [tilespmem:s18+$0x10010]  }
0x23a: {  	v5 =	vld [tilespmem:s18+$0xC090];
	v2 =	vadd.f32 v4, v2;
	[tilespmem:s6+$0xC000] =	vst v0;
	s6 =	smov.u32 s24  }
0x23b: {  	v0 =	vld [tilespmem:s18+$0x10090]  }
0x23c: {  	v4 =	vld [tilespmem:s18+$0xC110];
	[tilespmem:s26+$0xC000] =	vst v2;
	v2 =	vadd.f32 v6, v3  }
0x23d: {  	v3 =	vld [tilespmem:s18+$0x10110]  }
0x23e: {  	v6 =	vld [tilespmem:s18+$0xC190];
	[tilespmem:s3+$0xC000] =	vst v2;
	s3 =	smov.u32 s9;
	s9 =	smov.u32 s19;
	s19 =	smov.u32 s29  }
0x23f: {  	v2 =	vld [tilespmem:s18+$0x10190]  }
0x240: {  	v8 =	vld [tilespmem:s18+$0xC210]  }
0x241: {  	v9 =	vld [tilespmem:s18+$0x10210]  }
0x242: {  	v10 =	vld [tilespmem:s18+$0xC290]  }
0x243: {  	s10 =	sadd.s32 $0x2, s10;
	v1 =	vadd.f32 v1, v7;
	v7 =	vld [tilespmem:s18+$0x10290]  }
0x244: {  	p1 =	slt.u32 s10, $0x3E;
	v0 =	vadd.f32 v0, v5;
	v11 =	vld [tilespmem:s18+$0xC000]  }
0x245: {  	s20 =	sadd.s32 $0x1, s20;
	v5 =	vld [tilespmem:s18+$0x10000];
	[tilespmem:s18+$0xC010] =	vst v1;
	v1 =	vadd.f32 v3, v4  }
0x246: {  	s21 =	sand.u32 $0x3, s20;
	v3 =	vld [tilespmem:s18+$0xC080];
	[tilespmem:s18+$0xC090] =	vst v0;
	v0 =	vadd.f32 v2, v6  }
0x247: {  	s21 =	sshll.u32 s21, $0x5;
	v2 =	vld [tilespmem:s18+$0x10080];
	[tilespmem:s18+$0xC110] =	vst v1;
	v1 =	vadd.f32 v9, v8  }
0x248: {  	s21 =	sadd.s32 s21, s11;
	v4 =	vld [tilespmem:s18+$0xC100];
	[tilespmem:s18+$0xC190] =	vst v0;
	v0 =	vadd.f32 v7, v10  }
0x249: {  	s24 =	sor.u32 $0x300, s21;
	s21 =	sadd.s32 $0x10, s21;
	v6 =	vld [tilespmem:s18+$0x10100];
	[tilespmem:s18+$0xC210] =	vst v1  }
0x24a: {  	s26 =	sor.u32 $0x300, s21;
	v1 =	vadd.f32 v5, v11;
	v5 =	vld [tilespmem:s18+$0xC180];
	[tilespmem:s18+$0xC290] =	vst v0  }
0x24b: {  	v7 =	vld [tilespmem:s26+$0xC000]  }
0x24c: {  	[tilespmem:s18+$0xC000] =	vst v1;
	v0 =	vadd.f32 v2, v3;
	v1 =	vld [tilespmem:s26+$0x10000]  }
0x24d: {  	v2 =	vld [tilespmem:s18+$0x10180]  }
0x24e: {  	[tilespmem:s18+$0xC080] =	vst v0;
	v0 =	vadd.f32 v6, v4;
	v4 =	vld [tilespmem:s18+$0xC200]  }
0x24f: {  	v6 =	vld [tilespmem:s18+$0x10200]  }
0x250: {  	[tilespmem:s18+$0xC100] =	vst v0;
	v0 =	vld [tilespmem:s18+$0xC280]  }
.Ltmp3:
0x251: {  	v3 =	vld [tilespmem:s18+$0x10280];
	v7 =	vadd.f32 v1, v7;
	(pc) =	sbr.rel @p1 .LBB2_9-.Ltmp3, $4  }
0x252: {  	v2 =	vadd.f32 v2, v5;
	v1 =	vld [tilespmem:s6+$0xC000]  }
0x253: {  	[tilespmem:s26+$0xC000] =	vst v7;
	s26 =	sor.u32 $0x380, s21;
	v5 =	vld [tilespmem:s6+$0x10000]  }
0x254: {  	[tilespmem:s18+$0xC180] =	vst v2;
	v6 =	vadd.f32 v6, v4;
	v2 =	vld [tilespmem:s26+$0xC000]  }
0x255: {  	s15 =	sadd.s32 $0x20, s15;
	s11 =	sadd.s32 $0x100, s11;
	v4 =	vld [tilespmem:s26+$0x10000]  }
0x256: {  	v0 =	vadd.f32 v3, v0  }
0x257: {  	[tilespmem:s18+$0xC200] =	vst v6  }
0x258: {  	[tilespmem:s18+$0xC280] =	vst v0  }
0x259: {  	v0 =	vld [tilespmem:s24+$0xC000]  }
0x25a: {  	v3 =	vld [tilespmem:s24+$0x10000];
	_ =	sdelay $0x2  }
0x25b: {  	v1 =	vadd.f32 v5, v1  }
0x25c: {  	v6 =	vld [tilespmem:s3+$0x10000]  }
0x25d: {  	v5 =	vld [tilespmem:s3+$0xC000];
	[tilespmem:s6+$0xC000] =	vst v1;
	v0 =	vadd.f32 v3, v0  }
0x25e: {  	v1 =	vld [tilespmem:s9+$0xC000]  }
0x25f: {  	v3 =	vld [tilespmem:s9+$0x10000];
	[tilespmem:s24+$0xC000] =	vst v0  }
0x260: {  	v0 =	vld [tilespmem:s19+$0xC000]  }
0x261: {  	v7 =	vld [tilespmem:s19+$0x10000];
	_ =	sdelay $0x1  }
0x262: {  	v2 =	vadd.f32 v4, v2  }
0x263: {  	v4 =	vadd.f32 v6, v5  }
0x264: {  	[tilespmem:s26+$0xC000] =	vst v2;
	v1 =	vadd.f32 v3, v1  }
0x265: {  	[tilespmem:s3+$0xC000] =	vst v4;
	v0 =	vadd.f32 v7, v0  }
0x266: {  	s26 =	sor.u32 $0x300000, s16;
	[tilespmem:s9+$0xC000] =	vst v1  }
0x267: {  	s31 =	simm.s32 $0xC000;
	s3 =	sadd.s32 s4, s26;
	[tilespmem:s19+$0xC000] =	vst v0  }
0x268: {  	[hbm4b:s3+s5] =	stream.linear.scatter [tilespmem:s31], [sflag:$0xF], $0x2000, $0x38;
	[tilespmem:$0x14000] =	vst v63  }
0x269: {  	s3 =	simm.s32 @!p0 $0x10  }
0x26a: {  	_ =	swait.ge @!p0 [sflag:s3], $0x2000  }
0x26b: {  	s18 =	sor.u32 $0x300400, s16;
	[sflag:s3] =	ssyncset.done @!p0 $0x0  }
0x26c: {  	s10 =	simm.s32 $0xE000;
	s9 =	sadd.s32 s1, s18;
	[sflag:s3] =	ssyncadd.s32 @!p0 $0xFFFFE000  }
0x26d: {  	[tilespmem:s10], [sflag:$0x8] =	stream.linear.gather [hbm4b:s9+s5], $0x2000, $0x38;
	[tilespmem:$0x14000] =	vst v63  }
0x26e: {  	s16 =	sadd.s32 $0x1, s14;
	_ =	swait.ge [sflag:s0], $0x2000  }
0x26f: {  	s11 =	sshll.u32 s16, $0x3;
	s15 =	rddreg [dreg:$0x4]  }
0x270: {  	p0 =	seq.s32 s14, $0xF;
	s3 =	sadd.s32 s15, s11  }
0x271: {  	s6 =	simm.s32 @!p0 $0x0;
	[sflag:s0] =	ssyncset.done $0x0;
	s14 =	sshll.u32 @!p0 s3, $0x8  }
0x272: {  	s9 =	simm.s32 @!p0 $0x10000;
	[sflag:s0] =	ssyncadd.s32 $0xFFFFE000;
	s3 =	sadd.s32 @!p0 s23, s14  }
0x273: {  	[tilespmem:s9], [sflag:$0x11] =	stream.linear.gather @!p0 [hbm4b:s3+s6], $0x2000, $0x38;
	[tilespmem:$0x14000] =	vst v63  }
0x274: {  	s20 =	simm.s32 $0x0;
	_ =	swait.ge [sflag:s2], $0x2000  }
0x275: {  	s21 =	sand.u32 $0x1C00, s20;
	s19 =	sand.u32 $0x60, s20;
	[sflag:s2] =	ssyncset.done $0x0  }
0x276: {  	s3 =	sor.u32 s19, s21;
	[sflag:s2] =	ssyncadd.s32 $0xFFFFE000  }
0x277: {  	v0 =	vld [tilespmem:s3+$0x2010]  }
0x278: {  	v1 =	vld [tilespmem:s3+$0x12010]  }
0x279: {  	v2 =	vld [tilespmem:s3+$0x2090]  }
0x27a: {  	v3 =	vld [tilespmem:s3+$0x12090]  }
0x27b: {  	v4 =	vld [tilespmem:s3+$0x2110]  }
0x27c: {  	v5 =	vld [tilespmem:s3+$0x12110]  }
0x27d: {  	v6 =	vld [tilespmem:s3+$0x2190]  }
0x27e: {  	v7 =	vld [tilespmem:s3+$0x12190]  }
0x27f: {  	v8 =	vld [tilespmem:s3+$0x2210]  }
0x280: {  	v9 =	vld [tilespmem:s3+$0x12210]  }
0x281: {  	s25 =	smov.u32 s23;
	s23 =	sand.u32 $0x3, s20;
	v10 =	vld [tilespmem:s3+$0x2290]  }
0x282: {  	s6 =	sshll.u32 s23, $0x5;
	v61 =	vld [tilespmem:s3+$0x12180]  }
0x283: {  	s10 =	simm.s32 $0x20;
	s9 =	simm.s32 $0x100;
	s24 =	sadd.s32 $0x0, s6;
	v62 =	vld [tilespmem:s3+$0x2200]  }
0x284: {  	s31 =	sand.u32 $0x60, s10;
	s11 =	sand.u32 $0x1C00, s9;
	s6 =	sadd.s32 $0x10, s24;
	v11 =	vld [tilespmem:s3+$0x12200]  }
0x285: {  	s26 =	sor.u32 $0x300, s6;
	s15 =	sor.u32 $0x380, s6;
	s6 =	sor.u32 s31, s11;
	v12 =	vld [tilespmem:s3+$0x12280]  }
0x286: {  	v14 =	vld [tilespmem:s6+$0x2010]  }
0x287: {  	v15 =	vld [tilespmem:s6+$0x12010]  }
0x288: {  	v16 =	vld [tilespmem:s6+$0x2090]  }
0x289: {  	v17 =	vld [tilespmem:s6+$0x12090]  }
0x28a: {  	v18 =	vld [tilespmem:s6+$0x2110]  }
0x28b: {  	v19 =	vld [tilespmem:s6+$0x12110]  }
0x28c: {  	v20 =	vld [tilespmem:s6+$0x2190]  }
0x28d: {  	v21 =	vld [tilespmem:s6+$0x12190]  }
0x28e: {  	v22 =	vld [tilespmem:s6+$0x2210]  }
0x28f: {  	v23 =	vld [tilespmem:s6+$0x12210]  }
0x290: {  	v24 =	vld [tilespmem:s6+$0x2290]  }
0x291: {  	v63 =	vld [tilespmem:s6+$0x12290]  }
0x292: {  	v25 =	vld [tilespmem:s6+$0x2000]  }
0x293: {  	v28 =	vld [tilespmem:s6+$0x12000]  }
0x294: {  	v30 =	vld [tilespmem:s6+$0x2080];
	v0 =	vadd.f32 v1, v0  }
0x295: {  	v32 =	vld [tilespmem:s6+$0x12080];
	v2 =	vadd.f32 v3, v2  }
0x296: {  	v34 =	vld [tilespmem:s6+$0x2100];
	v14 =	vadd.f32 v15, v14;
	[tilespmem:s3+$0x2010] =	vst v0  }
0x297: {  	v1 =	vld [tilespmem:s3+$0x12290];
	v16 =	vadd.f32 v17, v16;
	[tilespmem:s3+$0x2090] =	vst v2  }
0x298: {  	v35 =	vld [tilespmem:s6+$0x12100];
	v29 =	vadd.f32 v19, v18;
	[tilespmem:s6+$0x2010] =	vst v14  }
0x299: {  	v3 =	vld [tilespmem:s3+$0x2000];
	v0 =	vadd.f32 v5, v4;
	[tilespmem:s6+$0x2090] =	vst v16  }
0x29a: {  	v2 =	vadd.f32 v7, v6;
	v4 =	vld [tilespmem:s3+$0x12000];
	[tilespmem:s6+$0x2110] =	vst v29  }
0x29b: {  	v5 =	vld [tilespmem:s3+$0x2080];
	[tilespmem:s3+$0x2110] =	vst v0;
	v0 =	vadd.f32 v9, v8  }
0x29c: {  	s21 =	simm.s32 $0x1;
	v7 =	vld [tilespmem:s3+$0x12100];
	[tilespmem:s3+$0x2190] =	vst v2;
	v1 =	vadd.f32 v1, v10  }
0x29d: {  	s11 =	sand.u32 $0x3, s21;
	v31 =	vadd.f32 v21, v20;
	v2 =	vld [tilespmem:s3+$0x12080];
	[tilespmem:s3+$0x2210] =	vst v0  }
0x29e: {  	s11 =	sshll.u32 s11, $0x5;
	v33 =	vadd.f32 v23, v22;
	v0 =	vld [tilespmem:s3+$0x2100];
	[tilespmem:s3+$0x2290] =	vst v1  }
0x29f: {  	s11 =	sadd.s32 $0x100, s11;
	v15 =	vadd.f32 v63, v24;
	[tilespmem:s6+$0x2190] =	vst v31;
	v1 =	vld [tilespmem:s26+$0x2000]  }
0x2a0: {  	s21 =	sadd.s32 $0x10, s11;
	[tilespmem:s6+$0x2210] =	vst v33;
	v6 =	vld [tilespmem:s26+$0x12000]  }
0x2a1: {  	s23 =	sor.u32 $0x300, s21;
	[tilespmem:s6+$0x2290] =	vst v15;
	v8 =	vld [tilespmem:s3+$0x2180];
	v3 =	vadd.f32 v4, v3  }
0x2a2: {  	v2 =	vadd.f32 v2, v5;
	v5 =	vld [tilespmem:s23+$0x2000]  }
0x2a3: {  	[tilespmem:s3+$0x2000] =	vst v3;
	v3 =	vld [tilespmem:s23+$0x12000]  }
0x2a4: {  	v4 =	vld [tilespmem:s6+$0x2180];
	v0 =	vadd.f32 v7, v0  }
0x2a5: {  	[tilespmem:s3+$0x2080] =	vst v2;
	v7 =	vld [tilespmem:s6+$0x12180];
	v1 =	vadd.f32 v6, v1  }
0x2a6: {  	v2 =	vadd.f32 v61, v8;
	v8 =	vld [tilespmem:s6+$0x2200];
	[tilespmem:s3+$0x2100] =	vst v0;
	v0 =	vadd.f32 v11, v62  }
0x2a7: {  	v6 =	vld [tilespmem:s3+$0x2280];
	[tilespmem:s26+$0x2000] =	vst v1  }
0x2a8: {  	s31 =	simm.s32 $0x40;
	v3 =	vadd.f32 v3, v5;
	[tilespmem:s3+$0x2200] =	vst v0;
	v0 =	vld [tilespmem:s6+$0x2280]  }
0x2a9: {  	s29 =	simm.s32 $0x200;
	s19 =	sand.u32 $0x60, s31;
	v1 =	vld [tilespmem:s15+$0x2000]  }
0x2aa: {  	s26 =	sor.u32 $0x300, s24;
	s24 =	sor.u32 $0x380, s21;
	s21 =	sand.u32 $0x1C00, s29;
	v13 =	vld [tilespmem:s15+$0x12000];
	[tilespmem:s23+$0x2000] =	vst v3  }
0x2ab: {  	s19 =	sor.u32 s19, s21;
	v36 =	vld [tilespmem:s24+$0x2000]  }
0x2ac: {  	v37 =	vld [tilespmem:s19+$0x2010]  }
0x2ad: {  	v38 =	vld [tilespmem:s19+$0x12010]  }
0x2ae: {  	v39 =	vld [tilespmem:s19+$0x2090]  }
0x2af: {  	v40 =	vld [tilespmem:s19+$0x12090]  }
0x2b0: {  	v41 =	vld [tilespmem:s19+$0x2110]  }
0x2b1: {  	v42 =	vld [tilespmem:s19+$0x12110]  }
0x2b2: {  	v43 =	vld [tilespmem:s19+$0x2190]  }
0x2b3: {  	v44 =	vld [tilespmem:s19+$0x12190]  }
0x2b4: {  	v45 =	vld [tilespmem:s19+$0x2210]  }
0x2b5: {  	v26 =	vld [tilespmem:s19+$0x12210]  }
0x2b6: {  	v46 =	vld [tilespmem:s19+$0x2290]  }
0x2b7: {  	v17 =	vadd.f32 v28, v25;
	v47 =	vld [tilespmem:s19+$0x12290]  }
0x2b8: {  	v48 =	vld [tilespmem:s19+$0x2000]  }
0x2b9: {  	[tilespmem:s6+$0x2000] =	vst v17;
	v50 =	vld [tilespmem:s19+$0x12000];
	v1 =	vadd.f32 v13, v1  }
0x2ba: {  	[tilespmem:s3+$0x2180] =	vst v2;
	v51 =	vld [tilespmem:s19+$0x2080];
	v2 =	vadd.f32 v12, v6  }
0x2bb: {  	v53 =	vld [tilespmem:s19+$0x12080];
	[tilespmem:s15+$0x2000] =	vst v1;
	v1 =	vadd.f32 v38, v37  }
0x2bc: {  	v54 =	vld [tilespmem:s24+$0x12000];
	[tilespmem:s3+$0x2280] =	vst v2;
	v49 =	vadd.f32 v40, v39  }
0x2bd: {  	v56 =	vld [tilespmem:s19+$0x2100];
	[tilespmem:s19+$0x2010] =	vst v1;
	v1 =	vadd.f32 v42, v41  }
0x2be: {  	v57 =	vld [tilespmem:s19+$0x12100];
	s3 =	simm.s32 $0x2;
	v52 =	vadd.f32 v44, v43;
	[tilespmem:s19+$0x2090] =	vst v49  }
0x2bf: {  	v59 =	vld [tilespmem:s19+$0x2180];
	s23 =	sand.u32 $0x3, s3;
	[tilespmem:s19+$0x2110] =	vst v1;
	v1 =	vadd.f32 v26, v45  }
0x2c0: {  	v6 =	vld [tilespmem:s6+$0x12200];
	v55 =	vadd.f32 v47, v46;
	s15 =	sshll.u32 s23, $0x5;
	[tilespmem:s19+$0x2190] =	vst v52  }
0x2c1: {  	v2 =	vld [tilespmem:s6+$0x12280];
	s15 =	sadd.s32 $0x200, s15;
	[tilespmem:s19+$0x2210] =	vst v1;
	v1 =	vadd.f32 v50, v48  }
0x2c2: {  	v58 =	vadd.f32 v32, v30;
	v5 =	vld [tilespmem:s26+$0x2000];
	[tilespmem:s19+$0x2290] =	vst v55;
	s21 =	sadd.s32 $0x10, s15  }
0x2c3: {  	v3 =	vld [tilespmem:s26+$0x12000];
	s23 =	sor.u32 $0x300, s21;
	[tilespmem:s19+$0x2000] =	vst v1;
	v1 =	vadd.f32 v53, v51  }
0x2c4: {  	[tilespmem:s6+$0x2080] =	vst v58;
	v61 =	vadd.f32 v35, v34;
	v60 =	vld [tilespmem:s23+$0x2000]  }
0x2c5: {  	v4 =	vadd.f32 v7, v4;
	[tilespmem:s19+$0x2080] =	vst v1;
	v1 =	vld [tilespmem:s23+$0x12000]  }
0x2c6: {  	[tilespmem:s6+$0x2100] =	vst v61;
	v62 =	vld [tilespmem:s19+$0x12180];
	v7 =	vadd.f32 v57, v56  }
0x2c7: {  	v63 =	vld [tilespmem:s19+$0x2200];
	[tilespmem:s6+$0x2180] =	vst v4;
	v4 =	vadd.f32 v6, v8  }
0x2c8: {  	v6 =	vld [tilespmem:s19+$0x12200];
	[tilespmem:s19+$0x2100] =	vst v7;
	v2 =	vadd.f32 v2, v0  }
0x2c9: {  	[tilespmem:s6+$0x2200] =	vst v4;
	v0 =	vld [tilespmem:s19+$0x2280];
	v4 =	vadd.f32 v3, v5  }
0x2ca: {  	s9 =	sor.u32 s9, s10;
	v3 =	vld [tilespmem:s19+$0x12280];
	[tilespmem:s6+$0x2280] =	vst v2;
	s6 =	sor.u32 $0x300, s11;
	v2 =	vadd.f32 v1, v60  }
0x2cb: {  	s9 =	sor.u32 $0x380, s9;
	v7 =	vadd.f32 v62, v59;
	[tilespmem:s26+$0x2000] =	vst v4;
	v5 =	vld [tilespmem:s6+$0x12000]  }
0x2cc: {  	s31 =	sor.u32 s29, s31;
	s29 =	sor.u32 $0x380, s21;
	s26 =	sor.u32 s20, s20;
	v4 =	vadd.f32 v54, v36;
	v1 =	vld [tilespmem:s6+$0x2000];
	[tilespmem:s23+$0x2000] =	vst v2  }
0x2cd: {  	s10 =	sor.u32 $0x380, s31;
	[tilespmem:s19+$0x2180] =	vst v7;
	s11 =	simm.s32 $0x4;
	v6 =	vadd.f32 v6, v63;
	s20 =	sor.u32 $0x380, s26;
	v2 =	vld [tilespmem:s29+$0x2000]  }
0x2ce: {  	s26 =	sor.u32 $0x300, s15;
	s15 =	simm.s32 $0x300;
	[tilespmem:s24+$0x2000] =	vst v4;
	s24 =	simm.s32 $0x60;
	v4 =	vld [tilespmem:s29+$0x12000]  }
.LBB2_11:
0x2cf: {  	s21 =	sand.u32 $0x60, s24;
	s23 =	sand.u32 $0x1C00, s15;
	s31 =	sor.u32 s15, s24;
	[tilespmem:s19+$0x2200] =	vst v6;
	v0 =	vadd.f32 v3, v0;
	v3 =	vld [tilespmem:s20+$0x2000]  }
0x2d0: {  	s21 =	sor.u32 s21, s23;
	s23 =	sor.u32 $0x380, s31;
	v6 =	vld [tilespmem:s20+$0x12000]  }
0x2d1: {  	v7 =	vld [tilespmem:s21+$0x2010];
	[tilespmem:s19+$0x2280] =	vst v0;
	v0 =	vadd.f32 v5, v1;
	s19 =	smov.u32 s21  }
0x2d2: {  	v1 =	vld [tilespmem:s19+$0x12010]  }
0x2d3: {  	v5 =	vld [tilespmem:s19+$0x2090];
	v2 =	vadd.f32 v4, v2;
	[tilespmem:s6+$0x2000] =	vst v0;
	s6 =	smov.u32 s26  }
0x2d4: {  	v0 =	vld [tilespmem:s19+$0x12090]  }
0x2d5: {  	v4 =	vld [tilespmem:s19+$0x2110];
	[tilespmem:s29+$0x2000] =	vst v2;
	v2 =	vadd.f32 v6, v3  }
0x2d6: {  	v3 =	vld [tilespmem:s19+$0x12110]  }
0x2d7: {  	v6 =	vld [tilespmem:s19+$0x2190];
	[tilespmem:s20+$0x2000] =	vst v2;
	s20 =	smov.u32 s9;
	s9 =	smov.u32 s10;
	s10 =	smov.u32 s23  }
0x2d8: {  	v2 =	vld [tilespmem:s19+$0x12190]  }
0x2d9: {  	v8 =	vld [tilespmem:s19+$0x2210]  }
0x2da: {  	v9 =	vld [tilespmem:s19+$0x12210]  }
0x2db: {  	v10 =	vld [tilespmem:s19+$0x2290]  }
0x2dc: {  	s11 =	sadd.s32 $0x2, s11;
	v1 =	vadd.f32 v1, v7;
	v7 =	vld [tilespmem:s19+$0x12290]  }
0x2dd: {  	p1 =	slt.u32 s11, $0x3E;
	v0 =	vadd.f32 v0, v5;
	v11 =	vld [tilespmem:s19+$0x2000]  }
0x2de: {  	s3 =	sadd.s32 $0x1, s3;
	v5 =	vld [tilespmem:s19+$0x12000];
	[tilespmem:s19+$0x2010] =	vst v1;
	v1 =	vadd.f32 v3, v4  }
0x2df: {  	s21 =	sand.u32 $0x3, s3;
	v3 =	vld [tilespmem:s19+$0x2080];
	[tilespmem:s19+$0x2090] =	vst v0;
	v0 =	vadd.f32 v2, v6  }
0x2e0: {  	s21 =	sshll.u32 s21, $0x5;
	v2 =	vld [tilespmem:s19+$0x12080];
	[tilespmem:s19+$0x2110] =	vst v1;
	v1 =	vadd.f32 v9, v8  }
0x2e1: {  	s21 =	sadd.s32 s21, s15;
	v4 =	vld [tilespmem:s19+$0x2100];
	[tilespmem:s19+$0x2190] =	vst v0;
	v0 =	vadd.f32 v7, v10  }
0x2e2: {  	s26 =	sor.u32 $0x300, s21;
	s21 =	sadd.s32 $0x10, s21;
	v6 =	vld [tilespmem:s19+$0x12100];
	[tilespmem:s19+$0x2210] =	vst v1  }
0x2e3: {  	s23 =	sor.u32 $0x300, s21;
	v1 =	vadd.f32 v5, v11;
	v5 =	vld [tilespmem:s19+$0x2180];
	[tilespmem:s19+$0x2290] =	vst v0  }
0x2e4: {  	v7 =	vld [tilespmem:s23+$0x2000]  }
0x2e5: {  	[tilespmem:s19+$0x2000] =	vst v1;
	v0 =	vadd.f32 v2, v3;
	v1 =	vld [tilespmem:s23+$0x12000]  }
0x2e6: {  	v2 =	vld [tilespmem:s19+$0x12180]  }
0x2e7: {  	[tilespmem:s19+$0x2080] =	vst v0;
	v0 =	vadd.f32 v6, v4;
	v4 =	vld [tilespmem:s19+$0x2200]  }
0x2e8: {  	v6 =	vld [tilespmem:s19+$0x12200]  }
0x2e9: {  	[tilespmem:s19+$0x2100] =	vst v0;
	v0 =	vld [tilespmem:s19+$0x2280]  }
.Ltmp4:
0x2ea: {  	v3 =	vld [tilespmem:s19+$0x12280];
	v7 =	vadd.f32 v1, v7;
	(pc) =	sbr.rel @p1 .LBB2_11-.Ltmp4, $4  }
0x2eb: {  	v2 =	vadd.f32 v2, v5;
	v1 =	vld [tilespmem:s6+$0x2000]  }
0x2ec: {  	s29 =	sor.u32 $0x380, s21;
	[tilespmem:s23+$0x2000] =	vst v7;
	v5 =	vld [tilespmem:s6+$0x12000]  }
0x2ed: {  	[tilespmem:s19+$0x2180] =	vst v2;
	v6 =	vadd.f32 v6, v4;
	v2 =	vld [tilespmem:s29+$0x2000]  }
0x2ee: {  	s24 =	sadd.s32 $0x20, s24;
	s15 =	sadd.s32 $0x100, s15;
	v4 =	vld [tilespmem:s29+$0x12000]  }
0x2ef: {  	v0 =	vadd.f32 v3, v0  }
0x2f0: {  	[tilespmem:s19+$0x2200] =	vst v6  }
0x2f1: {  	[tilespmem:s19+$0x2280] =	vst v0  }
0x2f2: {  	v0 =	vld [tilespmem:s26+$0x2000]  }
0x2f3: {  	v3 =	vld [tilespmem:s26+$0x12000];
	_ =	sdelay $0x2  }
0x2f4: {  	v1 =	vadd.f32 v5, v1  }
0x2f5: {  	v6 =	vld [tilespmem:s20+$0x12000]  }
0x2f6: {  	v5 =	vld [tilespmem:s20+$0x2000];
	[tilespmem:s6+$0x2000] =	vst v1;
	v0 =	vadd.f32 v3, v0  }
0x2f7: {  	v1 =	vld [tilespmem:s9+$0x2000]  }
0x2f8: {  	v3 =	vld [tilespmem:s9+$0x12000];
	[tilespmem:s26+$0x2000] =	vst v0  }
0x2f9: {  	v0 =	vld [tilespmem:s10+$0x2000]  }
0x2fa: {  	v7 =	vld [tilespmem:s10+$0x12000];
	_ =	sdelay $0x1  }
0x2fb: {  	v2 =	vadd.f32 v4, v2  }
0x2fc: {  	v4 =	vadd.f32 v6, v5  }
0x2fd: {  	[tilespmem:s29+$0x2000] =	vst v2;
	v1 =	vadd.f32 v3, v1  }
0x2fe: {  	[tilespmem:s20+$0x2000] =	vst v4;
	v0 =	vadd.f32 v7, v0  }
0x2ff: {  	[tilespmem:s9+$0x2000] =	vst v1  }
0x300: {  	s3 =	sadd.s32 s4, s13;
	s23 =	simm.s32 $0x2000;
	[tilespmem:s10+$0x2000] =	vst v0  }
0x301: {  	[hbm4b:s3+s5] =	stream.linear.scatter [tilespmem:s23], [sflag:$0xA], $0x2000, $0x38;
	[tilespmem:$0x14000] =	vst v63  }
0x302: {  	s3 =	simm.s32 @!p0 $0x9  }
0x303: {  	_ =	swait.ge @!p0 [sflag:s3], $0x2000  }
0x304: {  	[sflag:s3] =	ssyncset.done @!p0 $0x0  }
0x305: {  	s6 =	simm.s32 @!p0 $0x0;
	[sflag:s3] =	ssyncadd.s32 @!p0 $0xFFFFE000;
	s3 =	sadd.s32 @!p0 s1, s14  }
0x306: {  	[tilespmem:s6], [sflag:$0x1] =	stream.linear.gather @!p0 [hbm4b:s3+s6], $0x2000, $0x38;
	[tilespmem:$0x14000] =	vst v63  }
0x307: {  	s19 =	simm.s32 $0x0;
	_ =	swait.ge [sflag:s17], $0x2000  }
0x308: {  	s24 =	sand.u32 $0x60, s19;
	s26 =	sand.u32 $0x1C00, s19;
	[sflag:s17] =	ssyncset.done $0x0  }
0x309: {  	s3 =	sor.u32 s24, s26;
	[sflag:s17] =	ssyncadd.s32 $0xFFFFE000  }
0x30a: {  	v0 =	vld [tilespmem:s3+$0x6010]  }
0x30b: {  	v1 =	vld [tilespmem:s3+$0x12010]  }
0x30c: {  	v2 =	vld [tilespmem:s3+$0x6090]  }
0x30d: {  	v3 =	vld [tilespmem:s3+$0x12090]  }
0x30e: {  	v4 =	vld [tilespmem:s3+$0x6110]  }
0x30f: {  	v5 =	vld [tilespmem:s3+$0x12110]  }
0x310: {  	v6 =	vld [tilespmem:s3+$0x6190]  }
0x311: {  	v7 =	vld [tilespmem:s3+$0x12190]  }
0x312: {  	v8 =	vld [tilespmem:s3+$0x6210]  }
0x313: {  	v9 =	vld [tilespmem:s3+$0x12210]  }
0x314: {  	v10 =	vld [tilespmem:s3+$0x6290]  }
0x315: {  	v0 =	vadd.f32 v1, v0;
	v1 =	vld [tilespmem:s3+$0x12290]  }
0x316: {  	v2 =	vadd.f32 v3, v2  }
0x317: {  	[tilespmem:s3+$0x6010] =	vst v0;
	v0 =	vadd.f32 v5, v4  }
0x318: {  	s29 =	sand.u32 $0x3, s19;
	v61 =	vld [tilespmem:s3+$0x12180];
	[tilespmem:s3+$0x6090] =	vst v2;
	v2 =	vadd.f32 v7, v6  }
0x319: {  	s6 =	sshll.u32 s29, $0x5;
	v62 =	vld [tilespmem:s3+$0x6200];
	[tilespmem:s3+$0x6110] =	vst v0;
	v0 =	vadd.f32 v9, v8  }
0x31a: {  	s31 =	sadd.s32 $0x0, s6;
	v11 =	vld [tilespmem:s3+$0x12200];
	[tilespmem:s3+$0x6190] =	vst v2;
	v1 =	vadd.f32 v1, v10  }
0x31b: {  	s6 =	sadd.s32 $0x10, s31;
	v12 =	vld [tilespmem:s3+$0x12280];
	[tilespmem:s3+$0x6210] =	vst v0  }
0x31c: {  	s15 =	sor.u32 $0x300, s6;
	v3 =	vld [tilespmem:s3+$0x6000];
	[tilespmem:s3+$0x6290] =	vst v1  }
0x31d: {  	v1 =	vld [tilespmem:s15+$0x6000]  }
0x31e: {  	v6 =	vld [tilespmem:s15+$0x12000]  }
0x31f: {  	v4 =	vld [tilespmem:s3+$0x12000]  }
0x320: {  	v5 =	vld [tilespmem:s3+$0x6080]  }
0x321: {  	v7 =	vld [tilespmem:s3+$0x12100]  }
0x322: {  	v2 =	vld [tilespmem:s3+$0x12080]  }
0x323: {  	v8 =	vld [tilespmem:s3+$0x6180];
	v1 =	vadd.f32 v6, v1  }
0x324: {  	s9 =	simm.s32 $0x100;
	s10 =	simm.s32 $0x20;
	v0 =	vld [tilespmem:s3+$0x6100]  }
0x325: {  	s11 =	sand.u32 $0x1C00, s9;
	s20 =	sand.u32 $0x60, s10;
	v6 =	vld [tilespmem:s3+$0x6280];
	[tilespmem:s15+$0x6000] =	vst v1;
	s15 =	sor.u32 $0x380, s6  }
0x326: {  	s6 =	sor.u32 s20, s11;
	v1 =	vld [tilespmem:s15+$0x6000]  }
0x327: {  	v14 =	vld [tilespmem:s6+$0x6010]  }
0x328: {  	v15 =	vld [tilespmem:s6+$0x12010]  }
0x329: {  	v16 =	vld [tilespmem:s6+$0x6090]  }
0x32a: {  	v17 =	vld [tilespmem:s6+$0x12090]  }
0x32b: {  	v18 =	vld [tilespmem:s6+$0x6110]  }
0x32c: {  	v19 =	vld [tilespmem:s6+$0x12110]  }
0x32d: {  	v20 =	vld [tilespmem:s6+$0x6190]  }
0x32e: {  	v21 =	vld [tilespmem:s6+$0x12190]  }
0x32f: {  	v22 =	vld [tilespmem:s6+$0x6210]  }
0x330: {  	v23 =	vld [tilespmem:s6+$0x12210]  }
0x331: {  	v24 =	vld [tilespmem:s6+$0x6290]  }
0x332: {  	v63 =	vld [tilespmem:s6+$0x12290];
	v14 =	vadd.f32 v15, v14  }
0x333: {  	v13 =	vld [tilespmem:s15+$0x12000];
	v16 =	vadd.f32 v17, v16  }
0x334: {  	s21 =	simm.s32 $0x1;
	v25 =	vld [tilespmem:s6+$0x6000];
	v29 =	vadd.f32 v19, v18;
	[tilespmem:s6+$0x6010] =	vst v14  }
0x335: {  	s11 =	sand.u32 $0x3, s21;
	v28 =	vld [tilespmem:s6+$0x12000];
	v31 =	vadd.f32 v21, v20;
	[tilespmem:s6+$0x6090] =	vst v16  }
0x336: {  	v30 =	vld [tilespmem:s6+$0x6080];
	s11 =	sshll.u32 s11, $0x5;
	v33 =	vadd.f32 v23, v22;
	[tilespmem:s6+$0x6110] =	vst v29  }
0x337: {  	v32 =	vld [tilespmem:s6+$0x12080];
	s11 =	sadd.s32 $0x100, s11;
	v15 =	vadd.f32 v63, v24;
	[tilespmem:s6+$0x6190] =	vst v31  }
0x338: {  	v34 =	vld [tilespmem:s6+$0x6100];
	s23 =	sadd.s32 $0x10, s11;
	[tilespmem:s6+$0x6210] =	vst v33  }
0x339: {  	v3 =	vadd.f32 v4, v3;
	v35 =	vld [tilespmem:s6+$0x12100];
	s21 =	sor.u32 $0x300, s23;
	[tilespmem:s6+$0x6290] =	vst v15  }
0x33a: {  	v2 =	vadd.f32 v2, v5;
	v5 =	vld [tilespmem:s21+$0x6000]  }
0x33b: {  	[tilespmem:s3+$0x6000] =	vst v3;
	v0 =	vadd.f32 v7, v0;
	v3 =	vld [tilespmem:s21+$0x12000]  }
0x33c: {  	[tilespmem:s3+$0x6080] =	vst v2;
	v2 =	vadd.f32 v61, v8;
	v4 =	vld [tilespmem:s6+$0x6180]  }
0x33d: {  	[tilespmem:s3+$0x6100] =	vst v0;
	v0 =	vadd.f32 v11, v62;
	v7 =	vld [tilespmem:s6+$0x12180]  }
0x33e: {  	[tilespmem:s3+$0x6180] =	vst v2;
	v8 =	vld [tilespmem:s6+$0x6200]  }
0x33f: {  	[tilespmem:s3+$0x6200] =	vst v0;
	v0 =	vld [tilespmem:s6+$0x6280];
	v2 =	vadd.f32 v12, v6  }
0x340: {  	v6 =	vld [tilespmem:s6+$0x12200];
	v3 =	vadd.f32 v3, v5  }
0x341: {  	s26 =	simm.s32 $0x200;
	s24 =	sor.u32 $0x300, s31;
	s31 =	simm.s32 $0x40;
	[tilespmem:s3+$0x6280] =	vst v2;
	v2 =	vld [tilespmem:s6+$0x12280]  }
0x342: {  	s13 =	sand.u32 $0x60, s31;
	v5 =	vld [tilespmem:s24+$0x6000];
	[tilespmem:s21+$0x6000] =	vst v3;
	s21 =	sand.u32 $0x1C00, s26  }
0x343: {  	v3 =	vld [tilespmem:s24+$0x12000];
	s13 =	sor.u32 s13, s21  }
0x344: {  	v37 =	vld [tilespmem:s13+$0x6010]  }
0x345: {  	v38 =	vld [tilespmem:s13+$0x12010]  }
0x346: {  	v39 =	vld [tilespmem:s13+$0x6090]  }
0x347: {  	v40 =	vld [tilespmem:s13+$0x12090]  }
0x348: {  	v41 =	vld [tilespmem:s13+$0x6110]  }
0x349: {  	v42 =	vld [tilespmem:s13+$0x12110]  }
0x34a: {  	v43 =	vld [tilespmem:s13+$0x6190]  }
0x34b: {  	v44 =	vld [tilespmem:s13+$0x12190]  }
0x34c: {  	v45 =	vld [tilespmem:s13+$0x6210]  }
0x34d: {  	v26 =	vld [tilespmem:s13+$0x12210]  }
0x34e: {  	v1 =	vadd.f32 v13, v1;
	v46 =	vld [tilespmem:s13+$0x6290]  }
0x34f: {  	v17 =	vadd.f32 v28, v25;
	v47 =	vld [tilespmem:s13+$0x12290]  }
0x350: {  	[tilespmem:s15+$0x6000] =	vst v1;
	v48 =	vld [tilespmem:s13+$0x6000];
	v1 =	vadd.f32 v38, v37  }
0x351: {  	[tilespmem:s6+$0x6000] =	vst v17;
	v50 =	vld [tilespmem:s13+$0x12000];
	v49 =	vadd.f32 v40, v39  }
0x352: {  	v51 =	vld [tilespmem:s13+$0x6080];
	[tilespmem:s13+$0x6010] =	vst v1;
	v1 =	vadd.f32 v42, v41  }
0x353: {  	s20 =	sor.u32 $0x380, s23;
	s3 =	simm.s32 $0x2;
	v53 =	vld [tilespmem:s13+$0x12080];
	v52 =	vadd.f32 v44, v43;
	[tilespmem:s13+$0x6090] =	vst v49  }
0x354: {  	s23 =	sand.u32 $0x3, s3;
	v36 =	vld [tilespmem:s20+$0x6000];
	[tilespmem:s13+$0x6110] =	vst v1;
	v1 =	vadd.f32 v26, v45  }
0x355: {  	s15 =	sshll.u32 s23, $0x5;
	v54 =	vld [tilespmem:s20+$0x12000];
	v55 =	vadd.f32 v47, v46;
	[tilespmem:s13+$0x6190] =	vst v52  }
0x356: {  	s15 =	sadd.s32 $0x200, s15;
	v56 =	vld [tilespmem:s13+$0x6100];
	[tilespmem:s13+$0x6210] =	vst v1;
	v1 =	vadd.f32 v50, v48  }
0x357: {  	v58 =	vadd.f32 v32, v30;
	s21 =	sadd.s32 $0x10, s15;
	v57 =	vld [tilespmem:s13+$0x12100];
	[tilespmem:s13+$0x6290] =	vst v55  }
0x358: {  	v59 =	vld [tilespmem:s13+$0x6180];
	s23 =	sor.u32 $0x300, s21;
	[tilespmem:s13+$0x6000] =	vst v1;
	v1 =	vadd.f32 v53, v51  }
0x359: {  	v4 =	vadd.f32 v7, v4;
	[tilespmem:s6+$0x6080] =	vst v58;
	v60 =	vld [tilespmem:s23+$0x6000]  }
0x35a: {  	v61 =	vadd.f32 v35, v34;
	[tilespmem:s13+$0x6080] =	vst v1;
	v1 =	vld [tilespmem:s23+$0x12000]  }
0x35b: {  	[tilespmem:s6+$0x6180] =	vst v4;
	v4 =	vadd.f32 v6, v8;
	v62 =	vld [tilespmem:s13+$0x12180]  }
0x35c: {  	[tilespmem:s6+$0x6100] =	vst v61;
	v2 =	vadd.f32 v2, v0;
	v63 =	vld [tilespmem:s13+$0x6200]  }
0x35d: {  	[tilespmem:s6+$0x6200] =	vst v4;
	v6 =	vld [tilespmem:s13+$0x12200];
	v4 =	vadd.f32 v3, v5  }
0x35e: {  	[tilespmem:s6+$0x6280] =	vst v2;
	v0 =	vld [tilespmem:s13+$0x6280];
	v7 =	vadd.f32 v57, v56  }
0x35f: {  	s9 =	sor.u32 s9, s10;
	s6 =	sor.u32 $0x300, s11;
	v3 =	vld [tilespmem:s13+$0x12280];
	[tilespmem:s24+$0x6000] =	vst v4;
	v2 =	vadd.f32 v1, v60  }
0x360: {  	s9 =	sor.u32 $0x380, s9;
	v5 =	vld [tilespmem:s6+$0x12000];
	v4 =	vadd.f32 v54, v36;
	[tilespmem:s13+$0x6100] =	vst v7  }
0x361: {  	s31 =	sor.u32 s26, s31;
	s26 =	sor.u32 $0x380, s21;
	s24 =	sor.u32 s19, s19;
	v7 =	vadd.f32 v62, v59;
	v1 =	vld [tilespmem:s6+$0x6000];
	[tilespmem:s23+$0x6000] =	vst v2  }
0x362: {  	s10 =	sor.u32 $0x380, s31;
	s11 =	simm.s32 $0x4;
	v6 =	vadd.f32 v6, v63;
	s19 =	sor.u32 $0x380, s24;
	[tilespmem:s20+$0x6000] =	vst v4;
	v2 =	vld [tilespmem:s26+$0x6000]  }
0x363: {  	s24 =	sor.u32 $0x300, s15;
	s15 =	simm.s32 $0x300;
	s20 =	simm.s32 $0x60;
	[tilespmem:s13+$0x6180] =	vst v7;
	v4 =	vld [tilespmem:s26+$0x12000]  }
.LBB2_13:
0x364: {  	s21 =	sand.u32 $0x60, s20;
	s23 =	sand.u32 $0x1C00, s15;
	s29 =	sor.u32 s15, s20;
	[tilespmem:s13+$0x6200] =	vst v6;
	v0 =	vadd.f32 v3, v0;
	v3 =	vld [tilespmem:s19+$0x6000]  }
0x365: {  	s21 =	sor.u32 s21, s23;
	s23 =	sor.u32 $0x380, s29;
	v6 =	vld [tilespmem:s19+$0x12000]  }
0x366: {  	v7 =	vld [tilespmem:s21+$0x6010];
	[tilespmem:s13+$0x6280] =	vst v0;
	v0 =	vadd.f32 v5, v1;
	s13 =	smov.u32 s21  }
0x367: {  	v1 =	vld [tilespmem:s13+$0x12010]  }
0x368: {  	v5 =	vld [tilespmem:s13+$0x6090];
	v2 =	vadd.f32 v4, v2;
	[tilespmem:s6+$0x6000] =	vst v0;
	s6 =	smov.u32 s24  }
0x369: {  	v0 =	vld [tilespmem:s13+$0x12090]  }
0x36a: {  	v4 =	vld [tilespmem:s13+$0x6110];
	[tilespmem:s26+$0x6000] =	vst v2;
	v2 =	vadd.f32 v6, v3  }
0x36b: {  	v3 =	vld [tilespmem:s13+$0x12110]  }
0x36c: {  	v6 =	vld [tilespmem:s13+$0x6190];
	[tilespmem:s19+$0x6000] =	vst v2;
	s19 =	smov.u32 s9;
	s9 =	smov.u32 s10;
	s10 =	smov.u32 s23  }
0x36d: {  	v2 =	vld [tilespmem:s13+$0x12190]  }
0x36e: {  	v8 =	vld [tilespmem:s13+$0x6210]  }
0x36f: {  	v9 =	vld [tilespmem:s13+$0x12210]  }
0x370: {  	v10 =	vld [tilespmem:s13+$0x6290]  }
0x371: {  	s11 =	sadd.s32 $0x2, s11;
	v1 =	vadd.f32 v1, v7;
	v7 =	vld [tilespmem:s13+$0x12290]  }
0x372: {  	p1 =	slt.u32 s11, $0x3E;
	v0 =	vadd.f32 v0, v5;
	v11 =	vld [tilespmem:s13+$0x6000]  }
0x373: {  	s3 =	sadd.s32 $0x1, s3;
	v5 =	vld [tilespmem:s13+$0x12000];
	[tilespmem:s13+$0x6010] =	vst v1;
	v1 =	vadd.f32 v3, v4  }
0x374: {  	s21 =	sand.u32 $0x3, s3;
	v3 =	vld [tilespmem:s13+$0x6080];
	[tilespmem:s13+$0x6090] =	vst v0;
	v0 =	vadd.f32 v2, v6  }
0x375: {  	s21 =	sshll.u32 s21, $0x5;
	v2 =	vld [tilespmem:s13+$0x12080];
	[tilespmem:s13+$0x6110] =	vst v1;
	v1 =	vadd.f32 v9, v8  }
0x376: {  	s21 =	sadd.s32 s21, s15;
	v4 =	vld [tilespmem:s13+$0x6100];
	[tilespmem:s13+$0x6190] =	vst v0;
	v0 =	vadd.f32 v7, v10  }
0x377: {  	s24 =	sor.u32 $0x300, s21;
	s21 =	sadd.s32 $0x10, s21;
	v6 =	vld [tilespmem:s13+$0x12100];
	[tilespmem:s13+$0x6210] =	vst v1  }
0x378: {  	s23 =	sor.u32 $0x300, s21;
	v1 =	vadd.f32 v5, v11;
	v5 =	vld [tilespmem:s13+$0x6180];
	[tilespmem:s13+$0x6290] =	vst v0  }
0x379: {  	v7 =	vld [tilespmem:s23+$0x6000]  }
0x37a: {  	[tilespmem:s13+$0x6000] =	vst v1;
	v0 =	vadd.f32 v2, v3;
	v1 =	vld [tilespmem:s23+$0x12000]  }
0x37b: {  	v2 =	vld [tilespmem:s13+$0x12180]  }
0x37c: {  	[tilespmem:s13+$0x6080] =	vst v0;
	v0 =	vadd.f32 v6, v4;
	v4 =	vld [tilespmem:s13+$0x6200]  }
0x37d: {  	v6 =	vld [tilespmem:s13+$0x12200]  }
0x37e: {  	[tilespmem:s13+$0x6100] =	vst v0;
	v0 =	vld [tilespmem:s13+$0x6280]  }
.Ltmp5:
0x37f: {  	v3 =	vld [tilespmem:s13+$0x12280];
	v7 =	vadd.f32 v1, v7;
	(pc) =	sbr.rel @p1 .LBB2_13-.Ltmp5, $4  }
0x380: {  	v2 =	vadd.f32 v2, v5;
	v1 =	vld [tilespmem:s6+$0x6000]  }
0x381: {  	s26 =	sor.u32 $0x380, s21;
	[tilespmem:s23+$0x6000] =	vst v7;
	v5 =	vld [tilespmem:s6+$0x12000]  }
0x382: {  	[tilespmem:s13+$0x6180] =	vst v2;
	v6 =	vadd.f32 v6, v4;
	v2 =	vld [tilespmem:s26+$0x6000]  }
0x383: {  	s20 =	sadd.s32 $0x20, s20;
	s15 =	sadd.s32 $0x100, s15;
	v4 =	vld [tilespmem:s26+$0x12000]  }
0x384: {  	v0 =	vadd.f32 v3, v0  }
0x385: {  	[tilespmem:s13+$0x6200] =	vst v6  }
0x386: {  	[tilespmem:s13+$0x6280] =	vst v0  }
0x387: {  	v0 =	vld [tilespmem:s24+$0x6000]  }
0x388: {  	v3 =	vld [tilespmem:s24+$0x12000];
	_ =	sdelay $0x2  }
0x389: {  	v1 =	vadd.f32 v5, v1  }
0x38a: {  	v6 =	vld [tilespmem:s19+$0x12000]  }
0x38b: {  	v5 =	vld [tilespmem:s19+$0x6000];
	[tilespmem:s6+$0x6000] =	vst v1;
	v0 =	vadd.f32 v3, v0  }
0x38c: {  	v1 =	vld [tilespmem:s9+$0x6000]  }
0x38d: {  	v3 =	vld [tilespmem:s9+$0x12000];
	[tilespmem:s24+$0x6000] =	vst v0  }
0x38e: {  	v0 =	vld [tilespmem:s10+$0x6000]  }
0x38f: {  	v7 =	vld [tilespmem:s10+$0x12000];
	_ =	sdelay $0x1  }
0x390: {  	v2 =	vadd.f32 v4, v2  }
0x391: {  	v4 =	vadd.f32 v6, v5  }
0x392: {  	[tilespmem:s26+$0x6000] =	vst v2;
	v1 =	vadd.f32 v3, v1  }
0x393: {  	[tilespmem:s19+$0x6000] =	vst v4;
	v0 =	vadd.f32 v7, v0  }
0x394: {  	[tilespmem:s9+$0x6000] =	vst v1  }
0x395: {  	s3 =	sadd.s32 s4, s12;
	s20 =	simm.s32 $0x6000;
	[tilespmem:s10+$0x6000] =	vst v0  }
0x396: {  	[hbm4b:s3+s5] =	stream.linear.scatter [tilespmem:s20], [sflag:$0xC], $0x2000, $0x38;
	[tilespmem:$0x14000] =	vst v63  }
0x397: {  	s3 =	simm.s32 @!p0 $0xB  }
0x398: {  	_ =	swait.ge @!p0 [sflag:s3], $0x2000  }
0x399: {  	[sflag:s3] =	ssyncset.done @!p0 $0x0  }
0x39a: {  	[sflag:s3] =	ssyncadd.s32 @!p0 $0xFFFFE000;
	s3 =	rddreg [dreg:$0x7]  }
0x39b: {  	s6 =	simm.s32 @!p0 $0x0;
	s9 =	simm.s32 @!p0 $0x4000;
	s3 =	sadd.s32 @!p0 s14, s3  }
0x39c: {  	[tilespmem:s9], [sflag:$0x3] =	stream.linear.gather @!p0 [hbm4b:s3+s6], $0x2000, $0x38;
	[tilespmem:$0x14000] =	vst v63  }
0x39d: {  	s13 =	simm.s32 $0x0;
	_ =	swait.ge [sflag:s7], $0x2000  }
0x39e: {  	s21 =	sand.u32 $0x60, s13;
	s23 =	sand.u32 $0x1C00, s13;
	[sflag:s7] =	ssyncset.done $0x0  }
0x39f: {  	s3 =	sor.u32 s21, s23;
	[sflag:s7] =	ssyncadd.s32 $0xFFFFE000  }
0x3a0: {  	v0 =	vld [tilespmem:s3+$0xA010]  }
0x3a1: {  	v1 =	vld [tilespmem:s3+$0x12010]  }
0x3a2: {  	v2 =	vld [tilespmem:s3+$0xA090]  }
0x3a3: {  	v3 =	vld [tilespmem:s3+$0x12090]  }
0x3a4: {  	v4 =	vld [tilespmem:s3+$0xA110]  }
0x3a5: {  	v5 =	vld [tilespmem:s3+$0x12110]  }
0x3a6: {  	v6 =	vld [tilespmem:s3+$0xA190]  }
0x3a7: {  	v7 =	vld [tilespmem:s3+$0x12190]  }
0x3a8: {  	v8 =	vld [tilespmem:s3+$0xA210]  }
0x3a9: {  	v9 =	vld [tilespmem:s3+$0x12210]  }
0x3aa: {  	s24 =	sand.u32 $0x3, s13;
	v10 =	vld [tilespmem:s3+$0xA290]  }
0x3ab: {  	s6 =	sshll.u32 s24, $0x5;
	v61 =	vld [tilespmem:s3+$0x12180]  }
0x3ac: {  	s29 =	simm.s32 $0x20;
	s10 =	simm.s32 $0x100;
	s26 =	sadd.s32 $0x0, s6;
	v62 =	vld [tilespmem:s3+$0xA200]  }
0x3ad: {  	s11 =	sand.u32 $0x1C00, s10;
	s21 =	sand.u32 $0x60, s29;
	s6 =	sadd.s32 $0x10, s26;
	v11 =	vld [tilespmem:s3+$0x12200]  }
0x3ae: {  	s31 =	sor.u32 $0x300, s6;
	s15 =	sor.u32 $0x380, s6;
	s6 =	sor.u32 s21, s11;
	v12 =	vld [tilespmem:s3+$0x12280]  }
0x3af: {  	v14 =	vld [tilespmem:s6+$0xA010]  }
0x3b0: {  	v15 =	vld [tilespmem:s6+$0x12010]  }
0x3b1: {  	v16 =	vld [tilespmem:s6+$0xA090]  }
0x3b2: {  	v17 =	vld [tilespmem:s6+$0x12090]  }
0x3b3: {  	v18 =	vld [tilespmem:s6+$0xA110]  }
0x3b4: {  	v19 =	vld [tilespmem:s6+$0x12110]  }
0x3b5: {  	v20 =	vld [tilespmem:s6+$0xA190]  }
0x3b6: {  	v21 =	vld [tilespmem:s6+$0x12190]  }
0x3b7: {  	v22 =	vld [tilespmem:s6+$0xA210]  }
0x3b8: {  	v23 =	vld [tilespmem:s6+$0x12210]  }
0x3b9: {  	v24 =	vld [tilespmem:s6+$0xA290]  }
0x3ba: {  	v63 =	vld [tilespmem:s6+$0x12290]  }
0x3bb: {  	v25 =	vld [tilespmem:s6+$0xA000]  }
0x3bc: {  	v28 =	vld [tilespmem:s6+$0x12000]  }
0x3bd: {  	v30 =	vld [tilespmem:s6+$0xA080];
	v0 =	vadd.f32 v1, v0  }
0x3be: {  	v32 =	vld [tilespmem:s6+$0x12080];
	v2 =	vadd.f32 v3, v2  }
0x3bf: {  	v34 =	vld [tilespmem:s6+$0xA100];
	v14 =	vadd.f32 v15, v14;
	[tilespmem:s3+$0xA010] =	vst v0  }
0x3c0: {  	v1 =	vld [tilespmem:s3+$0x12290];
	v16 =	vadd.f32 v17, v16;
	[tilespmem:s3+$0xA090] =	vst v2  }
0x3c1: {  	v35 =	vld [tilespmem:s6+$0x12100];
	v29 =	vadd.f32 v19, v18;
	[tilespmem:s6+$0xA010] =	vst v14  }
0x3c2: {  	v3 =	vld [tilespmem:s3+$0xA000];
	v0 =	vadd.f32 v5, v4;
	[tilespmem:s6+$0xA090] =	vst v16  }
0x3c3: {  	v2 =	vadd.f32 v7, v6;
	v4 =	vld [tilespmem:s3+$0x12000];
	[tilespmem:s6+$0xA110] =	vst v29  }
0x3c4: {  	v5 =	vld [tilespmem:s3+$0xA080];
	[tilespmem:s3+$0xA110] =	vst v0;
	v0 =	vadd.f32 v9, v8  }
0x3c5: {  	s23 =	simm.s32 $0x1;
	v7 =	vld [tilespmem:s3+$0x12100];
	[tilespmem:s3+$0xA190] =	vst v2;
	v1 =	vadd.f32 v1, v10  }
0x3c6: {  	s11 =	sand.u32 $0x3, s23;
	v31 =	vadd.f32 v21, v20;
	v2 =	vld [tilespmem:s3+$0x12080];
	[tilespmem:s3+$0xA210] =	vst v0  }
0x3c7: {  	s11 =	sshll.u32 s11, $0x5;
	v33 =	vadd.f32 v23, v22;
	v0 =	vld [tilespmem:s3+$0xA100];
	[tilespmem:s3+$0xA290] =	vst v1  }
0x3c8: {  	s11 =	sadd.s32 $0x100, s11;
	v15 =	vadd.f32 v63, v24;
	[tilespmem:s6+$0xA190] =	vst v31;
	v1 =	vld [tilespmem:s31+$0xA000]  }
0x3c9: {  	s24 =	sadd.s32 $0x10, s11;
	[tilespmem:s6+$0xA210] =	vst v33;
	v6 =	vld [tilespmem:s31+$0x12000]  }
0x3ca: {  	s21 =	sor.u32 $0x300, s24;
	[tilespmem:s6+$0xA290] =	vst v15;
	v8 =	vld [tilespmem:s3+$0xA180];
	v3 =	vadd.f32 v4, v3  }
0x3cb: {  	v2 =	vadd.f32 v2, v5;
	v5 =	vld [tilespmem:s21+$0xA000]  }
0x3cc: {  	[tilespmem:s3+$0xA000] =	vst v3;
	v3 =	vld [tilespmem:s21+$0x12000]  }
0x3cd: {  	v4 =	vld [tilespmem:s6+$0xA180];
	v0 =	vadd.f32 v7, v0  }
0x3ce: {  	[tilespmem:s3+$0xA080] =	vst v2;
	v7 =	vld [tilespmem:s6+$0x12180];
	v1 =	vadd.f32 v6, v1  }
0x3cf: {  	v2 =	vadd.f32 v61, v8;
	v8 =	vld [tilespmem:s6+$0xA200];
	[tilespmem:s3+$0xA100] =	vst v0;
	v0 =	vadd.f32 v11, v62  }
0x3d0: {  	v6 =	vld [tilespmem:s3+$0xA280];
	[tilespmem:s31+$0xA000] =	vst v1  }
0x3d1: {  	v3 =	vadd.f32 v3, v5;
	[tilespmem:s3+$0xA200] =	vst v0;
	v0 =	vld [tilespmem:s6+$0xA280]  }
0x3d2: {  	v1 =	vld [tilespmem:s15+$0xA000]  }
0x3d3: {  	s19 =	sor.u32 $0x380, s24;
	v13 =	vld [tilespmem:s15+$0x12000];
	[tilespmem:s21+$0xA000] =	vst v3  }
0x3d4: {  	s20 =	sor.u32 $0x300, s26;
	s26 =	simm.s32 $0x200;
	s31 =	simm.s32 $0x40;
	v36 =	vld [tilespmem:s19+$0xA000]  }
0x3d5: {  	s12 =	sand.u32 $0x60, s31;
	s21 =	sand.u32 $0x1C00, s26;
	v54 =	vld [tilespmem:s19+$0x12000]  }
0x3d6: {  	[tilespmem:s3+$0xA180] =	vst v2;
	s12 =	sor.u32 s12, s21;
	v2 =	vadd.f32 v12, v6;
	v6 =	vld [tilespmem:s6+$0x12200]  }
0x3d7: {  	v37 =	vld [tilespmem:s12+$0xA010]  }
0x3d8: {  	v38 =	vld [tilespmem:s12+$0x12010]  }
0x3d9: {  	v39 =	vld [tilespmem:s12+$0xA090]  }
0x3da: {  	v40 =	vld [tilespmem:s12+$0x12090]  }
0x3db: {  	v41 =	vld [tilespmem:s12+$0xA110]  }
0x3dc: {  	v42 =	vld [tilespmem:s12+$0x12110]  }
0x3dd: {  	v43 =	vld [tilespmem:s12+$0xA190]  }
0x3de: {  	v44 =	vld [tilespmem:s12+$0x12190]  }
0x3df: {  	v45 =	vld [tilespmem:s12+$0xA210]  }
0x3e0: {  	v26 =	vld [tilespmem:s12+$0x12210]  }
0x3e1: {  	v17 =	vadd.f32 v28, v25;
	v46 =	vld [tilespmem:s12+$0xA290]  }
0x3e2: {  	v47 =	vld [tilespmem:s12+$0x12290];
	v1 =	vadd.f32 v13, v1  }
0x3e3: {  	[tilespmem:s6+$0xA000] =	vst v17;
	v48 =	vld [tilespmem:s12+$0xA000]  }
0x3e4: {  	v50 =	vld [tilespmem:s12+$0x12000];
	[tilespmem:s15+$0xA000] =	vst v1;
	v1 =	vadd.f32 v38, v37  }
0x3e5: {  	v51 =	vld [tilespmem:s12+$0xA080];
	[tilespmem:s3+$0xA280] =	vst v2;
	v49 =	vadd.f32 v40, v39  }
0x3e6: {  	v53 =	vld [tilespmem:s12+$0x12080];
	[tilespmem:s12+$0xA010] =	vst v1;
	v1 =	vadd.f32 v42, v41  }
0x3e7: {  	v56 =	vld [tilespmem:s12+$0xA100];
	s3 =	simm.s32 $0x2;
	v52 =	vadd.f32 v44, v43;
	[tilespmem:s12+$0xA090] =	vst v49  }
0x3e8: {  	v57 =	vld [tilespmem:s12+$0x12100];
	s23 =	sand.u32 $0x3, s3;
	[tilespmem:s12+$0xA110] =	vst v1;
	v1 =	vadd.f32 v26, v45  }
0x3e9: {  	v59 =	vld [tilespmem:s12+$0xA180];
	s15 =	sshll.u32 s23, $0x5;
	v55 =	vadd.f32 v47, v46;
	[tilespmem:s12+$0xA190] =	vst v52  }
0x3ea: {  	v2 =	vld [tilespmem:s6+$0x12280];
	s15 =	sadd.s32 $0x200, s15;
	[tilespmem:s12+$0xA210] =	vst v1;
	v1 =	vadd.f32 v50, v48  }
0x3eb: {  	v58 =	vadd.f32 v32, v30;
	v5 =	vld [tilespmem:s20+$0xA000];
	s21 =	sadd.s32 $0x10, s15;
	[tilespmem:s12+$0xA290] =	vst v55  }
0x3ec: {  	v3 =	vld [tilespmem:s20+$0x12000];
	s23 =	sor.u32 $0x300, s21;
	[tilespmem:s12+$0xA000] =	vst v1;
	v1 =	vadd.f32 v53, v51  }
0x3ed: {  	[tilespmem:s6+$0xA080] =	vst v58;
	v61 =	vadd.f32 v35, v34;
	v60 =	vld [tilespmem:s23+$0xA000]  }
0x3ee: {  	v4 =	vadd.f32 v7, v4;
	[tilespmem:s12+$0xA080] =	vst v1;
	v1 =	vld [tilespmem:s23+$0x12000]  }
0x3ef: {  	[tilespmem:s6+$0xA100] =	vst v61;
	v62 =	vld [tilespmem:s12+$0x12180];
	v7 =	vadd.f32 v57, v56  }
0x3f0: {  	v63 =	vld [tilespmem:s12+$0xA200];
	[tilespmem:s6+$0xA180] =	vst v4;
	v4 =	vadd.f32 v6, v8  }
0x3f1: {  	v6 =	vld [tilespmem:s12+$0x12200];
	v2 =	vadd.f32 v2, v0;
	[tilespmem:s12+$0xA100] =	vst v7  }
0x3f2: {  	[tilespmem:s6+$0xA200] =	vst v4;
	v0 =	vld [tilespmem:s12+$0xA280];
	v4 =	vadd.f32 v3, v5  }
0x3f3: {  	v3 =	vld [tilespmem:s12+$0x12280];
	[tilespmem:s6+$0xA280] =	vst v2;
	s6 =	sor.u32 $0x300, s11;
	v2 =	vadd.f32 v1, v60  }
0x3f4: {  	s9 =	sor.u32 s10, s29;
	s29 =	sor.u32 s13, s13;
	v7 =	vadd.f32 v62, v59;
	[tilespmem:s20+$0xA000] =	vst v4;
	v5 =	vld [tilespmem:s6+$0x12000]  }
0x3f5: {  	s13 =	sor.u32 $0x380, s29;
	s31 =	sor.u32 s26, s31;
	s24 =	sor.u32 $0x380, s21;
	v4 =	vadd.f32 v54, v36;
	v1 =	vld [tilespmem:s6+$0xA000];
	[tilespmem:s23+$0xA000] =	vst v2  }
0x3f6: {  	s9 =	sor.u32 $0x380, s9;
	s10 =	sor.u32 $0x380, s31;
	s11 =	simm.s32 $0x4;
	[tilespmem:s12+$0xA180] =	vst v7;
	v6 =	vadd.f32 v6, v63;
	v2 =	vld [tilespmem:s24+$0xA000]  }
0x3f7: {  	s20 =	sor.u32 $0x300, s15;
	s15 =	simm.s32 $0x300;
	[tilespmem:s19+$0xA000] =	vst v4;
	s19 =	simm.s32 $0x60;
	v4 =	vld [tilespmem:s24+$0x12000]  }
.LBB2_15:
0x3f8: {  	s21 =	sand.u32 $0x60, s19;
	s23 =	sand.u32 $0x1C00, s15;
	s26 =	sor.u32 s15, s19;
	[tilespmem:s12+$0xA200] =	vst v6;
	v0 =	vadd.f32 v3, v0;
	v3 =	vld [tilespmem:s13+$0xA000]  }
0x3f9: {  	s21 =	sor.u32 s21, s23;
	s23 =	sor.u32 $0x380, s26;
	v6 =	vld [tilespmem:s13+$0x12000]  }
0x3fa: {  	v7 =	vld [tilespmem:s21+$0xA010];
	[tilespmem:s12+$0xA280] =	vst v0;
	v0 =	vadd.f32 v5, v1;
	s12 =	smov.u32 s21  }
0x3fb: {  	v1 =	vld [tilespmem:s12+$0x12010]  }
0x3fc: {  	v5 =	vld [tilespmem:s12+$0xA090];
	v2 =	vadd.f32 v4, v2;
	[tilespmem:s6+$0xA000] =	vst v0;
	s6 =	smov.u32 s20  }
0x3fd: {  	v0 =	vld [tilespmem:s12+$0x12090]  }
0x3fe: {  	v4 =	vld [tilespmem:s12+$0xA110];
	[tilespmem:s24+$0xA000] =	vst v2;
	v2 =	vadd.f32 v6, v3  }
0x3ff: {  	v3 =	vld [tilespmem:s12+$0x12110]  }
0x400: {  	v6 =	vld [tilespmem:s12+$0xA190];
	[tilespmem:s13+$0xA000] =	vst v2;
	s13 =	smov.u32 s9;
	s9 =	smov.u32 s10;
	s10 =	smov.u32 s23  }
0x401: {  	v2 =	vld [tilespmem:s12+$0x12190]  }
0x402: {  	v8 =	vld [tilespmem:s12+$0xA210]  }
0x403: {  	v9 =	vld [tilespmem:s12+$0x12210]  }
0x404: {  	v10 =	vld [tilespmem:s12+$0xA290]  }
0x405: {  	s11 =	sadd.s32 $0x2, s11;
	v1 =	vadd.f32 v1, v7;
	v7 =	vld [tilespmem:s12+$0x12290]  }
0x406: {  	p1 =	slt.u32 s11, $0x3E;
	v0 =	vadd.f32 v0, v5;
	v11 =	vld [tilespmem:s12+$0xA000]  }
0x407: {  	s3 =	sadd.s32 $0x1, s3;
	v5 =	vld [tilespmem:s12+$0x12000];
	[tilespmem:s12+$0xA010] =	vst v1;
	v1 =	vadd.f32 v3, v4  }
0x408: {  	s20 =	sand.u32 $0x3, s3;
	v3 =	vld [tilespmem:s12+$0xA080];
	[tilespmem:s12+$0xA090] =	vst v0;
	v0 =	vadd.f32 v2, v6  }
0x409: {  	s20 =	sshll.u32 s20, $0x5;
	v2 =	vld [tilespmem:s12+$0x12080];
	[tilespmem:s12+$0xA110] =	vst v1;
	v1 =	vadd.f32 v9, v8  }
0x40a: {  	s21 =	sadd.s32 s20, s15;
	v4 =	vld [tilespmem:s12+$0xA100];
	[tilespmem:s12+$0xA190] =	vst v0;
	v0 =	vadd.f32 v7, v10  }
0x40b: {  	s20 =	sor.u32 $0x300, s21;
	s21 =	sadd.s32 $0x10, s21;
	v6 =	vld [tilespmem:s12+$0x12100];
	[tilespmem:s12+$0xA210] =	vst v1  }
0x40c: {  	s23 =	sor.u32 $0x300, s21;
	v1 =	vadd.f32 v5, v11;
	v5 =	vld [tilespmem:s12+$0xA180];
	[tilespmem:s12+$0xA290] =	vst v0  }
0x40d: {  	v7 =	vld [tilespmem:s23+$0xA000]  }
0x40e: {  	[tilespmem:s12+$0xA000] =	vst v1;
	v0 =	vadd.f32 v2, v3;
	v1 =	vld [tilespmem:s23+$0x12000]  }
0x40f: {  	v2 =	vld [tilespmem:s12+$0x12180]  }
0x410: {  	[tilespmem:s12+$0xA080] =	vst v0;
	v0 =	vadd.f32 v6, v4;
	v4 =	vld [tilespmem:s12+$0xA200]  }
0x411: {  	v6 =	vld [tilespmem:s12+$0x12200]  }
0x412: {  	[tilespmem:s12+$0xA100] =	vst v0;
	v0 =	vld [tilespmem:s12+$0xA280]  }
.Ltmp6:
0x413: {  	v3 =	vld [tilespmem:s12+$0x12280];
	v7 =	vadd.f32 v1, v7;
	(pc) =	sbr.rel @p1 .LBB2_15-.Ltmp6, $4  }
0x414: {  	v2 =	vadd.f32 v2, v5;
	v1 =	vld [tilespmem:s6+$0xA000]  }
0x415: {  	s24 =	sor.u32 $0x380, s21;
	[tilespmem:s23+$0xA000] =	vst v7;
	v5 =	vld [tilespmem:s6+$0x12000]  }
0x416: {  	[tilespmem:s12+$0xA180] =	vst v2;
	v6 =	vadd.f32 v6, v4;
	v2 =	vld [tilespmem:s24+$0xA000]  }
0x417: {  	s19 =	sadd.s32 $0x20, s19;
	s15 =	sadd.s32 $0x100, s15;
	v4 =	vld [tilespmem:s24+$0x12000]  }
0x418: {  	v0 =	vadd.f32 v3, v0  }
0x419: {  	[tilespmem:s12+$0xA200] =	vst v6  }
0x41a: {  	[tilespmem:s12+$0xA280] =	vst v0  }
0x41b: {  	v0 =	vld [tilespmem:s20+$0xA000]  }
0x41c: {  	v3 =	vld [tilespmem:s20+$0x12000];
	_ =	sdelay $0x2  }
0x41d: {  	v1 =	vadd.f32 v5, v1  }
0x41e: {  	v6 =	vld [tilespmem:s13+$0x12000]  }
0x41f: {  	v5 =	vld [tilespmem:s13+$0xA000];
	[tilespmem:s6+$0xA000] =	vst v1;
	v0 =	vadd.f32 v3, v0  }
0x420: {  	v1 =	vld [tilespmem:s9+$0xA000]  }
0x421: {  	v3 =	vld [tilespmem:s9+$0x12000];
	[tilespmem:s20+$0xA000] =	vst v0  }
0x422: {  	v0 =	vld [tilespmem:s10+$0xA000]  }
0x423: {  	v7 =	vld [tilespmem:s10+$0x12000];
	_ =	sdelay $0x1  }
0x424: {  	v2 =	vadd.f32 v4, v2  }
0x425: {  	v4 =	vadd.f32 v6, v5  }
0x426: {  	[tilespmem:s24+$0xA000] =	vst v2;
	v1 =	vadd.f32 v3, v1  }
0x427: {  	[tilespmem:s13+$0xA000] =	vst v4;
	v0 =	vadd.f32 v7, v0  }
0x428: {  	[tilespmem:s9+$0xA000] =	vst v1  }
0x429: {  	s3 =	sadd.s32 s4, s22;
	s21 =	simm.s32 $0xA000;
	[tilespmem:s10+$0xA000] =	vst v0  }
0x42a: {  	[hbm4b:s3+s5] =	stream.linear.scatter [tilespmem:s21], [sflag:$0xE], $0x2000, $0x38;
	[tilespmem:$0x14000] =	vst v63  }
0x42b: {  	s3 =	simm.s32 @!p0 $0xD  }
0x42c: {  	_ =	swait.ge @!p0 [sflag:s3], $0x2000  }
0x42d: {  	[sflag:s3] =	ssyncset.done @!p0 $0x0  }
0x42e: {  	[sflag:s3] =	ssyncadd.s32 @!p0 $0xFFFFE000;
	s3 =	rddreg [dreg:$0x8]  }
0x42f: {  	s6 =	simm.s32 @!p0 $0x0;
	s9 =	simm.s32 @!p0 $0x8000;
	s3 =	sadd.s32 @!p0 s14, s3  }
0x430: {  	[tilespmem:s9], [sflag:$0x5] =	stream.linear.gather @!p0 [hbm4b:s3+s6], $0x2000, $0x38;
	[tilespmem:$0x14000] =	vst v63  }
0x431: {  	s13 =	simm.s32 $0x0;
	_ =	swait.ge [sflag:s8], $0x2000  }
0x432: {  	s22 =	sand.u32 $0x60, s13;
	s23 =	sand.u32 $0x1C00, s13;
	[sflag:s8] =	ssyncset.done $0x0  }
0x433: {  	s3 =	sor.u32 s22, s23;
	[sflag:s8] =	ssyncadd.s32 $0xFFFFE000  }
0x434: {  	v0 =	vld [tilespmem:s3+$0xE010]  }
0x435: {  	v1 =	vld [tilespmem:s3+$0x12010]  }
0x436: {  	v2 =	vld [tilespmem:s3+$0xE090]  }
0x437: {  	v3 =	vld [tilespmem:s3+$0x12090]  }
0x438: {  	v4 =	vld [tilespmem:s3+$0xE110]  }
0x439: {  	v5 =	vld [tilespmem:s3+$0x12110]  }
0x43a: {  	v6 =	vld [tilespmem:s3+$0xE190]  }
0x43b: {  	v7 =	vld [tilespmem:s3+$0x12190]  }
0x43c: {  	v8 =	vld [tilespmem:s3+$0xE210]  }
0x43d: {  	v9 =	vld [tilespmem:s3+$0x12210]  }
0x43e: {  	s24 =	sand.u32 $0x3, s13;
	v10 =	vld [tilespmem:s3+$0xE290]  }
0x43f: {  	s6 =	sshll.u32 s24, $0x5;
	v61 =	vld [tilespmem:s3+$0x12180]  }
0x440: {  	s29 =	simm.s32 $0x20;
	s10 =	simm.s32 $0x100;
	s26 =	sadd.s32 $0x0, s6;
	v62 =	vld [tilespmem:s3+$0xE200]  }
0x441: {  	s20 =	sand.u32 $0x60, s29;
	s11 =	sand.u32 $0x1C00, s10;
	s6 =	sadd.s32 $0x10, s26;
	v11 =	vld [tilespmem:s3+$0x12200]  }
0x442: {  	s31 =	sor.u32 $0x300, s6;
	s15 =	sor.u32 $0x380, s6;
	s6 =	sor.u32 s20, s11;
	v12 =	vld [tilespmem:s3+$0x12280]  }
0x443: {  	v14 =	vld [tilespmem:s6+$0xE010]  }
0x444: {  	v15 =	vld [tilespmem:s6+$0x12010]  }
0x445: {  	v16 =	vld [tilespmem:s6+$0xE090]  }
0x446: {  	v17 =	vld [tilespmem:s6+$0x12090]  }
0x447: {  	v18 =	vld [tilespmem:s6+$0xE110]  }
0x448: {  	v19 =	vld [tilespmem:s6+$0x12110]  }
0x449: {  	v20 =	vld [tilespmem:s6+$0xE190]  }
0x44a: {  	v21 =	vld [tilespmem:s6+$0x12190]  }
0x44b: {  	v22 =	vld [tilespmem:s6+$0xE210]  }
0x44c: {  	v23 =	vld [tilespmem:s6+$0x12210]  }
0x44d: {  	v24 =	vld [tilespmem:s6+$0xE290]  }
0x44e: {  	v63 =	vld [tilespmem:s6+$0x12290]  }
0x44f: {  	v25 =	vld [tilespmem:s6+$0xE000]  }
0x450: {  	v28 =	vld [tilespmem:s6+$0x12000]  }
0x451: {  	v30 =	vld [tilespmem:s6+$0xE080];
	v0 =	vadd.f32 v1, v0  }
0x452: {  	v32 =	vld [tilespmem:s6+$0x12080];
	v2 =	vadd.f32 v3, v2  }
0x453: {  	v34 =	vld [tilespmem:s6+$0xE100];
	v14 =	vadd.f32 v15, v14;
	[tilespmem:s3+$0xE010] =	vst v0  }
0x454: {  	v1 =	vld [tilespmem:s3+$0x12290];
	v16 =	vadd.f32 v17, v16;
	[tilespmem:s3+$0xE090] =	vst v2  }
0x455: {  	v35 =	vld [tilespmem:s6+$0x12100];
	v29 =	vadd.f32 v19, v18;
	[tilespmem:s6+$0xE010] =	vst v14  }
0x456: {  	v3 =	vld [tilespmem:s3+$0xE000];
	v0 =	vadd.f32 v5, v4;
	[tilespmem:s6+$0xE090] =	vst v16  }
0x457: {  	v2 =	vadd.f32 v7, v6;
	v4 =	vld [tilespmem:s3+$0x12000];
	[tilespmem:s6+$0xE110] =	vst v29  }
0x458: {  	v5 =	vld [tilespmem:s3+$0xE080];
	[tilespmem:s3+$0xE110] =	vst v0;
	v0 =	vadd.f32 v9, v8  }
0x459: {  	s21 =	simm.s32 $0x1;
	v7 =	vld [tilespmem:s3+$0x12100];
	[tilespmem:s3+$0xE190] =	vst v2;
	v1 =	vadd.f32 v1, v10  }
0x45a: {  	s11 =	sand.u32 $0x3, s21;
	v31 =	vadd.f32 v21, v20;
	v2 =	vld [tilespmem:s3+$0x12080];
	[tilespmem:s3+$0xE210] =	vst v0  }
0x45b: {  	s11 =	sshll.u32 s11, $0x5;
	v33 =	vadd.f32 v23, v22;
	v0 =	vld [tilespmem:s3+$0xE100];
	[tilespmem:s3+$0xE290] =	vst v1  }
0x45c: {  	s11 =	sadd.s32 $0x100, s11;
	v15 =	vadd.f32 v63, v24;
	[tilespmem:s6+$0xE190] =	vst v31;
	v1 =	vld [tilespmem:s31+$0xE000]  }
0x45d: {  	s19 =	sadd.s32 $0x10, s11;
	[tilespmem:s6+$0xE210] =	vst v33;
	v6 =	vld [tilespmem:s31+$0x12000]  }
0x45e: {  	s21 =	sor.u32 $0x300, s19;
	[tilespmem:s6+$0xE290] =	vst v15;
	v8 =	vld [tilespmem:s3+$0xE180];
	v3 =	vadd.f32 v4, v3  }
0x45f: {  	v2 =	vadd.f32 v2, v5;
	v5 =	vld [tilespmem:s21+$0xE000]  }
0x460: {  	[tilespmem:s3+$0xE000] =	vst v3;
	v3 =	vld [tilespmem:s21+$0x12000]  }
0x461: {  	v4 =	vld [tilespmem:s6+$0xE180];
	v0 =	vadd.f32 v7, v0  }
0x462: {  	[tilespmem:s3+$0xE080] =	vst v2;
	v7 =	vld [tilespmem:s6+$0x12180];
	v1 =	vadd.f32 v6, v1  }
0x463: {  	v2 =	vadd.f32 v61, v8;
	v8 =	vld [tilespmem:s6+$0xE200];
	[tilespmem:s3+$0xE100] =	vst v0;
	v0 =	vadd.f32 v11, v62  }
0x464: {  	v6 =	vld [tilespmem:s3+$0xE280];
	[tilespmem:s31+$0xE000] =	vst v1  }
0x465: {  	v3 =	vadd.f32 v3, v5;
	[tilespmem:s3+$0xE200] =	vst v0;
	v0 =	vld [tilespmem:s6+$0xE280]  }
0x466: {  	v1 =	vld [tilespmem:s15+$0xE000]  }
0x467: {  	s19 =	sor.u32 $0x380, s19;
	v13 =	vld [tilespmem:s15+$0x12000];
	[tilespmem:s21+$0xE000] =	vst v3  }
0x468: {  	s24 =	simm.s32 $0x200;
	s31 =	simm.s32 $0x40;
	v36 =	vld [tilespmem:s19+$0xE000]  }
0x469: {  	s12 =	sand.u32 $0x60, s31;
	s21 =	sand.u32 $0x1C00, s24;
	v54 =	vld [tilespmem:s19+$0x12000]  }
0x46a: {  	[tilespmem:s3+$0xE180] =	vst v2;
	s12 =	sor.u32 s12, s21;
	v2 =	vadd.f32 v12, v6;
	v6 =	vld [tilespmem:s6+$0x12200]  }
0x46b: {  	v37 =	vld [tilespmem:s12+$0xE010]  }
0x46c: {  	v38 =	vld [tilespmem:s12+$0x12010]  }
0x46d: {  	v39 =	vld [tilespmem:s12+$0xE090]  }
0x46e: {  	v40 =	vld [tilespmem:s12+$0x12090]  }
0x46f: {  	v41 =	vld [tilespmem:s12+$0xE110]  }
0x470: {  	v42 =	vld [tilespmem:s12+$0x12110]  }
0x471: {  	v43 =	vld [tilespmem:s12+$0xE190]  }
0x472: {  	v44 =	vld [tilespmem:s12+$0x12190]  }
0x473: {  	v45 =	vld [tilespmem:s12+$0xE210]  }
0x474: {  	v26 =	vld [tilespmem:s12+$0x12210]  }
0x475: {  	v17 =	vadd.f32 v28, v25;
	v46 =	vld [tilespmem:s12+$0xE290]  }
0x476: {  	v47 =	vld [tilespmem:s12+$0x12290];
	v1 =	vadd.f32 v13, v1  }
0x477: {  	[tilespmem:s6+$0xE000] =	vst v17;
	v48 =	vld [tilespmem:s12+$0xE000]  }
0x478: {  	v50 =	vld [tilespmem:s12+$0x12000];
	[tilespmem:s15+$0xE000] =	vst v1;
	v1 =	vadd.f32 v38, v37  }
0x479: {  	v51 =	vld [tilespmem:s12+$0xE080];
	[tilespmem:s3+$0xE280] =	vst v2;
	v49 =	vadd.f32 v40, v39  }
0x47a: {  	v53 =	vld [tilespmem:s12+$0x12080];
	[tilespmem:s12+$0xE010] =	vst v1;
	v1 =	vadd.f32 v42, v41  }
0x47b: {  	v56 =	vld [tilespmem:s12+$0xE100];
	s3 =	simm.s32 $0x2;
	v52 =	vadd.f32 v44, v43;
	[tilespmem:s12+$0xE090] =	vst v49  }
0x47c: {  	v57 =	vld [tilespmem:s12+$0x12100];
	s23 =	sand.u32 $0x3, s3;
	[tilespmem:s12+$0xE110] =	vst v1;
	v1 =	vadd.f32 v26, v45  }
0x47d: {  	v59 =	vld [tilespmem:s12+$0xE180];
	s15 =	sshll.u32 s23, $0x5;
	v55 =	vadd.f32 v47, v46;
	[tilespmem:s12+$0xE190] =	vst v52  }
0x47e: {  	s22 =	sor.u32 $0x300, s26;
	v2 =	vld [tilespmem:s6+$0x12280];
	s15 =	sadd.s32 $0x200, s15;
	[tilespmem:s12+$0xE210] =	vst v1;
	v1 =	vadd.f32 v50, v48  }
0x47f: {  	v58 =	vadd.f32 v32, v30;
	v5 =	vld [tilespmem:s22+$0xE000];
	s26 =	sadd.s32 $0x10, s15;
	[tilespmem:s12+$0xE290] =	vst v55  }
0x480: {  	v3 =	vld [tilespmem:s22+$0x12000];
	s23 =	sor.u32 $0x300, s26;
	[tilespmem:s12+$0xE000] =	vst v1;
	v1 =	vadd.f32 v53, v51  }
0x481: {  	[tilespmem:s6+$0xE080] =	vst v58;
	v61 =	vadd.f32 v35, v34;
	v60 =	vld [tilespmem:s23+$0xE000]  }
0x482: {  	v4 =	vadd.f32 v7, v4;
	[tilespmem:s12+$0xE080] =	vst v1;
	v1 =	vld [tilespmem:s23+$0x12000]  }
0x483: {  	[tilespmem:s6+$0xE100] =	vst v61;
	v62 =	vld [tilespmem:s12+$0x12180];
	v7 =	vadd.f32 v57, v56  }
0x484: {  	v63 =	vld [tilespmem:s12+$0xE200];
	[tilespmem:s6+$0xE180] =	vst v4;
	v4 =	vadd.f32 v6, v8  }
0x485: {  	v6 =	vld [tilespmem:s12+$0x12200];
	v2 =	vadd.f32 v2, v0;
	[tilespmem:s12+$0xE100] =	vst v7  }
0x486: {  	[tilespmem:s6+$0xE200] =	vst v4;
	v0 =	vld [tilespmem:s12+$0xE280];
	v4 =	vadd.f32 v3, v5  }
0x487: {  	v3 =	vld [tilespmem:s12+$0x12280];
	[tilespmem:s6+$0xE280] =	vst v2;
	s6 =	sor.u32 $0x300, s11;
	v2 =	vadd.f32 v1, v60  }
0x488: {  	s9 =	sor.u32 s10, s29;
	s29 =	sor.u32 s13, s13;
	v7 =	vadd.f32 v62, v59;
	[tilespmem:s22+$0xE000] =	vst v4;
	v5 =	vld [tilespmem:s6+$0x12000]  }
0x489: {  	s13 =	sor.u32 $0x380, s29;
	s31 =	sor.u32 s24, s31;
	v4 =	vadd.f32 v54, v36;
	s22 =	sor.u32 $0x380, s26;
	v1 =	vld [tilespmem:s6+$0xE000];
	[tilespmem:s23+$0xE000] =	vst v2  }
0x48a: {  	s9 =	sor.u32 $0x380, s9;
	s10 =	sor.u32 $0x380, s31;
	s20 =	sor.u32 $0x300, s15;
	[tilespmem:s12+$0xE180] =	vst v7;
	v6 =	vadd.f32 v6, v63;
	v2 =	vld [tilespmem:s22+$0xE000]  }
0x48b: {  	s15 =	simm.s32 $0x300;
	s11 =	simm.s32 $0x4;
	[tilespmem:s19+$0xE000] =	vst v4;
	s19 =	simm.s32 $0x60;
	v4 =	vld [tilespmem:s22+$0x12000]  }
.LBB2_17:
0x48c: {  	s21 =	sand.u32 $0x60, s19;
	s23 =	sand.u32 $0x1C00, s15;
	s24 =	sor.u32 s15, s19;
	[tilespmem:s12+$0xE200] =	vst v6;
	v0 =	vadd.f32 v3, v0;
	v3 =	vld [tilespmem:s13+$0xE000]  }
0x48d: {  	s21 =	sor.u32 s21, s23;
	s23 =	sor.u32 $0x380, s24;
	v6 =	vld [tilespmem:s13+$0x12000]  }
0x48e: {  	v7 =	vld [tilespmem:s21+$0xE010];
	[tilespmem:s12+$0xE280] =	vst v0;
	v0 =	vadd.f32 v5, v1;
	s12 =	smov.u32 s21  }
0x48f: {  	v1 =	vld [tilespmem:s12+$0x12010]  }
0x490: {  	v5 =	vld [tilespmem:s12+$0xE090];
	v2 =	vadd.f32 v4, v2;
	[tilespmem:s6+$0xE000] =	vst v0;
	s6 =	smov.u32 s20  }
0x491: {  	v0 =	vld [tilespmem:s12+$0x12090]  }
0x492: {  	v4 =	vld [tilespmem:s12+$0xE110];
	[tilespmem:s22+$0xE000] =	vst v2;
	v2 =	vadd.f32 v6, v3  }
0x493: {  	v3 =	vld [tilespmem:s12+$0x12110]  }
0x494: {  	v6 =	vld [tilespmem:s12+$0xE190];
	[tilespmem:s13+$0xE000] =	vst v2;
	s13 =	smov.u32 s9;
	s9 =	smov.u32 s10;
	s10 =	smov.u32 s23  }
0x495: {  	v2 =	vld [tilespmem:s12+$0x12190]  }
0x496: {  	v8 =	vld [tilespmem:s12+$0xE210]  }
0x497: {  	v9 =	vld [tilespmem:s12+$0x12210]  }
0x498: {  	v10 =	vld [tilespmem:s12+$0xE290]  }
0x499: {  	s11 =	sadd.s32 $0x2, s11;
	v1 =	vadd.f32 v1, v7;
	v7 =	vld [tilespmem:s12+$0x12290]  }
0x49a: {  	p1 =	slt.u32 s11, $0x3E;
	v0 =	vadd.f32 v0, v5;
	v11 =	vld [tilespmem:s12+$0xE000]  }
0x49b: {  	s3 =	sadd.s32 $0x1, s3;
	v5 =	vld [tilespmem:s12+$0x12000];
	[tilespmem:s12+$0xE010] =	vst v1;
	v1 =	vadd.f32 v3, v4  }
0x49c: {  	s20 =	sand.u32 $0x3, s3;
	v3 =	vld [tilespmem:s12+$0xE080];
	[tilespmem:s12+$0xE090] =	vst v0;
	v0 =	vadd.f32 v2, v6  }
0x49d: {  	s20 =	sshll.u32 s20, $0x5;
	v2 =	vld [tilespmem:s12+$0x12080];
	[tilespmem:s12+$0xE110] =	vst v1;
	v1 =	vadd.f32 v9, v8  }
0x49e: {  	s21 =	sadd.s32 s20, s15;
	v4 =	vld [tilespmem:s12+$0xE100];
	[tilespmem:s12+$0xE190] =	vst v0;
	v0 =	vadd.f32 v7, v10  }
0x49f: {  	s20 =	sor.u32 $0x300, s21;
	s21 =	sadd.s32 $0x10, s21;
	v6 =	vld [tilespmem:s12+$0x12100];
	[tilespmem:s12+$0xE210] =	vst v1  }
0x4a0: {  	s22 =	sor.u32 $0x300, s21;
	v1 =	vadd.f32 v5, v11;
	v5 =	vld [tilespmem:s12+$0xE180];
	[tilespmem:s12+$0xE290] =	vst v0  }
0x4a1: {  	v7 =	vld [tilespmem:s22+$0xE000]  }
0x4a2: {  	[tilespmem:s12+$0xE000] =	vst v1;
	v0 =	vadd.f32 v2, v3;
	v1 =	vld [tilespmem:s22+$0x12000]  }
0x4a3: {  	v2 =	vld [tilespmem:s12+$0x12180]  }
0x4a4: {  	[tilespmem:s12+$0xE080] =	vst v0;
	v0 =	vadd.f32 v6, v4;
	v4 =	vld [tilespmem:s12+$0xE200]  }
0x4a5: {  	v6 =	vld [tilespmem:s12+$0x12200]  }
0x4a6: {  	[tilespmem:s12+$0xE100] =	vst v0;
	v0 =	vld [tilespmem:s12+$0xE280]  }
.Ltmp7:
0x4a7: {  	v3 =	vld [tilespmem:s12+$0x12280];
	v7 =	vadd.f32 v1, v7;
	(pc) =	sbr.rel @p1 .LBB2_17-.Ltmp7, $4  }
0x4a8: {  	v2 =	vadd.f32 v2, v5;
	v1 =	vld [tilespmem:s6+$0xE000]  }
0x4a9: {  	[tilespmem:s22+$0xE000] =	vst v7;
	s22 =	sor.u32 $0x380, s21;
	v5 =	vld [tilespmem:s6+$0x12000]  }
0x4aa: {  	[tilespmem:s12+$0xE180] =	vst v2;
	v6 =	vadd.f32 v6, v4;
	v2 =	vld [tilespmem:s22+$0xE000]  }
0x4ab: {  	s19 =	sadd.s32 $0x20, s19;
	s15 =	sadd.s32 $0x100, s15;
	v4 =	vld [tilespmem:s22+$0x12000]  }
0x4ac: {  	v0 =	vadd.f32 v3, v0  }
0x4ad: {  	[tilespmem:s12+$0xE200] =	vst v6  }
0x4ae: {  	[tilespmem:s12+$0xE280] =	vst v0  }
0x4af: {  	v0 =	vld [tilespmem:s20+$0xE000]  }
0x4b0: {  	v59 =	vld [tilespmem:s20+$0x12000];
	_ =	sdelay $0x2  }
0x4b1: {  	v1 =	vadd.f32 v5, v1  }
0x4b2: {  	v60 =	vld [tilespmem:s13+$0xE000]  }
0x4b3: {  	v61 =	vld [tilespmem:s13+$0x12000];
	[tilespmem:s6+$0xE000] =	vst v1;
	v0 =	vadd.f32 v59, v0  }
0x4b4: {  	v1 =	vld [tilespmem:s9+$0xE000]  }
0x4b5: {  	v62 =	vld [tilespmem:s9+$0x12000];
	[tilespmem:s20+$0xE000] =	vst v0  }
0x4b6: {  	v0 =	vld [tilespmem:s10+$0xE000]  }
0x4b7: {  	v7 =	vld [tilespmem:s10+$0x12000];
	_ =	sdelay $0x1  }
0x4b8: {  	v2 =	vadd.f32 v4, v2  }
0x4b9: {  	v63 =	vadd.f32 v61, v60  }
0x4ba: {  	[tilespmem:s22+$0xE000] =	vst v2;
	v1 =	vadd.f32 v62, v1  }
0x4bb: {  	[tilespmem:s13+$0xE000] =	vst v63;
	v0 =	vadd.f32 v7, v0  }
0x4bc: {  	[tilespmem:s9+$0xE000] =	vst v1  }
0x4bd: {  	s3 =	sadd.s32 s4, s18;
	s31 =	simm.s32 $0xE000;
	[tilespmem:s10+$0xE000] =	vst v0  }
0x4be: {  	[hbm4b:s3+s5] =	stream.linear.scatter [tilespmem:s31], [sflag:$0x10], $0x2000, $0x38;
	[tilespmem:$0x14000] =	vst v63  }
0x4bf: {  	s3 =	simm.s32 @!p0 $0xF  }
0x4c0: {  	_ =	swait.ge @!p0 [sflag:s3], $0x2000  }
0x4c1: {  	[sflag:s3] =	ssyncset.done @!p0 $0x0  }
0x4c2: {  	p1 =	sne.s32 @!p0 s16, $0x10;
	[sflag:s3] =	ssyncadd.s32 @!p0 $0xFFFFE000;
	s3 =	rddreg [dreg:$0x9]  }
0x4c3: {  	s6 =	simm.s32 @!p0 $0x0;
	s9 =	simm.s32 @!p0 $0xC000;
	s3 =	sadd.s32 @!p0 s14, s3  }
0x4c4: {  	[tilespmem:s9], [sflag:$0x7] =	stream.linear.gather @!p0 [hbm4b:s3+s6], $0x2000, $0x38;
	[tilespmem:$0x14000] =	vst v63  }
0x4c5: {  	p0 =	por p0, !p1  }
.Ltmp8:
0x4c6: {  	_ = 	snop;
	(pc) =	sbr.rel @!p0 .LBB2_2-.Ltmp8, $2  }
0x4c7: {  	_ =	sdelay $0x2  }
0x4c8: {  	s23 =	smov.u32 s25;
	s14 =	smov.u32 s16  }
0x4c9: {  	s3 =	simm.s32 $0x9  }
0x4ca: {  	_ =	swait.ge [sflag:s3], $0x2000  }
0x4cb: {  	[sflag:s3] =	ssyncset.done $0x0  }
0x4cc: {  	s21 =	simm.s32 $0xA;
	[sflag:s3] =	ssyncadd.s32 $0xFFFFE000  }
0x4cd: {  	_ =	swait.ge [sflag:s21], $0x2000  }
0x4ce: {  	[sflag:s21] =	ssyncset.done $0x0  }
0x4cf: {  	s22 =	simm.s32 $0xB;
	[sflag:s21] =	ssyncadd.s32 $0xFFFFE000  }
0x4d0: {  	_ =	swait.ge [sflag:s22], $0x2000  }
0x4d1: {  	[sflag:s22] =	ssyncset.done $0x0  }
0x4d2: {  	s24 =	simm.s32 $0xC;
	[sflag:s22] =	ssyncadd.s32 $0xFFFFE000  }
0x4d3: {  	_ =	swait.ge [sflag:s24], $0x2000  }
0x4d4: {  	[sflag:s24] =	ssyncset.done $0x0  }
0x4d5: {  	s25 =	simm.s32 $0xD;
	[sflag:s24] =	ssyncadd.s32 $0xFFFFE000  }
0x4d6: {  	_ =	swait.ge [sflag:s25], $0x2000  }
0x4d7: {  	[sflag:s25] =	ssyncset.done $0x0  }
0x4d8: {  	s26 =	simm.s32 $0xE;
	[sflag:s25] =	ssyncadd.s32 $0xFFFFE000  }
0x4d9: {  	_ =	swait.ge [sflag:s26], $0x2000  }
0x4da: {  	[sflag:s26] =	ssyncset.done $0x0  }
0x4db: {  	s29 =	simm.s32 $0xF;
	[sflag:s26] =	ssyncadd.s32 $0xFFFFE000  }
0x4dc: {  	_ =	swait.ge [sflag:s29], $0x2000  }
0x4dd: {  	[sflag:s29] =	ssyncset.done $0x0  }
0x4de: {  	s6 =	simm.s32 $0x10;
	[sflag:s29] =	ssyncadd.s32 $0xFFFFE000  }
0x4df: {  	_ =	swait.ge [sflag:s6], $0x2000  }
0x4e0: {  	s9 =	rddreg [dreg:$0xf]  }
0x4e1: {  	s31 =	rddreg [dreg:$0xe];
	s9 =	sadd.s32 $0x1, s9  }
0x4e2: {  	p0 =	sne.s32 s9, s31  }
.Ltmp9:
0x4e3: {  	_ = 	snop;
	(pc) =	sbr.rel @p0 .LBB2_1-.Ltmp9, $3  }
0x4e4: {  	_ =	sdelay $0x1  }
0x4e5: {  	[sflag:s6] =	ssyncset.done $0x0  }
0x4e6: {  	[sflag:s6] =	ssyncadd.s32 $0xFFFFE000  }
0x4e7: {  	_ =	sfence.sel $0x180000  }
0x4e8: {  	[bflag:$0x0] =	sbarrier.arrive $0xFFFF  }
0x4e9: {  	_ =	strace $0x90000047  }
0x4ea: {  	s0 =	stileid.u32;
	[bflag:$0x2] =	sbarrier.arrive $0xFFFF  }
0x4eb: {  	p0 =	sne.s32 s0, $0x0;
	s0 =	rddreg [dreg:$0x3]  }
0x4ec: {  	s0 =	sadd.s32 @!p0 $0x100000, s0  }
0x4ed: {  	[sflag:s0] =	ssyncadd.tile.s32 @!p0 $0x1;
	_ =	shalt  }
.Lfunc_end2:
_tile_overlayer_lowered:
.L_overlay_start_2:
0x4ee: {  	(tag) =	ssettag $0x2  }
0x4ef: {  	s0 =	rddreg [dreg:$0x0];
	s2 =	stileid.u32  }
0x4f0: {  	s1 =	rddreg [dreg:$0x1];
	p0 =	sne.s32 s2, $0x0  }
0x4f1: {  	s3 =	rddreg [dreg:$0x2];
	[bflag:$0x3] =	sbarrier.arrive $0xFFFF;
	s2 =	simm.s32 @!p0 $0x1C13  }
0x4f2: {  	[timem:s3], [sflag:s2] =	dma.local @!p0 [hbm:s0], s1  }
0x4f3: {  	s0 =	simm.s32 @!p0 $0x13  }
0x4f4: {  	_ =	swait.ge @!p0 [sflag:s0], s1  }
0x4f5: {  	s1 =	ssub.s32 @!p0 $0x0, s1;
	[sflag:s0] =	ssyncset.done @!p0 $0x0  }
0x4f6: {  	[sflag:s0] =	ssyncadd.s32 @!p0 s1  }
0x4f7: {  	[bflag:$0x3] =	sbarrier.arrive $0xFFFF  }
0x4f8: {  	_ =	shalt  }

</sc_bundles>
